<compile_context>
chip_gen: v7x
topology: tpu7x:2x2x1
jax: 0.10.2.dev20260603
libtpu: 0.0.44.dev20260713+nightly
codegen_flags: <defaults>
</compile_context>

<pallas_src>
import functools

import jax
import jax.numpy as jnp
from jax import lax
from jax.experimental import pallas as pl
from jax.experimental.pallas import tpu as pltpu
from jax.experimental.pallas import tpu_sc as plsc

_N = 10000
_NP = 10240
_E = 320000
_ITERS = 5
_NT = 16
_EPT = _E // _NT
_NPT = _NP // _NT
_L = 16

_MLP_BLK = 1000
_D = 128
_H = 256


def _mlp_block(x_ref, wi_ref, bi_ref, w0_ref, b0_ref, w1_ref, b1_ref,
               wo_ref, bo_ref, out_ref):
    x = x_ref[...]
    h = jnp.dot(x, wi_ref[...], preferred_element_type=jnp.float32) + bi_ref[...]
    h = jnp.dot(h, w0_ref[...], preferred_element_type=jnp.float32) + b0_ref[...]
    h = jnp.dot(h, w1_ref[...], preferred_element_type=jnp.float32) + b1_ref[...]
    pre = jnp.dot(h, wo_ref[...], preferred_element_type=jnp.float32) + bo_ref[...]
    pre = jnp.maximum(pre, 0.0)
    out_ref[...] = pre[:, 0:1] - pre[:, 1:2]


def _dzlp(Xp, W_in, b_in, W_h0, b_h0, W_h1, b_h1, W_out, b_out):
    grid = _N // _MLP_BLK
    out = pl.pallas_call(
        _mlp_block,
        grid=(grid,),
        in_specs=[
            pl.BlockSpec((_MLP_BLK, _D), lambda i: (i, 0)),
            pl.BlockSpec((_D, _H), lambda i: (0, 0)),
            pl.BlockSpec((1, _H), lambda i: (0, 0)),
            pl.BlockSpec((_H, _H), lambda i: (0, 0)),
            pl.BlockSpec((1, _H), lambda i: (0, 0)),
            pl.BlockSpec((_H, _H), lambda i: (0, 0)),
            pl.BlockSpec((1, _H), lambda i: (0, 0)),
            pl.BlockSpec((_H, 2), lambda i: (0, 0)),
            pl.BlockSpec((1, 2), lambda i: (0, 0)),
        ],
        out_specs=pl.BlockSpec((_MLP_BLK, 1), lambda i: (i, 0)),
        out_shape=jax.ShapeDtypeStruct((_N, 1), jnp.float32),
    )(Xp, W_in, b_in.reshape(1, _H), W_h0, b_h0.reshape(1, _H),
      W_h1, b_h1.reshape(1, _H), W_out, b_out.reshape(1, 2))
    return out.reshape(_N)


_LOG1P_COEFS = (
    0.9999999991556814, -0.49999979491391067, 0.33332497543518685,
    -0.24986496459309737, 0.1988582028428498, -0.16087623006059176,
    0.12377995859002032, -0.08188040908802938, 0.041006573548052316,
    -0.013187826487134938, 0.0019866965759555958,
)


def _sp(x):
    mx = jnp.maximum(x, 0.0)
    mn = jnp.minimum(x, 0.0)
    z = jnp.exp(mn - mx)
    acc = jnp.float32(_LOG1P_COEFS[-1])
    for c in _LOG1P_COEFS[-2::-1]:
        acc = acc * z + jnp.float32(c)
    return mx + z * acc


def _bp_body(ep_hbm, dz_hbm, hb_hbm, out0_hbm, out1_hbm,
             epv, dm, dlp, pa, zs, hv, red, ls, o0, o1, sa, sl):
    c = lax.axis_index("c")
    s = lax.axis_index("s")
    ebase = s * _EPT
    nbase = s * _NPT

    pltpu.sync_copy(ep_hbm.at[pl.ds(ebase, _EPT)], epv)
    pltpu.sync_copy(dz_hbm, dlp)
    pltpu.sync_copy(dz_hbm.at[pl.ds(nbase, _NPT)], zs)
    pltpu.sync_copy(hb_hbm, hv)
    a0 = hv[0]
    a1 = hv[1]
    cc = hv[2]
    zeros = jnp.zeros((_L,), jnp.float32)

    for it in range(_ITERS):
        @plsc.parallel_loop(0, _NP, step=_L, unroll=8)
        def _zagg(b):
            pa[pl.ds(b, _L)] = zeros

        @plsc.parallel_loop(0, _EPT, step=_L, unroll=4)
        def _ebody(b, it=it):
            p = epv[pl.ds(b, _L)]
            sc = jnp.bitwise_and(p, 16383)
            nb = lax.shift_right_logical(p, 14)
            g = plsc.load_gather(dlp, [nb])
            d = g if it == 0 else g - dm[pl.ds(b, _L)]
            dn = cc + _sp(d + a0) - _sp(d + a1)
            dm[pl.ds(b, _L)] = dn
            plsc.addupdate_scatter(pa, [sc], dn)

        pltpu.sync_copy(pa, sa.at[s])
        plsc.subcore_barrier()
        pltpu.sync_copy(sa.at[:, pl.ds(nbase, _NPT)], red)

        @plsc.parallel_loop(0, _NPT, step=_L, unroll=2)
        def _combine(o):
            a = red[0, pl.ds(o, _L)]
            for k in range(1, _NT):
                a = a + red[k, pl.ds(o, _L)]
            ls[pl.ds(o, _L)] = zs[pl.ds(o, _L)] + a

        if it != _ITERS - 1:
            pltpu.sync_copy(ls, sl.at[pl.ds(nbase, _NPT)])
            plsc.subcore_barrier()
            pltpu.sync_copy(sl, dlp)

    @plsc.parallel_loop(0, _NPT, step=_L, unroll=2)
    def _norm(o):
        a = ls[pl.ds(o, _L)]
        o0[pl.ds(o, _L)] = -_sp(-a)
        o1[pl.ds(o, _L)] = -_sp(a)

    @pl.when(c == 0)
    def _():
        pltpu.sync_copy(o0, out0_hbm.at[pl.ds(nbase, _NPT)])
        pltpu.sync_copy(o1, out1_hbm.at[pl.ds(nbase, _NPT)])


@functools.partial(
    pl.kernel,
    out_type=(
        jax.ShapeDtypeStruct((_NP,), jnp.float32),
        jax.ShapeDtypeStruct((_NP,), jnp.float32),
    ),
    mesh=plsc.VectorSubcoreMesh(core_axis_name="c", subcore_axis_name="s"),
    compiler_params=pltpu.CompilerParams(needs_layout_passes=False),
    scratch_types=[
        pltpu.VMEM((_EPT,), jnp.int32),
        pltpu.VMEM((_EPT,), jnp.float32),
        pltpu.VMEM((_NP,), jnp.float32),
        pltpu.VMEM((_NP,), jnp.float32),
        pltpu.VMEM((_NPT,), jnp.float32),
        pltpu.VMEM((4, _L), jnp.float32),
        pltpu.VMEM((_NT, _NPT), jnp.float32),
        pltpu.VMEM((_NPT,), jnp.float32),
        pltpu.VMEM((_NPT,), jnp.float32),
        pltpu.VMEM((_NPT,), jnp.float32),
        pltpu.VMEM_SHARED((_NT, _NP), jnp.float32),
        pltpu.VMEM_SHARED((_NP,), jnp.float32),
    ],
)
def _bp_kernel(ep, dz, hb, out0, out1, *scratch):
    _bp_body(ep, dz, hb, out0, out1, *scratch)


def kernel(edges, X, W_in, b_in, W_h0, b_h0, W_h1, b_h1, W_out, b_out, H):
    dz = jnp.pad(_dzlp(X, W_in, b_in, W_h0, b_h0, W_h1, b_h1, W_out, b_out),
                 (0, _NP - _N))
    src = edges[:, 0].astype(jnp.int32)
    nbr = edges[:, 1].astype(jnp.int32)
    ep = jnp.bitwise_or(src, jnp.left_shift(nbr, 14))
    Hf = H.astype(jnp.float32)
    hrow = jnp.stack([Hf[0, 0] - Hf[0, 1], Hf[1, 0] - Hf[1, 1],
                      Hf[0, 1] - Hf[1, 1], jnp.float32(0.0)])
    hb = jnp.broadcast_to(hrow.reshape(4, 1), (4, _L))
    out0, out1 = _bp_kernel(ep, dz, hb)
    return jnp.stack([out0[:_N], out1[:_N]], axis=1)

# --- scband reference (transcript-rebuilt; emitter-appended) ---
"""Pipeline reference for scband-graph-belief-propagation-nn-2894807957505 (READ-ONLY COPY).

The authoritative reference and input builder live on the scoring server;
editing this copy changes nothing except your own understanding.
"""

import jax, jax.numpy as jnp
import numpy as np

N_NODES = 10000
N_CATS = 2
BP_ITERS = 5
N_EDGES = 320000
D_FEAT = 128
HIDDEN = 256


def setup_inputs(seed: int = 0) -> dict:
    key = jax.random.key(seed)
    ks = jax.random.split(key, 12)
    edges = jax.random.randint(ks[0], (N_EDGES, 2), 0, N_NODES, dtype=jnp.int32)
    X = jax.random.normal(ks[1], (N_NODES, D_FEAT), dtype=jnp.float32)
    W_in = jax.random.normal(ks[2], (D_FEAT, HIDDEN), dtype=jnp.float32) * 0.05
    b_in = jnp.zeros((HIDDEN,), dtype=jnp.float32)
    W_h0 = jax.random.normal(ks[3], (HIDDEN, HIDDEN), dtype=jnp.float32) * 0.05
    b_h0 = jnp.zeros((HIDDEN,), dtype=jnp.float32)
    W_h1 = jax.random.normal(ks[4], (HIDDEN, HIDDEN), dtype=jnp.float32) * 0.05
    b_h1 = jnp.zeros((HIDDEN,), dtype=jnp.float32)
    W_out = jax.random.normal(ks[5], (HIDDEN, N_CATS), dtype=jnp.float32) * 0.05
    b_out = jnp.zeros((N_CATS,), dtype=jnp.float32)
    H = jax.random.normal(ks[6], (N_CATS, N_CATS), dtype=jnp.float32) * 0.1
    return {"edges": edges, "X": X, "W_in": W_in, "b_in": b_in, "W_h0": W_h0, "b_h0": b_h0, "W_h1": W_h1, "b_h1": b_h1, "W_out": W_out, "b_out": b_out, "H": H}


def _mlp(X, W_in, b_in, W_h0, b_h0, W_h1, b_h1, W_out, b_out):
    # Faithful to the torch MLP: no activation between layers, relu on the output.
    res = X @ W_in + b_in
    res = res @ W_h0 + b_h0
    res = res @ W_h1 + b_h1
    pre_activation = res @ W_out + b_out
    return jax.nn.relu(pre_activation)


def reference(edges, X, W_in, b_in, W_h0, b_h0, W_h1, b_h1, W_out, b_out, H):
    # self potentials: log_softmax(MLP(X)) over categories
    zero_log_ps = jax.nn.log_softmax(_mlp(X, W_in, b_in, W_h0, b_h0, W_h1, b_h1, W_out, b_out), axis=-1)
    log_ps = zero_log_ps
    log_ms = jnp.zeros((edges.shape[0], N_CATS), dtype=X.dtype)
    src = edges[:, 0]
    nbr = edges[:, 1]
    for _ in range(BP_ITERS):
        # message on edge e=(u,v): new_m[e,i] = logsumexp_j( H[i,j] + log_ps[v,j] - log_ms[e,j] )
        t = log_ps[nbr] - log_ms  # [E, C]  (gather)
        new_log_ms = jax.nn.logsumexp(H[None, :, :] + t[:, None, :], axis=-1)  # [E, C]
        # aggregate incoming messages at node u = edges[e,0] (scatter-add)
        agg = jax.ops.segment_sum(new_log_ms, src, num_segments=N_NODES)
        log_ps = zero_log_ps + agg
        log_ms = new_log_ms
    # normalize per-node log beliefs
    return log_ps - jax.nn.logsumexp(log_ps, axis=1, keepdims=True)

if __name__ == "__main__":
    import jax
    _d = setup_inputs()
    print(jax.jit(kernel)(*tuple(_d.values())))

</pallas_src>

<mosaic_0001>
#map = affine_map<(d0, d1) -> (0)>
#map1 = affine_map<(d0, d1) -> (0, 0)>
module attributes {stable_mosaic.version = 14 : i64} {
  func.func @_bp_kernel(%arg0: i32, %arg1: i32, %arg2: memref<320000xi32, #tpu.memory_space<hbm>>, %arg3: memref<10240xf32, #tpu.memory_space<hbm>>, %arg4: memref<4x16xf32, #tpu.memory_space<hbm>>, %arg5: memref<10240xf32, #tpu.memory_space<hbm>>, %arg6: memref<10240xf32, #tpu.memory_space<hbm>>, %arg7: memref<20000xi32, #tpu.memory_space<vmem>>, %arg8: memref<20000xf32, #tpu.memory_space<vmem>>, %arg9: memref<10240xf32, #tpu.memory_space<vmem>>, %arg10: memref<10240xf32, #tpu.memory_space<vmem>>, %arg11: memref<640xf32, #tpu.memory_space<vmem>>, %arg12: memref<4x16xf32, #tpu.memory_space<vmem>>, %arg13: memref<16x640xf32, #tpu.memory_space<vmem>>, %arg14: memref<640xf32, #tpu.memory_space<vmem>>, %arg15: memref<640xf32, #tpu.memory_space<vmem>>, %arg16: memref<640xf32, #tpu.memory_space<vmem>>, %arg17: memref<16x10240xf32, #tpu.memory_space<vmem_shared>>, %arg18: memref<10240xf32, #tpu.memory_space<vmem_shared>>) attributes {dimension_semantics = [#tpu.dimension_semantics<core_parallel>, #tpu.dimension_semantics<subcore_parallel>], iteration_bounds = array<i64: 2, 16>, scalar_prefetch = 0 : i64, scratch_operands = 12 : i64, tpu.core_type = #tpu.core_type<sc_vector_subcore>, window_params = [{transform_indices = #map}, {transform_indices = #map}, {transform_indices = #map1}, {transform_indices = #map}, {transform_indices = #map}]} {
    %mul3A = arith.constant 20000 : i32
    %mul3A_0 = arith.muli %arg1, %mul3A : i32
    %mul3A_1 = arith.constant 640 : i32
    %mul3A_2 = arith.muli %arg1, %mul3A_1 : i32
    "tpu.region"() ({
      %run_scoped3A = tpu.sem_alloc : memref<!tpu.dma_semaphore, #tpu.memory_space<semaphore_mem>>
      %dma_start3A = tpu.memref_slice %arg2[%mul3A_0] : memref<320000xi32, #tpu.memory_space<hbm>> -> memref<20000xi32, #tpu.memory_space<hbm>>
      %dma_start3A_72 = tpu.memref_slice %arg2[%mul3A_0] : memref<320000xi32, #tpu.memory_space<hbm>> -> memref<20000xi32, #tpu.memory_space<hbm>>
      tpu.enqueue_dma source(%dma_start3A_72 : memref<20000xi32, #tpu.memory_space<hbm>>) target(%arg7 : memref<20000xi32, #tpu.memory_space<vmem>>) target_semaphore(%run_scoped3A : memref<!tpu.dma_semaphore, #tpu.memory_space<semaphore_mem>>)
      %dma_wait3A = tpu.memref_slice %arg2[%mul3A_0] : memref<320000xi32, #tpu.memory_space<hbm>> -> memref<20000xi32, #tpu.memory_space<hbm>>
      %dma_wait3A_73 = tpu.memref_slice %arg2[%mul3A_0] : memref<320000xi32, #tpu.memory_space<hbm>> -> memref<20000xi32, #tpu.memory_space<hbm>>
      tpu.wait_dma2 semaphore(%run_scoped3A : memref<!tpu.dma_semaphore, #tpu.memory_space<semaphore_mem>>) src(%dma_wait3A_73 : memref<20000xi32, #tpu.memory_space<hbm>>) dst(%arg7 : memref<20000xi32, #tpu.memory_space<vmem>>)
      tpu.yield
    }) : () -> ()
    "tpu.region"() ({
      %run_scoped3A = tpu.sem_alloc : memref<!tpu.dma_semaphore, #tpu.memory_space<semaphore_mem>>
      tpu.enqueue_dma source(%arg3 : memref<10240xf32, #tpu.memory_space<hbm>>) target(%arg9 : memref<10240xf32, #tpu.memory_space<vmem>>) target_semaphore(%run_scoped3A : memref<!tpu.dma_semaphore, #tpu.memory_space<semaphore_mem>>)
      tpu.wait_dma2 semaphore(%run_scoped3A : memref<!tpu.dma_semaphore, #tpu.memory_space<semaphore_mem>>) src(%arg3 : memref<10240xf32, #tpu.memory_space<hbm>>) dst(%arg9 : memref<10240xf32, #tpu.memory_space<vmem>>)
      tpu.yield
    }) : () -> ()
    "tpu.region"() ({
      %run_scoped3A = tpu.sem_alloc : memref<!tpu.dma_semaphore, #tpu.memory_space<semaphore_mem>>
      %dma_start3A = tpu.memref_slice %arg3[%mul3A_2] : memref<10240xf32, #tpu.memory_space<hbm>> -> memref<640xf32, #tpu.memory_space<hbm>>
      %dma_start3A_72 = tpu.memref_slice %arg3[%mul3A_2] : memref<10240xf32, #tpu.memory_space<hbm>> -> memref<640xf32, #tpu.memory_space<hbm>>
      tpu.enqueue_dma source(%dma_start3A_72 : memref<640xf32, #tpu.memory_space<hbm>>) target(%arg11 : memref<640xf32, #tpu.memory_space<vmem>>) target_semaphore(%run_scoped3A : memref<!tpu.dma_semaphore, #tpu.memory_space<semaphore_mem>>)
      %dma_wait3A = tpu.memref_slice %arg3[%mul3A_2] : memref<10240xf32, #tpu.memory_space<hbm>> -> memref<640xf32, #tpu.memory_space<hbm>>
      %dma_wait3A_73 = tpu.memref_slice %arg3[%mul3A_2] : memref<10240xf32, #tpu.memory_space<hbm>> -> memref<640xf32, #tpu.memory_space<hbm>>
      tpu.wait_dma2 semaphore(%run_scoped3A : memref<!tpu.dma_semaphore, #tpu.memory_space<semaphore_mem>>) src(%dma_wait3A_73 : memref<640xf32, #tpu.memory_space<hbm>>) dst(%arg11 : memref<640xf32, #tpu.memory_space<vmem>>)
      tpu.yield
    }) : () -> ()
    "tpu.region"() ({
      %run_scoped3A = tpu.sem_alloc : memref<!tpu.dma_semaphore, #tpu.memory_space<semaphore_mem>>
      tpu.enqueue_dma source(%arg4 : memref<4x16xf32, #tpu.memory_space<hbm>>) target(%arg12 : memref<4x16xf32, #tpu.memory_space<vmem>>) target_semaphore(%run_scoped3A : memref<!tpu.dma_semaphore, #tpu.memory_space<semaphore_mem>>)
      tpu.wait_dma2 semaphore(%run_scoped3A : memref<!tpu.dma_semaphore, #tpu.memory_space<semaphore_mem>>) src(%arg4 : memref<4x16xf32, #tpu.memory_space<hbm>>) dst(%arg12 : memref<4x16xf32, #tpu.memory_space<vmem>>)
      tpu.yield
    }) : () -> ()
    %get3A = arith.constant 0 : i32
    %get3A_3 = arith.index_cast %get3A : i32 to index
    %get3A_4 = arith.constant 0 : index
    %get3A_5 = tpu.vector_load %arg12[%get3A_3, %get3A_4] {strides = array<i32>} : memref<4x16xf32, #tpu.memory_space<vmem>>, vector<16xf32>,
    %get3A_6 = arith.constant 1 : i32
    %get3A_7 = arith.index_cast %get3A_6 : i32 to index
    %get3A_8 = arith.constant 0 : index
    %get3A_9 = tpu.vector_load %arg12[%get3A_7, %get3A_8] {strides = array<i32>} : memref<4x16xf32, #tpu.memory_space<vmem>>, vector<16xf32>,
    %get3A_10 = arith.constant 2 : i32
    %get3A_11 = arith.index_cast %get3A_10 : i32 to index
    %get3A_12 = arith.constant 0 : index
    %get3A_13 = tpu.vector_load %arg12[%get3A_11, %get3A_12] {strides = array<i32>} : memref<4x16xf32, #tpu.memory_space<vmem>>, vector<16xf32>,
    %broadcast_in_dim3A = arith.constant 0.000000e+00 : f32
    %broadcast_in_dim3A_14 = vector.broadcast %broadcast_in_dim3A : f32 to vector<16xf32>
    %parallel_loop3A = arith.constant 0 : i32
    %parallel_loop3A_15 = arith.constant 10240 : i32
    %parallel_loop3A_16 = arith.constant 16 : i32
    scf.for %parallel_loop3A_72 = %parallel_loop3A to %parallel_loop3A_15 step %parallel_loop3A_16  : i32 {
      %parallel_loop3A_73 = arith.index_cast %parallel_loop3A_72 : i32 to index
      %parallel_loop3A_74 = tpu.vector_load %arg10[%parallel_loop3A_73] {strides = array<i32>} : memref<10240xf32, #tpu.memory_space<vmem>>, vector<16xf32>,
      tpu.vector_store %arg10[%parallel_loop3A_73], %broadcast_in_dim3A_14 {strides = array<i32>} : memref<10240xf32, #tpu.memory_space<vmem>>, vector<16xf32>,
    } {sc.loop_unroll_factor = 8 : i64, sc.parallel_access}
    %parallel_loop3A_17 = arith.constant 0 : i32
    %parallel_loop3A_18 = arith.constant 20000 : i32
    %parallel_loop3A_19 = arith.constant 16 : i32
    scf.for %parallel_loop3A_72 = %parallel_loop3A_17 to %parallel_loop3A_18 step %parallel_loop3A_19  : i32 {
      %parallel_loop3A_73 = arith.index_cast %parallel_loop3A_72 : i32 to index
      %parallel_loop3A_74 = tpu.vector_load %arg7[%parallel_loop3A_73] {strides = array<i32>} : memref<20000xi32, #tpu.memory_space<vmem>>, vector<16xi32>,
      %parallel_loop3A_75 = arith.constant 16383 : i32
      %parallel_loop3A_76 = vector.broadcast %parallel_loop3A_75 : i32 to vector<16xi32>
      %parallel_loop3A_77 = arith.andi %parallel_loop3A_74, %parallel_loop3A_76 : vector<16xi32>
      %parallel_loop3A_78 = arith.constant 14 : i32
      %parallel_loop3A_79 = vector.broadcast %parallel_loop3A_78 : i32 to vector<16xi32>
      %parallel_loop3A_80 = arith.shrui %parallel_loop3A_74, %parallel_loop3A_79 : vector<16xi32>
      %parallel_loop3A_81 = tpu.vector_load_idx %arg9[%parallel_loop3A_80] : memref<10240xf32, #tpu.memory_space<vmem>>[vector<16xi32>], vector<16xf32>,
      %parallel_loop3A_82 = arith.addf %parallel_loop3A_81, %get3A_5 : vector<16xf32>
      %parallel_loop3A_83 = arith.constant 0.000000e+00 : f32
      %parallel_loop3A_84 = vector.broadcast %parallel_loop3A_83 : f32 to vector<16xf32>
      %parallel_loop3A_85 = arith.maximumf %parallel_loop3A_82, %parallel_loop3A_84 : vector<16xf32>
      %parallel_loop3A_86 = arith.constant 0.000000e+00 : f32
      %parallel_loop3A_87 = vector.broadcast %parallel_loop3A_86 : f32 to vector<16xf32>
      %parallel_loop3A_88 = arith.minimumf %parallel_loop3A_82, %parallel_loop3A_87 : vector<16xf32>
      %parallel_loop3A_89 = arith.subf %parallel_loop3A_88, %parallel_loop3A_85 : vector<16xf32>
      %parallel_loop3A_90 = math.exp %parallel_loop3A_89 : vector<16xf32>
      %parallel_loop3A_91 = arith.constant 0.00198669662 : f32
      %parallel_loop3A_92 = vector.broadcast %parallel_loop3A_91 : f32 to vector<16xf32>
      %parallel_loop3A_93 = arith.mulf %parallel_loop3A_92, %parallel_loop3A_90 : vector<16xf32>
      %parallel_loop3A_94 = arith.constant -0.0131878266 : f32
      %parallel_loop3A_95 = vector.broadcast %parallel_loop3A_94 : f32 to vector<16xf32>
      %parallel_loop3A_96 = arith.addf %parallel_loop3A_93, %parallel_loop3A_95 : vector<16xf32>
      %parallel_loop3A_97 = arith.mulf %parallel_loop3A_96, %parallel_loop3A_90 : vector<16xf32>
      %parallel_loop3A_98 = arith.constant 0.0410065725 : f32
      %parallel_loop3A_99 = vector.broadcast %parallel_loop3A_98 : f32 to vector<16xf32>
      %parallel_loop3A_100 = arith.addf %parallel_loop3A_97, %parallel_loop3A_99 : vector<16xf32>
      %parallel_loop3A_101 = arith.mulf %parallel_loop3A_100, %parallel_loop3A_90 : vector<16xf32>
      %parallel_loop3A_102 = arith.constant -0.0818804055 : f32
      %parallel_loop3A_103 = vector.broadcast %parallel_loop3A_102 : f32 to vector<16xf32>
      %parallel_loop3A_104 = arith.addf %parallel_loop3A_101, %parallel_loop3A_103 : vector<16xf32>
      %parallel_loop3A_105 = arith.mulf %parallel_loop3A_104, %parallel_loop3A_90 : vector<16xf32>
      %parallel_loop3A_106 = arith.constant 0.12377996 : f32
      %parallel_loop3A_107 = vector.broadcast %parallel_loop3A_106 : f32 to vector<16xf32>
      %parallel_loop3A_108 = arith.addf %parallel_loop3A_105, %parallel_loop3A_107 : vector<16xf32>
      %parallel_loop3A_109 = arith.mulf %parallel_loop3A_108, %parallel_loop3A_90 : vector<16xf32>
      %parallel_loop3A_110 = arith.constant -0.160876229 : f32
      %parallel_loop3A_111 = vector.broadcast %parallel_loop3A_110 : f32 to vector<16xf32>
      %parallel_loop3A_112 = arith.addf %parallel_loop3A_109, %parallel_loop3A_111 : vector<16xf32>
      %parallel_loop3A_113 = arith.mulf %parallel_loop3A_112, %parallel_loop3A_90 : vector<16xf32>
      %parallel_loop3A_114 = arith.constant 0.198858202 : f32
      %parallel_loop3A_115 = vector.broadcast %parallel_loop3A_114 : f32 to vector<16xf32>
      %parallel_loop3A_116 = arith.addf %parallel_loop3A_113, %parallel_loop3A_115 : vector<16xf32>
      %parallel_loop3A_117 = arith.mulf %parallel_loop3A_116, %parallel_loop3A_90 : vector<16xf32>
      %parallel_loop3A_118 = arith.constant -0.249864966 : f32
      %parallel_loop3A_119 = vector.broadcast %parallel_loop3A_118 : f32 to vector<16xf32>
      %parallel_loop3A_120 = arith.addf %parallel_loop3A_117, %parallel_loop3A_119 : vector<16xf32>
      %parallel_loop3A_121 = arith.mulf %parallel_loop3A_120, %parallel_loop3A_90 : vector<16xf32>
      %parallel_loop3A_122 = arith.constant 0.333324969 : f32
      %parallel_loop3A_123 = vector.broadcast %parallel_loop3A_122 : f32 to vector<16xf32>
      %parallel_loop3A_124 = arith.addf %parallel_loop3A_121, %parallel_loop3A_123 : vector<16xf32>
      %parallel_loop3A_125 = arith.mulf %parallel_loop3A_124, %parallel_loop3A_90 : vector<16xf32>
      %parallel_loop3A_126 = arith.constant -0.499999791 : f32
      %parallel_loop3A_127 = vector.broadcast %parallel_loop3A_126 : f32 to vector<16xf32>
      %parallel_loop3A_128 = arith.addf %parallel_loop3A_125, %parallel_loop3A_127 : vector<16xf32>
      %parallel_loop3A_129 = arith.mulf %parallel_loop3A_128, %parallel_loop3A_90 : vector<16xf32>
      %parallel_loop3A_130 = arith.constant 1.000000e+00 : f32
      %parallel_loop3A_131 = vector.broadcast %parallel_loop3A_130 : f32 to vector<16xf32>
      %parallel_loop3A_132 = arith.addf %parallel_loop3A_129, %parallel_loop3A_131 : vector<16xf32>
      %parallel_loop3A_133 = arith.mulf %parallel_loop3A_90, %parallel_loop3A_132 : vector<16xf32>
      %parallel_loop3A_134 = arith.addf %parallel_loop3A_85, %parallel_loop3A_133 : vector<16xf32>
      %parallel_loop3A_135 = arith.addf %get3A_13, %parallel_loop3A_134 : vector<16xf32>
      %parallel_loop3A_136 = arith.addf %parallel_loop3A_81, %get3A_9 : vector<16xf32>
      %parallel_loop3A_137 = arith.constant 0.000000e+00 : f32
      %parallel_loop3A_138 = vector.broadcast %parallel_loop3A_137 : f32 to vector<16xf32>
      %parallel_loop3A_139 = arith.maximumf %parallel_loop3A_136, %parallel_loop3A_138 : vector<16xf32>
      %parallel_loop3A_140 = arith.constant 0.000000e+00 : f32
      %parallel_loop3A_141 = vector.broadcast %parallel_loop3A_140 : f32 to vector<16xf32>
      %parallel_loop3A_142 = arith.minimumf %parallel_loop3A_136, %parallel_loop3A_141 : vector<16xf32>
      %parallel_loop3A_143 = arith.subf %parallel_loop3A_142, %parallel_loop3A_139 : vector<16xf32>
      %parallel_loop3A_144 = math.exp %parallel_loop3A_143 : vector<16xf32>
      %parallel_loop3A_145 = arith.constant 0.00198669662 : f32
      %parallel_loop3A_146 = vector.broadcast %parallel_loop3A_145 : f32 to vector<16xf32>
      %parallel_loop3A_147 = arith.mulf %parallel_loop3A_146, %parallel_loop3A_144 : vector<16xf32>
      %parallel_loop3A_148 = arith.constant -0.0131878266 : f32
      %parallel_loop3A_149 = vector.broadcast %parallel_loop3A_148 : f32 to vector<16xf32>
      %parallel_loop3A_150 = arith.addf %parallel_loop3A_147, %parallel_loop3A_149 : vector<16xf32>
      %parallel_loop3A_151 = arith.mulf %parallel_loop3A_150, %parallel_loop3A_144 : vector<16xf32>
      %parallel_loop3A_152 = arith.constant 0.0410065725 : f32
      %parallel_loop3A_153 = vector.broadcast %parallel_loop3A_152 : f32 to vector<16xf32>
      %parallel_loop3A_154 = arith.addf %parallel_loop3A_151, %parallel_loop3A_153 : vector<16xf32>
      %parallel_loop3A_155 = arith.mulf %parallel_loop3A_154, %parallel_loop3A_144 : vector<16xf32>
      %parallel_loop3A_156 = arith.constant -0.0818804055 : f32
      %parallel_loop3A_157 = vector.broadcast %parallel_loop3A_156 : f32 to vector<16xf32>
      %parallel_loop3A_158 = arith.addf %parallel_loop3A_155, %parallel_loop3A_157 : vector<16xf32>
      %parallel_loop3A_159 = arith.mulf %parallel_loop3A_158, %parallel_loop3A_144 : vector<16xf32>
      %parallel_loop3A_160 = arith.constant 0.12377996 : f32
      %parallel_loop3A_161 = vector.broadcast %parallel_loop3A_160 : f32 to vector<16xf32>
      %parallel_loop3A_162 = arith.addf %parallel_loop3A_159, %parallel_loop3A_161 : vector<16xf32>
      %parallel_loop3A_163 = arith.mulf %parallel_loop3A_162, %parallel_loop3A_144 : vector<16xf32>
      %parallel_loop3A_164 = arith.constant -0.160876229 : f32
      %parallel_loop3A_165 = vector.broadcast %parallel_loop3A_164 : f32 to vector<16xf32>
      %parallel_loop3A_166 = arith.addf %parallel_loop3A_163, %parallel_loop3A_165 : vector<16xf32>
      %parallel_loop3A_167 = arith.mulf %parallel_loop3A_166, %parallel_loop3A_144 : vector<16xf32>
      %parallel_loop3A_168 = arith.constant 0.198858202 : f32
      %parallel_loop3A_169 = vector.broadcast %parallel_loop3A_168 : f32 to vector<16xf32>
      %parallel_loop3A_170 = arith.addf %parallel_loop3A_167, %parallel_loop3A_169 : vector<16xf32>
      %parallel_loop3A_171 = arith.mulf %parallel_loop3A_170, %parallel_loop3A_144 : vector<16xf32>
      %parallel_loop3A_172 = arith.constant -0.249864966 : f32
      %parallel_loop3A_173 = vector.broadcast %parallel_loop3A_172 : f32 to vector<16xf32>
      %parallel_loop3A_174 = arith.addf %parallel_loop3A_171, %parallel_loop3A_173 : vector<16xf32>
      %parallel_loop3A_175 = arith.mulf %parallel_loop3A_174, %parallel_loop3A_144 : vector<16xf32>
      %parallel_loop3A_176 = arith.constant 0.333324969 : f32
      %parallel_loop3A_177 = vector.broadcast %parallel_loop3A_176 : f32 to vector<16xf32>
      %parallel_loop3A_178 = arith.addf %parallel_loop3A_175, %parallel_loop3A_177 : vector<16xf32>
      %parallel_loop3A_179 = arith.mulf %parallel_loop3A_178, %parallel_loop3A_144 : vector<16xf32>
      %parallel_loop3A_180 = arith.constant -0.499999791 : f32
      %parallel_loop3A_181 = vector.broadcast %parallel_loop3A_180 : f32 to vector<16xf32>
      %parallel_loop3A_182 = arith.addf %parallel_loop3A_179, %parallel_loop3A_181 : vector<16xf32>
      %parallel_loop3A_183 = arith.mulf %parallel_loop3A_182, %parallel_loop3A_144 : vector<16xf32>
      %parallel_loop3A_184 = arith.constant 1.000000e+00 : f32
      %parallel_loop3A_185 = vector.broadcast %parallel_loop3A_184 : f32 to vector<16xf32>
      %parallel_loop3A_186 = arith.addf %parallel_loop3A_183, %parallel_loop3A_185 : vector<16xf32>
      %parallel_loop3A_187 = arith.mulf %parallel_loop3A_144, %parallel_loop3A_186 : vector<16xf32>
      %parallel_loop3A_188 = arith.addf %parallel_loop3A_139, %parallel_loop3A_187 : vector<16xf32>
      %parallel_loop3A_189 = arith.subf %parallel_loop3A_135, %parallel_loop3A_188 : vector<16xf32>
      %parallel_loop3A_190 = arith.index_cast %parallel_loop3A_72 : i32 to index
      %parallel_loop3A_191 = tpu.vector_load %arg8[%parallel_loop3A_190] {strides = array<i32>} : memref<20000xf32, #tpu.memory_space<vmem>>, vector<16xf32>,
      tpu.vector_store %arg8[%parallel_loop3A_190], %parallel_loop3A_189 {strides = array<i32>} : memref<20000xf32, #tpu.memory_space<vmem>>, vector<16xf32>,
      tpu.vector_store_idx %arg10[%parallel_loop3A_77], %parallel_loop3A_189 {add = true} : memref<10240xf32, #tpu.memory_space<vmem>>[vector<16xi32>], vector<16xf32>,
    } {sc.loop_unroll_factor = 4 : i64, sc.parallel_access}
    "tpu.region"() ({
      %run_scoped3A = tpu.sem_alloc : memref<!tpu.dma_semaphore, #tpu.memory_space<semaphore_mem>>
      %dma_start3A = arith.constant 0 : i32
      %dma_start3A_72 = tpu.memref_slice %arg17[%arg1, %dma_start3A] : memref<16x10240xf32, #tpu.memory_space<vmem_shared>> -> memref<1x10240xf32, #tpu.memory_space<vmem_shared>>
      %dma_start3A_73 = tpu.memref_squeeze %dma_start3A_72 : memref<1x10240xf32, #tpu.memory_space<vmem_shared>> -> memref<10240xf32, #tpu.memory_space<vmem_shared>>
      %dma_start3A_74 = arith.constant 0 : i32
      %dma_start3A_75 = tpu.memref_slice %arg17[%arg1, %dma_start3A_74] : memref<16x10240xf32, #tpu.memory_space<vmem_shared>> -> memref<1x10240xf32, #tpu.memory_space<vmem_shared>>
      %dma_start3A_76 = tpu.memref_squeeze %dma_start3A_75 : memref<1x10240xf32, #tpu.memory_space<vmem_shared>> -> memref<10240xf32, #tpu.memory_space<vmem_shared>>
      tpu.enqueue_dma source(%arg10 : memref<10240xf32, #tpu.memory_space<vmem>>) target(%dma_start3A_76 : memref<10240xf32, #tpu.memory_space<vmem_shared>>) target_semaphore(%run_scoped3A : memref<!tpu.dma_semaphore, #tpu.memory_space<semaphore_mem>>)
      %dma_wait3A = arith.constant 0 : i32
      %dma_wait3A_77 = tpu.memref_slice %arg17[%arg1, %dma_wait3A] : memref<16x10240xf32, #tpu.memory_space<vmem_shared>> -> memref<1x10240xf32, #tpu.memory_space<vmem_shared>>
      %dma_wait3A_78 = tpu.memref_squeeze %dma_wait3A_77 : memref<1x10240xf32, #tpu.memory_space<vmem_shared>> -> memref<10240xf32, #tpu.memory_space<vmem_shared>>
      %dma_wait3A_79 = arith.constant 0 : i32
      %dma_wait3A_80 = tpu.memref_slice %arg17[%arg1, %dma_wait3A_79] : memref<16x10240xf32, #tpu.memory_space<vmem_shared>> -> memref<1x10240xf32, #tpu.memory_space<vmem_shared>>
      %dma_wait3A_81 = tpu.memref_squeeze %dma_wait3A_80 : memref<1x10240xf32, #tpu.memory_space<vmem_shared>> -> memref<10240xf32, #tpu.memory_space<vmem_shared>>
      tpu.wait_dma2 semaphore(%run_scoped3A : memref<!tpu.dma_semaphore, #tpu.memory_space<semaphore_mem>>) src(%arg10 : memref<10240xf32, #tpu.memory_space<vmem>>) dst(%dma_wait3A_81 : memref<10240xf32, #tpu.memory_space<vmem_shared>>)
      tpu.yield
    }) : () -> ()
    %barrier3A = arith.constant 0 : index
    tpu.barrier barrier_id(%barrier3A)
    "tpu.region"() ({
      %run_scoped3A = tpu.sem_alloc : memref<!tpu.dma_semaphore, #tpu.memory_space<semaphore_mem>>
      %dma_start3A = arith.constant 0 : i32
      %dma_start3A_72 = tpu.memref_slice %arg17[%dma_start3A, %mul3A_2] : memref<16x10240xf32, #tpu.memory_space<vmem_shared>> -> memref<16x640xf32, #tpu.memory_space<vmem_shared>>
      %dma_start3A_73 = arith.constant 0 : i32
      %dma_start3A_74 = tpu.memref_slice %arg17[%dma_start3A_73, %mul3A_2] : memref<16x10240xf32, #tpu.memory_space<vmem_shared>> -> memref<16x640xf32, #tpu.memory_space<vmem_shared>>
      tpu.enqueue_dma source(%dma_start3A_74 : memref<16x640xf32, #tpu.memory_space<vmem_shared>>) target(%arg13 : memref<16x640xf32, #tpu.memory_space<vmem>>) target_semaphore(%run_scoped3A : memref<!tpu.dma_semaphore, #tpu.memory_space<semaphore_mem>>)
      %dma_wait3A = arith.constant 0 : i32
      %dma_wait3A_75 = tpu.memref_slice %arg17[%dma_wait3A, %mul3A_2] : memref<16x10240xf32, #tpu.memory_space<vmem_shared>> -> memref<16x640xf32, #tpu.memory_space<vmem_shared>>
      %dma_wait3A_76 = arith.constant 0 : i32
      %dma_wait3A_77 = tpu.memref_slice %arg17[%dma_wait3A_76, %mul3A_2] : memref<16x10240xf32, #tpu.memory_space<vmem_shared>> -> memref<16x640xf32, #tpu.memory_space<vmem_shared>>
      tpu.wait_dma2 semaphore(%run_scoped3A : memref<!tpu.dma_semaphore, #tpu.memory_space<semaphore_mem>>) src(%dma_wait3A_77 : memref<16x640xf32, #tpu.memory_space<vmem_shared>>) dst(%arg13 : memref<16x640xf32, #tpu.memory_space<vmem>>)
      tpu.yield
    }) : () -> ()
    %parallel_loop3A_20 = arith.constant 0 : i32
    %parallel_loop3A_21 = arith.constant 640 : i32
    %parallel_loop3A_22 = arith.constant 16 : i32
    scf.for %parallel_loop3A_72 = %parallel_loop3A_20 to %parallel_loop3A_21 step %parallel_loop3A_22  : i32 {
      %parallel_loop3A_73 = arith.constant 0 : i32
      %parallel_loop3A_74 = arith.index_cast %parallel_loop3A_73 : i32 to index
      %parallel_loop3A_75 = arith.index_cast %parallel_loop3A_72 : i32 to index
      %parallel_loop3A_76 = tpu.vector_load %arg13[%parallel_loop3A_74, %parallel_loop3A_75] {strides = array<i32>} : memref<16x640xf32, #tpu.memory_space<vmem>>, vector<16xf32>,
      %parallel_loop3A_77 = arith.constant 1 : i32
      %parallel_loop3A_78 = arith.index_cast %parallel_loop3A_77 : i32 to index
      %parallel_loop3A_79 = arith.index_cast %parallel_loop3A_72 : i32 to index
      %parallel_loop3A_80 = tpu.vector_load %arg13[%parallel_loop3A_78, %parallel_loop3A_79] {strides = array<i32>} : memref<16x640xf32, #tpu.memory_space<vmem>>, vector<16xf32>,
      %parallel_loop3A_81 = arith.addf %parallel_loop3A_76, %parallel_loop3A_80 : vector<16xf32>
      %parallel_loop3A_82 = arith.constant 2 : i32
      %parallel_loop3A_83 = arith.index_cast %parallel_loop3A_82 : i32 to index
      %parallel_loop3A_84 = arith.index_cast %parallel_loop3A_72 : i32 to index
      %parallel_loop3A_85 = tpu.vector_load %arg13[%parallel_loop3A_83, %parallel_loop3A_84] {strides = array<i32>} : memref<16x640xf32, #tpu.memory_space<vmem>>, vector<16xf32>,
      %parallel_loop3A_86 = arith.addf %parallel_loop3A_81, %parallel_loop3A_85 : vector<16xf32>
      %parallel_loop3A_87 = arith.constant 3 : i32
      %parallel_loop3A_88 = arith.index_cast %parallel_loop3A_87 : i32 to index
      %parallel_loop3A_89 = arith.index_cast %parallel_loop3A_72 : i32 to index
      %parallel_loop3A_90 = tpu.vector_load %arg13[%parallel_loop3A_88, %parallel_loop3A_89] {strides = array<i32>} : memref<16x640xf32, #tpu.memory_space<vmem>>, vector<16xf32>,
      %parallel_loop3A_91 = arith.addf %parallel_loop3A_86, %parallel_loop3A_90 : vector<16xf32>
      %parallel_loop3A_92 = arith.constant 4 : i32
      %parallel_loop3A_93 = arith.index_cast %parallel_loop3A_92 : i32 to index
      %parallel_loop3A_94 = arith.index_cast %parallel_loop3A_72 : i32 to index
      %parallel_loop3A_95 = tpu.vector_load %arg13[%parallel_loop3A_93, %parallel_loop3A_94] {strides = array<i32>} : memref<16x640xf32, #tpu.memory_space<vmem>>, vector<16xf32>,
      %parallel_loop3A_96 = arith.addf %parallel_loop3A_91, %parallel_loop3A_95 : vector<16xf32>
      %parallel_loop3A_97 = arith.constant 5 : i32
      %parallel_loop3A_98 = arith.index_cast %parallel_loop3A_97 : i32 to index
      %parallel_loop3A_99 = arith.index_cast %parallel_loop3A_72 : i32 to index
      %parallel_loop3A_100 = tpu.vector_load %arg13[%parallel_loop3A_98, %parallel_loop3A_99] {strides = array<i32>} : memref<16x640xf32, #tpu.memory_space<vmem>>, vector<16xf32>,
      %parallel_loop3A_101 = arith.addf %parallel_loop3A_96, %parallel_loop3A_100 : vector<16xf32>
      %parallel_loop3A_102 = arith.constant 6 : i32
      %parallel_loop3A_103 = arith.index_cast %parallel_loop3A_102 : i32 to index
      %parallel_loop3A_104 = arith.index_cast %parallel_loop3A_72 : i32 to index
      %parallel_loop3A_105 = tpu.vector_load %arg13[%parallel_loop3A_103, %parallel_loop3A_104] {strides = array<i32>} : memref<16x640xf32, #tpu.memory_space<vmem>>, vector<16xf32>,
      %parallel_loop3A_106 = arith.addf %parallel_loop3A_101, %parallel_loop3A_105 : vector<16xf32>
      %parallel_loop3A_107 = arith.constant 7 : i32
      %parallel_loop3A_108 = arith.index_cast %parallel_loop3A_107 : i32 to index
      %parallel_loop3A_109 = arith.index_cast %parallel_loop3A_72 : i32 to index
      %parallel_loop3A_110 = tpu.vector_load %arg13[%parallel_loop3A_108, %parallel_loop3A_109] {strides = array<i32>} : memref<16x640xf32, #tpu.memory_space<vmem>>, vector<16xf32>,
      %parallel_loop3A_111 = arith.addf %parallel_loop3A_106, %parallel_loop3A_110 : vector<16xf32>
      %parallel_loop3A_112 = arith.constant 8 : i32
      %parallel_loop3A_113 = arith.index_cast %parallel_loop3A_112 : i32 to index
      %parallel_loop3A_114 = arith.index_cast %parallel_loop3A_72 : i32 to index
      %parallel_loop3A_115 = tpu.vector_load %arg13[%parallel_loop3A_113, %parallel_loop3A_114] {strides = array<i32>} : memref<16x640xf32, #tpu.memory_space<vmem>>, vector<16xf32>,
      %parallel_loop3A_116 = arith.addf %parallel_loop3A_111, %parallel_loop3A_115 : vector<16xf32>
      %parallel_loop3A_117 = arith.constant 9 : i32
      %parallel_loop3A_118 = arith.index_cast %parallel_loop3A_117 : i32 to index
      %parallel_loop3A_119 = arith.index_cast %parallel_loop3A_72 : i32 to index
      %parallel_loop3A_120 = tpu.vector_load %arg13[%parallel_loop3A_118, %parallel_loop3A_119] {strides = array<i32>} : memref<16x640xf32, #tpu.memory_space<vmem>>, vector<16xf32>,
      %parallel_loop3A_121 = arith.addf %parallel_loop3A_116, %parallel_loop3A_120 : vector<16xf32>
      %parallel_loop3A_122 = arith.constant 10 : i32
      %parallel_loop3A_123 = arith.index_cast %parallel_loop3A_122 : i32 to index
      %parallel_loop3A_124 = arith.index_cast %parallel_loop3A_72 : i32 to index
      %parallel_loop3A_125 = tpu.vector_load %arg13[%parallel_loop3A_123, %parallel_loop3A_124] {strides = array<i32>} : memref<16x640xf32, #tpu.memory_space<vmem>>, vector<16xf32>,
      %parallel_loop3A_126 = arith.addf %parallel_loop3A_121, %parallel_loop3A_125 : vector<16xf32>
      %parallel_loop3A_127 = arith.constant 11 : i32
      %parallel_loop3A_128 = arith.index_cast %parallel_loop3A_127 : i32 to index
      %parallel_loop3A_129 = arith.index_cast %parallel_loop3A_72 : i32 to index
      %parallel_loop3A_130 = tpu.vector_load %arg13[%parallel_loop3A_128, %parallel_loop3A_129] {strides = array<i32>} : memref<16x640xf32, #tpu.memory_space<vmem>>, vector<16xf32>,
      %parallel_loop3A_131 = arith.addf %parallel_loop3A_126, %parallel_loop3A_130 : vector<16xf32>
      %parallel_loop3A_132 = arith.constant 12 : i32
      %parallel_loop3A_133 = arith.index_cast %parallel_loop3A_132 : i32 to index
      %parallel_loop3A_134 = arith.index_cast %parallel_loop3A_72 : i32 to index
      %parallel_loop3A_135 = tpu.vector_load %arg13[%parallel_loop3A_133, %parallel_loop3A_134] {strides = array<i32>} : memref<16x640xf32, #tpu.memory_space<vmem>>, vector<16xf32>,
      %parallel_loop3A_136 = arith.addf %parallel_loop3A_131, %parallel_loop3A_135 : vector<16xf32>
      %parallel_loop3A_137 = arith.constant 13 : i32
      %parallel_loop3A_138 = arith.index_cast %parallel_loop3A_137 : i32 to index
      %parallel_loop3A_139 = arith.index_cast %parallel_loop3A_72 : i32 to index
      %parallel_loop3A_140 = tpu.vector_load %arg13[%parallel_loop3A_138, %parallel_loop3A_139] {strides = array<i32>} : memref<16x640xf32, #tpu.memory_space<vmem>>, vector<16xf32>,
      %parallel_loop3A_141 = arith.addf %parallel_loop3A_136, %parallel_loop3A_140 : vector<16xf32>
      %parallel_loop3A_142 = arith.constant 14 : i32
      %parallel_loop3A_143 = arith.index_cast %parallel_loop3A_142 : i32 to index
      %parallel_loop3A_144 = arith.index_cast %parallel_loop3A_72 : i32 to index
      %parallel_loop3A_145 = tpu.vector_load %arg13[%parallel_loop3A_143, %parallel_loop3A_144] {strides = array<i32>} : memref<16x640xf32, #tpu.memory_space<vmem>>, vector<16xf32>,
      %parallel_loop3A_146 = arith.addf %parallel_loop3A_141, %parallel_loop3A_145 : vector<16xf32>
      %parallel_loop3A_147 = arith.constant 15 : i32
      %parallel_loop3A_148 = arith.index_cast %parallel_loop3A_147 : i32 to index
      %parallel_loop3A_149 = arith.index_cast %parallel_loop3A_72 : i32 to index
      %parallel_loop3A_150 = tpu.vector_load %arg13[%parallel_loop3A_148, %parallel_loop3A_149] {strides = array<i32>} : memref<16x640xf32, #tpu.memory_space<vmem>>, vector<16xf32>,
      %parallel_loop3A_151 = arith.addf %parallel_loop3A_146, %parallel_loop3A_150 : vector<16xf32>
      %parallel_loop3A_152 = arith.index_cast %parallel_loop3A_72 : i32 to index
      %parallel_loop3A_153 = tpu.vector_load %arg11[%parallel_loop3A_152] {strides = array<i32>} : memref<640xf32, #tpu.memory_space<vmem>>, vector<16xf32>,
      %parallel_loop3A_154 = arith.addf %parallel_loop3A_153, %parallel_loop3A_151 : vector<16xf32>
      %parallel_loop3A_155 = arith.index_cast %parallel_loop3A_72 : i32 to index
      %parallel_loop3A_156 = tpu.vector_load %arg14[%parallel_loop3A_155] {strides = array<i32>} : memref<640xf32, #tpu.memory_space<vmem>>, vector<16xf32>,
      tpu.vector_store %arg14[%parallel_loop3A_155], %parallel_loop3A_154 {strides = array<i32>} : memref<640xf32, #tpu.memory_space<vmem>>, vector<16xf32>,
    } {sc.loop_unroll_factor = 2 : i64, sc.parallel_access}
    "tpu.region"() ({
      %run_scoped3A = tpu.sem_alloc : memref<!tpu.dma_semaphore, #tpu.memory_space<semaphore_mem>>
      %dma_start3A = tpu.memref_slice %arg18[%mul3A_2] : memref<10240xf32, #tpu.memory_space<vmem_shared>> -> memref<640xf32, #tpu.memory_space<vmem_shared>>
      %dma_start3A_72 = tpu.memref_slice %arg18[%mul3A_2] : memref<10240xf32, #tpu.memory_space<vmem_shared>> -> memref<640xf32, #tpu.memory_space<vmem_shared>>
      tpu.enqueue_dma source(%arg14 : memref<640xf32, #tpu.memory_space<vmem>>) target(%dma_start3A_72 : memref<640xf32, #tpu.memory_space<vmem_shared>>) target_semaphore(%run_scoped3A : memref<!tpu.dma_semaphore, #tpu.memory_space<semaphore_mem>>)
      %dma_wait3A = tpu.memref_slice %arg18[%mul3A_2] : memref<10240xf32, #tpu.memory_space<vmem_shared>> -> memref<640xf32, #tpu.memory_space<vmem_shared>>
      %dma_wait3A_73 = tpu.memref_slice %arg18[%mul3A_2] : memref<10240xf32, #tpu.memory_space<vmem_shared>> -> memref<640xf32, #tpu.memory_space<vmem_shared>>
      tpu.wait_dma2 semaphore(%run_scoped3A : memref<!tpu.dma_semaphore, #tpu.memory_space<semaphore_mem>>) src(%arg14 : memref<640xf32, #tpu.memory_space<vmem>>) dst(%dma_wait3A_73 : memref<640xf32, #tpu.memory_space<vmem_shared>>)
      tpu.yield
    }) : () -> ()
    %barrier3A_23 = arith.constant 0 : index
    tpu.barrier barrier_id(%barrier3A_23)
    "tpu.region"() ({
      %run_scoped3A = tpu.sem_alloc : memref<!tpu.dma_semaphore, #tpu.memory_space<semaphore_mem>>
      tpu.enqueue_dma source(%arg18 : memref<10240xf32, #tpu.memory_space<vmem_shared>>) target(%arg9 : memref<10240xf32, #tpu.memory_space<vmem>>) target_semaphore(%run_scoped3A : memref<!tpu.dma_semaphore, #tpu.memory_space<semaphore_mem>>)
      tpu.wait_dma2 semaphore(%run_scoped3A : memref<!tpu.dma_semaphore, #tpu.memory_space<semaphore_mem>>) src(%arg18 : memref<10240xf32, #tpu.memory_space<vmem_shared>>) dst(%arg9 : memref<10240xf32, #tpu.memory_space<vmem>>)
      tpu.yield
    }) : () -> ()
    %parallel_loop3A_24 = arith.constant 0 : i32
    %parallel_loop3A_25 = arith.constant 10240 : i32
    %parallel_loop3A_26 = arith.constant 16 : i32
    scf.for %parallel_loop3A_72 = %parallel_loop3A_24 to %parallel_loop3A_25 step %parallel_loop3A_26  : i32 {
      %parallel_loop3A_73 = arith.index_cast %parallel_loop3A_72 : i32 to index
      %parallel_loop3A_74 = tpu.vector_load %arg10[%parallel_loop3A_73] {strides = array<i32>} : memref<10240xf32, #tpu.memory_space<vmem>>, vector<16xf32>,
      tpu.vector_store %arg10[%parallel_loop3A_73], %broadcast_in_dim3A_14 {strides = array<i32>} : memref<10240xf32, #tpu.memory_space<vmem>>, vector<16xf32>,
    } {sc.loop_unroll_factor = 8 : i64, sc.parallel_access}
    %parallel_loop3A_27 = arith.constant 0 : i32
    %parallel_loop3A_28 = arith.constant 20000 : i32
    %parallel_loop3A_29 = arith.constant 16 : i32
    scf.for %parallel_loop3A_72 = %parallel_loop3A_27 to %parallel_loop3A_28 step %parallel_loop3A_29  : i32 {
      %parallel_loop3A_73 = arith.index_cast %parallel_loop3A_72 : i32 to index
      %parallel_loop3A_74 = tpu.vector_load %arg7[%parallel_loop3A_73] {strides = array<i32>} : memref<20000xi32, #tpu.memory_space<vmem>>, vector<16xi32>,
      %parallel_loop3A_75 = arith.constant 16383 : i32
      %parallel_loop3A_76 = vector.broadcast %parallel_loop3A_75 : i32 to vector<16xi32>
      %parallel_loop3A_77 = arith.andi %parallel_loop3A_74, %parallel_loop3A_76 : vector<16xi32>
      %parallel_loop3A_78 = arith.constant 14 : i32
      %parallel_loop3A_79 = vector.broadcast %parallel_loop3A_78 : i32 to vector<16xi32>
      %parallel_loop3A_80 = arith.shrui %parallel_loop3A_74, %parallel_loop3A_79 : vector<16xi32>
      %parallel_loop3A_81 = tpu.vector_load_idx %arg9[%parallel_loop3A_80] : memref<10240xf32, #tpu.memory_space<vmem>>[vector<16xi32>], vector<16xf32>,
      %parallel_loop3A_82 = arith.index_cast %parallel_loop3A_72 : i32 to index
      %parallel_loop3A_83 = tpu.vector_load %arg8[%parallel_loop3A_82] {strides = array<i32>} : memref<20000xf32, #tpu.memory_space<vmem>>, vector<16xf32>,
      %parallel_loop3A_84 = arith.subf %parallel_loop3A_81, %parallel_loop3A_83 : vector<16xf32>
      %parallel_loop3A_85 = arith.addf %parallel_loop3A_84, %get3A_5 : vector<16xf32>
      %parallel_loop3A_86 = arith.constant 0.000000e+00 : f32
      %parallel_loop3A_87 = vector.broadcast %parallel_loop3A_86 : f32 to vector<16xf32>
      %parallel_loop3A_88 = arith.maximumf %parallel_loop3A_85, %parallel_loop3A_87 : vector<16xf32>
      %parallel_loop3A_89 = arith.constant 0.000000e+00 : f32
      %parallel_loop3A_90 = vector.broadcast %parallel_loop3A_89 : f32 to vector<16xf32>
      %parallel_loop3A_91 = arith.minimumf %parallel_loop3A_85, %parallel_loop3A_90 : vector<16xf32>
      %parallel_loop3A_92 = arith.subf %parallel_loop3A_91, %parallel_loop3A_88 : vector<16xf32>
      %parallel_loop3A_93 = math.exp %parallel_loop3A_92 : vector<16xf32>
      %parallel_loop3A_94 = arith.constant 0.00198669662 : f32
      %parallel_loop3A_95 = vector.broadcast %parallel_loop3A_94 : f32 to vector<16xf32>
      %parallel_loop3A_96 = arith.mulf %parallel_loop3A_95, %parallel_loop3A_93 : vector<16xf32>
      %parallel_loop3A_97 = arith.constant -0.0131878266 : f32
      %parallel_loop3A_98 = vector.broadcast %parallel_loop3A_97 : f32 to vector<16xf32>
      %parallel_loop3A_99 = arith.addf %parallel_loop3A_96, %parallel_loop3A_98 : vector<16xf32>
      %parallel_loop3A_100 = arith.mulf %parallel_loop3A_99, %parallel_loop3A_93 : vector<16xf32>
      %parallel_loop3A_101 = arith.constant 0.0410065725 : f32
      %parallel_loop3A_102 = vector.broadcast %parallel_loop3A_101 : f32 to vector<16xf32>
      %parallel_loop3A_103 = arith.addf %parallel_loop3A_100, %parallel_loop3A_102 : vector<16xf32>
      %parallel_loop3A_104 = arith.mulf %parallel_loop3A_103, %parallel_loop3A_93 : vector<16xf32>
      %parallel_loop3A_105 = arith.constant -0.0818804055 : f32
      %parallel_loop3A_106 = vector.broadcast %parallel_loop3A_105 : f32 to vector<16xf32>
      %parallel_loop3A_107 = arith.addf %parallel_loop3A_104, %parallel_loop3A_106 : vector<16xf32>
      %parallel_loop3A_108 = arith.mulf %parallel_loop3A_107, %parallel_loop3A_93 : vector<16xf32>
      %parallel_loop3A_109 = arith.constant 0.12377996 : f32
      %parallel_loop3A_110 = vector.broadcast %parallel_loop3A_109 : f32 to vector<16xf32>
      %parallel_loop3A_111 = arith.addf %parallel_loop3A_108, %parallel_loop3A_110 : vector<16xf32>
      %parallel_loop3A_112 = arith.mulf %parallel_loop3A_111, %parallel_loop3A_93 : vector<16xf32>
      %parallel_loop3A_113 = arith.constant -0.160876229 : f32
      %parallel_loop3A_114 = vector.broadcast %parallel_loop3A_113 : f32 to vector<16xf32>
      %parallel_loop3A_115 = arith.addf %parallel_loop3A_112, %parallel_loop3A_114 : vector<16xf32>
      %parallel_loop3A_116 = arith.mulf %parallel_loop3A_115, %parallel_loop3A_93 : vector<16xf32>
      %parallel_loop3A_117 = arith.constant 0.198858202 : f32
      %parallel_loop3A_118 = vector.broadcast %parallel_loop3A_117 : f32 to vector<16xf32>
      %parallel_loop3A_119 = arith.addf %parallel_loop3A_116, %parallel_loop3A_118 : vector<16xf32>
      %parallel_loop3A_120 = arith.mulf %parallel_loop3A_119, %parallel_loop3A_93 : vector<16xf32>
      %parallel_loop3A_121 = arith.constant -0.249864966 : f32
      %parallel_loop3A_122 = vector.broadcast %parallel_loop3A_121 : f32 to vector<16xf32>
      %parallel_loop3A_123 = arith.addf %parallel_loop3A_120, %parallel_loop3A_122 : vector<16xf32>
      %parallel_loop3A_124 = arith.mulf %parallel_loop3A_123, %parallel_loop3A_93 : vector<16xf32>
      %parallel_loop3A_125 = arith.constant 0.333324969 : f32
      %parallel_loop3A_126 = vector.broadcast %parallel_loop3A_125 : f32 to vector<16xf32>
      %parallel_loop3A_127 = arith.addf %parallel_loop3A_124, %parallel_loop3A_126 : vector<16xf32>
      %parallel_loop3A_128 = arith.mulf %parallel_loop3A_127, %parallel_loop3A_93 : vector<16xf32>
      %parallel_loop3A_129 = arith.constant -0.499999791 : f32
      %parallel_loop3A_130 = vector.broadcast %parallel_loop3A_129 : f32 to vector<16xf32>
      %parallel_loop3A_131 = arith.addf %parallel_loop3A_128, %parallel_loop3A_130 : vector<16xf32>
      %parallel_loop3A_132 = arith.mulf %parallel_loop3A_131, %parallel_loop3A_93 : vector<16xf32>
      %parallel_loop3A_133 = arith.constant 1.000000e+00 : f32
      %parallel_loop3A_134 = vector.broadcast %parallel_loop3A_133 : f32 to vector<16xf32>
      %parallel_loop3A_135 = arith.addf %parallel_loop3A_132, %parallel_loop3A_134 : vector<16xf32>
      %parallel_loop3A_136 = arith.mulf %parallel_loop3A_93, %parallel_loop3A_135 : vector<16xf32>
      %parallel_loop3A_137 = arith.addf %parallel_loop3A_88, %parallel_loop3A_136 : vector<16xf32>
      %parallel_loop3A_138 = arith.addf %get3A_13, %parallel_loop3A_137 : vector<16xf32>
      %parallel_loop3A_139 = arith.addf %parallel_loop3A_84, %get3A_9 : vector<16xf32>
      %parallel_loop3A_140 = arith.constant 0.000000e+00 : f32
      %parallel_loop3A_141 = vector.broadcast %parallel_loop3A_140 : f32 to vector<16xf32>
      %parallel_loop3A_142 = arith.maximumf %parallel_loop3A_139, %parallel_loop3A_141 : vector<16xf32>
      %parallel_loop3A_143 = arith.constant 0.000000e+00 : f32
      %parallel_loop3A_144 = vector.broadcast %parallel_loop3A_143 : f32 to vector<16xf32>
      %parallel_loop3A_145 = arith.minimumf %parallel_loop3A_139, %parallel_loop3A_144 : vector<16xf32>
      %parallel_loop3A_146 = arith.subf %parallel_loop3A_145, %parallel_loop3A_142 : vector<16xf32>
      %parallel_loop3A_147 = math.exp %parallel_loop3A_146 : vector<16xf32>
      %parallel_loop3A_148 = arith.constant 0.00198669662 : f32
      %parallel_loop3A_149 = vector.broadcast %parallel_loop3A_148 : f32 to vector<16xf32>
      %parallel_loop3A_150 = arith.mulf %parallel_loop3A_149, %parallel_loop3A_147 : vector<16xf32>
      %parallel_loop3A_151 = arith.constant -0.0131878266 : f32
      %parallel_loop3A_152 = vector.broadcast %parallel_loop3A_151 : f32 to vector<16xf32>
      %parallel_loop3A_153 = arith.addf %parallel_loop3A_150, %parallel_loop3A_152 : vector<16xf32>
      %parallel_loop3A_154 = arith.mulf %parallel_loop3A_153, %parallel_loop3A_147 : vector<16xf32>
      %parallel_loop3A_155 = arith.constant 0.0410065725 : f32
      %parallel_loop3A_156 = vector.broadcast %parallel_loop3A_155 : f32 to vector<16xf32>
      %parallel_loop3A_157 = arith.addf %parallel_loop3A_154, %parallel_loop3A_156 : vector<16xf32>
      %parallel_loop3A_158 = arith.mulf %parallel_loop3A_157, %parallel_loop3A_147 : vector<16xf32>
      %parallel_loop3A_159 = arith.constant -0.0818804055 : f32
      %parallel_loop3A_160 = vector.broadcast %parallel_loop3A_159 : f32 to vector<16xf32>
      %parallel_loop3A_161 = arith.addf %parallel_loop3A_158, %parallel_loop3A_160 : vector<16xf32>
      %parallel_loop3A_162 = arith.mulf %parallel_loop3A_161, %parallel_loop3A_147 : vector<16xf32>
      %parallel_loop3A_163 = arith.constant 0.12377996 : f32
      %parallel_loop3A_164 = vector.broadcast %parallel_loop3A_163 : f32 to vector<16xf32>
      %parallel_loop3A_165 = arith.addf %parallel_loop3A_162, %parallel_loop3A_164 : vector<16xf32>
      %parallel_loop3A_166 = arith.mulf %parallel_loop3A_165, %parallel_loop3A_147 : vector<16xf32>
      %parallel_loop3A_167 = arith.constant -0.160876229 : f32
      %parallel_loop3A_168 = vector.broadcast %parallel_loop3A_167 : f32 to vector<16xf32>
      %parallel_loop3A_169 = arith.addf %parallel_loop3A_166, %parallel_loop3A_168 : vector<16xf32>
      %parallel_loop3A_170 = arith.mulf %parallel_loop3A_169, %parallel_loop3A_147 : vector<16xf32>
      %parallel_loop3A_171 = arith.constant 0.198858202 : f32
      %parallel_loop3A_172 = vector.broadcast %parallel_loop3A_171 : f32 to vector<16xf32>
      %parallel_loop3A_173 = arith.addf %parallel_loop3A_170, %parallel_loop3A_172 : vector<16xf32>
      %parallel_loop3A_174 = arith.mulf %parallel_loop3A_173, %parallel_loop3A_147 : vector<16xf32>
      %parallel_loop3A_175 = arith.constant -0.249864966 : f32
      %parallel_loop3A_176 = vector.broadcast %parallel_loop3A_175 : f32 to vector<16xf32>
      %parallel_loop3A_177 = arith.addf %parallel_loop3A_174, %parallel_loop3A_176 : vector<16xf32>
      %parallel_loop3A_178 = arith.mulf %parallel_loop3A_177, %parallel_loop3A_147 : vector<16xf32>
      %parallel_loop3A_179 = arith.constant 0.333324969 : f32
      %parallel_loop3A_180 = vector.broadcast %parallel_loop3A_179 : f32 to vector<16xf32>
      %parallel_loop3A_181 = arith.addf %parallel_loop3A_178, %parallel_loop3A_180 : vector<16xf32>
      %parallel_loop3A_182 = arith.mulf %parallel_loop3A_181, %parallel_loop3A_147 : vector<16xf32>
      %parallel_loop3A_183 = arith.constant -0.499999791 : f32
      %parallel_loop3A_184 = vector.broadcast %parallel_loop3A_183 : f32 to vector<16xf32>
      %parallel_loop3A_185 = arith.addf %parallel_loop3A_182, %parallel_loop3A_184 : vector<16xf32>
      %parallel_loop3A_186 = arith.mulf %parallel_loop3A_185, %parallel_loop3A_147 : vector<16xf32>
      %parallel_loop3A_187 = arith.constant 1.000000e+00 : f32
      %parallel_loop3A_188 = vector.broadcast %parallel_loop3A_187 : f32 to vector<16xf32>
      %parallel_loop3A_189 = arith.addf %parallel_loop3A_186, %parallel_loop3A_188 : vector<16xf32>
      %parallel_loop3A_190 = arith.mulf %parallel_loop3A_147, %parallel_loop3A_189 : vector<16xf32>
      %parallel_loop3A_191 = arith.addf %parallel_loop3A_142, %parallel_loop3A_190 : vector<16xf32>
      %parallel_loop3A_192 = arith.subf %parallel_loop3A_138, %parallel_loop3A_191 : vector<16xf32>
      %parallel_loop3A_193 = arith.index_cast %parallel_loop3A_72 : i32 to index
      %parallel_loop3A_194 = tpu.vector_load %arg8[%parallel_loop3A_193] {strides = array<i32>} : memref<20000xf32, #tpu.memory_space<vmem>>, vector<16xf32>,
      tpu.vector_store %arg8[%parallel_loop3A_193], %parallel_loop3A_192 {strides = array<i32>} : memref<20000xf32, #tpu.memory_space<vmem>>, vector<16xf32>,
      tpu.vector_store_idx %arg10[%parallel_loop3A_77], %parallel_loop3A_192 {add = true} : memref<10240xf32, #tpu.memory_space<vmem>>[vector<16xi32>], vector<16xf32>,
    } {sc.loop_unroll_factor = 4 : i64, sc.parallel_access}
    "tpu.region"() ({
      %run_scoped3A = tpu.sem_alloc : memref<!tpu.dma_semaphore, #tpu.memory_space<semaphore_mem>>
      %dma_start3A = arith.constant 0 : i32
      %dma_start3A_72 = tpu.memref_slice %arg17[%arg1, %dma_start3A] : memref<16x10240xf32, #tpu.memory_space<vmem_shared>> -> memref<1x10240xf32, #tpu.memory_space<vmem_shared>>
      %dma_start3A_73 = tpu.memref_squeeze %dma_start3A_72 : memref<1x10240xf32, #tpu.memory_space<vmem_shared>> -> memref<10240xf32, #tpu.memory_space<vmem_shared>>
      %dma_start3A_74 = arith.constant 0 : i32
      %dma_start3A_75 = tpu.memref_slice %arg17[%arg1, %dma_start3A_74] : memref<16x10240xf32, #tpu.memory_space<vmem_shared>> -> memref<1x10240xf32, #tpu.memory_space<vmem_shared>>
      %dma_start3A_76 = tpu.memref_squeeze %dma_start3A_75 : memref<1x10240xf32, #tpu.memory_space<vmem_shared>> -> memref<10240xf32, #tpu.memory_space<vmem_shared>>
      tpu.enqueue_dma source(%arg10 : memref<10240xf32, #tpu.memory_space<vmem>>) target(%dma_start3A_76 : memref<10240xf32, #tpu.memory_space<vmem_shared>>) target_semaphore(%run_scoped3A : memref<!tpu.dma_semaphore, #tpu.memory_space<semaphore_mem>>)
      %dma_wait3A = arith.constant 0 : i32
      %dma_wait3A_77 = tpu.memref_slice %arg17[%arg1, %dma_wait3A] : memref<16x10240xf32, #tpu.memory_space<vmem_shared>> -> memref<1x10240xf32, #tpu.memory_space<vmem_shared>>
      %dma_wait3A_78 = tpu.memref_squeeze %dma_wait3A_77 : memref<1x10240xf32, #tpu.memory_space<vmem_shared>> -> memref<10240xf32, #tpu.memory_space<vmem_shared>>
      %dma_wait3A_79 = arith.constant 0 : i32
      %dma_wait3A_80 = tpu.memref_slice %arg17[%arg1, %dma_wait3A_79] : memref<16x10240xf32, #tpu.memory_space<vmem_shared>> -> memref<1x10240xf32, #tpu.memory_space<vmem_shared>>
      %dma_wait3A_81 = tpu.memref_squeeze %dma_wait3A_80 : memref<1x10240xf32, #tpu.memory_space<vmem_shared>> -> memref<10240xf32, #tpu.memory_space<vmem_shared>>
      tpu.wait_dma2 semaphore(%run_scoped3A : memref<!tpu.dma_semaphore, #tpu.memory_space<semaphore_mem>>) src(%arg10 : memref<10240xf32, #tpu.memory_space<vmem>>) dst(%dma_wait3A_81 : memref<10240xf32, #tpu.memory_space<vmem_shared>>)
      tpu.yield
    }) : () -> ()
    %barrier3A_30 = arith.constant 0 : index
    tpu.barrier barrier_id(%barrier3A_30)
    "tpu.region"() ({
      %run_scoped3A = tpu.sem_alloc : memref<!tpu.dma_semaphore, #tpu.memory_space<semaphore_mem>>
      %dma_start3A = arith.constant 0 : i32
      %dma_start3A_72 = tpu.memref_slice %arg17[%dma_start3A, %mul3A_2] : memref<16x10240xf32, #tpu.memory_space<vmem_shared>> -> memref<16x640xf32, #tpu.memory_space<vmem_shared>>
      %dma_start3A_73 = arith.constant 0 : i32
      %dma_start3A_74 = tpu.memref_slice %arg17[%dma_start3A_73, %mul3A_2] : memref<16x10240xf32, #tpu.memory_space<vmem_shared>> -> memref<16x640xf32, #tpu.memory_space<vmem_shared>>
      tpu.enqueue_dma source(%dma_start3A_74 : memref<16x640xf32, #tpu.memory_space<vmem_shared>>) target(%arg13 : memref<16x640xf32, #tpu.memory_space<vmem>>) target_semaphore(%run_scoped3A : memref<!tpu.dma_semaphore, #tpu.memory_space<semaphore_mem>>)
      %dma_wait3A = arith.constant 0 : i32
      %dma_wait3A_75 = tpu.memref_slice %arg17[%dma_wait3A, %mul3A_2] : memref<16x10240xf32, #tpu.memory_space<vmem_shared>> -> memref<16x640xf32, #tpu.memory_space<vmem_shared>>
      %dma_wait3A_76 = arith.constant 0 : i32
      %dma_wait3A_77 = tpu.memref_slice %arg17[%dma_wait3A_76, %mul3A_2] : memref<16x10240xf32, #tpu.memory_space<vmem_shared>> -> memref<16x640xf32, #tpu.memory_space<vmem_shared>>
      tpu.wait_dma2 semaphore(%run_scoped3A : memref<!tpu.dma_semaphore, #tpu.memory_space<semaphore_mem>>) src(%dma_wait3A_77 : memref<16x640xf32, #tpu.memory_space<vmem_shared>>) dst(%arg13 : memref<16x640xf32, #tpu.memory_space<vmem>>)
      tpu.yield
    }) : () -> ()
    %parallel_loop3A_31 = arith.constant 0 : i32
    %parallel_loop3A_32 = arith.constant 640 : i32
    %parallel_loop3A_33 = arith.constant 16 : i32
    scf.for %parallel_loop3A_72 = %parallel_loop3A_31 to %parallel_loop3A_32 step %parallel_loop3A_33  : i32 {
      %parallel_loop3A_73 = arith.constant 0 : i32
      %parallel_loop3A_74 = arith.index_cast %parallel_loop3A_73 : i32 to index
      %parallel_loop3A_75 = arith.index_cast %parallel_loop3A_72 : i32 to index
      %parallel_loop3A_76 = tpu.vector_load %arg13[%parallel_loop3A_74, %parallel_loop3A_75] {strides = array<i32>} : memref<16x640xf32, #tpu.memory_space<vmem>>, vector<16xf32>,
      %parallel_loop3A_77 = arith.constant 1 : i32
      %parallel_loop3A_78 = arith.index_cast %parallel_loop3A_77 : i32 to index
      %parallel_loop3A_79 = arith.index_cast %parallel_loop3A_72 : i32 to index
      %parallel_loop3A_80 = tpu.vector_load %arg13[%parallel_loop3A_78, %parallel_loop3A_79] {strides = array<i32>} : memref<16x640xf32, #tpu.memory_space<vmem>>, vector<16xf32>,
      %parallel_loop3A_81 = arith.addf %parallel_loop3A_76, %parallel_loop3A_80 : vector<16xf32>
      %parallel_loop3A_82 = arith.constant 2 : i32
      %parallel_loop3A_83 = arith.index_cast %parallel_loop3A_82 : i32 to index
      %parallel_loop3A_84 = arith.index_cast %parallel_loop3A_72 : i32 to index
      %parallel_loop3A_85 = tpu.vector_load %arg13[%parallel_loop3A_83, %parallel_loop3A_84] {strides = array<i32>} : memref<16x640xf32, #tpu.memory_space<vmem>>, vector<16xf32>,
      %parallel_loop3A_86 = arith.addf %parallel_loop3A_81, %parallel_loop3A_85 : vector<16xf32>
      %parallel_loop3A_87 = arith.constant 3 : i32
      %parallel_loop3A_88 = arith.index_cast %parallel_loop3A_87 : i32 to index
      %parallel_loop3A_89 = arith.index_cast %parallel_loop3A_72 : i32 to index
      %parallel_loop3A_90 = tpu.vector_load %arg13[%parallel_loop3A_88, %parallel_loop3A_89] {strides = array<i32>} : memref<16x640xf32, #tpu.memory_space<vmem>>, vector<16xf32>,
      %parallel_loop3A_91 = arith.addf %parallel_loop3A_86, %parallel_loop3A_90 : vector<16xf32>
      %parallel_loop3A_92 = arith.constant 4 : i32
      %parallel_loop3A_93 = arith.index_cast %parallel_loop3A_92 : i32 to index
      %parallel_loop3A_94 = arith.index_cast %parallel_loop3A_72 : i32 to index
      %parallel_loop3A_95 = tpu.vector_load %arg13[%parallel_loop3A_93, %parallel_loop3A_94] {strides = array<i32>} : memref<16x640xf32, #tpu.memory_space<vmem>>, vector<16xf32>,
      %parallel_loop3A_96 = arith.addf %parallel_loop3A_91, %parallel_loop3A_95 : vector<16xf32>
      %parallel_loop3A_97 = arith.constant 5 : i32
      %parallel_loop3A_98 = arith.index_cast %parallel_loop3A_97 : i32 to index
      %parallel_loop3A_99 = arith.index_cast %parallel_loop3A_72 : i32 to index
      %parallel_loop3A_100 = tpu.vector_load %arg13[%parallel_loop3A_98, %parallel_loop3A_99] {strides = array<i32>} : memref<16x640xf32, #tpu.memory_space<vmem>>, vector<16xf32>,
      %parallel_loop3A_101 = arith.addf %parallel_loop3A_96, %parallel_loop3A_100 : vector<16xf32>
      %parallel_loop3A_102 = arith.constant 6 : i32
      %parallel_loop3A_103 = arith.index_cast %parallel_loop3A_102 : i32 to index
      %parallel_loop3A_104 = arith.index_cast %parallel_loop3A_72 : i32 to index
      %parallel_loop3A_105 = tpu.vector_load %arg13[%parallel_loop3A_103, %parallel_loop3A_104] {strides = array<i32>} : memref<16x640xf32, #tpu.memory_space<vmem>>, vector<16xf32>,
      %parallel_loop3A_106 = arith.addf %parallel_loop3A_101, %parallel_loop3A_105 : vector<16xf32>
      %parallel_loop3A_107 = arith.constant 7 : i32
      %parallel_loop3A_108 = arith.index_cast %parallel_loop3A_107 : i32 to index
      %parallel_loop3A_109 = arith.index_cast %parallel_loop3A_72 : i32 to index
      %parallel_loop3A_110 = tpu.vector_load %arg13[%parallel_loop3A_108, %parallel_loop3A_109] {strides = array<i32>} : memref<16x640xf32, #tpu.memory_space<vmem>>, vector<16xf32>,
      %parallel_loop3A_111 = arith.addf %parallel_loop3A_106, %parallel_loop3A_110 : vector<16xf32>
      %parallel_loop3A_112 = arith.constant 8 : i32
      %parallel_loop3A_113 = arith.index_cast %parallel_loop3A_112 : i32 to index
      %parallel_loop3A_114 = arith.index_cast %parallel_loop3A_72 : i32 to index
      %parallel_loop3A_115 = tpu.vector_load %arg13[%parallel_loop3A_113, %parallel_loop3A_114] {strides = array<i32>} : memref<16x640xf32, #tpu.memory_space<vmem>>, vector<16xf32>,
      %parallel_loop3A_116 = arith.addf %parallel_loop3A_111, %parallel_loop3A_115 : vector<16xf32>
      %parallel_loop3A_117 = arith.constant 9 : i32
      %parallel_loop3A_118 = arith.index_cast %parallel_loop3A_117 : i32 to index
      %parallel_loop3A_119 = arith.index_cast %parallel_loop3A_72 : i32 to index
      %parallel_loop3A_120 = tpu.vector_load %arg13[%parallel_loop3A_118, %parallel_loop3A_119] {strides = array<i32>} : memref<16x640xf32, #tpu.memory_space<vmem>>, vector<16xf32>,
      %parallel_loop3A_121 = arith.addf %parallel_loop3A_116, %parallel_loop3A_120 : vector<16xf32>
      %parallel_loop3A_122 = arith.constant 10 : i32
      %parallel_loop3A_123 = arith.index_cast %parallel_loop3A_122 : i32 to index
      %parallel_loop3A_124 = arith.index_cast %parallel_loop3A_72 : i32 to index
      %parallel_loop3A_125 = tpu.vector_load %arg13[%parallel_loop3A_123, %parallel_loop3A_124] {strides = array<i32>} : memref<16x640xf32, #tpu.memory_space<vmem>>, vector<16xf32>,
      %parallel_loop3A_126 = arith.addf %parallel_loop3A_121, %parallel_loop3A_125 : vector<16xf32>
      %parallel_loop3A_127 = arith.constant 11 : i32
      %parallel_loop3A_128 = arith.index_cast %parallel_loop3A_127 : i32 to index
      %parallel_loop3A_129 = arith.index_cast %parallel_loop3A_72 : i32 to index
      %parallel_loop3A_130 = tpu.vector_load %arg13[%parallel_loop3A_128, %parallel_loop3A_129] {strides = array<i32>} : memref<16x640xf32, #tpu.memory_space<vmem>>, vector<16xf32>,
      %parallel_loop3A_131 = arith.addf %parallel_loop3A_126, %parallel_loop3A_130 : vector<16xf32>
      %parallel_loop3A_132 = arith.constant 12 : i32
      %parallel_loop3A_133 = arith.index_cast %parallel_loop3A_132 : i32 to index
      %parallel_loop3A_134 = arith.index_cast %parallel_loop3A_72 : i32 to index
      %parallel_loop3A_135 = tpu.vector_load %arg13[%parallel_loop3A_133, %parallel_loop3A_134] {strides = array<i32>} : memref<16x640xf32, #tpu.memory_space<vmem>>, vector<16xf32>,
      %parallel_loop3A_136 = arith.addf %parallel_loop3A_131, %parallel_loop3A_135 : vector<16xf32>
      %parallel_loop3A_137 = arith.constant 13 : i32
      %parallel_loop3A_138 = arith.index_cast %parallel_loop3A_137 : i32 to index
      %parallel_loop3A_139 = arith.index_cast %parallel_loop3A_72 : i32 to index
      %parallel_loop3A_140 = tpu.vector_load %arg13[%parallel_loop3A_138, %parallel_loop3A_139] {strides = array<i32>} : memref<16x640xf32, #tpu.memory_space<vmem>>, vector<16xf32>,
      %parallel_loop3A_141 = arith.addf %parallel_loop3A_136, %parallel_loop3A_140 : vector<16xf32>
      %parallel_loop3A_142 = arith.constant 14 : i32
      %parallel_loop3A_143 = arith.index_cast %parallel_loop3A_142 : i32 to index
      %parallel_loop3A_144 = arith.index_cast %parallel_loop3A_72 : i32 to index
      %parallel_loop3A_145 = tpu.vector_load %arg13[%parallel_loop3A_143, %parallel_loop3A_144] {strides = array<i32>} : memref<16x640xf32, #tpu.memory_space<vmem>>, vector<16xf32>,
      %parallel_loop3A_146 = arith.addf %parallel_loop3A_141, %parallel_loop3A_145 : vector<16xf32>
      %parallel_loop3A_147 = arith.constant 15 : i32
      %parallel_loop3A_148 = arith.index_cast %parallel_loop3A_147 : i32 to index
      %parallel_loop3A_149 = arith.index_cast %parallel_loop3A_72 : i32 to index
      %parallel_loop3A_150 = tpu.vector_load %arg13[%parallel_loop3A_148, %parallel_loop3A_149] {strides = array<i32>} : memref<16x640xf32, #tpu.memory_space<vmem>>, vector<16xf32>,
      %parallel_loop3A_151 = arith.addf %parallel_loop3A_146, %parallel_loop3A_150 : vector<16xf32>
      %parallel_loop3A_152 = arith.index_cast %parallel_loop3A_72 : i32 to index
      %parallel_loop3A_153 = tpu.vector_load %arg11[%parallel_loop3A_152] {strides = array<i32>} : memref<640xf32, #tpu.memory_space<vmem>>, vector<16xf32>,
      %parallel_loop3A_154 = arith.addf %parallel_loop3A_153, %parallel_loop3A_151 : vector<16xf32>
      %parallel_loop3A_155 = arith.index_cast %parallel_loop3A_72 : i32 to index
      %parallel_loop3A_156 = tpu.vector_load %arg14[%parallel_loop3A_155] {strides = array<i32>} : memref<640xf32, #tpu.memory_space<vmem>>, vector<16xf32>,
      tpu.vector_store %arg14[%parallel_loop3A_155], %parallel_loop3A_154 {strides = array<i32>} : memref<640xf32, #tpu.memory_space<vmem>>, vector<16xf32>,
    } {sc.loop_unroll_factor = 2 : i64, sc.parallel_access}
    "tpu.region"() ({
      %run_scoped3A = tpu.sem_alloc : memref<!tpu.dma_semaphore, #tpu.memory_space<semaphore_mem>>
      %dma_start3A = tpu.memref_slice %arg18[%mul3A_2] : memref<10240xf32, #tpu.memory_space<vmem_shared>> -> memref<640xf32, #tpu.memory_space<vmem_shared>>
      %dma_start3A_72 = tpu.memref_slice %arg18[%mul3A_2] : memref<10240xf32, #tpu.memory_space<vmem_shared>> -> memref<640xf32, #tpu.memory_space<vmem_shared>>
      tpu.enqueue_dma source(%arg14 : memref<640xf32, #tpu.memory_space<vmem>>) target(%dma_start3A_72 : memref<640xf32, #tpu.memory_space<vmem_shared>>) target_semaphore(%run_scoped3A : memref<!tpu.dma_semaphore, #tpu.memory_space<semaphore_mem>>)
      %dma_wait3A = tpu.memref_slice %arg18[%mul3A_2] : memref<10240xf32, #tpu.memory_space<vmem_shared>> -> memref<640xf32, #tpu.memory_space<vmem_shared>>
      %dma_wait3A_73 = tpu.memref_slice %arg18[%mul3A_2] : memref<10240xf32, #tpu.memory_space<vmem_shared>> -> memref<640xf32, #tpu.memory_space<vmem_shared>>
      tpu.wait_dma2 semaphore(%run_scoped3A : memref<!tpu.dma_semaphore, #tpu.memory_space<semaphore_mem>>) src(%arg14 : memref<640xf32, #tpu.memory_space<vmem>>) dst(%dma_wait3A_73 : memref<640xf32, #tpu.memory_space<vmem_shared>>)
      tpu.yield
    }) : () -> ()
    %barrier3A_34 = arith.constant 0 : index
    tpu.barrier barrier_id(%barrier3A_34)
    "tpu.region"() ({
      %run_scoped3A = tpu.sem_alloc : memref<!tpu.dma_semaphore, #tpu.memory_space<semaphore_mem>>
      tpu.enqueue_dma source(%arg18 : memref<10240xf32, #tpu.memory_space<vmem_shared>>) target(%arg9 : memref<10240xf32, #tpu.memory_space<vmem>>) target_semaphore(%run_scoped3A : memref<!tpu.dma_semaphore, #tpu.memory_space<semaphore_mem>>)
      tpu.wait_dma2 semaphore(%run_scoped3A : memref<!tpu.dma_semaphore, #tpu.memory_space<semaphore_mem>>) src(%arg18 : memref<10240xf32, #tpu.memory_space<vmem_shared>>) dst(%arg9 : memref<10240xf32, #tpu.memory_space<vmem>>)
      tpu.yield
    }) : () -> ()
    %parallel_loop3A_35 = arith.constant 0 : i32
    %parallel_loop3A_36 = arith.constant 10240 : i32
    %parallel_loop3A_37 = arith.constant 16 : i32
    scf.for %parallel_loop3A_72 = %parallel_loop3A_35 to %parallel_loop3A_36 step %parallel_loop3A_37  : i32 {
      %parallel_loop3A_73 = arith.index_cast %parallel_loop3A_72 : i32 to index
      %parallel_loop3A_74 = tpu.vector_load %arg10[%parallel_loop3A_73] {strides = array<i32>} : memref<10240xf32, #tpu.memory_space<vmem>>, vector<16xf32>,
      tpu.vector_store %arg10[%parallel_loop3A_73], %broadcast_in_dim3A_14 {strides = array<i32>} : memref<10240xf32, #tpu.memory_space<vmem>>, vector<16xf32>,
    } {sc.loop_unroll_factor = 8 : i64, sc.parallel_access}
    %parallel_loop3A_38 = arith.constant 0 : i32
    %parallel_loop3A_39 = arith.constant 20000 : i32
    %parallel_loop3A_40 = arith.constant 16 : i32
    scf.for %parallel_loop3A_72 = %parallel_loop3A_38 to %parallel_loop3A_39 step %parallel_loop3A_40  : i32 {
      %parallel_loop3A_73 = arith.index_cast %parallel_loop3A_72 : i32 to index
      %parallel_loop3A_74 = tpu.vector_load %arg7[%parallel_loop3A_73] {strides = array<i32>} : memref<20000xi32, #tpu.memory_space<vmem>>, vector<16xi32>,
      %parallel_loop3A_75 = arith.constant 16383 : i32
      %parallel_loop3A_76 = vector.broadcast %parallel_loop3A_75 : i32 to vector<16xi32>
      %parallel_loop3A_77 = arith.andi %parallel_loop3A_74, %parallel_loop3A_76 : vector<16xi32>
      %parallel_loop3A_78 = arith.constant 14 : i32
      %parallel_loop3A_79 = vector.broadcast %parallel_loop3A_78 : i32 to vector<16xi32>
      %parallel_loop3A_80 = arith.shrui %parallel_loop3A_74, %parallel_loop3A_79 : vector<16xi32>
      %parallel_loop3A_81 = tpu.vector_load_idx %arg9[%parallel_loop3A_80] : memref<10240xf32, #tpu.memory_space<vmem>>[vector<16xi32>], vector<16xf32>,
      %parallel_loop3A_82 = arith.index_cast %parallel_loop3A_72 : i32 to index
      %parallel_loop3A_83 = tpu.vector_load %arg8[%parallel_loop3A_82] {strides = array<i32>} : memref<20000xf32, #tpu.memory_space<vmem>>, vector<16xf32>,
      %parallel_loop3A_84 = arith.subf %parallel_loop3A_81, %parallel_loop3A_83 : vector<16xf32>
      %parallel_loop3A_85 = arith.addf %parallel_loop3A_84, %get3A_5 : vector<16xf32>
      %parallel_loop3A_86 = arith.constant 0.000000e+00 : f32
      %parallel_loop3A_87 = vector.broadcast %parallel_loop3A_86 : f32 to vector<16xf32>
      %parallel_loop3A_88 = arith.maximumf %parallel_loop3A_85, %parallel_loop3A_87 : vector<16xf32>
      %parallel_loop3A_89 = arith.constant 0.000000e+00 : f32
      %parallel_loop3A_90 = vector.broadcast %parallel_loop3A_89 : f32 to vector<16xf32>
      %parallel_loop3A_91 = arith.minimumf %parallel_loop3A_85, %parallel_loop3A_90 : vector<16xf32>
      %parallel_loop3A_92 = arith.subf %parallel_loop3A_91, %parallel_loop3A_88 : vector<16xf32>
      %parallel_loop3A_93 = math.exp %parallel_loop3A_92 : vector<16xf32>
      %parallel_loop3A_94 = arith.constant 0.00198669662 : f32
      %parallel_loop3A_95 = vector.broadcast %parallel_loop3A_94 : f32 to vector<16xf32>
      %parallel_loop3A_96 = arith.mulf %parallel_loop3A_95, %parallel_loop3A_93 : vector<16xf32>
      %parallel_loop3A_97 = arith.constant -0.0131878266 : f32
      %parallel_loop3A_98 = vector.broadcast %parallel_loop3A_97 : f32 to vector<16xf32>
      %parallel_loop3A_99 = arith.addf %parallel_loop3A_96, %parallel_loop3A_98 : vector<16xf32>
      %parallel_loop3A_100 = arith.mulf %parallel_loop3A_99, %parallel_loop3A_93 : vector<16xf32>
      %parallel_loop3A_101 = arith.constant 0.0410065725 : f32
      %parallel_loop3A_102 = vector.broadcast %parallel_loop3A_101 : f32 to vector<16xf32>
      %parallel_loop3A_103 = arith.addf %parallel_loop3A_100, %parallel_loop3A_102 : vector<16xf32>
      %parallel_loop3A_104 = arith.mulf %parallel_loop3A_103, %parallel_loop3A_93 : vector<16xf32>
      %parallel_loop3A_105 = arith.constant -0.0818804055 : f32
      %parallel_loop3A_106 = vector.broadcast %parallel_loop3A_105 : f32 to vector<16xf32>
      %parallel_loop3A_107 = arith.addf %parallel_loop3A_104, %parallel_loop3A_106 : vector<16xf32>
      %parallel_loop3A_108 = arith.mulf %parallel_loop3A_107, %parallel_loop3A_93 : vector<16xf32>
      %parallel_loop3A_109 = arith.constant 0.12377996 : f32
      %parallel_loop3A_110 = vector.broadcast %parallel_loop3A_109 : f32 to vector<16xf32>
      %parallel_loop3A_111 = arith.addf %parallel_loop3A_108, %parallel_loop3A_110 : vector<16xf32>
      %parallel_loop3A_112 = arith.mulf %parallel_loop3A_111, %parallel_loop3A_93 : vector<16xf32>
      %parallel_loop3A_113 = arith.constant -0.160876229 : f32
      %parallel_loop3A_114 = vector.broadcast %parallel_loop3A_113 : f32 to vector<16xf32>
      %parallel_loop3A_115 = arith.addf %parallel_loop3A_112, %parallel_loop3A_114 : vector<16xf32>
      %parallel_loop3A_116 = arith.mulf %parallel_loop3A_115, %parallel_loop3A_93 : vector<16xf32>
      %parallel_loop3A_117 = arith.constant 0.198858202 : f32
      %parallel_loop3A_118 = vector.broadcast %parallel_loop3A_117 : f32 to vector<16xf32>
      %parallel_loop3A_119 = arith.addf %parallel_loop3A_116, %parallel_loop3A_118 : vector<16xf32>
      %parallel_loop3A_120 = arith.mulf %parallel_loop3A_119, %parallel_loop3A_93 : vector<16xf32>
      %parallel_loop3A_121 = arith.constant -0.249864966 : f32
      %parallel_loop3A_122 = vector.broadcast %parallel_loop3A_121 : f32 to vector<16xf32>
      %parallel_loop3A_123 = arith.addf %parallel_loop3A_120, %parallel_loop3A_122 : vector<16xf32>
      %parallel_loop3A_124 = arith.mulf %parallel_loop3A_123, %parallel_loop3A_93 : vector<16xf32>
      %parallel_loop3A_125 = arith.constant 0.333324969 : f32
      %parallel_loop3A_126 = vector.broadcast %parallel_loop3A_125 : f32 to vector<16xf32>
      %parallel_loop3A_127 = arith.addf %parallel_loop3A_124, %parallel_loop3A_126 : vector<16xf32>
      %parallel_loop3A_128 = arith.mulf %parallel_loop3A_127, %parallel_loop3A_93 : vector<16xf32>
      %parallel_loop3A_129 = arith.constant -0.499999791 : f32
      %parallel_loop3A_130 = vector.broadcast %parallel_loop3A_129 : f32 to vector<16xf32>
      %parallel_loop3A_131 = arith.addf %parallel_loop3A_128, %parallel_loop3A_130 : vector<16xf32>
      %parallel_loop3A_132 = arith.mulf %parallel_loop3A_131, %parallel_loop3A_93 : vector<16xf32>
      %parallel_loop3A_133 = arith.constant 1.000000e+00 : f32
      %parallel_loop3A_134 = vector.broadcast %parallel_loop3A_133 : f32 to vector<16xf32>
      %parallel_loop3A_135 = arith.addf %parallel_loop3A_132, %parallel_loop3A_134 : vector<16xf32>
      %parallel_loop3A_136 = arith.mulf %parallel_loop3A_93, %parallel_loop3A_135 : vector<16xf32>
      %parallel_loop3A_137 = arith.addf %parallel_loop3A_88, %parallel_loop3A_136 : vector<16xf32>
      %parallel_loop3A_138 = arith.addf %get3A_13, %parallel_loop3A_137 : vector<16xf32>
      %parallel_loop3A_139 = arith.addf %parallel_loop3A_84, %get3A_9 : vector<16xf32>
      %parallel_loop3A_140 = arith.constant 0.000000e+00 : f32
      %parallel_loop3A_141 = vector.broadcast %parallel_loop3A_140 : f32 to vector<16xf32>
      %parallel_loop3A_142 = arith.maximumf %parallel_loop3A_139, %parallel_loop3A_141 : vector<16xf32>
      %parallel_loop3A_143 = arith.constant 0.000000e+00 : f32
      %parallel_loop3A_144 = vector.broadcast %parallel_loop3A_143 : f32 to vector<16xf32>
      %parallel_loop3A_145 = arith.minimumf %parallel_loop3A_139, %parallel_loop3A_144 : vector<16xf32>
      %parallel_loop3A_146 = arith.subf %parallel_loop3A_145, %parallel_loop3A_142 : vector<16xf32>
      %parallel_loop3A_147 = math.exp %parallel_loop3A_146 : vector<16xf32>
      %parallel_loop3A_148 = arith.constant 0.00198669662 : f32
      %parallel_loop3A_149 = vector.broadcast %parallel_loop3A_148 : f32 to vector<16xf32>
      %parallel_loop3A_150 = arith.mulf %parallel_loop3A_149, %parallel_loop3A_147 : vector<16xf32>
      %parallel_loop3A_151 = arith.constant -0.0131878266 : f32
      %parallel_loop3A_152 = vector.broadcast %parallel_loop3A_151 : f32 to vector<16xf32>
      %parallel_loop3A_153 = arith.addf %parallel_loop3A_150, %parallel_loop3A_152 : vector<16xf32>
      %parallel_loop3A_154 = arith.mulf %parallel_loop3A_153, %parallel_loop3A_147 : vector<16xf32>
      %parallel_loop3A_155 = arith.constant 0.0410065725 : f32
      %parallel_loop3A_156 = vector.broadcast %parallel_loop3A_155 : f32 to vector<16xf32>
      %parallel_loop3A_157 = arith.addf %parallel_loop3A_154, %parallel_loop3A_156 : vector<16xf32>
      %parallel_loop3A_158 = arith.mulf %parallel_loop3A_157, %parallel_loop3A_147 : vector<16xf32>
      %parallel_loop3A_159 = arith.constant -0.0818804055 : f32
      %parallel_loop3A_160 = vector.broadcast %parallel_loop3A_159 : f32 to vector<16xf32>
      %parallel_loop3A_161 = arith.addf %parallel_loop3A_158, %parallel_loop3A_160 : vector<16xf32>
      %parallel_loop3A_162 = arith.mulf %parallel_loop3A_161, %parallel_loop3A_147 : vector<16xf32>
      %parallel_loop3A_163 = arith.constant 0.12377996 : f32
      %parallel_loop3A_164 = vector.broadcast %parallel_loop3A_163 : f32 to vector<16xf32>
      %parallel_loop3A_165 = arith.addf %parallel_loop3A_162, %parallel_loop3A_164 : vector<16xf32>
      %parallel_loop3A_166 = arith.mulf %parallel_loop3A_165, %parallel_loop3A_147 : vector<16xf32>
      %parallel_loop3A_167 = arith.constant -0.160876229 : f32
      %parallel_loop3A_168 = vector.broadcast %parallel_loop3A_167 : f32 to vector<16xf32>
      %parallel_loop3A_169 = arith.addf %parallel_loop3A_166, %parallel_loop3A_168 : vector<16xf32>
      %parallel_loop3A_170 = arith.mulf %parallel_loop3A_169, %parallel_loop3A_147 : vector<16xf32>
      %parallel_loop3A_171 = arith.constant 0.198858202 : f32
      %parallel_loop3A_172 = vector.broadcast %parallel_loop3A_171 : f32 to vector<16xf32>
      %parallel_loop3A_173 = arith.addf %parallel_loop3A_170, %parallel_loop3A_172 : vector<16xf32>
      %parallel_loop3A_174 = arith.mulf %parallel_loop3A_173, %parallel_loop3A_147 : vector<16xf32>
      %parallel_loop3A_175 = arith.constant -0.249864966 : f32
      %parallel_loop3A_176 = vector.broadcast %parallel_loop3A_175 : f32 to vector<16xf32>
      %parallel_loop3A_177 = arith.addf %parallel_loop3A_174, %parallel_loop3A_176 : vector<16xf32>
      %parallel_loop3A_178 = arith.mulf %parallel_loop3A_177, %parallel_loop3A_147 : vector<16xf32>
      %parallel_loop3A_179 = arith.constant 0.333324969 : f32
      %parallel_loop3A_180 = vector.broadcast %parallel_loop3A_179 : f32 to vector<16xf32>
      %parallel_loop3A_181 = arith.addf %parallel_loop3A_178, %parallel_loop3A_180 : vector<16xf32>
      %parallel_loop3A_182 = arith.mulf %parallel_loop3A_181, %parallel_loop3A_147 : vector<16xf32>
      %parallel_loop3A_183 = arith.constant -0.499999791 : f32
      %parallel_loop3A_184 = vector.broadcast %parallel_loop3A_183 : f32 to vector<16xf32>
      %parallel_loop3A_185 = arith.addf %parallel_loop3A_182, %parallel_loop3A_184 : vector<16xf32>
      %parallel_loop3A_186 = arith.mulf %parallel_loop3A_185, %parallel_loop3A_147 : vector<16xf32>
      %parallel_loop3A_187 = arith.constant 1.000000e+00 : f32
      %parallel_loop3A_188 = vector.broadcast %parallel_loop3A_187 : f32 to vector<16xf32>
      %parallel_loop3A_189 = arith.addf %parallel_loop3A_186, %parallel_loop3A_188 : vector<16xf32>
      %parallel_loop3A_190 = arith.mulf %parallel_loop3A_147, %parallel_loop3A_189 : vector<16xf32>
      %parallel_loop3A_191 = arith.addf %parallel_loop3A_142, %parallel_loop3A_190 : vector<16xf32>
      %parallel_loop3A_192 = arith.subf %parallel_loop3A_138, %parallel_loop3A_191 : vector<16xf32>
      %parallel_loop3A_193 = arith.index_cast %parallel_loop3A_72 : i32 to index
      %parallel_loop3A_194 = tpu.vector_load %arg8[%parallel_loop3A_193] {strides = array<i32>} : memref<20000xf32, #tpu.memory_space<vmem>>, vector<16xf32>,
      tpu.vector_store %arg8[%parallel_loop3A_193], %parallel_loop3A_192 {strides = array<i32>} : memref<20000xf32, #tpu.memory_space<vmem>>, vector<16xf32>,
      tpu.vector_store_idx %arg10[%parallel_loop3A_77], %parallel_loop3A_192 {add = true} : memref<10240xf32, #tpu.memory_space<vmem>>[vector<16xi32>], vector<16xf32>,
    } {sc.loop_unroll_factor = 4 : i64, sc.parallel_access}
    "tpu.region"() ({
      %run_scoped3A = tpu.sem_alloc : memref<!tpu.dma_semaphore, #tpu.memory_space<semaphore_mem>>
      %dma_start3A = arith.constant 0 : i32
      %dma_start3A_72 = tpu.memref_slice %arg17[%arg1, %dma_start3A] : memref<16x10240xf32, #tpu.memory_space<vmem_shared>> -> memref<1x10240xf32, #tpu.memory_space<vmem_shared>>
      %dma_start3A_73 = tpu.memref_squeeze %dma_start3A_72 : memref<1x10240xf32, #tpu.memory_space<vmem_shared>> -> memref<10240xf32, #tpu.memory_space<vmem_shared>>
      %dma_start3A_74 = arith.constant 0 : i32
      %dma_start3A_75 = tpu.memref_slice %arg17[%arg1, %dma_start3A_74] : memref<16x10240xf32, #tpu.memory_space<vmem_shared>> -> memref<1x10240xf32, #tpu.memory_space<vmem_shared>>
      %dma_start3A_76 = tpu.memref_squeeze %dma_start3A_75 : memref<1x10240xf32, #tpu.memory_space<vmem_shared>> -> memref<10240xf32, #tpu.memory_space<vmem_shared>>
      tpu.enqueue_dma source(%arg10 : memref<10240xf32, #tpu.memory_space<vmem>>) target(%dma_start3A_76 : memref<10240xf32, #tpu.memory_space<vmem_shared>>) target_semaphore(%run_scoped3A : memref<!tpu.dma_semaphore, #tpu.memory_space<semaphore_mem>>)
      %dma_wait3A = arith.constant 0 : i32
      %dma_wait3A_77 = tpu.memref_slice %arg17[%arg1, %dma_wait3A] : memref<16x10240xf32, #tpu.memory_space<vmem_shared>> -> memref<1x10240xf32, #tpu.memory_space<vmem_shared>>
      %dma_wait3A_78 = tpu.memref_squeeze %dma_wait3A_77 : memref<1x10240xf32, #tpu.memory_space<vmem_shared>> -> memref<10240xf32, #tpu.memory_space<vmem_shared>>
      %dma_wait3A_79 = arith.constant 0 : i32
      %dma_wait3A_80 = tpu.memref_slice %arg17[%arg1, %dma_wait3A_79] : memref<16x10240xf32, #tpu.memory_space<vmem_shared>> -> memref<1x10240xf32, #tpu.memory_space<vmem_shared>>
      %dma_wait3A_81 = tpu.memref_squeeze %dma_wait3A_80 : memref<1x10240xf32, #tpu.memory_space<vmem_shared>> -> memref<10240xf32, #tpu.memory_space<vmem_shared>>
      tpu.wait_dma2 semaphore(%run_scoped3A : memref<!tpu.dma_semaphore, #tpu.memory_space<semaphore_mem>>) src(%arg10 : memref<10240xf32, #tpu.memory_space<vmem>>) dst(%dma_wait3A_81 : memref<10240xf32, #tpu.memory_space<vmem_shared>>)
      tpu.yield
    }) : () -> ()
    %barrier3A_41 = arith.constant 0 : index
    tpu.barrier barrier_id(%barrier3A_41)
    "tpu.region"() ({
      %run_scoped3A = tpu.sem_alloc : memref<!tpu.dma_semaphore, #tpu.memory_space<semaphore_mem>>
      %dma_start3A = arith.constant 0 : i32
      %dma_start3A_72 = tpu.memref_slice %arg17[%dma_start3A, %mul3A_2] : memref<16x10240xf32, #tpu.memory_space<vmem_shared>> -> memref<16x640xf32, #tpu.memory_space<vmem_shared>>
      %dma_start3A_73 = arith.constant 0 : i32
      %dma_start3A_74 = tpu.memref_slice %arg17[%dma_start3A_73, %mul3A_2] : memref<16x10240xf32, #tpu.memory_space<vmem_shared>> -> memref<16x640xf32, #tpu.memory_space<vmem_shared>>
      tpu.enqueue_dma source(%dma_start3A_74 : memref<16x640xf32, #tpu.memory_space<vmem_shared>>) target(%arg13 : memref<16x640xf32, #tpu.memory_space<vmem>>) target_semaphore(%run_scoped3A : memref<!tpu.dma_semaphore, #tpu.memory_space<semaphore_mem>>)
      %dma_wait3A = arith.constant 0 : i32
      %dma_wait3A_75 = tpu.memref_slice %arg17[%dma_wait3A, %mul3A_2] : memref<16x10240xf32, #tpu.memory_space<vmem_shared>> -> memref<16x640xf32, #tpu.memory_space<vmem_shared>>
      %dma_wait3A_76 = arith.constant 0 : i32
      %dma_wait3A_77 = tpu.memref_slice %arg17[%dma_wait3A_76, %mul3A_2] : memref<16x10240xf32, #tpu.memory_space<vmem_shared>> -> memref<16x640xf32, #tpu.memory_space<vmem_shared>>
      tpu.wait_dma2 semaphore(%run_scoped3A : memref<!tpu.dma_semaphore, #tpu.memory_space<semaphore_mem>>) src(%dma_wait3A_77 : memref<16x640xf32, #tpu.memory_space<vmem_shared>>) dst(%arg13 : memref<16x640xf32, #tpu.memory_space<vmem>>)
      tpu.yield
    }) : () -> ()
    %parallel_loop3A_42 = arith.constant 0 : i32
    %parallel_loop3A_43 = arith.constant 640 : i32
    %parallel_loop3A_44 = arith.constant 16 : i32
    scf.for %parallel_loop3A_72 = %parallel_loop3A_42 to %parallel_loop3A_43 step %parallel_loop3A_44  : i32 {
      %parallel_loop3A_73 = arith.constant 0 : i32
      %parallel_loop3A_74 = arith.index_cast %parallel_loop3A_73 : i32 to index
      %parallel_loop3A_75 = arith.index_cast %parallel_loop3A_72 : i32 to index
      %parallel_loop3A_76 = tpu.vector_load %arg13[%parallel_loop3A_74, %parallel_loop3A_75] {strides = array<i32>} : memref<16x640xf32, #tpu.memory_space<vmem>>, vector<16xf32>,
      %parallel_loop3A_77 = arith.constant 1 : i32
      %parallel_loop3A_78 = arith.index_cast %parallel_loop3A_77 : i32 to index
      %parallel_loop3A_79 = arith.index_cast %parallel_loop3A_72 : i32 to index
      %parallel_loop3A_80 = tpu.vector_load %arg13[%parallel_loop3A_78, %parallel_loop3A_79] {strides = array<i32>} : memref<16x640xf32, #tpu.memory_space<vmem>>, vector<16xf32>,
      %parallel_loop3A_81 = arith.addf %parallel_loop3A_76, %parallel_loop3A_80 : vector<16xf32>
      %parallel_loop3A_82 = arith.constant 2 : i32
      %parallel_loop3A_83 = arith.index_cast %parallel_loop3A_82 : i32 to index
      %parallel_loop3A_84 = arith.index_cast %parallel_loop3A_72 : i32 to index
      %parallel_loop3A_85 = tpu.vector_load %arg13[%parallel_loop3A_83, %parallel_loop3A_84] {strides = array<i32>} : memref<16x640xf32, #tpu.memory_space<vmem>>, vector<16xf32>,
      %parallel_loop3A_86 = arith.addf %parallel_loop3A_81, %parallel_loop3A_85 : vector<16xf32>
      %parallel_loop3A_87 = arith.constant 3 : i32
      %parallel_loop3A_88 = arith.index_cast %parallel_loop3A_87 : i32 to index
      %parallel_loop3A_89 = arith.index_cast %parallel_loop3A_72 : i32 to index
      %parallel_loop3A_90 = tpu.vector_load %arg13[%parallel_loop3A_88, %parallel_loop3A_89] {strides = array<i32>} : memref<16x640xf32, #tpu.memory_space<vmem>>, vector<16xf32>,
      %parallel_loop3A_91 = arith.addf %parallel_loop3A_86, %parallel_loop3A_90 : vector<16xf32>
      %parallel_loop3A_92 = arith.constant 4 : i32
      %parallel_loop3A_93 = arith.index_cast %parallel_loop3A_92 : i32 to index
      %parallel_loop3A_94 = arith.index_cast %parallel_loop3A_72 : i32 to index
      %parallel_loop3A_95 = tpu.vector_load %arg13[%parallel_loop3A_93, %parallel_loop3A_94] {strides = array<i32>} : memref<16x640xf32, #tpu.memory_space<vmem>>, vector<16xf32>,
      %parallel_loop3A_96 = arith.addf %parallel_loop3A_91, %parallel_loop3A_95 : vector<16xf32>
      %parallel_loop3A_97 = arith.constant 5 : i32
      %parallel_loop3A_98 = arith.index_cast %parallel_loop3A_97 : i32 to index
      %parallel_loop3A_99 = arith.index_cast %parallel_loop3A_72 : i32 to index
      %parallel_loop3A_100 = tpu.vector_load %arg13[%parallel_loop3A_98, %parallel_loop3A_99] {strides = array<i32>} : memref<16x640xf32, #tpu.memory_space<vmem>>, vector<16xf32>,
      %parallel_loop3A_101 = arith.addf %parallel_loop3A_96, %parallel_loop3A_100 : vector<16xf32>
      %parallel_loop3A_102 = arith.constant 6 : i32
      %parallel_loop3A_103 = arith.index_cast %parallel_loop3A_102 : i32 to index
      %parallel_loop3A_104 = arith.index_cast %parallel_loop3A_72 : i32 to index
      %parallel_loop3A_105 = tpu.vector_load %arg13[%parallel_loop3A_103, %parallel_loop3A_104] {strides = array<i32>} : memref<16x640xf32, #tpu.memory_space<vmem>>, vector<16xf32>,
      %parallel_loop3A_106 = arith.addf %parallel_loop3A_101, %parallel_loop3A_105 : vector<16xf32>
      %parallel_loop3A_107 = arith.constant 7 : i32
      %parallel_loop3A_108 = arith.index_cast %parallel_loop3A_107 : i32 to index
      %parallel_loop3A_109 = arith.index_cast %parallel_loop3A_72 : i32 to index
      %parallel_loop3A_110 = tpu.vector_load %arg13[%parallel_loop3A_108, %parallel_loop3A_109] {strides = array<i32>} : memref<16x640xf32, #tpu.memory_space<vmem>>, vector<16xf32>,
      %parallel_loop3A_111 = arith.addf %parallel_loop3A_106, %parallel_loop3A_110 : vector<16xf32>
      %parallel_loop3A_112 = arith.constant 8 : i32
      %parallel_loop3A_113 = arith.index_cast %parallel_loop3A_112 : i32 to index
      %parallel_loop3A_114 = arith.index_cast %parallel_loop3A_72 : i32 to index
      %parallel_loop3A_115 = tpu.vector_load %arg13[%parallel_loop3A_113, %parallel_loop3A_114] {strides = array<i32>} : memref<16x640xf32, #tpu.memory_space<vmem>>, vector<16xf32>,
      %parallel_loop3A_116 = arith.addf %parallel_loop3A_111, %parallel_loop3A_115 : vector<16xf32>
      %parallel_loop3A_117 = arith.constant 9 : i32
      %parallel_loop3A_118 = arith.index_cast %parallel_loop3A_117 : i32 to index
      %parallel_loop3A_119 = arith.index_cast %parallel_loop3A_72 : i32 to index
      %parallel_loop3A_120 = tpu.vector_load %arg13[%parallel_loop3A_118, %parallel_loop3A_119] {strides = array<i32>} : memref<16x640xf32, #tpu.memory_space<vmem>>, vector<16xf32>,
      %parallel_loop3A_121 = arith.addf %parallel_loop3A_116, %parallel_loop3A_120 : vector<16xf32>
      %parallel_loop3A_122 = arith.constant 10 : i32
      %parallel_loop3A_123 = arith.index_cast %parallel_loop3A_122 : i32 to index
      %parallel_loop3A_124 = arith.index_cast %parallel_loop3A_72 : i32 to index
      %parallel_loop3A_125 = tpu.vector_load %arg13[%parallel_loop3A_123, %parallel_loop3A_124] {strides = array<i32>} : memref<16x640xf32, #tpu.memory_space<vmem>>, vector<16xf32>,
      %parallel_loop3A_126 = arith.addf %parallel_loop3A_121, %parallel_loop3A_125 : vector<16xf32>
      %parallel_loop3A_127 = arith.constant 11 : i32
      %parallel_loop3A_128 = arith.index_cast %parallel_loop3A_127 : i32 to index
      %parallel_loop3A_129 = arith.index_cast %parallel_loop3A_72 : i32 to index
      %parallel_loop3A_130 = tpu.vector_load %arg13[%parallel_loop3A_128, %parallel_loop3A_129] {strides = array<i32>} : memref<16x640xf32, #tpu.memory_space<vmem>>, vector<16xf32>,
      %parallel_loop3A_131 = arith.addf %parallel_loop3A_126, %parallel_loop3A_130 : vector<16xf32>
      %parallel_loop3A_132 = arith.constant 12 : i32
      %parallel_loop3A_133 = arith.index_cast %parallel_loop3A_132 : i32 to index
      %parallel_loop3A_134 = arith.index_cast %parallel_loop3A_72 : i32 to index
      %parallel_loop3A_135 = tpu.vector_load %arg13[%parallel_loop3A_133, %parallel_loop3A_134] {strides = array<i32>} : memref<16x640xf32, #tpu.memory_space<vmem>>, vector<16xf32>,
      %parallel_loop3A_136 = arith.addf %parallel_loop3A_131, %parallel_loop3A_135 : vector<16xf32>
      %parallel_loop3A_137 = arith.constant 13 : i32
      %parallel_loop3A_138 = arith.index_cast %parallel_loop3A_137 : i32 to index
      %parallel_loop3A_139 = arith.index_cast %parallel_loop3A_72 : i32 to index
      %parallel_loop3A_140 = tpu.vector_load %arg13[%parallel_loop3A_138, %parallel_loop3A_139] {strides = array<i32>} : memref<16x640xf32, #tpu.memory_space<vmem>>, vector<16xf32>,
      %parallel_loop3A_141 = arith.addf %parallel_loop3A_136, %parallel_loop3A_140 : vector<16xf32>
      %parallel_loop3A_142 = arith.constant 14 : i32
      %parallel_loop3A_143 = arith.index_cast %parallel_loop3A_142 : i32 to index
      %parallel_loop3A_144 = arith.index_cast %parallel_loop3A_72 : i32 to index
      %parallel_loop3A_145 = tpu.vector_load %arg13[%parallel_loop3A_143, %parallel_loop3A_144] {strides = array<i32>} : memref<16x640xf32, #tpu.memory_space<vmem>>, vector<16xf32>,
      %parallel_loop3A_146 = arith.addf %parallel_loop3A_141, %parallel_loop3A_145 : vector<16xf32>
      %parallel_loop3A_147 = arith.constant 15 : i32
      %parallel_loop3A_148 = arith.index_cast %parallel_loop3A_147 : i32 to index
      %parallel_loop3A_149 = arith.index_cast %parallel_loop3A_72 : i32 to index
      %parallel_loop3A_150 = tpu.vector_load %arg13[%parallel_loop3A_148, %parallel_loop3A_149] {strides = array<i32>} : memref<16x640xf32, #tpu.memory_space<vmem>>, vector<16xf32>,
      %parallel_loop3A_151 = arith.addf %parallel_loop3A_146, %parallel_loop3A_150 : vector<16xf32>
      %parallel_loop3A_152 = arith.index_cast %parallel_loop3A_72 : i32 to index
      %parallel_loop3A_153 = tpu.vector_load %arg11[%parallel_loop3A_152] {strides = array<i32>} : memref<640xf32, #tpu.memory_space<vmem>>, vector<16xf32>,
      %parallel_loop3A_154 = arith.addf %parallel_loop3A_153, %parallel_loop3A_151 : vector<16xf32>
      %parallel_loop3A_155 = arith.index_cast %parallel_loop3A_72 : i32 to index
      %parallel_loop3A_156 = tpu.vector_load %arg14[%parallel_loop3A_155] {strides = array<i32>} : memref<640xf32, #tpu.memory_space<vmem>>, vector<16xf32>,
      tpu.vector_store %arg14[%parallel_loop3A_155], %parallel_loop3A_154 {strides = array<i32>} : memref<640xf32, #tpu.memory_space<vmem>>, vector<16xf32>,
    } {sc.loop_unroll_factor = 2 : i64, sc.parallel_access}
    "tpu.region"() ({
      %run_scoped3A = tpu.sem_alloc : memref<!tpu.dma_semaphore, #tpu.memory_space<semaphore_mem>>
      %dma_start3A = tpu.memref_slice %arg18[%mul3A_2] : memref<10240xf32, #tpu.memory_space<vmem_shared>> -> memref<640xf32, #tpu.memory_space<vmem_shared>>
      %dma_start3A_72 = tpu.memref_slice %arg18[%mul3A_2] : memref<10240xf32, #tpu.memory_space<vmem_shared>> -> memref<640xf32, #tpu.memory_space<vmem_shared>>
      tpu.enqueue_dma source(%arg14 : memref<640xf32, #tpu.memory_space<vmem>>) target(%dma_start3A_72 : memref<640xf32, #tpu.memory_space<vmem_shared>>) target_semaphore(%run_scoped3A : memref<!tpu.dma_semaphore, #tpu.memory_space<semaphore_mem>>)
      %dma_wait3A = tpu.memref_slice %arg18[%mul3A_2] : memref<10240xf32, #tpu.memory_space<vmem_shared>> -> memref<640xf32, #tpu.memory_space<vmem_shared>>
      %dma_wait3A_73 = tpu.memref_slice %arg18[%mul3A_2] : memref<10240xf32, #tpu.memory_space<vmem_shared>> -> memref<640xf32, #tpu.memory_space<vmem_shared>>
      tpu.wait_dma2 semaphore(%run_scoped3A : memref<!tpu.dma_semaphore, #tpu.memory_space<semaphore_mem>>) src(%arg14 : memref<640xf32, #tpu.memory_space<vmem>>) dst(%dma_wait3A_73 : memref<640xf32, #tpu.memory_space<vmem_shared>>)
      tpu.yield
    }) : () -> ()
    %barrier3A_45 = arith.constant 0 : index
    tpu.barrier barrier_id(%barrier3A_45)
    "tpu.region"() ({
      %run_scoped3A = tpu.sem_alloc : memref<!tpu.dma_semaphore, #tpu.memory_space<semaphore_mem>>
      tpu.enqueue_dma source(%arg18 : memref<10240xf32, #tpu.memory_space<vmem_shared>>) target(%arg9 : memref<10240xf32, #tpu.memory_space<vmem>>) target_semaphore(%run_scoped3A : memref<!tpu.dma_semaphore, #tpu.memory_space<semaphore_mem>>)
      tpu.wait_dma2 semaphore(%run_scoped3A : memref<!tpu.dma_semaphore, #tpu.memory_space<semaphore_mem>>) src(%arg18 : memref<10240xf32, #tpu.memory_space<vmem_shared>>) dst(%arg9 : memref<10240xf32, #tpu.memory_space<vmem>>)
      tpu.yield
    }) : () -> ()
    %parallel_loop3A_46 = arith.constant 0 : i32
    %parallel_loop3A_47 = arith.constant 10240 : i32
    %parallel_loop3A_48 = arith.constant 16 : i32
    scf.for %parallel_loop3A_72 = %parallel_loop3A_46 to %parallel_loop3A_47 step %parallel_loop3A_48  : i32 {
      %parallel_loop3A_73 = arith.index_cast %parallel_loop3A_72 : i32 to index
      %parallel_loop3A_74 = tpu.vector_load %arg10[%parallel_loop3A_73] {strides = array<i32>} : memref<10240xf32, #tpu.memory_space<vmem>>, vector<16xf32>,
      tpu.vector_store %arg10[%parallel_loop3A_73], %broadcast_in_dim3A_14 {strides = array<i32>} : memref<10240xf32, #tpu.memory_space<vmem>>, vector<16xf32>,
    } {sc.loop_unroll_factor = 8 : i64, sc.parallel_access}
    %parallel_loop3A_49 = arith.constant 0 : i32
    %parallel_loop3A_50 = arith.constant 20000 : i32
    %parallel_loop3A_51 = arith.constant 16 : i32
    scf.for %parallel_loop3A_72 = %parallel_loop3A_49 to %parallel_loop3A_50 step %parallel_loop3A_51  : i32 {
      %parallel_loop3A_73 = arith.index_cast %parallel_loop3A_72 : i32 to index
      %parallel_loop3A_74 = tpu.vector_load %arg7[%parallel_loop3A_73] {strides = array<i32>} : memref<20000xi32, #tpu.memory_space<vmem>>, vector<16xi32>,
      %parallel_loop3A_75 = arith.constant 16383 : i32
      %parallel_loop3A_76 = vector.broadcast %parallel_loop3A_75 : i32 to vector<16xi32>
      %parallel_loop3A_77 = arith.andi %parallel_loop3A_74, %parallel_loop3A_76 : vector<16xi32>
      %parallel_loop3A_78 = arith.constant 14 : i32
      %parallel_loop3A_79 = vector.broadcast %parallel_loop3A_78 : i32 to vector<16xi32>
      %parallel_loop3A_80 = arith.shrui %parallel_loop3A_74, %parallel_loop3A_79 : vector<16xi32>
      %parallel_loop3A_81 = tpu.vector_load_idx %arg9[%parallel_loop3A_80] : memref<10240xf32, #tpu.memory_space<vmem>>[vector<16xi32>], vector<16xf32>,
      %parallel_loop3A_82 = arith.index_cast %parallel_loop3A_72 : i32 to index
      %parallel_loop3A_83 = tpu.vector_load %arg8[%parallel_loop3A_82] {strides = array<i32>} : memref<20000xf32, #tpu.memory_space<vmem>>, vector<16xf32>,
      %parallel_loop3A_84 = arith.subf %parallel_loop3A_81, %parallel_loop3A_83 : vector<16xf32>
      %parallel_loop3A_85 = arith.addf %parallel_loop3A_84, %get3A_5 : vector<16xf32>
      %parallel_loop3A_86 = arith.constant 0.000000e+00 : f32
      %parallel_loop3A_87 = vector.broadcast %parallel_loop3A_86 : f32 to vector<16xf32>
      %parallel_loop3A_88 = arith.maximumf %parallel_loop3A_85, %parallel_loop3A_87 : vector<16xf32>
      %parallel_loop3A_89 = arith.constant 0.000000e+00 : f32
      %parallel_loop3A_90 = vector.broadcast %parallel_loop3A_89 : f32 to vector<16xf32>
      %parallel_loop3A_91 = arith.minimumf %parallel_loop3A_85, %parallel_loop3A_90 : vector<16xf32>
      %parallel_loop3A_92 = arith.subf %parallel_loop3A_91, %parallel_loop3A_88 : vector<16xf32>
      %parallel_loop3A_93 = math.exp %parallel_loop3A_92 : vector<16xf32>
      %parallel_loop3A_94 = arith.constant 0.00198669662 : f32
      %parallel_loop3A_95 = vector.broadcast %parallel_loop3A_94 : f32 to vector<16xf32>
      %parallel_loop3A_96 = arith.mulf %parallel_loop3A_95, %parallel_loop3A_93 : vector<16xf32>
      %parallel_loop3A_97 = arith.constant -0.0131878266 : f32
      %parallel_loop3A_98 = vector.broadcast %parallel_loop3A_97 : f32 to vector<16xf32>
      %parallel_loop3A_99 = arith.addf %parallel_loop3A_96, %parallel_loop3A_98 : vector<16xf32>
      %parallel_loop3A_100 = arith.mulf %parallel_loop3A_99, %parallel_loop3A_93 : vector<16xf32>
      %parallel_loop3A_101 = arith.constant 0.0410065725 : f32
      %parallel_loop3A_102 = vector.broadcast %parallel_loop3A_101 : f32 to vector<16xf32>
      %parallel_loop3A_103 = arith.addf %parallel_loop3A_100, %parallel_loop3A_102 : vector<16xf32>
      %parallel_loop3A_104 = arith.mulf %parallel_loop3A_103, %parallel_loop3A_93 : vector<16xf32>
      %parallel_loop3A_105 = arith.constant -0.0818804055 : f32
      %parallel_loop3A_106 = vector.broadcast %parallel_loop3A_105 : f32 to vector<16xf32>
      %parallel_loop3A_107 = arith.addf %parallel_loop3A_104, %parallel_loop3A_106 : vector<16xf32>
      %parallel_loop3A_108 = arith.mulf %parallel_loop3A_107, %parallel_loop3A_93 : vector<16xf32>
      %parallel_loop3A_109 = arith.constant 0.12377996 : f32
      %parallel_loop3A_110 = vector.broadcast %parallel_loop3A_109 : f32 to vector<16xf32>
      %parallel_loop3A_111 = arith.addf %parallel_loop3A_108, %parallel_loop3A_110 : vector<16xf32>
      %parallel_loop3A_112 = arith.mulf %parallel_loop3A_111, %parallel_loop3A_93 : vector<16xf32>
      %parallel_loop3A_113 = arith.constant -0.160876229 : f32
      %parallel_loop3A_114 = vector.broadcast %parallel_loop3A_113 : f32 to vector<16xf32>
      %parallel_loop3A_115 = arith.addf %parallel_loop3A_112, %parallel_loop3A_114 : vector<16xf32>
      %parallel_loop3A_116 = arith.mulf %parallel_loop3A_115, %parallel_loop3A_93 : vector<16xf32>
      %parallel_loop3A_117 = arith.constant 0.198858202 : f32
      %parallel_loop3A_118 = vector.broadcast %parallel_loop3A_117 : f32 to vector<16xf32>
      %parallel_loop3A_119 = arith.addf %parallel_loop3A_116, %parallel_loop3A_118 : vector<16xf32>
      %parallel_loop3A_120 = arith.mulf %parallel_loop3A_119, %parallel_loop3A_93 : vector<16xf32>
      %parallel_loop3A_121 = arith.constant -0.249864966 : f32
      %parallel_loop3A_122 = vector.broadcast %parallel_loop3A_121 : f32 to vector<16xf32>
      %parallel_loop3A_123 = arith.addf %parallel_loop3A_120, %parallel_loop3A_122 : vector<16xf32>
      %parallel_loop3A_124 = arith.mulf %parallel_loop3A_123, %parallel_loop3A_93 : vector<16xf32>
      %parallel_loop3A_125 = arith.constant 0.333324969 : f32
      %parallel_loop3A_126 = vector.broadcast %parallel_loop3A_125 : f32 to vector<16xf32>
      %parallel_loop3A_127 = arith.addf %parallel_loop3A_124, %parallel_loop3A_126 : vector<16xf32>
      %parallel_loop3A_128 = arith.mulf %parallel_loop3A_127, %parallel_loop3A_93 : vector<16xf32>
      %parallel_loop3A_129 = arith.constant -0.499999791 : f32
      %parallel_loop3A_130 = vector.broadcast %parallel_loop3A_129 : f32 to vector<16xf32>
      %parallel_loop3A_131 = arith.addf %parallel_loop3A_128, %parallel_loop3A_130 : vector<16xf32>
      %parallel_loop3A_132 = arith.mulf %parallel_loop3A_131, %parallel_loop3A_93 : vector<16xf32>
      %parallel_loop3A_133 = arith.constant 1.000000e+00 : f32
      %parallel_loop3A_134 = vector.broadcast %parallel_loop3A_133 : f32 to vector<16xf32>
      %parallel_loop3A_135 = arith.addf %parallel_loop3A_132, %parallel_loop3A_134 : vector<16xf32>
      %parallel_loop3A_136 = arith.mulf %parallel_loop3A_93, %parallel_loop3A_135 : vector<16xf32>
      %parallel_loop3A_137 = arith.addf %parallel_loop3A_88, %parallel_loop3A_136 : vector<16xf32>
      %parallel_loop3A_138 = arith.addf %get3A_13, %parallel_loop3A_137 : vector<16xf32>
      %parallel_loop3A_139 = arith.addf %parallel_loop3A_84, %get3A_9 : vector<16xf32>
      %parallel_loop3A_140 = arith.constant 0.000000e+00 : f32
      %parallel_loop3A_141 = vector.broadcast %parallel_loop3A_140 : f32 to vector<16xf32>
      %parallel_loop3A_142 = arith.maximumf %parallel_loop3A_139, %parallel_loop3A_141 : vector<16xf32>
      %parallel_loop3A_143 = arith.constant 0.000000e+00 : f32
      %parallel_loop3A_144 = vector.broadcast %parallel_loop3A_143 : f32 to vector<16xf32>
      %parallel_loop3A_145 = arith.minimumf %parallel_loop3A_139, %parallel_loop3A_144 : vector<16xf32>
      %parallel_loop3A_146 = arith.subf %parallel_loop3A_145, %parallel_loop3A_142 : vector<16xf32>
      %parallel_loop3A_147 = math.exp %parallel_loop3A_146 : vector<16xf32>
      %parallel_loop3A_148 = arith.constant 0.00198669662 : f32
      %parallel_loop3A_149 = vector.broadcast %parallel_loop3A_148 : f32 to vector<16xf32>
      %parallel_loop3A_150 = arith.mulf %parallel_loop3A_149, %parallel_loop3A_147 : vector<16xf32>
      %parallel_loop3A_151 = arith.constant -0.0131878266 : f32
      %parallel_loop3A_152 = vector.broadcast %parallel_loop3A_151 : f32 to vector<16xf32>
      %parallel_loop3A_153 = arith.addf %parallel_loop3A_150, %parallel_loop3A_152 : vector<16xf32>
      %parallel_loop3A_154 = arith.mulf %parallel_loop3A_153, %parallel_loop3A_147 : vector<16xf32>
      %parallel_loop3A_155 = arith.constant 0.0410065725 : f32
      %parallel_loop3A_156 = vector.broadcast %parallel_loop3A_155 : f32 to vector<16xf32>
      %parallel_loop3A_157 = arith.addf %parallel_loop3A_154, %parallel_loop3A_156 : vector<16xf32>
      %parallel_loop3A_158 = arith.mulf %parallel_loop3A_157, %parallel_loop3A_147 : vector<16xf32>
      %parallel_loop3A_159 = arith.constant -0.0818804055 : f32
      %parallel_loop3A_160 = vector.broadcast %parallel_loop3A_159 : f32 to vector<16xf32>
      %parallel_loop3A_161 = arith.addf %parallel_loop3A_158, %parallel_loop3A_160 : vector<16xf32>
      %parallel_loop3A_162 = arith.mulf %parallel_loop3A_161, %parallel_loop3A_147 : vector<16xf32>
      %parallel_loop3A_163 = arith.constant 0.12377996 : f32
      %parallel_loop3A_164 = vector.broadcast %parallel_loop3A_163 : f32 to vector<16xf32>
      %parallel_loop3A_165 = arith.addf %parallel_loop3A_162, %parallel_loop3A_164 : vector<16xf32>
      %parallel_loop3A_166 = arith.mulf %parallel_loop3A_165, %parallel_loop3A_147 : vector<16xf32>
      %parallel_loop3A_167 = arith.constant -0.160876229 : f32
      %parallel_loop3A_168 = vector.broadcast %parallel_loop3A_167 : f32 to vector<16xf32>
      %parallel_loop3A_169 = arith.addf %parallel_loop3A_166, %parallel_loop3A_168 : vector<16xf32>
      %parallel_loop3A_170 = arith.mulf %parallel_loop3A_169, %parallel_loop3A_147 : vector<16xf32>
      %parallel_loop3A_171 = arith.constant 0.198858202 : f32
      %parallel_loop3A_172 = vector.broadcast %parallel_loop3A_171 : f32 to vector<16xf32>
      %parallel_loop3A_173 = arith.addf %parallel_loop3A_170, %parallel_loop3A_172 : vector<16xf32>
      %parallel_loop3A_174 = arith.mulf %parallel_loop3A_173, %parallel_loop3A_147 : vector<16xf32>
      %parallel_loop3A_175 = arith.constant -0.249864966 : f32
      %parallel_loop3A_176 = vector.broadcast %parallel_loop3A_175 : f32 to vector<16xf32>
      %parallel_loop3A_177 = arith.addf %parallel_loop3A_174, %parallel_loop3A_176 : vector<16xf32>
      %parallel_loop3A_178 = arith.mulf %parallel_loop3A_177, %parallel_loop3A_147 : vector<16xf32>
      %parallel_loop3A_179 = arith.constant 0.333324969 : f32
      %parallel_loop3A_180 = vector.broadcast %parallel_loop3A_179 : f32 to vector<16xf32>
      %parallel_loop3A_181 = arith.addf %parallel_loop3A_178, %parallel_loop3A_180 : vector<16xf32>
      %parallel_loop3A_182 = arith.mulf %parallel_loop3A_181, %parallel_loop3A_147 : vector<16xf32>
      %parallel_loop3A_183 = arith.constant -0.499999791 : f32
      %parallel_loop3A_184 = vector.broadcast %parallel_loop3A_183 : f32 to vector<16xf32>
      %parallel_loop3A_185 = arith.addf %parallel_loop3A_182, %parallel_loop3A_184 : vector<16xf32>
      %parallel_loop3A_186 = arith.mulf %parallel_loop3A_185, %parallel_loop3A_147 : vector<16xf32>
      %parallel_loop3A_187 = arith.constant 1.000000e+00 : f32
      %parallel_loop3A_188 = vector.broadcast %parallel_loop3A_187 : f32 to vector<16xf32>
      %parallel_loop3A_189 = arith.addf %parallel_loop3A_186, %parallel_loop3A_188 : vector<16xf32>
      %parallel_loop3A_190 = arith.mulf %parallel_loop3A_147, %parallel_loop3A_189 : vector<16xf32>
      %parallel_loop3A_191 = arith.addf %parallel_loop3A_142, %parallel_loop3A_190 : vector<16xf32>
      %parallel_loop3A_192 = arith.subf %parallel_loop3A_138, %parallel_loop3A_191 : vector<16xf32>
      %parallel_loop3A_193 = arith.index_cast %parallel_loop3A_72 : i32 to index
      %parallel_loop3A_194 = tpu.vector_load %arg8[%parallel_loop3A_193] {strides = array<i32>} : memref<20000xf32, #tpu.memory_space<vmem>>, vector<16xf32>,
      tpu.vector_store %arg8[%parallel_loop3A_193], %parallel_loop3A_192 {strides = array<i32>} : memref<20000xf32, #tpu.memory_space<vmem>>, vector<16xf32>,
      tpu.vector_store_idx %arg10[%parallel_loop3A_77], %parallel_loop3A_192 {add = true} : memref<10240xf32, #tpu.memory_space<vmem>>[vector<16xi32>], vector<16xf32>,
    } {sc.loop_unroll_factor = 4 : i64, sc.parallel_access}
    "tpu.region"() ({
      %run_scoped3A = tpu.sem_alloc : memref<!tpu.dma_semaphore, #tpu.memory_space<semaphore_mem>>
      %dma_start3A = arith.constant 0 : i32
      %dma_start3A_72 = tpu.memref_slice %arg17[%arg1, %dma_start3A] : memref<16x10240xf32, #tpu.memory_space<vmem_shared>> -> memref<1x10240xf32, #tpu.memory_space<vmem_shared>>
      %dma_start3A_73 = tpu.memref_squeeze %dma_start3A_72 : memref<1x10240xf32, #tpu.memory_space<vmem_shared>> -> memref<10240xf32, #tpu.memory_space<vmem_shared>>
      %dma_start3A_74 = arith.constant 0 : i32
      %dma_start3A_75 = tpu.memref_slice %arg17[%arg1, %dma_start3A_74] : memref<16x10240xf32, #tpu.memory_space<vmem_shared>> -> memref<1x10240xf32, #tpu.memory_space<vmem_shared>>
      %dma_start3A_76 = tpu.memref_squeeze %dma_start3A_75 : memref<1x10240xf32, #tpu.memory_space<vmem_shared>> -> memref<10240xf32, #tpu.memory_space<vmem_shared>>
      tpu.enqueue_dma source(%arg10 : memref<10240xf32, #tpu.memory_space<vmem>>) target(%dma_start3A_76 : memref<10240xf32, #tpu.memory_space<vmem_shared>>) target_semaphore(%run_scoped3A : memref<!tpu.dma_semaphore, #tpu.memory_space<semaphore_mem>>)
      %dma_wait3A = arith.constant 0 : i32
      %dma_wait3A_77 = tpu.memref_slice %arg17[%arg1, %dma_wait3A] : memref<16x10240xf32, #tpu.memory_space<vmem_shared>> -> memref<1x10240xf32, #tpu.memory_space<vmem_shared>>
      %dma_wait3A_78 = tpu.memref_squeeze %dma_wait3A_77 : memref<1x10240xf32, #tpu.memory_space<vmem_shared>> -> memref<10240xf32, #tpu.memory_space<vmem_shared>>
      %dma_wait3A_79 = arith.constant 0 : i32
      %dma_wait3A_80 = tpu.memref_slice %arg17[%arg1, %dma_wait3A_79] : memref<16x10240xf32, #tpu.memory_space<vmem_shared>> -> memref<1x10240xf32, #tpu.memory_space<vmem_shared>>
      %dma_wait3A_81 = tpu.memref_squeeze %dma_wait3A_80 : memref<1x10240xf32, #tpu.memory_space<vmem_shared>> -> memref<10240xf32, #tpu.memory_space<vmem_shared>>
      tpu.wait_dma2 semaphore(%run_scoped3A : memref<!tpu.dma_semaphore, #tpu.memory_space<semaphore_mem>>) src(%arg10 : memref<10240xf32, #tpu.memory_space<vmem>>) dst(%dma_wait3A_81 : memref<10240xf32, #tpu.memory_space<vmem_shared>>)
      tpu.yield
    }) : () -> ()
    %barrier3A_52 = arith.constant 0 : index
    tpu.barrier barrier_id(%barrier3A_52)
    "tpu.region"() ({
      %run_scoped3A = tpu.sem_alloc : memref<!tpu.dma_semaphore, #tpu.memory_space<semaphore_mem>>
      %dma_start3A = arith.constant 0 : i32
      %dma_start3A_72 = tpu.memref_slice %arg17[%dma_start3A, %mul3A_2] : memref<16x10240xf32, #tpu.memory_space<vmem_shared>> -> memref<16x640xf32, #tpu.memory_space<vmem_shared>>
      %dma_start3A_73 = arith.constant 0 : i32
      %dma_start3A_74 = tpu.memref_slice %arg17[%dma_start3A_73, %mul3A_2] : memref<16x10240xf32, #tpu.memory_space<vmem_shared>> -> memref<16x640xf32, #tpu.memory_space<vmem_shared>>
      tpu.enqueue_dma source(%dma_start3A_74 : memref<16x640xf32, #tpu.memory_space<vmem_shared>>) target(%arg13 : memref<16x640xf32, #tpu.memory_space<vmem>>) target_semaphore(%run_scoped3A : memref<!tpu.dma_semaphore, #tpu.memory_space<semaphore_mem>>)
      %dma_wait3A = arith.constant 0 : i32
      %dma_wait3A_75 = tpu.memref_slice %arg17[%dma_wait3A, %mul3A_2] : memref<16x10240xf32, #tpu.memory_space<vmem_shared>> -> memref<16x640xf32, #tpu.memory_space<vmem_shared>>
      %dma_wait3A_76 = arith.constant 0 : i32
      %dma_wait3A_77 = tpu.memref_slice %arg17[%dma_wait3A_76, %mul3A_2] : memref<16x10240xf32, #tpu.memory_space<vmem_shared>> -> memref<16x640xf32, #tpu.memory_space<vmem_shared>>
      tpu.wait_dma2 semaphore(%run_scoped3A : memref<!tpu.dma_semaphore, #tpu.memory_space<semaphore_mem>>) src(%dma_wait3A_77 : memref<16x640xf32, #tpu.memory_space<vmem_shared>>) dst(%arg13 : memref<16x640xf32, #tpu.memory_space<vmem>>)
      tpu.yield
    }) : () -> ()
    %parallel_loop3A_53 = arith.constant 0 : i32
    %parallel_loop3A_54 = arith.constant 640 : i32
    %parallel_loop3A_55 = arith.constant 16 : i32
    scf.for %parallel_loop3A_72 = %parallel_loop3A_53 to %parallel_loop3A_54 step %parallel_loop3A_55  : i32 {
      %parallel_loop3A_73 = arith.constant 0 : i32
      %parallel_loop3A_74 = arith.index_cast %parallel_loop3A_73 : i32 to index
      %parallel_loop3A_75 = arith.index_cast %parallel_loop3A_72 : i32 to index
      %parallel_loop3A_76 = tpu.vector_load %arg13[%parallel_loop3A_74, %parallel_loop3A_75] {strides = array<i32>} : memref<16x640xf32, #tpu.memory_space<vmem>>, vector<16xf32>,
      %parallel_loop3A_77 = arith.constant 1 : i32
      %parallel_loop3A_78 = arith.index_cast %parallel_loop3A_77 : i32 to index
      %parallel_loop3A_79 = arith.index_cast %parallel_loop3A_72 : i32 to index
      %parallel_loop3A_80 = tpu.vector_load %arg13[%parallel_loop3A_78, %parallel_loop3A_79] {strides = array<i32>} : memref<16x640xf32, #tpu.memory_space<vmem>>, vector<16xf32>,
      %parallel_loop3A_81 = arith.addf %parallel_loop3A_76, %parallel_loop3A_80 : vector<16xf32>
      %parallel_loop3A_82 = arith.constant 2 : i32
      %parallel_loop3A_83 = arith.index_cast %parallel_loop3A_82 : i32 to index
      %parallel_loop3A_84 = arith.index_cast %parallel_loop3A_72 : i32 to index
      %parallel_loop3A_85 = tpu.vector_load %arg13[%parallel_loop3A_83, %parallel_loop3A_84] {strides = array<i32>} : memref<16x640xf32, #tpu.memory_space<vmem>>, vector<16xf32>,
      %parallel_loop3A_86 = arith.addf %parallel_loop3A_81, %parallel_loop3A_85 : vector<16xf32>
      %parallel_loop3A_87 = arith.constant 3 : i32
      %parallel_loop3A_88 = arith.index_cast %parallel_loop3A_87 : i32 to index
      %parallel_loop3A_89 = arith.index_cast %parallel_loop3A_72 : i32 to index
      %parallel_loop3A_90 = tpu.vector_load %arg13[%parallel_loop3A_88, %parallel_loop3A_89] {strides = array<i32>} : memref<16x640xf32, #tpu.memory_space<vmem>>, vector<16xf32>,
      %parallel_loop3A_91 = arith.addf %parallel_loop3A_86, %parallel_loop3A_90 : vector<16xf32>
      %parallel_loop3A_92 = arith.constant 4 : i32
      %parallel_loop3A_93 = arith.index_cast %parallel_loop3A_92 : i32 to index
      %parallel_loop3A_94 = arith.index_cast %parallel_loop3A_72 : i32 to index
      %parallel_loop3A_95 = tpu.vector_load %arg13[%parallel_loop3A_93, %parallel_loop3A_94] {strides = array<i32>} : memref<16x640xf32, #tpu.memory_space<vmem>>, vector<16xf32>,
      %parallel_loop3A_96 = arith.addf %parallel_loop3A_91, %parallel_loop3A_95 : vector<16xf32>
      %parallel_loop3A_97 = arith.constant 5 : i32
      %parallel_loop3A_98 = arith.index_cast %parallel_loop3A_97 : i32 to index
      %parallel_loop3A_99 = arith.index_cast %parallel_loop3A_72 : i32 to index
      %parallel_loop3A_100 = tpu.vector_load %arg13[%parallel_loop3A_98, %parallel_loop3A_99] {strides = array<i32>} : memref<16x640xf32, #tpu.memory_space<vmem>>, vector<16xf32>,
      %parallel_loop3A_101 = arith.addf %parallel_loop3A_96, %parallel_loop3A_100 : vector<16xf32>
      %parallel_loop3A_102 = arith.constant 6 : i32
      %parallel_loop3A_103 = arith.index_cast %parallel_loop3A_102 : i32 to index
      %parallel_loop3A_104 = arith.index_cast %parallel_loop3A_72 : i32 to index
      %parallel_loop3A_105 = tpu.vector_load %arg13[%parallel_loop3A_103, %parallel_loop3A_104] {strides = array<i32>} : memref<16x640xf32, #tpu.memory_space<vmem>>, vector<16xf32>,
      %parallel_loop3A_106 = arith.addf %parallel_loop3A_101, %parallel_loop3A_105 : vector<16xf32>
      %parallel_loop3A_107 = arith.constant 7 : i32
      %parallel_loop3A_108 = arith.index_cast %parallel_loop3A_107 : i32 to index
      %parallel_loop3A_109 = arith.index_cast %parallel_loop3A_72 : i32 to index
      %parallel_loop3A_110 = tpu.vector_load %arg13[%parallel_loop3A_108, %parallel_loop3A_109] {strides = array<i32>} : memref<16x640xf32, #tpu.memory_space<vmem>>, vector<16xf32>,
      %parallel_loop3A_111 = arith.addf %parallel_loop3A_106, %parallel_loop3A_110 : vector<16xf32>
      %parallel_loop3A_112 = arith.constant 8 : i32
      %parallel_loop3A_113 = arith.index_cast %parallel_loop3A_112 : i32 to index
      %parallel_loop3A_114 = arith.index_cast %parallel_loop3A_72 : i32 to index
      %parallel_loop3A_115 = tpu.vector_load %arg13[%parallel_loop3A_113, %parallel_loop3A_114] {strides = array<i32>} : memref<16x640xf32, #tpu.memory_space<vmem>>, vector<16xf32>,
      %parallel_loop3A_116 = arith.addf %parallel_loop3A_111, %parallel_loop3A_115 : vector<16xf32>
      %parallel_loop3A_117 = arith.constant 9 : i32
      %parallel_loop3A_118 = arith.index_cast %parallel_loop3A_117 : i32 to index
      %parallel_loop3A_119 = arith.index_cast %parallel_loop3A_72 : i32 to index
      %parallel_loop3A_120 = tpu.vector_load %arg13[%parallel_loop3A_118, %parallel_loop3A_119] {strides = array<i32>} : memref<16x640xf32, #tpu.memory_space<vmem>>, vector<16xf32>,
      %parallel_loop3A_121 = arith.addf %parallel_loop3A_116, %parallel_loop3A_120 : vector<16xf32>
      %parallel_loop3A_122 = arith.constant 10 : i32
      %parallel_loop3A_123 = arith.index_cast %parallel_loop3A_122 : i32 to index
      %parallel_loop3A_124 = arith.index_cast %parallel_loop3A_72 : i32 to index
      %parallel_loop3A_125 = tpu.vector_load %arg13[%parallel_loop3A_123, %parallel_loop3A_124] {strides = array<i32>} : memref<16x640xf32, #tpu.memory_space<vmem>>, vector<16xf32>,
      %parallel_loop3A_126 = arith.addf %parallel_loop3A_121, %parallel_loop3A_125 : vector<16xf32>
      %parallel_loop3A_127 = arith.constant 11 : i32
      %parallel_loop3A_128 = arith.index_cast %parallel_loop3A_127 : i32 to index
      %parallel_loop3A_129 = arith.index_cast %parallel_loop3A_72 : i32 to index
      %parallel_loop3A_130 = tpu.vector_load %arg13[%parallel_loop3A_128, %parallel_loop3A_129] {strides = array<i32>} : memref<16x640xf32, #tpu.memory_space<vmem>>, vector<16xf32>,
      %parallel_loop3A_131 = arith.addf %parallel_loop3A_126, %parallel_loop3A_130 : vector<16xf32>
      %parallel_loop3A_132 = arith.constant 12 : i32
      %parallel_loop3A_133 = arith.index_cast %parallel_loop3A_132 : i32 to index
      %parallel_loop3A_134 = arith.index_cast %parallel_loop3A_72 : i32 to index
      %parallel_loop3A_135 = tpu.vector_load %arg13[%parallel_loop3A_133, %parallel_loop3A_134] {strides = array<i32>} : memref<16x640xf32, #tpu.memory_space<vmem>>, vector<16xf32>,
      %parallel_loop3A_136 = arith.addf %parallel_loop3A_131, %parallel_loop3A_135 : vector<16xf32>
      %parallel_loop3A_137 = arith.constant 13 : i32
      %parallel_loop3A_138 = arith.index_cast %parallel_loop3A_137 : i32 to index
      %parallel_loop3A_139 = arith.index_cast %parallel_loop3A_72 : i32 to index
      %parallel_loop3A_140 = tpu.vector_load %arg13[%parallel_loop3A_138, %parallel_loop3A_139] {strides = array<i32>} : memref<16x640xf32, #tpu.memory_space<vmem>>, vector<16xf32>,
      %parallel_loop3A_141 = arith.addf %parallel_loop3A_136, %parallel_loop3A_140 : vector<16xf32>
      %parallel_loop3A_142 = arith.constant 14 : i32
      %parallel_loop3A_143 = arith.index_cast %parallel_loop3A_142 : i32 to index
      %parallel_loop3A_144 = arith.index_cast %parallel_loop3A_72 : i32 to index
      %parallel_loop3A_145 = tpu.vector_load %arg13[%parallel_loop3A_143, %parallel_loop3A_144] {strides = array<i32>} : memref<16x640xf32, #tpu.memory_space<vmem>>, vector<16xf32>,
      %parallel_loop3A_146 = arith.addf %parallel_loop3A_141, %parallel_loop3A_145 : vector<16xf32>
      %parallel_loop3A_147 = arith.constant 15 : i32
      %parallel_loop3A_148 = arith.index_cast %parallel_loop3A_147 : i32 to index
      %parallel_loop3A_149 = arith.index_cast %parallel_loop3A_72 : i32 to index
      %parallel_loop3A_150 = tpu.vector_load %arg13[%parallel_loop3A_148, %parallel_loop3A_149] {strides = array<i32>} : memref<16x640xf32, #tpu.memory_space<vmem>>, vector<16xf32>,
      %parallel_loop3A_151 = arith.addf %parallel_loop3A_146, %parallel_loop3A_150 : vector<16xf32>
      %parallel_loop3A_152 = arith.index_cast %parallel_loop3A_72 : i32 to index
      %parallel_loop3A_153 = tpu.vector_load %arg11[%parallel_loop3A_152] {strides = array<i32>} : memref<640xf32, #tpu.memory_space<vmem>>, vector<16xf32>,
      %parallel_loop3A_154 = arith.addf %parallel_loop3A_153, %parallel_loop3A_151 : vector<16xf32>
      %parallel_loop3A_155 = arith.index_cast %parallel_loop3A_72 : i32 to index
      %parallel_loop3A_156 = tpu.vector_load %arg14[%parallel_loop3A_155] {strides = array<i32>} : memref<640xf32, #tpu.memory_space<vmem>>, vector<16xf32>,
      tpu.vector_store %arg14[%parallel_loop3A_155], %parallel_loop3A_154 {strides = array<i32>} : memref<640xf32, #tpu.memory_space<vmem>>, vector<16xf32>,
    } {sc.loop_unroll_factor = 2 : i64, sc.parallel_access}
    "tpu.region"() ({
      %run_scoped3A = tpu.sem_alloc : memref<!tpu.dma_semaphore, #tpu.memory_space<semaphore_mem>>
      %dma_start3A = tpu.memref_slice %arg18[%mul3A_2] : memref<10240xf32, #tpu.memory_space<vmem_shared>> -> memref<640xf32, #tpu.memory_space<vmem_shared>>
      %dma_start3A_72 = tpu.memref_slice %arg18[%mul3A_2] : memref<10240xf32, #tpu.memory_space<vmem_shared>> -> memref<640xf32, #tpu.memory_space<vmem_shared>>
      tpu.enqueue_dma source(%arg14 : memref<640xf32, #tpu.memory_space<vmem>>) target(%dma_start3A_72 : memref<640xf32, #tpu.memory_space<vmem_shared>>) target_semaphore(%run_scoped3A : memref<!tpu.dma_semaphore, #tpu.memory_space<semaphore_mem>>)
      %dma_wait3A = tpu.memref_slice %arg18[%mul3A_2] : memref<10240xf32, #tpu.memory_space<vmem_shared>> -> memref<640xf32, #tpu.memory_space<vmem_shared>>
      %dma_wait3A_73 = tpu.memref_slice %arg18[%mul3A_2] : memref<10240xf32, #tpu.memory_space<vmem_shared>> -> memref<640xf32, #tpu.memory_space<vmem_shared>>
      tpu.wait_dma2 semaphore(%run_scoped3A : memref<!tpu.dma_semaphore, #tpu.memory_space<semaphore_mem>>) src(%arg14 : memref<640xf32, #tpu.memory_space<vmem>>) dst(%dma_wait3A_73 : memref<640xf32, #tpu.memory_space<vmem_shared>>)
      tpu.yield
    }) : () -> ()
    %barrier3A_56 = arith.constant 0 : index
    tpu.barrier barrier_id(%barrier3A_56)
    "tpu.region"() ({
      %run_scoped3A = tpu.sem_alloc : memref<!tpu.dma_semaphore, #tpu.memory_space<semaphore_mem>>
      tpu.enqueue_dma source(%arg18 : memref<10240xf32, #tpu.memory_space<vmem_shared>>) target(%arg9 : memref<10240xf32, #tpu.memory_space<vmem>>) target_semaphore(%run_scoped3A : memref<!tpu.dma_semaphore, #tpu.memory_space<semaphore_mem>>)
      tpu.wait_dma2 semaphore(%run_scoped3A : memref<!tpu.dma_semaphore, #tpu.memory_space<semaphore_mem>>) src(%arg18 : memref<10240xf32, #tpu.memory_space<vmem_shared>>) dst(%arg9 : memref<10240xf32, #tpu.memory_space<vmem>>)
      tpu.yield
    }) : () -> ()
    %parallel_loop3A_57 = arith.constant 0 : i32
    %parallel_loop3A_58 = arith.constant 10240 : i32
    %parallel_loop3A_59 = arith.constant 16 : i32
    scf.for %parallel_loop3A_72 = %parallel_loop3A_57 to %parallel_loop3A_58 step %parallel_loop3A_59  : i32 {
      %parallel_loop3A_73 = arith.index_cast %parallel_loop3A_72 : i32 to index
      %parallel_loop3A_74 = tpu.vector_load %arg10[%parallel_loop3A_73] {strides = array<i32>} : memref<10240xf32, #tpu.memory_space<vmem>>, vector<16xf32>,
      tpu.vector_store %arg10[%parallel_loop3A_73], %broadcast_in_dim3A_14 {strides = array<i32>} : memref<10240xf32, #tpu.memory_space<vmem>>, vector<16xf32>,
    } {sc.loop_unroll_factor = 8 : i64, sc.parallel_access}
    %parallel_loop3A_60 = arith.constant 0 : i32
    %parallel_loop3A_61 = arith.constant 20000 : i32
    %parallel_loop3A_62 = arith.constant 16 : i32
    scf.for %parallel_loop3A_72 = %parallel_loop3A_60 to %parallel_loop3A_61 step %parallel_loop3A_62  : i32 {
      %parallel_loop3A_73 = arith.index_cast %parallel_loop3A_72 : i32 to index
      %parallel_loop3A_74 = tpu.vector_load %arg7[%parallel_loop3A_73] {strides = array<i32>} : memref<20000xi32, #tpu.memory_space<vmem>>, vector<16xi32>,
      %parallel_loop3A_75 = arith.constant 16383 : i32
      %parallel_loop3A_76 = vector.broadcast %parallel_loop3A_75 : i32 to vector<16xi32>
      %parallel_loop3A_77 = arith.andi %parallel_loop3A_74, %parallel_loop3A_76 : vector<16xi32>
      %parallel_loop3A_78 = arith.constant 14 : i32
      %parallel_loop3A_79 = vector.broadcast %parallel_loop3A_78 : i32 to vector<16xi32>
      %parallel_loop3A_80 = arith.shrui %parallel_loop3A_74, %parallel_loop3A_79 : vector<16xi32>
      %parallel_loop3A_81 = tpu.vector_load_idx %arg9[%parallel_loop3A_80] : memref<10240xf32, #tpu.memory_space<vmem>>[vector<16xi32>], vector<16xf32>,
      %parallel_loop3A_82 = arith.index_cast %parallel_loop3A_72 : i32 to index
      %parallel_loop3A_83 = tpu.vector_load %arg8[%parallel_loop3A_82] {strides = array<i32>} : memref<20000xf32, #tpu.memory_space<vmem>>, vector<16xf32>,
      %parallel_loop3A_84 = arith.subf %parallel_loop3A_81, %parallel_loop3A_83 : vector<16xf32>
      %parallel_loop3A_85 = arith.addf %parallel_loop3A_84, %get3A_5 : vector<16xf32>
      %parallel_loop3A_86 = arith.constant 0.000000e+00 : f32
      %parallel_loop3A_87 = vector.broadcast %parallel_loop3A_86 : f32 to vector<16xf32>
      %parallel_loop3A_88 = arith.maximumf %parallel_loop3A_85, %parallel_loop3A_87 : vector<16xf32>
      %parallel_loop3A_89 = arith.constant 0.000000e+00 : f32
      %parallel_loop3A_90 = vector.broadcast %parallel_loop3A_89 : f32 to vector<16xf32>
      %parallel_loop3A_91 = arith.minimumf %parallel_loop3A_85, %parallel_loop3A_90 : vector<16xf32>
      %parallel_loop3A_92 = arith.subf %parallel_loop3A_91, %parallel_loop3A_88 : vector<16xf32>
      %parallel_loop3A_93 = math.exp %parallel_loop3A_92 : vector<16xf32>
      %parallel_loop3A_94 = arith.constant 0.00198669662 : f32
      %parallel_loop3A_95 = vector.broadcast %parallel_loop3A_94 : f32 to vector<16xf32>
      %parallel_loop3A_96 = arith.mulf %parallel_loop3A_95, %parallel_loop3A_93 : vector<16xf32>
      %parallel_loop3A_97 = arith.constant -0.0131878266 : f32
      %parallel_loop3A_98 = vector.broadcast %parallel_loop3A_97 : f32 to vector<16xf32>
      %parallel_loop3A_99 = arith.addf %parallel_loop3A_96, %parallel_loop3A_98 : vector<16xf32>
      %parallel_loop3A_100 = arith.mulf %parallel_loop3A_99, %parallel_loop3A_93 : vector<16xf32>
      %parallel_loop3A_101 = arith.constant 0.0410065725 : f32
      %parallel_loop3A_102 = vector.broadcast %parallel_loop3A_101 : f32 to vector<16xf32>
      %parallel_loop3A_103 = arith.addf %parallel_loop3A_100, %parallel_loop3A_102 : vector<16xf32>
      %parallel_loop3A_104 = arith.mulf %parallel_loop3A_103, %parallel_loop3A_93 : vector<16xf32>
      %parallel_loop3A_105 = arith.constant -0.0818804055 : f32
      %parallel_loop3A_106 = vector.broadcast %parallel_loop3A_105 : f32 to vector<16xf32>
      %parallel_loop3A_107 = arith.addf %parallel_loop3A_104, %parallel_loop3A_106 : vector<16xf32>
      %parallel_loop3A_108 = arith.mulf %parallel_loop3A_107, %parallel_loop3A_93 : vector<16xf32>
      %parallel_loop3A_109 = arith.constant 0.12377996 : f32
      %parallel_loop3A_110 = vector.broadcast %parallel_loop3A_109 : f32 to vector<16xf32>
      %parallel_loop3A_111 = arith.addf %parallel_loop3A_108, %parallel_loop3A_110 : vector<16xf32>
      %parallel_loop3A_112 = arith.mulf %parallel_loop3A_111, %parallel_loop3A_93 : vector<16xf32>
      %parallel_loop3A_113 = arith.constant -0.160876229 : f32
      %parallel_loop3A_114 = vector.broadcast %parallel_loop3A_113 : f32 to vector<16xf32>
      %parallel_loop3A_115 = arith.addf %parallel_loop3A_112, %parallel_loop3A_114 : vector<16xf32>
      %parallel_loop3A_116 = arith.mulf %parallel_loop3A_115, %parallel_loop3A_93 : vector<16xf32>
      %parallel_loop3A_117 = arith.constant 0.198858202 : f32
      %parallel_loop3A_118 = vector.broadcast %parallel_loop3A_117 : f32 to vector<16xf32>
      %parallel_loop3A_119 = arith.addf %parallel_loop3A_116, %parallel_loop3A_118 : vector<16xf32>
      %parallel_loop3A_120 = arith.mulf %parallel_loop3A_119, %parallel_loop3A_93 : vector<16xf32>
      %parallel_loop3A_121 = arith.constant -0.249864966 : f32
      %parallel_loop3A_122 = vector.broadcast %parallel_loop3A_121 : f32 to vector<16xf32>
      %parallel_loop3A_123 = arith.addf %parallel_loop3A_120, %parallel_loop3A_122 : vector<16xf32>
      %parallel_loop3A_124 = arith.mulf %parallel_loop3A_123, %parallel_loop3A_93 : vector<16xf32>
      %parallel_loop3A_125 = arith.constant 0.333324969 : f32
      %parallel_loop3A_126 = vector.broadcast %parallel_loop3A_125 : f32 to vector<16xf32>
      %parallel_loop3A_127 = arith.addf %parallel_loop3A_124, %parallel_loop3A_126 : vector<16xf32>
      %parallel_loop3A_128 = arith.mulf %parallel_loop3A_127, %parallel_loop3A_93 : vector<16xf32>
      %parallel_loop3A_129 = arith.constant -0.499999791 : f32
      %parallel_loop3A_130 = vector.broadcast %parallel_loop3A_129 : f32 to vector<16xf32>
      %parallel_loop3A_131 = arith.addf %parallel_loop3A_128, %parallel_loop3A_130 : vector<16xf32>
      %parallel_loop3A_132 = arith.mulf %parallel_loop3A_131, %parallel_loop3A_93 : vector<16xf32>
      %parallel_loop3A_133 = arith.constant 1.000000e+00 : f32
      %parallel_loop3A_134 = vector.broadcast %parallel_loop3A_133 : f32 to vector<16xf32>
      %parallel_loop3A_135 = arith.addf %parallel_loop3A_132, %parallel_loop3A_134 : vector<16xf32>
      %parallel_loop3A_136 = arith.mulf %parallel_loop3A_93, %parallel_loop3A_135 : vector<16xf32>
      %parallel_loop3A_137 = arith.addf %parallel_loop3A_88, %parallel_loop3A_136 : vector<16xf32>
      %parallel_loop3A_138 = arith.addf %get3A_13, %parallel_loop3A_137 : vector<16xf32>
      %parallel_loop3A_139 = arith.addf %parallel_loop3A_84, %get3A_9 : vector<16xf32>
      %parallel_loop3A_140 = arith.constant 0.000000e+00 : f32
      %parallel_loop3A_141 = vector.broadcast %parallel_loop3A_140 : f32 to vector<16xf32>
      %parallel_loop3A_142 = arith.maximumf %parallel_loop3A_139, %parallel_loop3A_141 : vector<16xf32>
      %parallel_loop3A_143 = arith.constant 0.000000e+00 : f32
      %parallel_loop3A_144 = vector.broadcast %parallel_loop3A_143 : f32 to vector<16xf32>
      %parallel_loop3A_145 = arith.minimumf %parallel_loop3A_139, %parallel_loop3A_144 : vector<16xf32>
      %parallel_loop3A_146 = arith.subf %parallel_loop3A_145, %parallel_loop3A_142 : vector<16xf32>
      %parallel_loop3A_147 = math.exp %parallel_loop3A_146 : vector<16xf32>
      %parallel_loop3A_148 = arith.constant 0.00198669662 : f32
      %parallel_loop3A_149 = vector.broadcast %parallel_loop3A_148 : f32 to vector<16xf32>
      %parallel_loop3A_150 = arith.mulf %parallel_loop3A_149, %parallel_loop3A_147 : vector<16xf32>
      %parallel_loop3A_151 = arith.constant -0.0131878266 : f32
      %parallel_loop3A_152 = vector.broadcast %parallel_loop3A_151 : f32 to vector<16xf32>
      %parallel_loop3A_153 = arith.addf %parallel_loop3A_150, %parallel_loop3A_152 : vector<16xf32>
      %parallel_loop3A_154 = arith.mulf %parallel_loop3A_153, %parallel_loop3A_147 : vector<16xf32>
      %parallel_loop3A_155 = arith.constant 0.0410065725 : f32
      %parallel_loop3A_156 = vector.broadcast %parallel_loop3A_155 : f32 to vector<16xf32>
      %parallel_loop3A_157 = arith.addf %parallel_loop3A_154, %parallel_loop3A_156 : vector<16xf32>
      %parallel_loop3A_158 = arith.mulf %parallel_loop3A_157, %parallel_loop3A_147 : vector<16xf32>
      %parallel_loop3A_159 = arith.constant -0.0818804055 : f32
      %parallel_loop3A_160 = vector.broadcast %parallel_loop3A_159 : f32 to vector<16xf32>
      %parallel_loop3A_161 = arith.addf %parallel_loop3A_158, %parallel_loop3A_160 : vector<16xf32>
      %parallel_loop3A_162 = arith.mulf %parallel_loop3A_161, %parallel_loop3A_147 : vector<16xf32>
      %parallel_loop3A_163 = arith.constant 0.12377996 : f32
      %parallel_loop3A_164 = vector.broadcast %parallel_loop3A_163 : f32 to vector<16xf32>
      %parallel_loop3A_165 = arith.addf %parallel_loop3A_162, %parallel_loop3A_164 : vector<16xf32>
      %parallel_loop3A_166 = arith.mulf %parallel_loop3A_165, %parallel_loop3A_147 : vector<16xf32>
      %parallel_loop3A_167 = arith.constant -0.160876229 : f32
      %parallel_loop3A_168 = vector.broadcast %parallel_loop3A_167 : f32 to vector<16xf32>
      %parallel_loop3A_169 = arith.addf %parallel_loop3A_166, %parallel_loop3A_168 : vector<16xf32>
      %parallel_loop3A_170 = arith.mulf %parallel_loop3A_169, %parallel_loop3A_147 : vector<16xf32>
      %parallel_loop3A_171 = arith.constant 0.198858202 : f32
      %parallel_loop3A_172 = vector.broadcast %parallel_loop3A_171 : f32 to vector<16xf32>
      %parallel_loop3A_173 = arith.addf %parallel_loop3A_170, %parallel_loop3A_172 : vector<16xf32>
      %parallel_loop3A_174 = arith.mulf %parallel_loop3A_173, %parallel_loop3A_147 : vector<16xf32>
      %parallel_loop3A_175 = arith.constant -0.249864966 : f32
      %parallel_loop3A_176 = vector.broadcast %parallel_loop3A_175 : f32 to vector<16xf32>
      %parallel_loop3A_177 = arith.addf %parallel_loop3A_174, %parallel_loop3A_176 : vector<16xf32>
      %parallel_loop3A_178 = arith.mulf %parallel_loop3A_177, %parallel_loop3A_147 : vector<16xf32>
      %parallel_loop3A_179 = arith.constant 0.333324969 : f32
      %parallel_loop3A_180 = vector.broadcast %parallel_loop3A_179 : f32 to vector<16xf32>
      %parallel_loop3A_181 = arith.addf %parallel_loop3A_178, %parallel_loop3A_180 : vector<16xf32>
      %parallel_loop3A_182 = arith.mulf %parallel_loop3A_181, %parallel_loop3A_147 : vector<16xf32>
      %parallel_loop3A_183 = arith.constant -0.499999791 : f32
      %parallel_loop3A_184 = vector.broadcast %parallel_loop3A_183 : f32 to vector<16xf32>
      %parallel_loop3A_185 = arith.addf %parallel_loop3A_182, %parallel_loop3A_184 : vector<16xf32>
      %parallel_loop3A_186 = arith.mulf %parallel_loop3A_185, %parallel_loop3A_147 : vector<16xf32>
      %parallel_loop3A_187 = arith.constant 1.000000e+00 : f32
      %parallel_loop3A_188 = vector.broadcast %parallel_loop3A_187 : f32 to vector<16xf32>
      %parallel_loop3A_189 = arith.addf %parallel_loop3A_186, %parallel_loop3A_188 : vector<16xf32>
      %parallel_loop3A_190 = arith.mulf %parallel_loop3A_147, %parallel_loop3A_189 : vector<16xf32>
      %parallel_loop3A_191 = arith.addf %parallel_loop3A_142, %parallel_loop3A_190 : vector<16xf32>
      %parallel_loop3A_192 = arith.subf %parallel_loop3A_138, %parallel_loop3A_191 : vector<16xf32>
      %parallel_loop3A_193 = arith.index_cast %parallel_loop3A_72 : i32 to index
      %parallel_loop3A_194 = tpu.vector_load %arg8[%parallel_loop3A_193] {strides = array<i32>} : memref<20000xf32, #tpu.memory_space<vmem>>, vector<16xf32>,
      tpu.vector_store %arg8[%parallel_loop3A_193], %parallel_loop3A_192 {strides = array<i32>} : memref<20000xf32, #tpu.memory_space<vmem>>, vector<16xf32>,
      tpu.vector_store_idx %arg10[%parallel_loop3A_77], %parallel_loop3A_192 {add = true} : memref<10240xf32, #tpu.memory_space<vmem>>[vector<16xi32>], vector<16xf32>,
    } {sc.loop_unroll_factor = 4 : i64, sc.parallel_access}
    "tpu.region"() ({
      %run_scoped3A = tpu.sem_alloc : memref<!tpu.dma_semaphore, #tpu.memory_space<semaphore_mem>>
      %dma_start3A = arith.constant 0 : i32
      %dma_start3A_72 = tpu.memref_slice %arg17[%arg1, %dma_start3A] : memref<16x10240xf32, #tpu.memory_space<vmem_shared>> -> memref<1x10240xf32, #tpu.memory_space<vmem_shared>>
      %dma_start3A_73 = tpu.memref_squeeze %dma_start3A_72 : memref<1x10240xf32, #tpu.memory_space<vmem_shared>> -> memref<10240xf32, #tpu.memory_space<vmem_shared>>
      %dma_start3A_74 = arith.constant 0 : i32
      %dma_start3A_75 = tpu.memref_slice %arg17[%arg1, %dma_start3A_74] : memref<16x10240xf32, #tpu.memory_space<vmem_shared>> -> memref<1x10240xf32, #tpu.memory_space<vmem_shared>>
      %dma_start3A_76 = tpu.memref_squeeze %dma_start3A_75 : memref<1x10240xf32, #tpu.memory_space<vmem_shared>> -> memref<10240xf32, #tpu.memory_space<vmem_shared>>
      tpu.enqueue_dma source(%arg10 : memref<10240xf32, #tpu.memory_space<vmem>>) target(%dma_start3A_76 : memref<10240xf32, #tpu.memory_space<vmem_shared>>) target_semaphore(%run_scoped3A : memref<!tpu.dma_semaphore, #tpu.memory_space<semaphore_mem>>)
      %dma_wait3A = arith.constant 0 : i32
      %dma_wait3A_77 = tpu.memref_slice %arg17[%arg1, %dma_wait3A] : memref<16x10240xf32, #tpu.memory_space<vmem_shared>> -> memref<1x10240xf32, #tpu.memory_space<vmem_shared>>
      %dma_wait3A_78 = tpu.memref_squeeze %dma_wait3A_77 : memref<1x10240xf32, #tpu.memory_space<vmem_shared>> -> memref<10240xf32, #tpu.memory_space<vmem_shared>>
      %dma_wait3A_79 = arith.constant 0 : i32
      %dma_wait3A_80 = tpu.memref_slice %arg17[%arg1, %dma_wait3A_79] : memref<16x10240xf32, #tpu.memory_space<vmem_shared>> -> memref<1x10240xf32, #tpu.memory_space<vmem_shared>>
      %dma_wait3A_81 = tpu.memref_squeeze %dma_wait3A_80 : memref<1x10240xf32, #tpu.memory_space<vmem_shared>> -> memref<10240xf32, #tpu.memory_space<vmem_shared>>
      tpu.wait_dma2 semaphore(%run_scoped3A : memref<!tpu.dma_semaphore, #tpu.memory_space<semaphore_mem>>) src(%arg10 : memref<10240xf32, #tpu.memory_space<vmem>>) dst(%dma_wait3A_81 : memref<10240xf32, #tpu.memory_space<vmem_shared>>)
      tpu.yield
    }) : () -> ()
    %barrier3A_63 = arith.constant 0 : index
    tpu.barrier barrier_id(%barrier3A_63)
    "tpu.region"() ({
      %run_scoped3A = tpu.sem_alloc : memref<!tpu.dma_semaphore, #tpu.memory_space<semaphore_mem>>
      %dma_start3A = arith.constant 0 : i32
      %dma_start3A_72 = tpu.memref_slice %arg17[%dma_start3A, %mul3A_2] : memref<16x10240xf32, #tpu.memory_space<vmem_shared>> -> memref<16x640xf32, #tpu.memory_space<vmem_shared>>
      %dma_start3A_73 = arith.constant 0 : i32
      %dma_start3A_74 = tpu.memref_slice %arg17[%dma_start3A_73, %mul3A_2] : memref<16x10240xf32, #tpu.memory_space<vmem_shared>> -> memref<16x640xf32, #tpu.memory_space<vmem_shared>>
      tpu.enqueue_dma source(%dma_start3A_74 : memref<16x640xf32, #tpu.memory_space<vmem_shared>>) target(%arg13 : memref<16x640xf32, #tpu.memory_space<vmem>>) target_semaphore(%run_scoped3A : memref<!tpu.dma_semaphore, #tpu.memory_space<semaphore_mem>>)
      %dma_wait3A = arith.constant 0 : i32
      %dma_wait3A_75 = tpu.memref_slice %arg17[%dma_wait3A, %mul3A_2] : memref<16x10240xf32, #tpu.memory_space<vmem_shared>> -> memref<16x640xf32, #tpu.memory_space<vmem_shared>>
      %dma_wait3A_76 = arith.constant 0 : i32
      %dma_wait3A_77 = tpu.memref_slice %arg17[%dma_wait3A_76, %mul3A_2] : memref<16x10240xf32, #tpu.memory_space<vmem_shared>> -> memref<16x640xf32, #tpu.memory_space<vmem_shared>>
      tpu.wait_dma2 semaphore(%run_scoped3A : memref<!tpu.dma_semaphore, #tpu.memory_space<semaphore_mem>>) src(%dma_wait3A_77 : memref<16x640xf32, #tpu.memory_space<vmem_shared>>) dst(%arg13 : memref<16x640xf32, #tpu.memory_space<vmem>>)
      tpu.yield
    }) : () -> ()
    %parallel_loop3A_64 = arith.constant 0 : i32
    %parallel_loop3A_65 = arith.constant 640 : i32
    %parallel_loop3A_66 = arith.constant 16 : i32
    scf.for %parallel_loop3A_72 = %parallel_loop3A_64 to %parallel_loop3A_65 step %parallel_loop3A_66  : i32 {
      %parallel_loop3A_73 = arith.constant 0 : i32
      %parallel_loop3A_74 = arith.index_cast %parallel_loop3A_73 : i32 to index
      %parallel_loop3A_75 = arith.index_cast %parallel_loop3A_72 : i32 to index
      %parallel_loop3A_76 = tpu.vector_load %arg13[%parallel_loop3A_74, %parallel_loop3A_75] {strides = array<i32>} : memref<16x640xf32, #tpu.memory_space<vmem>>, vector<16xf32>,
      %parallel_loop3A_77 = arith.constant 1 : i32
      %parallel_loop3A_78 = arith.index_cast %parallel_loop3A_77 : i32 to index
      %parallel_loop3A_79 = arith.index_cast %parallel_loop3A_72 : i32 to index
      %parallel_loop3A_80 = tpu.vector_load %arg13[%parallel_loop3A_78, %parallel_loop3A_79] {strides = array<i32>} : memref<16x640xf32, #tpu.memory_space<vmem>>, vector<16xf32>,
      %parallel_loop3A_81 = arith.addf %parallel_loop3A_76, %parallel_loop3A_80 : vector<16xf32>
      %parallel_loop3A_82 = arith.constant 2 : i32
      %parallel_loop3A_83 = arith.index_cast %parallel_loop3A_82 : i32 to index
      %parallel_loop3A_84 = arith.index_cast %parallel_loop3A_72 : i32 to index
      %parallel_loop3A_85 = tpu.vector_load %arg13[%parallel_loop3A_83, %parallel_loop3A_84] {strides = array<i32>} : memref<16x640xf32, #tpu.memory_space<vmem>>, vector<16xf32>,
      %parallel_loop3A_86 = arith.addf %parallel_loop3A_81, %parallel_loop3A_85 : vector<16xf32>
      %parallel_loop3A_87 = arith.constant 3 : i32
      %parallel_loop3A_88 = arith.index_cast %parallel_loop3A_87 : i32 to index
      %parallel_loop3A_89 = arith.index_cast %parallel_loop3A_72 : i32 to index
      %parallel_loop3A_90 = tpu.vector_load %arg13[%parallel_loop3A_88, %parallel_loop3A_89] {strides = array<i32>} : memref<16x640xf32, #tpu.memory_space<vmem>>, vector<16xf32>,
      %parallel_loop3A_91 = arith.addf %parallel_loop3A_86, %parallel_loop3A_90 : vector<16xf32>
      %parallel_loop3A_92 = arith.constant 4 : i32
      %parallel_loop3A_93 = arith.index_cast %parallel_loop3A_92 : i32 to index
      %parallel_loop3A_94 = arith.index_cast %parallel_loop3A_72 : i32 to index
      %parallel_loop3A_95 = tpu.vector_load %arg13[%parallel_loop3A_93, %parallel_loop3A_94] {strides = array<i32>} : memref<16x640xf32, #tpu.memory_space<vmem>>, vector<16xf32>,
      %parallel_loop3A_96 = arith.addf %parallel_loop3A_91, %parallel_loop3A_95 : vector<16xf32>
      %parallel_loop3A_97 = arith.constant 5 : i32
      %parallel_loop3A_98 = arith.index_cast %parallel_loop3A_97 : i32 to index
      %parallel_loop3A_99 = arith.index_cast %parallel_loop3A_72 : i32 to index
      %parallel_loop3A_100 = tpu.vector_load %arg13[%parallel_loop3A_98, %parallel_loop3A_99] {strides = array<i32>} : memref<16x640xf32, #tpu.memory_space<vmem>>, vector<16xf32>,
      %parallel_loop3A_101 = arith.addf %parallel_loop3A_96, %parallel_loop3A_100 : vector<16xf32>
      %parallel_loop3A_102 = arith.constant 6 : i32
      %parallel_loop3A_103 = arith.index_cast %parallel_loop3A_102 : i32 to index
      %parallel_loop3A_104 = arith.index_cast %parallel_loop3A_72 : i32 to index
      %parallel_loop3A_105 = tpu.vector_load %arg13[%parallel_loop3A_103, %parallel_loop3A_104] {strides = array<i32>} : memref<16x640xf32, #tpu.memory_space<vmem>>, vector<16xf32>,
      %parallel_loop3A_106 = arith.addf %parallel_loop3A_101, %parallel_loop3A_105 : vector<16xf32>
      %parallel_loop3A_107 = arith.constant 7 : i32
      %parallel_loop3A_108 = arith.index_cast %parallel_loop3A_107 : i32 to index
      %parallel_loop3A_109 = arith.index_cast %parallel_loop3A_72 : i32 to index
      %parallel_loop3A_110 = tpu.vector_load %arg13[%parallel_loop3A_108, %parallel_loop3A_109] {strides = array<i32>} : memref<16x640xf32, #tpu.memory_space<vmem>>, vector<16xf32>,
      %parallel_loop3A_111 = arith.addf %parallel_loop3A_106, %parallel_loop3A_110 : vector<16xf32>
      %parallel_loop3A_112 = arith.constant 8 : i32
      %parallel_loop3A_113 = arith.index_cast %parallel_loop3A_112 : i32 to index
      %parallel_loop3A_114 = arith.index_cast %parallel_loop3A_72 : i32 to index
      %parallel_loop3A_115 = tpu.vector_load %arg13[%parallel_loop3A_113, %parallel_loop3A_114] {strides = array<i32>} : memref<16x640xf32, #tpu.memory_space<vmem>>, vector<16xf32>,
      %parallel_loop3A_116 = arith.addf %parallel_loop3A_111, %parallel_loop3A_115 : vector<16xf32>
      %parallel_loop3A_117 = arith.constant 9 : i32
      %parallel_loop3A_118 = arith.index_cast %parallel_loop3A_117 : i32 to index
      %parallel_loop3A_119 = arith.index_cast %parallel_loop3A_72 : i32 to index
      %parallel_loop3A_120 = tpu.vector_load %arg13[%parallel_loop3A_118, %parallel_loop3A_119] {strides = array<i32>} : memref<16x640xf32, #tpu.memory_space<vmem>>, vector<16xf32>,
      %parallel_loop3A_121 = arith.addf %parallel_loop3A_116, %parallel_loop3A_120 : vector<16xf32>
      %parallel_loop3A_122 = arith.constant 10 : i32
      %parallel_loop3A_123 = arith.index_cast %parallel_loop3A_122 : i32 to index
      %parallel_loop3A_124 = arith.index_cast %parallel_loop3A_72 : i32 to index
      %parallel_loop3A_125 = tpu.vector_load %arg13[%parallel_loop3A_123, %parallel_loop3A_124] {strides = array<i32>} : memref<16x640xf32, #tpu.memory_space<vmem>>, vector<16xf32>,
      %parallel_loop3A_126 = arith.addf %parallel_loop3A_121, %parallel_loop3A_125 : vector<16xf32>
      %parallel_loop3A_127 = arith.constant 11 : i32
      %parallel_loop3A_128 = arith.index_cast %parallel_loop3A_127 : i32 to index
      %parallel_loop3A_129 = arith.index_cast %parallel_loop3A_72 : i32 to index
      %parallel_loop3A_130 = tpu.vector_load %arg13[%parallel_loop3A_128, %parallel_loop3A_129] {strides = array<i32>} : memref<16x640xf32, #tpu.memory_space<vmem>>, vector<16xf32>,
      %parallel_loop3A_131 = arith.addf %parallel_loop3A_126, %parallel_loop3A_130 : vector<16xf32>
      %parallel_loop3A_132 = arith.constant 12 : i32
      %parallel_loop3A_133 = arith.index_cast %parallel_loop3A_132 : i32 to index
      %parallel_loop3A_134 = arith.index_cast %parallel_loop3A_72 : i32 to index
      %parallel_loop3A_135 = tpu.vector_load %arg13[%parallel_loop3A_133, %parallel_loop3A_134] {strides = array<i32>} : memref<16x640xf32, #tpu.memory_space<vmem>>, vector<16xf32>,
      %parallel_loop3A_136 = arith.addf %parallel_loop3A_131, %parallel_loop3A_135 : vector<16xf32>
      %parallel_loop3A_137 = arith.constant 13 : i32
      %parallel_loop3A_138 = arith.index_cast %parallel_loop3A_137 : i32 to index
      %parallel_loop3A_139 = arith.index_cast %parallel_loop3A_72 : i32 to index
      %parallel_loop3A_140 = tpu.vector_load %arg13[%parallel_loop3A_138, %parallel_loop3A_139] {strides = array<i32>} : memref<16x640xf32, #tpu.memory_space<vmem>>, vector<16xf32>,
      %parallel_loop3A_141 = arith.addf %parallel_loop3A_136, %parallel_loop3A_140 : vector<16xf32>
      %parallel_loop3A_142 = arith.constant 14 : i32
      %parallel_loop3A_143 = arith.index_cast %parallel_loop3A_142 : i32 to index
      %parallel_loop3A_144 = arith.index_cast %parallel_loop3A_72 : i32 to index
      %parallel_loop3A_145 = tpu.vector_load %arg13[%parallel_loop3A_143, %parallel_loop3A_144] {strides = array<i32>} : memref<16x640xf32, #tpu.memory_space<vmem>>, vector<16xf32>,
      %parallel_loop3A_146 = arith.addf %parallel_loop3A_141, %parallel_loop3A_145 : vector<16xf32>
      %parallel_loop3A_147 = arith.constant 15 : i32
      %parallel_loop3A_148 = arith.index_cast %parallel_loop3A_147 : i32 to index
      %parallel_loop3A_149 = arith.index_cast %parallel_loop3A_72 : i32 to index
      %parallel_loop3A_150 = tpu.vector_load %arg13[%parallel_loop3A_148, %parallel_loop3A_149] {strides = array<i32>} : memref<16x640xf32, #tpu.memory_space<vmem>>, vector<16xf32>,
      %parallel_loop3A_151 = arith.addf %parallel_loop3A_146, %parallel_loop3A_150 : vector<16xf32>
      %parallel_loop3A_152 = arith.index_cast %parallel_loop3A_72 : i32 to index
      %parallel_loop3A_153 = tpu.vector_load %arg11[%parallel_loop3A_152] {strides = array<i32>} : memref<640xf32, #tpu.memory_space<vmem>>, vector<16xf32>,
      %parallel_loop3A_154 = arith.addf %parallel_loop3A_153, %parallel_loop3A_151 : vector<16xf32>
      %parallel_loop3A_155 = arith.index_cast %parallel_loop3A_72 : i32 to index
      %parallel_loop3A_156 = tpu.vector_load %arg14[%parallel_loop3A_155] {strides = array<i32>} : memref<640xf32, #tpu.memory_space<vmem>>, vector<16xf32>,
      tpu.vector_store %arg14[%parallel_loop3A_155], %parallel_loop3A_154 {strides = array<i32>} : memref<640xf32, #tpu.memory_space<vmem>>, vector<16xf32>,
    } {sc.loop_unroll_factor = 2 : i64, sc.parallel_access}
    %parallel_loop3A_67 = arith.constant 0 : i32
    %parallel_loop3A_68 = arith.constant 640 : i32
    %parallel_loop3A_69 = arith.constant 16 : i32
    scf.for %parallel_loop3A_72 = %parallel_loop3A_67 to %parallel_loop3A_68 step %parallel_loop3A_69  : i32 {
      %parallel_loop3A_73 = arith.index_cast %parallel_loop3A_72 : i32 to index
      %parallel_loop3A_74 = tpu.vector_load %arg14[%parallel_loop3A_73] {strides = array<i32>} : memref<640xf32, #tpu.memory_space<vmem>>, vector<16xf32>,
      %parallel_loop3A_75 = arith.constant 0.000000e+00 : f32
      %parallel_loop3A_76 = vector.broadcast %parallel_loop3A_75 : f32 to vector<16xf32>
      %parallel_loop3A_77 = arith.subf %parallel_loop3A_76, %parallel_loop3A_74 : vector<16xf32>
      %parallel_loop3A_78 = arith.constant 0.000000e+00 : f32
      %parallel_loop3A_79 = vector.broadcast %parallel_loop3A_78 : f32 to vector<16xf32>
      %parallel_loop3A_80 = arith.maximumf %parallel_loop3A_77, %parallel_loop3A_79 : vector<16xf32>
      %parallel_loop3A_81 = arith.constant 0.000000e+00 : f32
      %parallel_loop3A_82 = vector.broadcast %parallel_loop3A_81 : f32 to vector<16xf32>
      %parallel_loop3A_83 = arith.minimumf %parallel_loop3A_77, %parallel_loop3A_82 : vector<16xf32>
      %parallel_loop3A_84 = arith.subf %parallel_loop3A_83, %parallel_loop3A_80 : vector<16xf32>
      %parallel_loop3A_85 = math.exp %parallel_loop3A_84 : vector<16xf32>
      %parallel_loop3A_86 = arith.constant 0.00198669662 : f32
      %parallel_loop3A_87 = vector.broadcast %parallel_loop3A_86 : f32 to vector<16xf32>
      %parallel_loop3A_88 = arith.mulf %parallel_loop3A_87, %parallel_loop3A_85 : vector<16xf32>
      %parallel_loop3A_89 = arith.constant -0.0131878266 : f32
      %parallel_loop3A_90 = vector.broadcast %parallel_loop3A_89 : f32 to vector<16xf32>
      %parallel_loop3A_91 = arith.addf %parallel_loop3A_88, %parallel_loop3A_90 : vector<16xf32>
      %parallel_loop3A_92 = arith.mulf %parallel_loop3A_91, %parallel_loop3A_85 : vector<16xf32>
      %parallel_loop3A_93 = arith.constant 0.0410065725 : f32
      %parallel_loop3A_94 = vector.broadcast %parallel_loop3A_93 : f32 to vector<16xf32>
      %parallel_loop3A_95 = arith.addf %parallel_loop3A_92, %parallel_loop3A_94 : vector<16xf32>
      %parallel_loop3A_96 = arith.mulf %parallel_loop3A_95, %parallel_loop3A_85 : vector<16xf32>
      %parallel_loop3A_97 = arith.constant -0.0818804055 : f32
      %parallel_loop3A_98 = vector.broadcast %parallel_loop3A_97 : f32 to vector<16xf32>
      %parallel_loop3A_99 = arith.addf %parallel_loop3A_96, %parallel_loop3A_98 : vector<16xf32>
      %parallel_loop3A_100 = arith.mulf %parallel_loop3A_99, %parallel_loop3A_85 : vector<16xf32>
      %parallel_loop3A_101 = arith.constant 0.12377996 : f32
      %parallel_loop3A_102 = vector.broadcast %parallel_loop3A_101 : f32 to vector<16xf32>
      %parallel_loop3A_103 = arith.addf %parallel_loop3A_100, %parallel_loop3A_102 : vector<16xf32>
      %parallel_loop3A_104 = arith.mulf %parallel_loop3A_103, %parallel_loop3A_85 : vector<16xf32>
      %parallel_loop3A_105 = arith.constant -0.160876229 : f32
      %parallel_loop3A_106 = vector.broadcast %parallel_loop3A_105 : f32 to vector<16xf32>
      %parallel_loop3A_107 = arith.addf %parallel_loop3A_104, %parallel_loop3A_106 : vector<16xf32>
      %parallel_loop3A_108 = arith.mulf %parallel_loop3A_107, %parallel_loop3A_85 : vector<16xf32>
      %parallel_loop3A_109 = arith.constant 0.198858202 : f32
      %parallel_loop3A_110 = vector.broadcast %parallel_loop3A_109 : f32 to vector<16xf32>
      %parallel_loop3A_111 = arith.addf %parallel_loop3A_108, %parallel_loop3A_110 : vector<16xf32>
      %parallel_loop3A_112 = arith.mulf %parallel_loop3A_111, %parallel_loop3A_85 : vector<16xf32>
      %parallel_loop3A_113 = arith.constant -0.249864966 : f32
      %parallel_loop3A_114 = vector.broadcast %parallel_loop3A_113 : f32 to vector<16xf32>
      %parallel_loop3A_115 = arith.addf %parallel_loop3A_112, %parallel_loop3A_114 : vector<16xf32>
      %parallel_loop3A_116 = arith.mulf %parallel_loop3A_115, %parallel_loop3A_85 : vector<16xf32>
      %parallel_loop3A_117 = arith.constant 0.333324969 : f32
      %parallel_loop3A_118 = vector.broadcast %parallel_loop3A_117 : f32 to vector<16xf32>
      %parallel_loop3A_119 = arith.addf %parallel_loop3A_116, %parallel_loop3A_118 : vector<16xf32>
      %parallel_loop3A_120 = arith.mulf %parallel_loop3A_119, %parallel_loop3A_85 : vector<16xf32>
      %parallel_loop3A_121 = arith.constant -0.499999791 : f32
      %parallel_loop3A_122 = vector.broadcast %parallel_loop3A_121 : f32 to vector<16xf32>
      %parallel_loop3A_123 = arith.addf %parallel_loop3A_120, %parallel_loop3A_122 : vector<16xf32>
      %parallel_loop3A_124 = arith.mulf %parallel_loop3A_123, %parallel_loop3A_85 : vector<16xf32>
      %parallel_loop3A_125 = arith.constant 1.000000e+00 : f32
      %parallel_loop3A_126 = vector.broadcast %parallel_loop3A_125 : f32 to vector<16xf32>
      %parallel_loop3A_127 = arith.addf %parallel_loop3A_124, %parallel_loop3A_126 : vector<16xf32>
      %parallel_loop3A_128 = arith.mulf %parallel_loop3A_85, %parallel_loop3A_127 : vector<16xf32>
      %parallel_loop3A_129 = arith.addf %parallel_loop3A_80, %parallel_loop3A_128 : vector<16xf32>
      %parallel_loop3A_130 = arith.constant 0.000000e+00 : f32
      %parallel_loop3A_131 = vector.broadcast %parallel_loop3A_130 : f32 to vector<16xf32>
      %parallel_loop3A_132 = arith.subf %parallel_loop3A_131, %parallel_loop3A_129 : vector<16xf32>
      %parallel_loop3A_133 = arith.index_cast %parallel_loop3A_72 : i32 to index
      %parallel_loop3A_134 = tpu.vector_load %arg15[%parallel_loop3A_133] {strides = array<i32>} : memref<640xf32, #tpu.memory_space<vmem>>, vector<16xf32>,
      tpu.vector_store %arg15[%parallel_loop3A_133], %parallel_loop3A_132 {strides = array<i32>} : memref<640xf32, #tpu.memory_space<vmem>>, vector<16xf32>,
      %parallel_loop3A_135 = arith.constant 0.000000e+00 : f32
      %parallel_loop3A_136 = vector.broadcast %parallel_loop3A_135 : f32 to vector<16xf32>
      %parallel_loop3A_137 = arith.maximumf %parallel_loop3A_74, %parallel_loop3A_136 : vector<16xf32>
      %parallel_loop3A_138 = arith.constant 0.000000e+00 : f32
      %parallel_loop3A_139 = vector.broadcast %parallel_loop3A_138 : f32 to vector<16xf32>
      %parallel_loop3A_140 = arith.minimumf %parallel_loop3A_74, %parallel_loop3A_139 : vector<16xf32>
      %parallel_loop3A_141 = arith.subf %parallel_loop3A_140, %parallel_loop3A_137 : vector<16xf32>
      %parallel_loop3A_142 = math.exp %parallel_loop3A_141 : vector<16xf32>
      %parallel_loop3A_143 = arith.constant 0.00198669662 : f32
      %parallel_loop3A_144 = vector.broadcast %parallel_loop3A_143 : f32 to vector<16xf32>
      %parallel_loop3A_145 = arith.mulf %parallel_loop3A_144, %parallel_loop3A_142 : vector<16xf32>
      %parallel_loop3A_146 = arith.constant -0.0131878266 : f32
      %parallel_loop3A_147 = vector.broadcast %parallel_loop3A_146 : f32 to vector<16xf32>
      %parallel_loop3A_148 = arith.addf %parallel_loop3A_145, %parallel_loop3A_147 : vector<16xf32>
      %parallel_loop3A_149 = arith.mulf %parallel_loop3A_148, %parallel_loop3A_142 : vector<16xf32>
      %parallel_loop3A_150 = arith.constant 0.0410065725 : f32
      %parallel_loop3A_151 = vector.broadcast %parallel_loop3A_150 : f32 to vector<16xf32>
      %parallel_loop3A_152 = arith.addf %parallel_loop3A_149, %parallel_loop3A_151 : vector<16xf32>
      %parallel_loop3A_153 = arith.mulf %parallel_loop3A_152, %parallel_loop3A_142 : vector<16xf32>
      %parallel_loop3A_154 = arith.constant -0.0818804055 : f32
      %parallel_loop3A_155 = vector.broadcast %parallel_loop3A_154 : f32 to vector<16xf32>
      %parallel_loop3A_156 = arith.addf %parallel_loop3A_153, %parallel_loop3A_155 : vector<16xf32>
      %parallel_loop3A_157 = arith.mulf %parallel_loop3A_156, %parallel_loop3A_142 : vector<16xf32>
      %parallel_loop3A_158 = arith.constant 0.12377996 : f32
      %parallel_loop3A_159 = vector.broadcast %parallel_loop3A_158 : f32 to vector<16xf32>
      %parallel_loop3A_160 = arith.addf %parallel_loop3A_157, %parallel_loop3A_159 : vector<16xf32>
      %parallel_loop3A_161 = arith.mulf %parallel_loop3A_160, %parallel_loop3A_142 : vector<16xf32>
      %parallel_loop3A_162 = arith.constant -0.160876229 : f32
      %parallel_loop3A_163 = vector.broadcast %parallel_loop3A_162 : f32 to vector<16xf32>
      %parallel_loop3A_164 = arith.addf %parallel_loop3A_161, %parallel_loop3A_163 : vector<16xf32>
      %parallel_loop3A_165 = arith.mulf %parallel_loop3A_164, %parallel_loop3A_142 : vector<16xf32>
      %parallel_loop3A_166 = arith.constant 0.198858202 : f32
      %parallel_loop3A_167 = vector.broadcast %parallel_loop3A_166 : f32 to vector<16xf32>
      %parallel_loop3A_168 = arith.addf %parallel_loop3A_165, %parallel_loop3A_167 : vector<16xf32>
      %parallel_loop3A_169 = arith.mulf %parallel_loop3A_168, %parallel_loop3A_142 : vector<16xf32>
      %parallel_loop3A_170 = arith.constant -0.249864966 : f32
      %parallel_loop3A_171 = vector.broadcast %parallel_loop3A_170 : f32 to vector<16xf32>
      %parallel_loop3A_172 = arith.addf %parallel_loop3A_169, %parallel_loop3A_171 : vector<16xf32>
      %parallel_loop3A_173 = arith.mulf %parallel_loop3A_172, %parallel_loop3A_142 : vector<16xf32>
      %parallel_loop3A_174 = arith.constant 0.333324969 : f32
      %parallel_loop3A_175 = vector.broadcast %parallel_loop3A_174 : f32 to vector<16xf32>
      %parallel_loop3A_176 = arith.addf %parallel_loop3A_173, %parallel_loop3A_175 : vector<16xf32>
      %parallel_loop3A_177 = arith.mulf %parallel_loop3A_176, %parallel_loop3A_142 : vector<16xf32>
      %parallel_loop3A_178 = arith.constant -0.499999791 : f32
      %parallel_loop3A_179 = vector.broadcast %parallel_loop3A_178 : f32 to vector<16xf32>
      %parallel_loop3A_180 = arith.addf %parallel_loop3A_177, %parallel_loop3A_179 : vector<16xf32>
      %parallel_loop3A_181 = arith.mulf %parallel_loop3A_180, %parallel_loop3A_142 : vector<16xf32>
      %parallel_loop3A_182 = arith.constant 1.000000e+00 : f32
      %parallel_loop3A_183 = vector.broadcast %parallel_loop3A_182 : f32 to vector<16xf32>
      %parallel_loop3A_184 = arith.addf %parallel_loop3A_181, %parallel_loop3A_183 : vector<16xf32>
      %parallel_loop3A_185 = arith.mulf %parallel_loop3A_142, %parallel_loop3A_184 : vector<16xf32>
      %parallel_loop3A_186 = arith.addf %parallel_loop3A_137, %parallel_loop3A_185 : vector<16xf32>
      %parallel_loop3A_187 = arith.constant 0.000000e+00 : f32
      %parallel_loop3A_188 = vector.broadcast %parallel_loop3A_187 : f32 to vector<16xf32>
      %parallel_loop3A_189 = arith.subf %parallel_loop3A_188, %parallel_loop3A_186 : vector<16xf32>
      %parallel_loop3A_190 = arith.index_cast %parallel_loop3A_72 : i32 to index
      %parallel_loop3A_191 = tpu.vector_load %arg16[%parallel_loop3A_190] {strides = array<i32>} : memref<640xf32, #tpu.memory_space<vmem>>, vector<16xf32>,
      tpu.vector_store %arg16[%parallel_loop3A_190], %parallel_loop3A_189 {strides = array<i32>} : memref<640xf32, #tpu.memory_space<vmem>>, vector<16xf32>,
    } {sc.loop_unroll_factor = 2 : i64, sc.parallel_access}
    %eq3A = arith.constant 0 : i32
    %eq3A_70 = arith.cmpi eq, %arg0, %eq3A : i32
    %convert_element_type3A = arith.extui %eq3A_70 : i1 to i32
    %cond3A = arith.constant 0 : i32
    %cond3A_71 = arith.cmpi ne, %convert_element_type3A, %cond3A : i32
    scf.if %cond3A_71 {
      "tpu.region"() ({
        %run_scoped3A = tpu.sem_alloc : memref<!tpu.dma_semaphore, #tpu.memory_space<semaphore_mem>>
        %dma_start3A = tpu.memref_slice %arg5[%mul3A_2] : memref<10240xf32, #tpu.memory_space<hbm>> -> memref<640xf32, #tpu.memory_space<hbm>>
        %dma_start3A_72 = tpu.memref_slice %arg5[%mul3A_2] : memref<10240xf32, #tpu.memory_space<hbm>> -> memref<640xf32, #tpu.memory_space<hbm>>
        tpu.enqueue_dma source(%arg15 : memref<640xf32, #tpu.memory_space<vmem>>) target(%dma_start3A_72 : memref<640xf32, #tpu.memory_space<hbm>>) target_semaphore(%run_scoped3A : memref<!tpu.dma_semaphore, #tpu.memory_space<semaphore_mem>>)
        %dma_wait3A = tpu.memref_slice %arg5[%mul3A_2] : memref<10240xf32, #tpu.memory_space<hbm>> -> memref<640xf32, #tpu.memory_space<hbm>>
        %dma_wait3A_73 = tpu.memref_slice %arg5[%mul3A_2] : memref<10240xf32, #tpu.memory_space<hbm>> -> memref<640xf32, #tpu.memory_space<hbm>>
        tpu.wait_dma2 semaphore(%run_scoped3A : memref<!tpu.dma_semaphore, #tpu.memory_space<semaphore_mem>>) src(%arg15 : memref<640xf32, #tpu.memory_space<vmem>>) dst(%dma_wait3A_73 : memref<640xf32, #tpu.memory_space<hbm>>)
        tpu.yield
      }) : () -> ()
      "tpu.region"() ({
        %run_scoped3A = tpu.sem_alloc : memref<!tpu.dma_semaphore, #tpu.memory_space<semaphore_mem>>
        %dma_start3A = tpu.memref_slice %arg6[%mul3A_2] : memref<10240xf32, #tpu.memory_space<hbm>> -> memref<640xf32, #tpu.memory_space<hbm>>
        %dma_start3A_72 = tpu.memref_slice %arg6[%mul3A_2] : memref<10240xf32, #tpu.memory_space<hbm>> -> memref<640xf32, #tpu.memory_space<hbm>>
        tpu.enqueue_dma source(%arg16 : memref<640xf32, #tpu.memory_space<vmem>>) target(%dma_start3A_72 : memref<640xf32, #tpu.memory_space<hbm>>) target_semaphore(%run_scoped3A : memref<!tpu.dma_semaphore, #tpu.memory_space<semaphore_mem>>)
        %dma_wait3A = tpu.memref_slice %arg6[%mul3A_2] : memref<10240xf32, #tpu.memory_space<hbm>> -> memref<640xf32, #tpu.memory_space<hbm>>
        %dma_wait3A_73 = tpu.memref_slice %arg6[%mul3A_2] : memref<10240xf32, #tpu.memory_space<hbm>> -> memref<640xf32, #tpu.memory_space<hbm>>
        tpu.wait_dma2 semaphore(%run_scoped3A : memref<!tpu.dma_semaphore, #tpu.memory_space<semaphore_mem>>) src(%arg16 : memref<640xf32, #tpu.memory_space<vmem>>) dst(%dma_wait3A_73 : memref<640xf32, #tpu.memory_space<hbm>>)
        tpu.yield
      }) : () -> ()
    } else {
    }
    return
  }
}

module attributes {stable_mosaic.version = 14 : i64} {
  func.func @_mlp_block(%arg0: i32, %arg1: memref<1000x128xf32, #tpu.memory_space<vmem>>, %arg2: memref<128x256xf32, #tpu.memory_space<vmem>>, %arg3: memref<1x256xf32, #tpu.memory_space<vmem>>, %arg4: memref<256x256xf32, #tpu.memory_space<vmem>>, %arg5: memref<1x256xf32, #tpu.memory_space<vmem>>, %arg6: memref<256x256xf32, #tpu.memory_space<vmem>>, %arg7: memref<1x256xf32, #tpu.memory_space<vmem>>, %arg8: memref<256x2xf32, #tpu.memory_space<vmem>>, %arg9: memref<1x2xf32, #tpu.memory_space<vmem>>, %arg10: memref<1000x1xf32, #tpu.memory_space<vmem>>) attributes {dimension_semantics = [#tpu.dimension_semantics<arbitrary>], iteration_bounds = array<i64: 10>, scalar_prefetch = 0 : i64, scratch_operands = 0 : i64, tpu.core_type = #tpu.core_type<tc>, window_params = [{transform_indices = @transform_0, window_bounds = array<i64: 1000, 128>}, {pipeline_mode = #tpu.pipeline_mode<synchronous>, transform_indices = @transform_1, window_bounds = array<i64: 128, 256>}, {pipeline_mode = #tpu.pipeline_mode<synchronous>, transform_indices = @transform_2, window_bounds = array<i64: 1, 256>}, {pipeline_mode = #tpu.pipeline_mode<synchronous>, transform_indices = @transform_3, window_bounds = array<i64: 256, 256>}, {pipeline_mode = #tpu.pipeline_mode<synchronous>, transform_indices = @transform_4, window_bounds = array<i64: 1, 256>}, {pipeline_mode = #tpu.pipeline_mode<synchronous>, transform_indices = @transform_5, window_bounds = array<i64: 256, 256>}, {pipeline_mode = #tpu.pipeline_mode<synchronous>, transform_indices = @transform_6, window_bounds = array<i64: 1, 256>}, {pipeline_mode = #tpu.pipeline_mode<synchronous>, transform_indices = @transform_7, window_bounds = array<i64: 256, 2>}, {pipeline_mode = #tpu.pipeline_mode<synchronous>, transform_indices = @transform_8, window_bounds = array<i64: 1, 2>}, {transform_indices = @transform_9, window_bounds = array<i64: 1000, 1>}]} {
    %get3A = arith.constant 0 : index
    %get3A_0 = arith.constant 0 : index
    %get3A_1 = vector.load %arg1[%get3A, %get3A_0] : memref<1000x128xf32, #tpu.memory_space<vmem>>, vector<1000x128xf32>
    %get3A_2 = arith.constant 0 : index
    %get3A_3 = arith.constant 0 : index
    %get3A_4 = vector.load %arg2[%get3A_2, %get3A_3] : memref<128x256xf32, #tpu.memory_space<vmem>>, vector<128x256xf32>
    %dot_general3A = arith.constant dense<0.000000e+00> : vector<1000x256xf32>
    %dot_general3A_5 = tpu.matmul %get3A_1, %get3A_4, %dot_general3A {dimension_numbers = #tpu.dot_dimension_numbers<[1], [0], [0], [1], [0, 0, 1, 1], [], []>, transpose_lhs_hint = false} : vector<1000x128xf32>, vector<128x256xf32>, vector<1000x256xf32> -> vector<1000x256xf32>
    %get3A_6 = arith.constant 0 : index
    %get3A_7 = arith.constant 0 : index
    %get3A_8 = vector.load %arg3[%get3A_6, %get3A_7] : memref<1x256xf32, #tpu.memory_space<vmem>>, vector<1x256xf32>
    %add3A = vector.broadcast %get3A_8 : vector<1x256xf32> to vector<1000x256xf32>
    %add3A_9 = arith.addf %dot_general3A_5, %add3A : vector<1000x256xf32>
    %get3A_10 = arith.constant 0 : index
    %get3A_11 = arith.constant 0 : index
    %get3A_12 = vector.load %arg4[%get3A_10, %get3A_11] : memref<256x256xf32, #tpu.memory_space<vmem>>, vector<256x256xf32>
    %dot_general3A_13 = arith.constant dense<0.000000e+00> : vector<1000x256xf32>
    %dot_general3A_14 = tpu.matmul %add3A_9, %get3A_12, %dot_general3A_13 {dimension_numbers = #tpu.dot_dimension_numbers<[1], [0], [0], [1], [0, 0, 1, 1], [], []>, transpose_lhs_hint = false} : vector<1000x256xf32>, vector<256x256xf32>, vector<1000x256xf32> -> vector<1000x256xf32>
    %get3A_15 = arith.constant 0 : index
    %get3A_16 = arith.constant 0 : index
    %get3A_17 = vector.load %arg5[%get3A_15, %get3A_16] : memref<1x256xf32, #tpu.memory_space<vmem>>, vector<1x256xf32>
    %add3A_18 = vector.broadcast %get3A_17 : vector<1x256xf32> to vector<1000x256xf32>
    %add3A_19 = arith.addf %dot_general3A_14, %add3A_18 : vector<1000x256xf32>
    %get3A_20 = arith.constant 0 : index
    %get3A_21 = arith.constant 0 : index
    %get3A_22 = vector.load %arg6[%get3A_20, %get3A_21] : memref<256x256xf32, #tpu.memory_space<vmem>>, vector<256x256xf32>
    %dot_general3A_23 = arith.constant dense<0.000000e+00> : vector<1000x256xf32>
    %dot_general3A_24 = tpu.matmul %add3A_19, %get3A_22, %dot_general3A_23 {dimension_numbers = #tpu.dot_dimension_numbers<[1], [0], [0], [1], [0, 0, 1, 1], [], []>, transpose_lhs_hint = false} : vector<1000x256xf32>, vector<256x256xf32>, vector<1000x256xf32> -> vector<1000x256xf32>
    %get3A_25 = arith.constant 0 : index
    %get3A_26 = arith.constant 0 : index
    %get3A_27 = vector.load %arg7[%get3A_25, %get3A_26] : memref<1x256xf32, #tpu.memory_space<vmem>>, vector<1x256xf32>
    %add3A_28 = vector.broadcast %get3A_27 : vector<1x256xf32> to vector<1000x256xf32>
    %add3A_29 = arith.addf %dot_general3A_24, %add3A_28 : vector<1000x256xf32>
    %get3A_30 = arith.constant 0 : index
    %get3A_31 = arith.constant 0 : index
    %get3A_32 = vector.load %arg8[%get3A_30, %get3A_31] : memref<256x2xf32, #tpu.memory_space<vmem>>, vector<256x2xf32>
    %dot_general3A_33 = arith.constant dense<0.000000e+00> : vector<1000x2xf32>
    %dot_general3A_34 = tpu.matmul %add3A_29, %get3A_32, %dot_general3A_33 {dimension_numbers = #tpu.dot_dimension_numbers<[1], [0], [0], [1], [0, 0, 1, 1], [], []>, transpose_lhs_hint = false} : vector<1000x256xf32>, vector<256x2xf32>, vector<1000x2xf32> -> vector<1000x2xf32>
    %get3A_35 = arith.constant 0 : index
    %get3A_36 = arith.constant 0 : index
    %get3A_37 = vector.load %arg9[%get3A_35, %get3A_36] : memref<1x2xf32, #tpu.memory_space<vmem>>, vector<1x2xf32>
    %add3A_38 = vector.broadcast %get3A_37 : vector<1x2xf32> to vector<1000x2xf32>
    %add3A_39 = arith.addf %dot_general3A_34, %add3A_38 : vector<1000x2xf32>
    %max3A = arith.constant 0.000000e+00 : f32
    %max3A_40 = vector.broadcast %max3A : f32 to vector<1000x2xf32>
    %max3A_41 = arith.maximumf %add3A_39, %max3A_40 : vector<1000x2xf32>
    %slice3A = vector.extract_strided_slice %max3A_41 {offsets = [0, 0], sizes = [1000, 1], strides = [1, 1]} : vector<1000x2xf32> to vector<1000x1xf32>
    %slice3A_42 = vector.extract_strided_slice %max3A_41 {offsets = [0, 1], sizes = [1000, 1], strides = [1, 1]} : vector<1000x2xf32> to vector<1000x1xf32>
    %sub3A = arith.subf %slice3A, %slice3A_42 : vector<1000x1xf32>
    %swap3A = arith.constant 0 : index
    %swap3A_43 = arith.constant 0 : index
    %swap3A_44 = vector.load %arg10[%swap3A, %swap3A_43] : memref<1000x1xf32, #tpu.memory_space<vmem>>, vector<1000x1xf32>
    tpu.vector_store %arg10[%swap3A, %swap3A_43], %sub3A {strides = array<i32>} : memref<1000x1xf32, #tpu.memory_space<vmem>>, vector<1000x1xf32>,
    return
  }
  func.func @transform_0(%arg0: i32) -> (i32, i32) {
    %c0_i32 = arith.constant 0 : i32
    %c0_i32_0 = arith.constant 0 : i32
    return %arg0, %c0_i32 : i32, i32
  }
  func.func @transform_1(%arg0: i32) -> (i32, i32) {
    %c0_i32 = arith.constant 0 : i32
    %c0_i32_0 = arith.constant 0 : i32
    %c0_i32_1 = arith.constant 0 : i32
    return %c0_i32, %c0_i32_0 : i32, i32
  }
  func.func @transform_2(%arg0: i32) -> (i32, i32) {
    %c0_i32 = arith.constant 0 : i32
    %c0_i32_0 = arith.constant 0 : i32
    %c0_i32_1 = arith.constant 0 : i32
    return %c0_i32, %c0_i32_0 : i32, i32
  }
  func.func @transform_3(%arg0: i32) -> (i32, i32) {
    %c0_i32 = arith.constant 0 : i32
    %c0_i32_0 = arith.constant 0 : i32
    %c0_i32_1 = arith.constant 0 : i32
    return %c0_i32, %c0_i32_0 : i32, i32
  }
  func.func @transform_4(%arg0: i32) -> (i32, i32) {
    %c0_i32 = arith.constant 0 : i32
    %c0_i32_0 = arith.constant 0 : i32
    %c0_i32_1 = arith.constant 0 : i32
    return %c0_i32, %c0_i32_0 : i32, i32
  }
  func.func @transform_5(%arg0: i32) -> (i32, i32) {
    %c0_i32 = arith.constant 0 : i32
    %c0_i32_0 = arith.constant 0 : i32
    %c0_i32_1 = arith.constant 0 : i32
    return %c0_i32, %c0_i32_0 : i32, i32
  }
  func.func @transform_6(%arg0: i32) -> (i32, i32) {
    %c0_i32 = arith.constant 0 : i32
    %c0_i32_0 = arith.constant 0 : i32
    %c0_i32_1 = arith.constant 0 : i32
    return %c0_i32, %c0_i32_0 : i32, i32
  }
  func.func @transform_7(%arg0: i32) -> (i32, i32) {
    %c0_i32 = arith.constant 0 : i32
    %c0_i32_0 = arith.constant 0 : i32
    %c0_i32_1 = arith.constant 0 : i32
    return %c0_i32, %c0_i32_0 : i32, i32
  }
  func.func @transform_8(%arg0: i32) -> (i32, i32) {
    %c0_i32 = arith.constant 0 : i32
    %c0_i32_0 = arith.constant 0 : i32
    %c0_i32_1 = arith.constant 0 : i32
    return %c0_i32, %c0_i32_0 : i32, i32
  }
  func.func @transform_9(%arg0: i32) -> (i32, i32) {
    %c0_i32 = arith.constant 0 : i32
    %c0_i32_0 = arith.constant 0 : i32
    return %arg0, %c0_i32 : i32, i32
  }
}

</mosaic_0001>

<sc_bundles>
// kernel: kernel.4.cloned.1.call-start
scs
__scs_entry_jumppad:
0x0: {  	(pc) =	sbr.rel $0x88, $3  }
0x1: {  	(tag) =	ssettag $0x0;
	lr =	simm.s32 $0x1  }
0x2: {  	[smem:$0x3F96] =	sst lr;
	_ =	strace $0xD0000000  }
0x3: {  	_ = 	snop  }
0x4: {  	_ = 	snop  }
0x5: {  	_ = 	snop  }
0x6: {  	_ = 	snop  }
0x7: {  	_ = 	snop  }
__scs_overlays_trampoline_lowered:
0x8: {  	[smem:$0x3FA5] =	sst s0  }
0x9: {  	[smem:$0x3FA6] =	sst s1  }
0xa: {  	[smem:$0x3FA7] =	sst s2  }
0xb: {  	[smem:$0x3FA8] =	sst s3  }
0xc: {  	[smem:$0x3FA9] =	sst s4  }
0xd: {  	[smem:$0x3FAA] =	sst s5  }
0xe: {  	[smem:$0x3FAB] =	sst s6  }
0xf: {  	[smem:$0x3FAC] =	sst s7  }
0x10: {  	[smem:$0x3FAD] =	sst s8  }
0x11: {  	[smem:$0x3FAE] =	sst s9;
	s0 =	simm.s32 @!p0 $0x0  }
0x12: {  	s1 =	sld [smem:$0x3F94];
	s0 =	simm.s32 @p0 $0x1  }
0x13: {  	[smem:$0x3FAF] =	sst s0;
	s0 =	simm.s32 @!p1 $0x0  }
0x14: {  	s2 =	sld [smem:$0x3F93];
	s0 =	simm.s32 @p1 $0x1  }
0x15: {  	[smem:$0x3FB0] =	sst s0;
	s0 =	simm.s32 @!p2 $0x0  }
0x16: {  	s3 =	sld [smem:$0x3FDB];
	s0 =	simm.s32 @p2 $0x1  }
0x17: {  	s4 =	simm.s32 $0x1BF5;
	[smem:$0x3FB2] =	sst s0  }
0x18: {  	s0 =	sld [smem:$0x3F95];
	_ =	swait.ge [sflag:s4], $0x0  }
0x19: {  	s7 =	sld [smem:$0x3F96]  }
0x1a: {  	s8 =	sadd.s32 $0xFFFFE003, lr  }
0x1b: {  	s9 =	sadd.s32 $0xFFFFFEF7, lr;
	s5 =	simm.s32 $0xFFFFFFFF;
	p2 =	slt.u32 s8, $0xFFFFF086  }
0x1c: {  	p1 =	slt.u32 s9, $0xF7A;
	s5 =	simm.s32 @!p2 $0x0  }
0x1d: {  	s5 =	simm.s32 @p1 $0x1;
	p0 =	seq.s32 s7, s2  }
0x1e: {  	s7 =	smul.u32 @!p0 $0xF7A, s2;
	p2 =	seq.s32 @!p0 s5, $0x0  }
0x1f: {  	s9 =	smul.u32 $0xF7A, s1;
	s8 =	simm.s32 @!p0 $0x1BF5;
	p2 =	por !p2, p0  }
0x20: {  	[sflag:s8] =	ssyncset.s32 @!p0 $0xFFFFF086;
	s6 =	sadd.s32 @!p0 s3, s7;
	s7 =	simm.s32 @!p0 $0x108  }
0x21: {  	s3 =	sadd.s32 s3, s9;
	s6 =	sadd.s32 @!p0 $0x88, s6;
	s7 =	simm.s32 @p2 $0x1082  }
0x22: {  	[simem:s7], [sflag:s8] =	dma.local @!p0 [hbm:s6], $0xF7A  }
0x23: {  	s9 =	sor.u32 $0xD0000000, s2;
	s6 =	simm.s32 $0x108;
	_ =	swait.ge @!p0 [sflag:s8], $0x0  }
0x24: {  	s3 =	sadd.s32 $0x88, s3;
	s6 =	simm.s32 @!p1 $0x1082;
	[sflag:s4] =	ssyncset.s32 $0xFFFFF086  }
0x25: {  	[simem:s6], [sflag:s4] =	dma.local [hbm:s3], $0xF7A  }
0x26: {  	[smem:$0x3F96] =	sst s1;
	(tag) =	ssettag s2;
	_ =	strace s9  }
0x27: {  	s1 =	sld [smem:$0x3FA6]  }
0x28: {  	s2 =	sld [smem:$0x3FA7]  }
0x29: {  	s4 =	sld [smem:$0x3FA9]  }
0x2a: {  	p0 =	seq.s32 s5, $0x0;
	s5 =	sld [smem:$0x3FAA]  }
0x2b: {  	s6 =	sld [smem:$0x3FAB]  }
0x2c: {  	s7 =	sld [smem:$0x3FAC]  }
0x2d: {  	s3 =	simm.s32 $0x108;
	s8 =	sld [smem:$0x3FAD]  }
0x2e: {  	s3 =	simm.s32 @!p0 $0x1082;
	s9 =	sld [smem:$0x3FAE]  }
0x2f: {  	lr =	sadd.s32 s0, s3;
	s0 =	sld [smem:$0x3FA5]  }
0x30: {  	s3 =	sld [smem:$0x3FA8]  }
0x31: {  	[smem:$0x3FB1] =	sst s10  }
0x32: {  	s10 =	sld [smem:$0x3FAF];
	_ =	sdelay $0x3  }
0x33: {  	p0 =	seq.s32 s10, $0x1;
	s10 =	sld [smem:$0x3FB1];
	_ =	sdelay $0x3  }
0x34: {  	[smem:$0x3FB1] =	sst s10  }
0x35: {  	s10 =	sld [smem:$0x3FB0];
	_ =	sdelay $0x3  }
0x36: {  	p1 =	seq.s32 s10, $0x1;
	s10 =	sld [smem:$0x3FB1];
	_ =	sdelay $0x3  }
0x37: {  	[smem:$0x3FB1] =	sst s10  }
0x38: {  	s10 =	sld [smem:$0x3FB2]  }
0x39: {  	_ = 	snop;
	(pc) =	sbr.ind lr, $3  }
0x3a: {  	_ = 	snop  }
0x3b: {  	_ = 	snop  }
0x3c: {  	p2 =	seq.s32 s10, $0x1;
	s10 =	sld [smem:$0x3FB1]  }
0x3d: {  	_ =	shalt  }
0x3e: {  	_ =	shalt  }
0x3f: {  	_ =	shalt  }
0x40: {  	_ =	shalt  }
0x41: {  	_ =	shalt  }
0x42: {  	_ =	shalt  }
0x43: {  	_ =	shalt  }
0x44: {  	_ =	shalt  }
0x45: {  	_ =	shalt  }
0x46: {  	_ =	shalt  }
0x47: {  	_ =	shalt  }
0x48: {  	_ =	shalt  }
0x49: {  	_ =	shalt  }
0x4a: {  	_ =	shalt  }
0x4b: {  	_ =	shalt  }
0x4c: {  	_ =	shalt  }
0x4d: {  	_ =	shalt  }
0x4e: {  	_ =	shalt  }
0x4f: {  	_ =	shalt  }
0x50: {  	_ =	shalt  }
0x51: {  	_ =	shalt  }
0x52: {  	_ =	shalt  }
0x53: {  	_ =	shalt  }
0x54: {  	_ =	shalt  }
0x55: {  	_ =	shalt  }
0x56: {  	_ =	shalt  }
0x57: {  	_ =	shalt  }
0x58: {  	_ =	shalt  }
0x59: {  	_ =	shalt  }
0x5a: {  	_ =	shalt  }
0x5b: {  	_ =	shalt  }
0x5c: {  	_ =	shalt  }
0x5d: {  	_ =	shalt  }
0x5e: {  	_ =	shalt  }
0x5f: {  	_ =	shalt  }
0x60: {  	_ =	shalt  }
0x61: {  	_ =	shalt  }
0x62: {  	_ =	shalt  }
0x63: {  	_ =	shalt  }
0x64: {  	_ =	shalt  }
0x65: {  	_ =	shalt  }
0x66: {  	_ =	shalt  }
0x67: {  	_ =	shalt  }
0x68: {  	_ =	shalt  }
0x69: {  	_ =	shalt  }
0x6a: {  	_ =	shalt  }
0x6b: {  	_ =	shalt  }
0x6c: {  	_ =	shalt  }
0x6d: {  	_ =	shalt  }
0x6e: {  	_ =	shalt  }
0x6f: {  	_ =	shalt  }
0x70: {  	_ =	shalt  }
0x71: {  	_ =	shalt  }
0x72: {  	_ =	shalt  }
0x73: {  	_ =	shalt  }
0x74: {  	_ =	shalt  }
0x75: {  	_ =	shalt  }
0x76: {  	_ =	shalt  }
0x77: {  	_ =	shalt  }
0x78: {  	_ =	shalt  }
0x79: {  	_ =	shalt  }
0x7a: {  	_ =	shalt  }
0x7b: {  	_ =	shalt  }
0x7c: {  	_ =	shalt  }
0x7d: {  	_ =	shalt  }
0x7e: {  	_ =	shalt  }
0x7f: {  	_ =	shalt  }
0x80: {  	_ =	shalt  }
0x81: {  	_ =	shalt  }
0x82: {  	_ =	shalt  }
0x83: {  	_ =	shalt  }
0x84: {  	_ =	shalt  }
0x85: {  	_ =	shalt  }
0x86: {  	_ =	shalt  }
0x87: {  	_ =	shalt  }
.Lfunc_end0:
.L_simem_size_0:
called_computation_lowered:
.L_overlay_start_0:
0x88: {  	s2 =	sld [smem:$0x3FD9]  }
0x89: {  	s3 =	sld [smem:$0x3FFE];
	_ =	sdelay $0x1  }
0x8a: {  	s1 =	srdreg.scid  }
0x8b: {  	s0 =	sand.u32 $0x1, s1  }
0x8c: {  	s17 =	sshll.u32 s0, $0xA;
	s2 =	sadd.s32 s3, s2  }
0x8d: {  	s2 =	sadd.s32 s2, s17  }
0x8e: {  	[smem:$0x3FBD] =	sst s2  }
0x8f: {  	_ = 	snop  }
0x90: {  	s2 =	sld [smem:$0x3FD0];
	(tm) =	ssettm $0x1  }
0x91: {  	s18 =	sld [smem:$0x3FFB];
	_ =	sdelay $0x3  }
0x92: {  	_ =	strace s18  }
0x93: {  	s3 =	sld [smem:$0x3FFC];
	_ =	sdelay $0x3  }
0x94: {  	_ =	strace s3  }
0x95: {  	s3 =	sld [smem:$0x3FFD];
	_ =	sdelay $0x3  }
0x96: {  	_ =	strace s3  }
0x97: {  	_ =	strace $0x8FFFFFFF  }
0x98: {  	s19 =	sld [smem:$0x3FDB];
	_ =	sdelay $0x1  }
0x99: {  	s4 =	simm.s32 $_scs_section_size  }
0x9a: {  	s5 =	simm.s32 $_size__tile_overlayer_lowered;
	s6 =	simm.s32 $_tile_overlayer_lowered  }
0x9b: {  	s22 =	simm.s32 $0x1BFF;
	s21 =	sshll.u32 s6, $0x1;
	s3 =	sadd.s32 s4, s19  }
0x9c: {  	s7 =	simm.s32 $0x0;
	s20 =	sshll.u32 s5, $0x1;
	s5 =	sadd.s32 s21, s3  }
0x9d: {  	[timem:s7], [sflag:s22] =	dma.local [hbm:s5], s20  }
0x9e: {  	_ =	swait.ge [sflag:s22], s20  }
0x9f: {  	s4 =	ssub.s32 $0x0, s20;
	[sflag:s22] =	ssyncset.done $0x0  }
0xa0: {  	[sflag:s22] =	ssyncadd.s32 s4;
	_ =	sdelay $0x1  }
0xa1: {  	s23 =	simm.s32 $0x1B8B  }
0xa2: {  	_ =	swait.ge [sflag:s23], $0x1  }
0xa3: {  	[sflag:s23] =	ssyncset.done $0x0  }
0xa4: {  	s25 =	simm.s32 $0x1B8E;
	s24 =	sld [smem:$0x3FFE];
	[sflag:s23] =	ssyncadd.s32 $0xFFFFFFFF  }
0xa5: {  	s26 =	simm.s32 $execute0_lowered;
	[smem:$0x3FD2] =	sst s25  }
0xa6: {  	s5 =	sshll.u32 s26, $0x1;
	_ =	strace $0x80000046;
	[dreg:$0x1] =	wrdreg $0xFFFFFFFF  }
0xa7: {  	s28 =	simm.s32 $_size_execute0_lowered;
	s3 =	sadd.s32 s3, s5;
	[dreg:$0x0] =	wrdreg $0x0  }
0xa8: {  	s5 =	sshll.u32 s28, $0x1;
	[dreg:$0x2] =	wrdreg s3  }
0xa9: {  	[dreg:$0x3] =	wrdreg s5  }
0xaa: {  	[dreg:$0x4] =	wrdreg $0xC0  }
0xab: {  	_ =	task [dreg:s7], $0x5FFFF  }
0xac: {  	[dreg:$0x1] =	wrdreg $0xFFFFFFFF  }
0xad: {  	[dreg:$0x0] =	wrdreg $0x60  }
0xae: {  	[dreg:$0x2] =	wrdreg s24  }
0xaf: {  	[dreg:$0x3] =	wrdreg s2  }
0xb0: {  	[dreg:$0x4] =	wrdreg $0x121000  }
0xb1: {  	[dreg:$0x5] =	wrdreg $0x149000  }
0xb2: {  	[dreg:$0x6] =	wrdreg $0x9  }
0xb3: {  	_ =	task.clear_ibuf [dreg:s7], $0x7FFFF;
	_ =	strace $0x90000046  }
0xb4: {  	s29 =	simm.s32 $0x9;
	_ =	strace $0x80000048  }
0xb5: {  	_ =	swait.ge [sflag:s29], $0x1  }
0xb6: {  	[sflag:s29] =	ssyncadd.s32 $0xFFFFFFFF  }
0xb7: {  	_ =	strace $0x90000048  }
0xb8: {  	_ =	sfence  }
0xb9: {  	s30 =	sld [smem:$0x0];
	_ =	sdelay $0x2  }
0xba: {  	s31 =	sshll.u32 s1, $0xD;
	s1 =	sshrl.u32 s1, $0x2  }
0xbb: {  	s3 =	sand.u32 $0x4000, s31;
	s1 =	sadd.s32 s1, s30  }
0xbc: {  	s0 =	sor.u32 s3, s0;
	s1 =	sshll.u32 s1, $0x11  }
0xbd: {  	s0 =	sor.u32 s1, s0  }
0xbe: {  	s0 =	sadd.s32 $0x8F2B, s0  }
0xbf: {  	[sflag:s0] =	ssyncadd.remote.s32 $0x1  }
0xc0: {  	_ =	sfence.sel $0xFFFF  }
0xc1: {  	[dreg:$0x0] =	wrdreg $0xFFFFFFFF;
	(pc) =	sbr.abs _section_cstart, $3  }
0xc2: {  	[dreg:$0x1] =	wrdreg $0xFFFFFFFF  }
0xc3: {  	_ =	task.clear_ibuf [dreg:s7], $0x2FFFF;
	_ =	strace $0x9FFFFFFF  }
0xc4: {  	(tm) =	ssettm $0x7FFFFFFF  }
0xc5: {  	_ =	shalt  }
tec
execute0_lowered:
.L_overlay_start_1:
0x0: {  	(tag) =	ssettag $0x1  }
0x1: {  	s0 =	rddreg [dreg:$0x0]  }
0x2: {  	s1 =	rddreg [dreg:$0x1]  }
0x3: {  	s2 =	rddreg [dreg:$0x2]  }
0x4: {  	s3 =	rddreg [dreg:$0x3];
	s4 =	simm.s32 $0x0;
	s12 =	stileid.u32  }
0x5: {  	s6 =	srdreg.scid;
	s14 =	simm.s32 $0x1;
	s15 =	simm.s32 $0x9D00  }
0x6: {  	s18 =	simm.s32 $0xC500;
	s19 =	simm.s32 $0x80;
	s20 =	simm.s32 $0x400  }
0x7: {  	s21 =	simm.s32 $0x1400;
	[smem:$0x7FF] =	sst s4;
	s5 =	smul.u32 $0x9C4, s12  }
0x8: {  	s10 =	smul.u32 $0x280, s12;
	s16 =	sand.u32 $0x1, s6;
	s23 =	sshrl.u32 s12, $0x3  }
0x9: {  	s24 =	sadd.s32 $0x1000, s0;
	s25 =	sshll.u32 s12, $0x7;
	s28 =	smul.u32 $0x5000, s12  }
0xa: {  	_ =	strace $0x80000047;
	s7 =	ssub.s32 $0x2, s16;
	s11 =	smul.u32 $0x50000, s23  }
0xb: {  	[dreg:$0x5] =	wrdreg s24;
	s30 =	sand.u32 $0x380, s25;
	s23 =	simm.s32 $0xF180  }
0xc: {  	s24 =	simm.s32 $0x11980;
	p0 =	sne.s32 s16, $0x0;
	s25 =	simm.s32 $0x0  }
0xd: {  	s22 =	sadd.s32 s5, s0;
	s8 =	sshrl.u32 s10, $0x3;
	s9 =	sshrl.u32 s7, $0x1  }
0xe: {  	s31 =	sshrl.u32 s28, $0x2;
	s10 =	sadd.s32 s10, s3;
	s0 =	sadd.s32 s8, s0  }
0xf: {  	s13 =	ssub.s32 s7, s9;
	s26 =	sshrl.u32 s11, $0x2;
	s29 =	sadd.s32 $0x1A00, s22  }
0x10: {  	s7 =	sadd.s32 s1, s8;
	s22 =	simm.s32 $0x14000;
	[dreg:$0x6] =	wrdreg s29  }
0x11: {  	s9 =	sadd.s32 s26, s2;
	s11 =	sadd.s32 $0x1200, s0;
	s12 =	sadd.s32 $0xB800, s0  }
0x12: {  	v0 =	vimm.f32 $0.0e+00;
	s13 =	smax.u32 s13, $0x1;
	s8 =	sadd.s32 s30, s9;
	s9 =	sadd.s32 s31, s2  }
.LBB2_1:
0x13: {  	s0 =	rddreg [dreg:$0x6]  }
0x14: {  	[tilespmem:s4], [sflag:$0x1] =	stream.linear.gather [hbm4b:s0+s4], $0x4E20, $0x38;
	[tilespmem:$0x14B80] =	vst v63  }
0x15: {  	_ =	swait.ge [sflag:s14], $0x4E20  }
0x16: {  	[sflag:s14] =	ssyncset.done $0x0  }
0x17: {  	[sflag:s14] =	ssyncadd.s32 $0xFFFFB1E0  }
0x18: {  	s29 =	rddreg [dreg:$0x1]  }
0x19: {  	[tilespmem:s15], [sflag:$0x1] =	stream.linear.gather [hbm4b:s29+s4], $0x2800, $0x38;
	[tilespmem:$0x14B80] =	vst v63  }
0x1a: {  	_ =	swait.ge [sflag:s14], $0x2800  }
0x1b: {  	[sflag:s14] =	ssyncset.done $0x0  }
0x1c: {  	s30 =	simm.s32 $0xED00;
	[sflag:s14] =	ssyncadd.s32 $0xFFFFD800  }
0x1d: {  	[tilespmem:s30], [sflag:$0x1] =	stream.linear.gather [hbm4b:s7+s4], $0x280, $0x38;
	[tilespmem:$0x14B80] =	vst v63  }
0x1e: {  	_ =	swait.ge [sflag:s14], $0x280  }
0x1f: {  	[sflag:s14] =	ssyncset.done $0x0  }
0x20: {  	s1 =	simm.s32 $0xEF80;
	s31 =	rddreg [dreg:$0x5];
	[sflag:s14] =	ssyncadd.s32 $0xFFFFFD80  }
0x21: {  	[tilespmem:s1], [sflag:$0x1] =	stream.linear.gather [hbm4b:s31+s4], $0x200, $0x38;
	[tilespmem:$0x14B80] =	vst v63  }
0x22: {  	_ =	swait.ge [sflag:s14], $0x200  }
0x23: {  	[sflag:s14] =	ssyncset.done $0x0  }
0x24: {  	[sflag:s14] =	ssyncadd.s32 $0xFFFFFE00  }
0x25: {  	v1 =	vld [tilespmem:$0xEF80]  }
0x26: {  	s0 =	simm.s32 $0xC540;
	v2 =	vld [tilespmem:$0xF000]  }
0x27: {  	v3 =	vld [tilespmem:$0xF080];
	[tilespmem:s0+$0xFFFFFFC0] =	vst v0  }
0x28: {  	[tilespmem:s0+$0x30] =	vst v0  }
0x29: {  	[tilespmem:s0+$0x20] =	vst v0  }
0x2a: {  	[tilespmem:s0+$0x10] =	vst v0  }
0x2b: {  	[tilespmem:s0+$0x0] =	vst v0  }
0x2c: {  	[tilespmem:s0+$0xFFFFFFF0] =	vst v0  }
0x2d: {  	s16 =	simm.s32 $0x0;
	s26 =	simm.s32 $0x4EA0;
	s2 =	simm.s32 $0x20;
	[tilespmem:s0+$0xFFFFFFE0] =	vst v0  }
.LBB2_2:
0x2e: {  	s16 =	sadd.s32 $0x80, s16;
	[tilespmem:s0+$0xFFFFFFD0] =	vst v0;
	s0 =	sadd.s32 $0x80, s0  }
0x2f: {  	[tilespmem:s0+$0xFFFFFFC0] =	vst v0;
	p1 =	slt.u32 s16, $0x2780  }
0x30: {  	[tilespmem:s0+$0x30] =	vst v0  }
.Ltmp0:
0x31: {  	[tilespmem:s0+$0x20] =	vst v0;
	(pc) =	sbr.rel @p1 .LBB2_2-.Ltmp0, $4  }
0x32: {  	[tilespmem:s0+$0x10] =	vst v0  }
0x33: {  	[tilespmem:s0+$0x0] =	vst v0  }
0x34: {  	[tilespmem:s0+$0xFFFFFFF0] =	vst v0  }
0x35: {  	[tilespmem:s0+$0xFFFFFFE0] =	vst v0  }
0x36: {  	[tilespmem:s0+$0xFFFFFFD0] =	vst v0  }
0x37: {  	v6 =	vld [tilespmem:s2+$0x10]  }
0x38: {  	v4 =	vld [tilespmem:s2+$0xFFFFFFF0];
	_ =	sdelay $0x1  }
0x39: {  	v5 =	vld [tilespmem:s2+$0x0]  }
0x3a: {  	v8 =	vld [tilespmem:s2+$0xFFFFFFE0]  }
0x3b: {  	v7 =	vshrl.u32 v6, $0xE  }
0x3c: {  	v9 =	vshrl.u32 v4, $0xE;
	_ =	sdelay $0x1  }
0x3d: {  	v10 =	vshrl.u32 v5, $0xE  }
0x3e: {  	v11 =	vshrl.u32 v8, $0xE  }
0x3f: {  	v7 =	vld.idx.msk [tilespmem:v7+s15+$0x0], $0xffff  }
0x40: {  	v9 =	vld.idx.msk [tilespmem:v9+s15+$0x0], $0xffff;
	_ =	sdelay $0x1  }
0x41: {  	v13 =	vld.idx.msk [tilespmem:v10+s15+$0x0], $0xffff  }
0x42: {  	v14 =	vld.idx.msk [tilespmem:v11+s15+$0x0], $0xffff  }
0x43: {  	v10 =	vadd.f32 v7, v1  }
0x44: {  	v11 =	vadd.f32 v9, v1;
	v9 =	vadd.f32 v9, v2  }
0x45: {  	v7 =	vadd.f32 v7, v2;
	v12 =	vmax.f32 v10, $0.0e+00;
	v10 =	vmin.f32 v10, $0.0e+00  }
0x46: {  	v16 =	vadd.f32 v13, v1;
	v17 =	vsub.f32 v10, v12  }
0x47: {  	v18 =	vadd.f32 v14, v1;
	v10 =	vmax.f32 v7, $0.0e+00;
	v7 =	vmin.f32 v7, $0.0e+00  }
0x48: {  	v13 =	vadd.f32 v13, v2;
	v7 =	vsub.f32 v7, v10;
	v20 =	vmul.f32 $1.442695020e+00, v17  }
0x49: {  	v15 =	vmax.f32 v11, $0.0e+00;
	v19 =	vmin.f32 v11, $0.0e+00;
	v11 =	vmax.f32 v18, $0.0e+00  }
0x4a: {  	v18 =	vmin.f32 v18, $0.0e+00;
	v7 =	vmul.f32 $1.442695020e+00, v7;
	(erf) = vpow2.f32 v20  }
0x4b: {  	v18 =	vsub.f32 v18, v11;
	v21 =	vsub.f32 v19, v15  }
0x4c: {  	v17 =	vmax.f32 v16, $0.0e+00;
	v16 =	vmin.f32 v16, $0.0e+00;
	(erf) = vpow2.f32 v7  }
0x4d: {  	v20 =	vadd.f32 v14, v2;
	v14 =	vmax.f32 v9, $0.0e+00;
	v9 =	vmin.f32 v9, $0.0e+00  }
0x4e: {  	v18 =	vmul.f32 $1.442695020e+00, v18;
	v21 =	vmul.f32 $1.442695020e+00, v21;
	v9 =	vsub.f32 v9, v14  }
0x4f: {  	v19 =	vmax.f32 v20, $0.0e+00;
	v7 =	vmin.f32 v20, $0.0e+00;
	v20 =	vsub.f32 v16, v17  }
0x50: {  	v16 =	vmax.f32 v13, $0.0e+00;
	v13 =	vmin.f32 v13, $0.0e+00;
	v7 =	vsub.f32 v7, v19  }
0x51: {  	(erf) = vpow2.f32 v18;
	v13 =	vsub.f32 v13, v16;
	v20 =	vmul.f32 $1.442695020e+00, v20  }
0x52: {  	(erf) = vpow2.f32 v21;
	v7 =	vmul.f32 $1.442695020e+00, v7  }
0x53: {  	v9 =	vmul.f32 $1.442695020e+00, v9;
	(erf) = vpow2.f32 v20;
	v22 =	vpop (erf)  }
0x54: {  	(erf) = vpow2.f32 v7;
	v7 =	vmul.f32 $1.986696620e-03, v22  }
0x55: {  	v18 =	vmul.f32 $1.442695020e+00, v13;
	v13 =	vpop (erf)  }
0x56: {  	(erf) = vpow2.f32 v9;
	v9 =	vmul.f32 $1.986696620e-03, v13;
	v7 =	vadd.f32 $-1.318782660e-02, v7;
	_ =	sdelay $0x1  }
0x57: {  	(erf) = vpow2.f32 v18;
	v9 =	vadd.f32 $-1.318782660e-02, v9;
	v18 =	vmul.f32 v7, v22;
	_ =	sdelay $0x1  }
0x58: {  	v20 =	vmul.f32 v9, v13;
	v18 =	vadd.f32 $4.100657250e-02, v18  }
0x59: {  	v7 =	vpop (erf)  }
0x5a: {  	v9 =	vpop (erf);
	v21 =	vmul.f32 $1.986696620e-03, v7;
	v26 =	vadd.f32 $4.100657250e-02, v20  }
0x5b: {  	v23 =	vand.u32 $0x3FFF, v8;
	v24 =	vmul.f32 $1.986696620e-03, v9;
	v8 =	vpop (erf);
	v25 =	vmul.f32 v18, v22  }
0x5c: {  	v27 =	vadd.f32 $-1.318782660e-02, v21;
	v28 =	vmul.f32 $1.986696620e-03, v8;
	v26 =	vmul.f32 v26, v13;
	v18 =	vpop (erf)  }
0x5d: {  	v24 =	vadd.f32 $-1.318782660e-02, v24;
	v25 =	vadd.f32 $-8.188040550e-02, v25;
	v20 =	vpop (erf);
	v29 =	vmul.f32 $1.986696620e-03, v18  }
0x5e: {  	v28 =	vadd.f32 $-1.318782660e-02, v28;
	v27 =	vmul.f32 v27, v7;
	v30 =	vmul.f32 $1.986696620e-03, v20  }
0x5f: {  	v26 =	vadd.f32 $-8.188040550e-02, v26;
	v21 =	vpop (erf);
	v25 =	vmul.f32 v25, v22;
	v24 =	vmul.f32 v24, v9  }
0x60: {  	v31 =	vmul.f32 $1.986696620e-03, v21;
	v29 =	vadd.f32 $-1.318782660e-02, v29;
	v28 =	vmul.f32 v28, v8  }
0x61: {  	v26 =	vmul.f32 v26, v13;
	v27 =	vadd.f32 $4.100657250e-02, v27;
	v25 =	vadd.f32 $1.237799600e-01, v25  }
0x62: {  	v30 =	vadd.f32 $-1.318782660e-02, v30;
	v24 =	vadd.f32 $4.100657250e-02, v24;
	v29 =	vmul.f32 v29, v18  }
0x63: {  	v31 =	vadd.f32 $-1.318782660e-02, v31;
	v26 =	vadd.f32 $1.237799600e-01, v26;
	v27 =	vmul.f32 v27, v7  }
0x64: {  	v28 =	vadd.f32 $4.100657250e-02, v28;
	v25 =	vmul.f32 v25, v22;
	v30 =	vmul.f32 v30, v20  }
0x65: {  	v24 =	vmul.f32 v24, v9;
	v31 =	vmul.f32 v31, v21;
	v29 =	vadd.f32 $4.100657250e-02, v29  }
0x66: {  	v26 =	vmul.f32 v26, v13;
	v27 =	vadd.f32 $-8.188040550e-02, v27;
	v25 =	vadd.f32 $-1.608762290e-01, v25  }
0x67: {  	v28 =	vmul.f32 v28, v8;
	v30 =	vadd.f32 $4.100657250e-02, v30;
	v24 =	vadd.f32 $-8.188040550e-02, v24  }
0x68: {  	v26 =	vadd.f32 $-1.608762290e-01, v26;
	v29 =	vmul.f32 v29, v18;
	v27 =	vmul.f32 v27, v7  }
0x69: {  	v31 =	vadd.f32 $4.100657250e-02, v31;
	v25 =	vmul.f32 v25, v22;
	v30 =	vmul.f32 v30, v20  }
0x6a: {  	v28 =	vadd.f32 $-8.188040550e-02, v28;
	v24 =	vmul.f32 v24, v9;
	v32 =	vmul.f32 v26, v13  }
0x6b: {  	v31 =	vmul.f32 v31, v21;
	v29 =	vadd.f32 $-8.188040550e-02, v29;
	v27 =	vadd.f32 $1.237799600e-01, v27  }
0x6c: {  	s31 =	simm.s32 $0x60;
	v28 =	vmul.f32 v28, v8;
	v25 =	vadd.f32 $1.988582020e-01, v25;
	v30 =	vadd.f32 $-8.188040550e-02, v30  }
0x6d: {  	v26 =	vld [tilespmem:s31+$0x10];
	v24 =	vadd.f32 $1.237799600e-01, v24;
	v32 =	vadd.f32 $1.988582020e-01, v32;
	v29 =	vmul.f32 v29, v18  }
0x6e: {  	v31 =	vadd.f32 $-8.188040550e-02, v31;
	v27 =	vmul.f32 v27, v7;
	v25 =	vmul.f32 v25, v22  }
0x6f: {  	v28 =	vadd.f32 $1.237799600e-01, v28;
	v30 =	vmul.f32 v30, v20;
	v24 =	vmul.f32 v24, v9  }
0x70: {  	v32 =	vmul.f32 v32, v13;
	v31 =	vmul.f32 v31, v21;
	v29 =	vadd.f32 $1.237799600e-01, v29  }
0x71: {  	v28 =	vmul.f32 v28, v8;
	v27 =	vadd.f32 $-1.608762290e-01, v27;
	v25 =	vadd.f32 $-2.498649660e-01, v25  }
0x72: {  	v33 =	vshrl.u32 v26, $0xE;
	v30 =	vadd.f32 $1.237799600e-01, v30;
	v24 =	vadd.f32 $-1.608762290e-01, v24  }
0x73: {  	v32 =	vadd.f32 $-2.498649660e-01, v32;
	v29 =	vmul.f32 v29, v18;
	v27 =	vmul.f32 v27, v7  }
0x74: {  	v31 =	vadd.f32 $1.237799600e-01, v31;
	v25 =	vmul.f32 v25, v22;
	v30 =	vmul.f32 v30, v20  }
0x75: {  	v28 =	vadd.f32 $-1.608762290e-01, v28;
	v24 =	vmul.f32 v24, v9;
	v32 =	vmul.f32 v32, v13  }
0x76: {  	v31 =	vmul.f32 v31, v21;
	v29 =	vadd.f32 $-1.608762290e-01, v29;
	v25 =	vadd.f32 $3.333249690e-01, v25  }
0x77: {  	v28 =	vmul.f32 v28, v8;
	v27 =	vadd.f32 $1.988582020e-01, v27;
	v35 =	vadd.f32 $-1.608762290e-01, v30  }
0x78: {  	v24 =	vadd.f32 $1.988582020e-01, v24;
	v32 =	vadd.f32 $3.333249690e-01, v32;
	v33 =	vld.idx.msk [tilespmem:v33+s15+$0x0], $0xffff;
	v25 =	vmul.f32 v25, v22  }
0x79: {  	v29 =	vmul.f32 v29, v18;
	v31 =	vadd.f32 $-1.608762290e-01, v31;
	v28 =	vadd.f32 $1.988582020e-01, v28  }
0x7a: {  	v56 =	vmul.f32 v27, v7;
	v32 =	vmul.f32 v32, v13;
	v25 =	vadd.f32 $-4.999997910e-01, v25  }
0x7b: {  	v27 =	vand.u32 $0x3FFF, v6;
	v55 =	vmul.f32 v35, v20;
	v29 =	vadd.f32 $1.988582020e-01, v29  }
0x7c: {  	v24 =	vmul.f32 v24, v9;
	v32 =	vadd.f32 $-4.999997910e-01, v32;
	v25 =	vmul.f32 v25, v22  }
0x7d: {  	v31 =	vmul.f32 v31, v21;
	v29 =	vmul.f32 v29, v18;
	v34 =	vadd.f32 v33, v1  }
0x7e: {  	v58 =	vld [tilespmem:s31+$0x0];
	v6 =	vadd.f32 $1.988582020e-01, v55;
	v32 =	vmul.f32 v32, v13;
	v25 =	vadd.f32 $1.000000000e+00, v25  }
0x7f: {  	v29 =	vadd.f32 $-2.498649660e-01, v29;
	v30 =	vmax.f32 v34, $0.0e+00;
	v34 =	vmin.f32 v34, $0.0e+00  }
0x80: {  	v32 =	vadd.f32 $1.000000000e+00, v32;
	v22 =	vmul.f32 v25, v22;
	v25 =	vsub.f32 v34, v30  }
0x81: {  	v24 =	vadd.f32 $-2.498649660e-01, v24;
	v6 =	vmul.f32 v6, v20;
	v29 =	vmul.f32 v29, v18  }
0x82: {  	v13 =	vmul.f32 v32, v13;
	v25 =	vmul.f32 $1.442695020e+00, v25;
	v12 =	vadd.f32 v22, v12  }
0x83: {  	v24 =	vmul.f32 v24, v9;
	v37 =	vadd.f32 $3.333249690e-01, v29;
	v29 =	vshrl.u32 v58, $0xE  }
0x84: {  	v10 =	vadd.f32 v13, v10;
	(erf) = vpow2.f32 v25;
	v12 =	vadd.f32 v12, v3  }
0x85: {  	v22 =	vld [tilespmem:s31+$0xFFFFFFE0];
	v13 =	vmul.f32 v28, v8;
	v25 =	vadd.f32 $1.988582020e-01, v31;
	v31 =	vadd.f32 $-2.498649660e-01, v56  }
0x86: {  	v6 =	vadd.f32 $-2.498649660e-01, v6;
	v24 =	vadd.f32 $3.333249690e-01, v24;
	v37 =	vmul.f32 v37, v18  }
0x87: {  	v28 =	vsub.f32 v12, v10;
	v10 =	vadd.f32 $-2.498649660e-01, v13;
	v13 =	vmul.f32 v31, v7  }
0x88: {  	v6 =	vmul.f32 v6, v20;
	v24 =	vmul.f32 v24, v9  }
0x89: {  	v37 =	vadd.f32 $-4.999997910e-01, v37;
	v12 =	vld [tilespmem:s31+$0xFFFFFFF0];
	v10 =	vmul.f32 v10, v8;
	v13 =	vadd.f32 $3.333249690e-01, v13  }
0x8a: {  	v24 =	vadd.f32 $-4.999997910e-01, v24;
	v25 =	vmul.f32 v25, v21;
	v39 =	vld.idx.msk [tilespmem:v29+s15+$0x0], $0xffff;
	v57 =	vshrl.u32 v22, $0xE  }
0x8b: {  	v37 =	vmul.f32 v37, v18;
	v10 =	vadd.f32 $3.333249690e-01, v10;
	v13 =	vmul.f32 v13, v7  }
0x8c: {  	v4 =	vand.u32 $0x3FFF, v4;
	v38 =	vadd.f32 $3.333249690e-01, v6;
	v25 =	vadd.f32 $-2.498649660e-01, v25  }
0x8d: {  	v37 =	vadd.f32 $1.000000000e+00, v37;
	v10 =	vmul.f32 v10, v8;
	v13 =	vadd.f32 $-4.999997910e-01, v13;
	v31 =	vpop (erf)  }
0x8e: {  	v25 =	vmul.f32 v25, v21;
	v59 =	vshrl.u32 v12, $0xE;
	v36 =	vmul.f32 $1.986696620e-03, v31  }
0x8f: {  	v46 =	vadd.f32 v39, v2;
	v32 =	vld.idx.msk [tilespmem:v57+s15+$0x0], $0xffff;
	v6 =	vadd.f32 $-4.999997910e-01, v10;
	v10 =	vmul.f32 v13, v7  }
0x90: {  	v13 =	vmul.f32 v24, v9;
	v24 =	vadd.f32 v33, v2;
	v36 =	vadd.f32 $-1.318782660e-02, v36  }
0x91: {  	v5 =	vand.u32 $0x3FFF, v5;
	v25 =	vadd.f32 $3.333249690e-01, v25;
	v10 =	vadd.f32 $1.000000000e+00, v10  }
0x92: {  	v29 =	vmax.f32 v24, $0.0e+00;
	v24 =	vmin.f32 v24, $0.0e+00;
	v60 =	vmul.f32 v36, v31  }
0x93: {  	v35 =	vld.idx.msk [tilespmem:v59+s15+$0x0], $0xffff;
	v6 =	vmul.f32 v6, v8;
	v40 =	vmul.f32 v10, v7;
	v10 =	vsub.f32 v24, v29  }
0x94: {  	v45 =	vmul.f32 v38, v20;
	v61 =	vadd.f32 v32, v1;
	v33 =	vadd.f32 $4.100657250e-02, v60  }
0x95: {  	v13 =	vadd.f32 $1.000000000e+00, v13;
	v6 =	vadd.f32 $1.000000000e+00, v6;
	v10 =	vmul.f32 $1.442695020e+00, v10  }
0x96: {  	v7 =	vmax.f32 v61, $0.0e+00;
	v24 =	vmin.f32 v61, $0.0e+00;
	v33 =	vmul.f32 v33, v31  }
0x97: {  	v62 =	vmul.f32 v13, v9;
	v9 =	vsub.f32 v24, v7;
	(erf) = vpow2.f32 v10  }
0x98: {  	v25 =	vmul.f32 v25, v21;
	v13 =	vadd.f32 v35, v1;
	v24 =	vadd.f32 $-8.188040550e-02, v33  }
0x99: {  	v63 =	vmul.f32 v6, v8;
	v6 =	vadd.f32 v39, v1;
	v8 =	vmul.f32 $1.442695020e+00, v9  }
0x9a: {  	v25 =	vadd.f32 $-4.999997910e-01, v25;
	v9 =	vmax.f32 v13, $0.0e+00;
	v10 =	vmul.f32 v24, v31  }
0x9b: {  	v13 =	vmin.f32 v13, $0.0e+00;
	(erf) = vpow2.f32 v8;
	v8 =	vmax.f32 v6, $0.0e+00  }
0x9c: {  	v13 =	vsub.f32 v13, v9;
	v24 =	vmin.f32 v6, $0.0e+00;
	v10 =	vadd.f32 $1.237799600e-01, v10  }
0x9d: {  	v25 =	vmul.f32 v25, v21;
	v6 =	vand.u32 $0x3FFF, v12;
	v12 =	vsub.f32 v24, v8  }
0x9e: {  	v32 =	vadd.f32 v32, v2;
	v13 =	vmul.f32 $1.442695020e+00, v13;
	v44 =	vmul.f32 v10, v31  }
0x9f: {  	v40 =	vadd.f32 v40, v11;
	v24 =	vadd.f32 v35, v2;
	v12 =	vmul.f32 $1.442695020e+00, v12  }
0xa0: {  	v25 =	vadd.f32 $1.000000000e+00, v25;
	(erf) = vpow2.f32 v13;
	v48 =	vpop (erf);
	v13 =	vadd.f32 $-1.608762290e-01, v44  }
0xa1: {  	v10 =	vmax.f32 v24, $0.0e+00;
	(erf) = vpow2.f32 v12;
	v11 =	vmul.f32 $1.986696620e-03, v48  }
0xa2: {  	v12 =	vmax.f32 v32, $0.0e+00;
	v32 =	vmin.f32 v32, $0.0e+00;
	v13 =	vmul.f32 v13, v31  }
0xa3: {  	v24 =	vmin.f32 v24, $0.0e+00;
	v32 =	vsub.f32 v32, v12;
	v11 =	vadd.f32 $-1.318782660e-02, v11  }
0xa4: {  	v38 =	vmin.f32 v46, $0.0e+00;
	v24 =	vsub.f32 v24, v10;
	v13 =	vadd.f32 $1.988582020e-01, v13  }
0xa5: {  	v15 =	vadd.f32 v62, v15;
	v32 =	vmul.f32 $1.442695020e+00, v32;
	v49 =	vmul.f32 v11, v48  }
0xa6: {  	v35 =	vadd.f32 $-4.999997910e-01, v45;
	v24 =	vmul.f32 $1.442695020e+00, v24;
	v47 =	vmul.f32 v13, v31  }
0xa7: {  	v33 =	vadd.f32 v63, v17;
	(erf) = vpow2.f32 v32;
	v17 =	vadd.f32 $4.100657250e-02, v49  }
0xa8: {  	v35 =	vmul.f32 v35, v20;
	(erf) = vpow2.f32 v24;
	v24 =	vadd.f32 $-2.498649660e-01, v47  }
0xa9: {  	v50 =	vadd.f32 v40, v3;
	v51 =	vmul.f32 v25, v21;
	v25 =	vmul.f32 v17, v48  }
0xaa: {  	v35 =	vadd.f32 $1.000000000e+00, v35;
	v13 =	vmax.f32 v46, $0.0e+00;
	v24 =	vmul.f32 v24, v31  }
0xab: {  	v26 =	vand.u32 $0x3FFF, v26;
	v38 =	vsub.f32 v38, v13;
	v53 =	vadd.f32 $-8.188040550e-02, v25  }
0xac: {  	v21 =	vadd.f32 v33, v3;
	v20 =	vmul.f32 v35, v20;
	v24 =	vadd.f32 $3.333249690e-01, v24  }
0xad: {  	v11 =	vand.u32 $0x3FFF, v22;
	v38 =	vmul.f32 $1.442695020e+00, v38;
	v33 =	vmul.f32 v53, v48  }
0xae: {  	v17 =	vand.u32 $0x3FFF, v58;
	v25 =	vadd.f32 v20, v14;
	v22 =	vmul.f32 v24, v31  }
0xaf: {  	(erf) = vpow2.f32 v38;
	v24 =	vmul.f32 v37, v18;
	v18 =	vpop (erf);
	v33 =	vadd.f32 $1.237799600e-01, v33  }
0xb0: {  	v55 =	vmul.f32 $1.986696620e-03, v18;
	v52 =	vadd.f32 $-4.999997910e-01, v22;
	v22 =	vadd.f32 v15, v3  }
0xb1: {  	v15 =	vadd.f32 v24, v19;
	v19 =	vpop (erf);
	v24 =	vadd.f32 v51, v16;
	v33 =	vmul.f32 v33, v48  }
0xb2: {  	v16 =	vmul.f32 $1.986696620e-03, v19;
	v20 =	vpop (erf);
	v56 =	vadd.f32 $-1.318782660e-02, v55;
	v54 =	vmul.f32 v52, v31  }
0xb3: {  	v57 =	vmul.f32 $1.986696620e-03, v20;
	v14 =	vpop (erf);
	v36 =	vsub.f32 v50, v15;
	v33 =	vadd.f32 $-1.608762290e-01, v33  }
0xb4: {  	v58 =	vadd.f32 $-1.318782660e-02, v16;
	v59 =	vmul.f32 $1.986696620e-03, v14;
	v35 =	vmul.f32 v56, v18  }
0xb5: {  	v34 =	vadd.f32 $1.000000000e+00, v54;
	v15 =	vpop (erf);
	v37 =	vadd.f32 $-1.318782660e-02, v57;
	v33 =	vmul.f32 v33, v48  }
0xb6: {  	v60 =	vmul.f32 $1.986696620e-03, v15;
	v38 =	vmul.f32 v58, v19;
	v35 =	vadd.f32 $4.100657250e-02, v35  }
0xb7: {  	v31 =	vmul.f32 v34, v31;
	v34 =	vadd.f32 $-1.318782660e-02, v59;
	v33 =	vadd.f32 $1.988582020e-01, v33  }
0xb8: {  	v16 =	vpop (erf);
	v37 =	vmul.f32 v37, v20;
	v39 =	vadd.f32 $-1.318782660e-02, v60;
	v38 =	vadd.f32 $4.100657250e-02, v38  }
0xb9: {  	v35 =	vmul.f32 v35, v18;
	v31 =	vadd.f32 v31, v30;
	v30 =	vmul.f32 $1.986696620e-03, v16  }
0xba: {  	v34 =	vmul.f32 v34, v14;
	v37 =	vadd.f32 $4.100657250e-02, v37;
	v33 =	vmul.f32 v33, v48  }
0xbb: {  	v39 =	vmul.f32 v39, v15;
	v35 =	vadd.f32 $-8.188040550e-02, v35;
	v30 =	vadd.f32 $-1.318782660e-02, v30  }
0xbc: {  	[tilespmem:s26+$0x10] =	vst v28;
	v38 =	vmul.f32 v38, v19;
	v34 =	vadd.f32 $4.100657250e-02, v34;
	v33 =	vadd.f32 $-2.498649660e-01, v33  }
0xbd: {  	[tilespmem:v27+s18+$0x0] =	vst.idx.add.f32.msk $0xffff, v28;
	v37 =	vmul.f32 v37, v20;
	v27 =	vadd.f32 v31, v3;
	v39 =	vadd.f32 $4.100657250e-02, v39  }
0xbe: {  	v38 =	vadd.f32 $-8.188040550e-02, v38;
	v35 =	vmul.f32 v35, v18;
	v30 =	vmul.f32 v30, v16  }
0xbf: {  	v34 =	vmul.f32 v34, v14;
	v37 =	vadd.f32 $-8.188040550e-02, v37;
	v33 =	vmul.f32 v33, v48  }
0xc0: {  	v39 =	vmul.f32 v39, v15;
	v38 =	vmul.f32 v38, v19;
	v35 =	vadd.f32 $1.237799600e-01, v35  }
0xc1: {  	v30 =	vadd.f32 $4.100657250e-02, v30;
	v34 =	vadd.f32 $-8.188040550e-02, v34;
	v37 =	vmul.f32 v37, v20  }
0xc2: {  	v33 =	vadd.f32 $3.333249690e-01, v33;
	v39 =	vadd.f32 $-8.188040550e-02, v39;
	v35 =	vmul.f32 v35, v18  }
0xc3: {  	v38 =	vadd.f32 $1.237799600e-01, v38;
	v30 =	vmul.f32 v30, v16;
	v34 =	vmul.f32 v34, v14  }
0xc4: {  	v37 =	vadd.f32 $1.237799600e-01, v37;
	v33 =	vmul.f32 v33, v48;
	v39 =	vmul.f32 v39, v15  }
0xc5: {  	v38 =	vmul.f32 v38, v19;
	v35 =	vadd.f32 $-1.608762290e-01, v35;
	v30 =	vadd.f32 $-8.188040550e-02, v30  }
0xc6: {  	v34 =	vadd.f32 $1.237799600e-01, v34;
	v37 =	vmul.f32 v37, v20;
	v33 =	vadd.f32 $-4.999997910e-01, v33  }
0xc7: {  	v39 =	vadd.f32 $1.237799600e-01, v39;
	v38 =	vadd.f32 $-1.608762290e-01, v38;
	v30 =	vmul.f32 v30, v16  }
0xc8: {  	v35 =	vmul.f32 v35, v18;
	v34 =	vmul.f32 v34, v14;
	v37 =	vadd.f32 $-1.608762290e-01, v37  }
0xc9: {  	v33 =	vmul.f32 v33, v48;
	v39 =	vmul.f32 v39, v15;
	v30 =	vadd.f32 $1.237799600e-01, v30  }
0xca: {  	v38 =	vmul.f32 v38, v19;
	v35 =	vadd.f32 $1.988582020e-01, v35;
	v34 =	vadd.f32 $-1.608762290e-01, v34  }
0xcb: {  	v37 =	vmul.f32 v37, v20;
	v33 =	vadd.f32 $1.000000000e+00, v33;
	v30 =	vmul.f32 v30, v16  }
0xcc: {  	v39 =	vadd.f32 $-1.608762290e-01, v39;
	v38 =	vadd.f32 $1.988582020e-01, v38;
	v34 =	vmul.f32 v34, v14  }
0xcd: {  	v37 =	vadd.f32 $1.988582020e-01, v37;
	v32 =	vmul.f32 v33, v48;
	v30 =	vadd.f32 $-1.608762290e-01, v30  }
0xce: {  	v62 =	vmul.f32 v35, v18;
	v39 =	vmul.f32 v39, v15;
	v34 =	vadd.f32 $1.988582020e-01, v34  }
0xcf: {  	v63 =	vadd.f32 v32, v29;
	v31 =	vmul.f32 v37, v20;
	v61 =	vmul.f32 v30, v16  }
0xd0: {  	[tilespmem:s26+$0xFFFFFFE0] =	vst v36;
	v32 =	vadd.f32 $-2.498649660e-01, v62;
	v29 =	vadd.f32 $1.988582020e-01, v39;
	v30 =	vmul.f32 v38, v19  }
0xd1: {  	s29 =	simm.s32 $0x40;
	s30 =	simm.s32 $0xA0;
	s28 =	simm.s32 $0x4EA0;
	[tilespmem:v23+s18+$0x0] =	vst.idx.add.f32.msk $0xffff, v36;
	v33 =	vmul.f32 v34, v14;
	v27 =	vsub.f32 v27, v63;
	v28 =	vadd.f32 $1.988582020e-01, v61  }
.LBB2_4:
0xd2: {  	v23 =	vld [tilespmem:s30+$0x10];
	v30 =	vadd.f32 $-2.498649660e-01, v30;
	v29 =	vmul.f32 v29, v15;
	v31 =	vadd.f32 $-2.498649660e-01, v31;
	s26 =	sadd.s32 $0x40, s26  }
0xd3: {  	s29 =	sadd.s32 $0x40, s29;
	v28 =	vmul.f32 v28, v16;
	v34 =	vld [tilespmem:s30+$0xFFFFFFF0];
	v32 =	vmul.f32 v32, v18;
	v33 =	vadd.f32 $-2.498649660e-01, v33;
	[tilespmem:s26+$0x10] =	vst v27  }
0xd4: {  	p1 =	slt.u32 s29, $0x4DC0;
	v35 =	vmul.f32 v30, v19;
	v29 =	vadd.f32 $-2.498649660e-01, v29;
	v31 =	vmul.f32 v31, v20;
	[tilespmem:v26+s18+$0x0] =	vst.idx.add.f32.msk $0xffff, v27  }
0xd5: {  	v28 =	vadd.f32 $-2.498649660e-01, v28;
	v30 =	vld [tilespmem:s30+$0x0];
	v26 =	vadd.f32 $3.333249690e-01, v32;
	v27 =	vmul.f32 v33, v14  }
0xd6: {  	v32 =	vld [tilespmem:s30+$0xFFFFFFE0];
	v33 =	vadd.f32 $3.333249690e-01, v35;
	v29 =	vmul.f32 v29, v15;
	v31 =	vadd.f32 $3.333249690e-01, v31  }
0xd7: {  	v28 =	vmul.f32 v28, v16;
	v35 =	vshrl.u32 v23, $0xE;
	v26 =	vmul.f32 v26, v18  }
0xd8: {  	v36 =	vshrl.u32 v34, $0xE;
	v33 =	vmul.f32 v33, v19;
	v31 =	vmul.f32 v31, v20  }
0xd9: {  	v27 =	vadd.f32 $3.333249690e-01, v27;
	v34 =	vand.u32 $0x3FFF, v34;
	v29 =	vadd.f32 $3.333249690e-01, v29  }
0xda: {  	v28 =	vadd.f32 $3.333249690e-01, v28;
	v26 =	vadd.f32 $-4.999997910e-01, v26;
	v37 =	vshrl.u32 v30, $0xE  }
0xdb: {  	v33 =	vadd.f32 $-4.999997910e-01, v33;
	v31 =	vadd.f32 $-4.999997910e-01, v31;
	v38 =	vshrl.u32 v32, $0xE  }
0xdc: {  	v22 =	vsub.f32 v22, v25;
	v27 =	vmul.f32 v27, v14;
	v29 =	vmul.f32 v29, v15;
	v35 =	vld.idx.msk [tilespmem:v35+s15+$0x0], $0xffff  }
0xdd: {  	v21 =	vsub.f32 v21, v24;
	v28 =	vmul.f32 v28, v16;
	v26 =	vmul.f32 v26, v18;
	v25 =	vld.idx.msk [tilespmem:v36+s15+$0x0], $0xffff  }
0xde: {  	v24 =	vadd.f32 $-4.999997910e-01, v27;
	v27 =	vmul.f32 v33, v19;
	v33 =	vmul.f32 v31, v20;
	[tilespmem:s28+$0xFFFFFFF0] =	vst v22  }
0xdf: {  	v31 =	vand.u32 $0x3FFF, v32;
	v29 =	vadd.f32 $-4.999997910e-01, v29;
	v28 =	vadd.f32 $-4.999997910e-01, v28;
	v32 =	vld.idx.msk [tilespmem:v37+s15+$0x0], $0xffff;
	[tilespmem:s28+$0x0] =	vst v21;
	s28 =	smov.u32 s26  }
0xe0: {  	v26 =	vadd.f32 $1.000000000e+00, v26;
	v24 =	vmul.f32 v24, v14;
	v27 =	vadd.f32 $1.000000000e+00, v27;
	v36 =	vld.idx.msk [tilespmem:v38+s15+$0x0], $0xffff  }
0xe1: {  	v29 =	vmul.f32 v29, v15;
	v33 =	vadd.f32 $1.000000000e+00, v33;
	v37 =	vmul.f32 v28, v16;
	[tilespmem:v4+s18+$0x0] =	vst.idx.add.f32.msk $0xffff, v22  }
0xe2: {  	v18 =	vmul.f32 v26, v18;
	v19 =	vmul.f32 v27, v19;
	v22 =	vadd.f32 v35, v1;
	v4 =	vmovc v6  }
0xe3: {  	v20 =	vmul.f32 v33, v20;
	v6 =	vmovc v34;
	v28 =	vadd.f32 v25, v1;
	v25 =	vadd.f32 v25, v2  }
0xe4: {  	v33 =	vadd.f32 v35, v2;
	v26 =	vmax.f32 v22, $0.0e+00;
	v22 =	vmin.f32 v22, $0.0e+00;
	[tilespmem:v5+s18+$0x0] =	vst.idx.add.f32.msk $0xffff, v21;
	v5 =	vmovc v17  }
0xe5: {  	v17 =	vmax.f32 v28, $0.0e+00;
	v21 =	vadd.f32 v32, v1;
	v22 =	vsub.f32 v22, v26  }
0xe6: {  	v27 =	vmax.f32 v33, $0.0e+00;
	v33 =	vmin.f32 v33, $0.0e+00;
	v34 =	vadd.f32 v36, v1  }
0xe7: {  	v28 =	vmin.f32 v28, $0.0e+00;
	v33 =	vsub.f32 v33, v27;
	v22 =	vmul.f32 $1.442695020e+00, v22  }
0xe8: {  	v38 =	vmax.f32 v21, $0.0e+00;
	v35 =	vmax.f32 v34, $0.0e+00;
	v34 =	vmin.f32 v34, $0.0e+00  }
0xe9: {  	v21 =	vmin.f32 v21, $0.0e+00;
	v33 =	vmul.f32 $1.442695020e+00, v33;
	(erf) = vpow2.f32 v22  }
0xea: {  	v32 =	vadd.f32 v32, v2;
	v22 =	vadd.f32 v36, v2;
	v36 =	vmax.f32 v25, $0.0e+00  }
0xeb: {  	v28 =	vsub.f32 v28, v17;
	v34 =	vsub.f32 v34, v35;
	(erf) = vpow2.f32 v33  }
0xec: {  	v21 =	vsub.f32 v21, v38;
	v33 =	vmax.f32 v22, $0.0e+00;
	v22 =	vmin.f32 v22, $0.0e+00  }
0xed: {  	v39 =	vmax.f32 v32, $0.0e+00;
	v32 =	vmin.f32 v32, $0.0e+00;
	v25 =	vmin.f32 v25, $0.0e+00  }
0xee: {  	v28 =	vmul.f32 $1.442695020e+00, v28;
	v34 =	vmul.f32 $1.442695020e+00, v34;
	v22 =	vsub.f32 v22, v33  }
0xef: {  	v32 =	vsub.f32 v32, v39;
	v21 =	vmul.f32 $1.442695020e+00, v21;
	v25 =	vsub.f32 v25, v36  }
0xf0: {  	v24 =	vadd.f32 $1.000000000e+00, v24;
	v22 =	vmul.f32 $1.442695020e+00, v22;
	(erf) = vpow2.f32 v34  }
0xf1: {  	v25 =	vmul.f32 $1.442695020e+00, v25;
	v34 =	vadd.f32 $1.000000000e+00, v29;
	(erf) = vpow2.f32 v28  }
0xf2: {  	v32 =	vmul.f32 $1.442695020e+00, v32;
	(erf) = vpow2.f32 v21;
	v28 =	vpop (erf);
	v21 =	vadd.f32 $1.000000000e+00, v37  }
0xf3: {  	v18 =	vadd.f32 v18, v7;
	v7 =	vmovc v35;
	v37 =	vmul.f32 $1.986696620e-03, v28;
	(erf) = vpow2.f32 v22  }
0xf4: {  	v19 =	vadd.f32 v19, v9;
	v20 =	vadd.f32 v20, v8;
	(erf) = vpow2.f32 v25;
	v29 =	vpop (erf)  }
0xf5: {  	v9 =	vmovc v17;
	v8 =	vmovc v38;
	v22 =	vadd.f32 $-1.318782660e-02, v37;
	v25 =	vmul.f32 $1.986696620e-03, v29;
	(erf) = vpow2.f32 v32  }
0xf6: {  	v14 =	vmul.f32 v24, v14;
	v15 =	vmul.f32 v34, v15;
	v32 =	vadd.f32 v18, v3  }
0xf7: {  	v16 =	vmul.f32 v21, v16;
	v34 =	vmul.f32 v22, v28;
	v24 =	vadd.f32 $-1.318782660e-02, v25  }
0xf8: {  	v17 =	vand.u32 $0x3FFF, v30;
	v21 =	vadd.f32 v20, v3;
	v22 =	vadd.f32 v19, v3  }
0xf9: {  	v12 =	vadd.f32 v14, v12;
	v34 =	vadd.f32 $4.100657250e-02, v34;
	v30 =	vmul.f32 v24, v29;
	v18 =	vpop (erf)  }
0xfa: {  	v25 =	vadd.f32 v15, v10;
	v24 =	vadd.f32 v16, v13;
	v35 =	vmul.f32 $1.986696620e-03, v18;
	v19 =	vpop (erf)  }
0xfb: {  	v10 =	vmul.f32 $1.986696620e-03, v19;
	v13 =	vmul.f32 v34, v28;
	v34 =	vadd.f32 $4.100657250e-02, v30;
	v20 =	vpop (erf)  }
0xfc: {  	v12 =	vsub.f32 v32, v12;
	v30 =	vadd.f32 $-1.318782660e-02, v35;
	v38 =	vmul.f32 $1.986696620e-03, v20;
	v14 =	vpop (erf)  }
0xfd: {  	v40 =	vadd.f32 $-1.318782660e-02, v10;
	v13 =	vadd.f32 $-8.188040550e-02, v13;
	v32 =	vmul.f32 v34, v29;
	v15 =	vpop (erf)  }
0xfe: {  	v34 =	vmul.f32 $1.986696620e-03, v14;
	v35 =	vmul.f32 $1.986696620e-03, v15;
	v37 =	vadd.f32 $-1.318782660e-02, v38;
	v16 =	vpop (erf);
	[tilespmem:s26+$0xFFFFFFE0] =	vst v12  }
0xff: {  	v38 =	vmul.f32 $1.986696620e-03, v16;
	v41 =	vmul.f32 v13, v28;
	v32 =	vadd.f32 $-8.188040550e-02, v32;
	[tilespmem:v11+s18+$0x0] =	vst.idx.add.f32.msk $0xffff, v12;
	v11 =	vmovc v31  }
0x100: {  	v30 =	vmul.f32 v30, v18;
	v31 =	vadd.f32 $-1.318782660e-02, v34;
	v34 =	vmul.f32 v40, v19;
	v10 =	vmovc v36;
	v12 =	vmovc v33  }
0x101: {  	v33 =	vmul.f32 v37, v20;
	v36 =	vadd.f32 $1.237799600e-01, v41;
	v32 =	vmul.f32 v32, v29;
	v13 =	vmovc v39  }
0x102: {  	v35 =	vadd.f32 $-1.318782660e-02, v35;
	v31 =	vmul.f32 v31, v14;
	v37 =	vadd.f32 $-1.318782660e-02, v38  }
0x103: {  	v30 =	vadd.f32 $4.100657250e-02, v30;
	v36 =	vmul.f32 v36, v28;
	v32 =	vadd.f32 $1.237799600e-01, v32  }
0x104: {  	v34 =	vadd.f32 $4.100657250e-02, v34;
	v35 =	vmul.f32 v35, v15;
	v33 =	vadd.f32 $4.100657250e-02, v33  }
0x105: {  	v37 =	vmul.f32 v37, v16;
	v36 =	vadd.f32 $-1.608762290e-01, v36;
	v32 =	vmul.f32 v32, v29  }
0x106: {  	v30 =	vmul.f32 v30, v18;
	v31 =	vadd.f32 $4.100657250e-02, v31;
	v34 =	vmul.f32 v34, v19  }
0x107: {  	v33 =	vmul.f32 v33, v20;
	v36 =	vmul.f32 v36, v28;
	v32 =	vadd.f32 $-1.608762290e-01, v32  }
0x108: {  	v35 =	vadd.f32 $4.100657250e-02, v35;
	v31 =	vmul.f32 v31, v14;
	v37 =	vadd.f32 $4.100657250e-02, v37  }
0x109: {  	v30 =	vadd.f32 $-8.188040550e-02, v30;
	v36 =	vadd.f32 $1.988582020e-01, v36;
	v32 =	vmul.f32 v32, v29  }
0x10a: {  	v34 =	vadd.f32 $-8.188040550e-02, v34;
	v35 =	vmul.f32 v35, v15;
	v33 =	vadd.f32 $-8.188040550e-02, v33  }
0x10b: {  	v37 =	vmul.f32 v37, v16;
	v36 =	vmul.f32 v36, v28;
	v32 =	vadd.f32 $1.988582020e-01, v32  }
0x10c: {  	v30 =	vmul.f32 v30, v18;
	v31 =	vadd.f32 $-8.188040550e-02, v31;
	v34 =	vmul.f32 v34, v19  }
0x10d: {  	v33 =	vmul.f32 v33, v20;
	v36 =	vadd.f32 $-2.498649660e-01, v36;
	v32 =	vmul.f32 v32, v29  }
0x10e: {  	v35 =	vadd.f32 $-8.188040550e-02, v35;
	v31 =	vmul.f32 v31, v14;
	v37 =	vadd.f32 $-8.188040550e-02, v37  }
0x10f: {  	v30 =	vadd.f32 $1.237799600e-01, v30;
	v36 =	vmul.f32 v36, v28;
	v32 =	vadd.f32 $-2.498649660e-01, v32  }
0x110: {  	v34 =	vadd.f32 $1.237799600e-01, v34;
	v35 =	vmul.f32 v35, v15;
	v33 =	vadd.f32 $1.237799600e-01, v33  }
0x111: {  	v37 =	vmul.f32 v37, v16;
	v36 =	vadd.f32 $3.333249690e-01, v36;
	v32 =	vmul.f32 v32, v29  }
0x112: {  	v30 =	vmul.f32 v30, v18;
	v31 =	vadd.f32 $1.237799600e-01, v31;
	v34 =	vmul.f32 v34, v19  }
0x113: {  	v33 =	vmul.f32 v33, v20;
	v36 =	vmul.f32 v36, v28;
	v32 =	vadd.f32 $3.333249690e-01, v32  }
0x114: {  	v35 =	vadd.f32 $1.237799600e-01, v35;
	v31 =	vmul.f32 v31, v14;
	v37 =	vadd.f32 $1.237799600e-01, v37  }
0x115: {  	v30 =	vadd.f32 $-1.608762290e-01, v30;
	v36 =	vadd.f32 $-4.999997910e-01, v36;
	v32 =	vmul.f32 v32, v29  }
0x116: {  	v34 =	vadd.f32 $-1.608762290e-01, v34;
	v35 =	vmul.f32 v35, v15;
	v33 =	vadd.f32 $-1.608762290e-01, v33  }
0x117: {  	v37 =	vmul.f32 v37, v16;
	v36 =	vmul.f32 v36, v28;
	v32 =	vadd.f32 $-4.999997910e-01, v32  }
0x118: {  	v30 =	vmul.f32 v30, v18;
	v31 =	vadd.f32 $-1.608762290e-01, v31;
	v34 =	vmul.f32 v34, v19  }
0x119: {  	v33 =	vmul.f32 v33, v20;
	v36 =	vadd.f32 $1.000000000e+00, v36;
	v32 =	vmul.f32 v32, v29  }
0x11a: {  	v35 =	vadd.f32 $-1.608762290e-01, v35;
	v31 =	vmul.f32 v31, v14;
	v37 =	vadd.f32 $-1.608762290e-01, v37  }
0x11b: {  	v30 =	vadd.f32 $1.988582020e-01, v30;
	v28 =	vmul.f32 v36, v28;
	v32 =	vadd.f32 $1.000000000e+00, v32  }
0x11c: {  	v34 =	vadd.f32 $1.988582020e-01, v34;
	v35 =	vmul.f32 v35, v15;
	v33 =	vadd.f32 $1.988582020e-01, v33  }
.Ltmp1:
0x11d: {  	v36 =	vmul.f32 v37, v16;
	v26 =	vadd.f32 v28, v26;
	v28 =	vmul.f32 v32, v29;
	(pc) =	sbr.rel @p1 .LBB2_4-.Ltmp1, $4  }
0x11e: {  	v37 =	vadd.f32 $1.988582020e-01, v31;
	v32 =	vmul.f32 v30, v18;
	v30 =	vmul.f32 v34, v19  }
0x11f: {  	v34 =	vadd.f32 v26, v3;
	v27 =	vadd.f32 v28, v27;
	v26 =	vand.u32 $0x3FFF, v23  }
0x120: {  	v31 =	vmul.f32 v33, v20;
	v29 =	vadd.f32 $1.988582020e-01, v35;
	v28 =	vadd.f32 $1.988582020e-01, v36  }
0x121: {  	s30 =	sadd.s32 $0x40, s30;
	v33 =	vmul.f32 v37, v14;
	v32 =	vadd.f32 $-2.498649660e-01, v32;
	v27 =	vsub.f32 v34, v27  }
0x122: {  	v23 =	vadd.f32 $-2.498649660e-01, v30;
	v29 =	vmul.f32 v29, v15;
	v46 =	vadd.f32 $-2.498649660e-01, v31  }
0x123: {  	v28 =	vmul.f32 v28, v16;
	v47 =	vmul.f32 v32, v18;
	v48 =	vadd.f32 $-2.498649660e-01, v33  }
0x124: {  	v22 =	vsub.f32 v22, v25;
	v21 =	vsub.f32 v21, v24;
	v23 =	vmul.f32 v23, v19  }
0x125: {  	v29 =	vadd.f32 $-2.498649660e-01, v29;
	v31 =	vadd.f32 $3.333249690e-01, v47;
	v32 =	vmul.f32 v48, v14  }
0x126: {  	v30 =	vmul.f32 v46, v20;
	v28 =	vadd.f32 $-2.498649660e-01, v28;
	v23 =	vadd.f32 $3.333249690e-01, v23  }
0x127: {  	v29 =	vmul.f32 v29, v15;
	v31 =	vmul.f32 v31, v18;
	v32 =	vadd.f32 $3.333249690e-01, v32  }
0x128: {  	v30 =	vadd.f32 $3.333249690e-01, v30;
	v28 =	vmul.f32 v28, v16;
	v23 =	vmul.f32 v23, v19  }
0x129: {  	v29 =	vadd.f32 $3.333249690e-01, v29;
	v31 =	vadd.f32 $-4.999997910e-01, v31;
	v32 =	vmul.f32 v32, v14  }
0x12a: {  	v30 =	vmul.f32 v30, v20;
	v28 =	vadd.f32 $3.333249690e-01, v28;
	v23 =	vadd.f32 $-4.999997910e-01, v23  }
0x12b: {  	v29 =	vmul.f32 v29, v15;
	v49 =	vmul.f32 v31, v18;
	v50 =	vadd.f32 $-4.999997910e-01, v32  }
0x12c: {  	v30 =	vadd.f32 $-4.999997910e-01, v30;
	v28 =	vmul.f32 v28, v16;
	v23 =	vmul.f32 v23, v19  }
0x12d: {  	v51 =	vadd.f32 $-4.999997910e-01, v29;
	v25 =	vadd.f32 $1.000000000e+00, v49;
	v52 =	vmul.f32 v50, v14  }
0x12e: {  	v30 =	vmul.f32 v30, v20;
	v28 =	vadd.f32 $-4.999997910e-01, v28;
	v23 =	vadd.f32 $1.000000000e+00, v23  }
0x12f: {  	v24 =	vmul.f32 v51, v15;
	v53 =	vmul.f32 v25, v18;
	v54 =	vadd.f32 $1.000000000e+00, v52  }
0x130: {  	s0 =	sadd.s32 $0x40, s26;
	v55 =	vadd.f32 $1.000000000e+00, v30;
	v28 =	vmul.f32 v28, v16;
	v56 =	vmul.f32 v23, v19  }
0x131: {  	[tilespmem:s0+$0x10] =	vst v27;
	v57 =	vadd.f32 $1.000000000e+00, v24;
	v7 =	vadd.f32 v53, v7;
	v58 =	vmul.f32 v54, v14  }
0x132: {  	[tilespmem:v26+s18+$0x0] =	vst.idx.add.f32.msk $0xffff, v27;
	v59 =	vmul.f32 v55, v20;
	v60 =	vadd.f32 $1.000000000e+00, v28;
	v9 =	vadd.f32 v56, v9  }
0x133: {  	[tilespmem:s28+$0xFFFFFFF0] =	vst v22;
	v61 =	vmul.f32 v57, v15;
	v7 =	vadd.f32 v7, v3;
	v12 =	vadd.f32 v58, v12  }
0x134: {  	[tilespmem:s28+$0x0] =	vst v21;
	v8 =	vadd.f32 v59, v8;
	v62 =	vmul.f32 v60, v16;
	v9 =	vadd.f32 v9, v3  }
0x135: {  	[tilespmem:v4+s18+$0x0] =	vst.idx.add.f32.msk $0xffff, v22;
	v4 =	vadd.f32 v61, v10;
	v7 =	vsub.f32 v7, v12  }
0x136: {  	[tilespmem:v5+s18+$0x0] =	vst.idx.add.f32.msk $0xffff, v21;
	v5 =	vadd.f32 v8, v3;
	v63 =	vadd.f32 v62, v13  }
0x137: {  	v4 =	vsub.f32 v9, v4;
	[tilespmem:s0+$0xFFFFFFE0] =	vst v7  }
0x138: {  	v5 =	vsub.f32 v5, v63;
	[tilespmem:v11+s18+$0x0] =	vst.idx.add.f32.msk $0xffff, v7  }
0x139: {  	[tilespmem:s0+$0xFFFFFFF0] =	vst v4  }
0x13a: {  	[tilespmem:s0+$0x0] =	vst v5  }
0x13b: {  	[tilespmem:v6+s18+$0x0] =	vst.idx.add.f32.msk $0xffff, v4  }
0x13c: {  	s2 =	simm.s32 $0x4DF0;
	s26 =	simm.s32 $0x9C80;
	s0 =	simm.s32 $0x4E00;
	[tilespmem:v17+s18+$0x0] =	vst.idx.add.f32.msk $0xffff, v5  }
.LBB2_6:
0x13d: {  	v4 =	vld [tilespmem:s0+$0x0];
	_ =	sdelay $0x4  }
0x13e: {  	v5 =	vshrl.u32 v4, $0xE;
	_ =	sdelay $0x4  }
0x13f: {  	v5 =	vld.idx.msk [tilespmem:v5+s15+$0x0], $0xffff;
	_ =	sdelay $0x4  }
0x140: {  	v6 =	vadd.f32 v5, v1;
	_ =	sdelay $0x1  }
0x141: {  	v5 =	vadd.f32 v5, v2;
	v7 =	vmax.f32 v6, $0.0e+00;
	v6 =	vmin.f32 v6, $0.0e+00  }
0x142: {  	v6 =	vsub.f32 v6, v7  }
0x143: {  	v8 =	vmax.f32 v5, $0.0e+00;
	v5 =	vmin.f32 v5, $0.0e+00  }
0x144: {  	v5 =	vsub.f32 v5, v8;
	v6 =	vmul.f32 $1.442695020e+00, v6;
	_ =	sdelay $0x1  }
0x145: {  	v5 =	vmul.f32 $1.442695020e+00, v5;
	(erf) = vpow2.f32 v6;
	_ =	sdelay $0x1  }
0x146: {  	(erf) = vpow2.f32 v5;
	_ =	sdelay $0x6  }
0x147: {  	v5 =	vpop (erf)  }
0x148: {  	v62 =	vmul.f32 $1.986696620e-03, v5  }
0x149: {  	v9 =	vpop (erf)  }
0x14a: {  	v10 =	vmul.f32 $1.986696620e-03, v9;
	v6 =	vadd.f32 $-1.318782660e-02, v62;
	_ =	sdelay $0x1  }
0x14b: {  	v10 =	vadd.f32 $-1.318782660e-02, v10;
	v6 =	vmul.f32 v6, v5;
	_ =	sdelay $0x1  }
0x14c: {  	v10 =	vmul.f32 v10, v9;
	v6 =	vadd.f32 $4.100657250e-02, v6;
	_ =	sdelay $0x1  }
0x14d: {  	v10 =	vadd.f32 $4.100657250e-02, v10;
	v6 =	vmul.f32 v6, v5;
	_ =	sdelay $0x1  }
0x14e: {  	v10 =	vmul.f32 v10, v9;
	v6 =	vadd.f32 $-8.188040550e-02, v6;
	_ =	sdelay $0x1  }
0x14f: {  	v10 =	vadd.f32 $-8.188040550e-02, v10;
	v6 =	vmul.f32 v6, v5;
	_ =	sdelay $0x1  }
0x150: {  	v10 =	vmul.f32 v10, v9;
	v6 =	vadd.f32 $1.237799600e-01, v6;
	_ =	sdelay $0x1  }
0x151: {  	v10 =	vadd.f32 $1.237799600e-01, v10;
	v6 =	vmul.f32 v6, v5;
	_ =	sdelay $0x1  }
0x152: {  	v10 =	vmul.f32 v10, v9;
	v6 =	vadd.f32 $-1.608762290e-01, v6;
	_ =	sdelay $0x1  }
0x153: {  	v10 =	vadd.f32 $-1.608762290e-01, v10;
	v6 =	vmul.f32 v6, v5;
	_ =	sdelay $0x1  }
0x154: {  	v10 =	vmul.f32 v10, v9;
	v6 =	vadd.f32 $1.988582020e-01, v6;
	_ =	sdelay $0x1  }
0x155: {  	v10 =	vadd.f32 $1.988582020e-01, v10;
	v6 =	vmul.f32 v6, v5;
	_ =	sdelay $0x1  }
0x156: {  	v10 =	vmul.f32 v10, v9;
	v6 =	vadd.f32 $-2.498649660e-01, v6;
	_ =	sdelay $0x1  }
0x157: {  	v10 =	vadd.f32 $-2.498649660e-01, v10;
	v6 =	vmul.f32 v6, v5;
	_ =	sdelay $0x1  }
0x158: {  	v10 =	vmul.f32 v10, v9;
	v6 =	vadd.f32 $3.333249690e-01, v6;
	_ =	sdelay $0x1  }
0x159: {  	v10 =	vadd.f32 $3.333249690e-01, v10;
	v6 =	vmul.f32 v6, v5;
	_ =	sdelay $0x1  }
0x15a: {  	v10 =	vmul.f32 v10, v9;
	v6 =	vadd.f32 $-4.999997910e-01, v6;
	_ =	sdelay $0x1  }
0x15b: {  	v10 =	vadd.f32 $-4.999997910e-01, v10;
	v6 =	vmul.f32 v6, v5;
	_ =	sdelay $0x1  }
0x15c: {  	v10 =	vmul.f32 v10, v9;
	v6 =	vadd.f32 $1.000000000e+00, v6;
	_ =	sdelay $0x1  }
0x15d: {  	v63 =	vadd.f32 $1.000000000e+00, v10;
	v5 =	vmul.f32 v6, v5;
	_ =	sdelay $0x1  }
0x15e: {  	v6 =	vmul.f32 v63, v9;
	v5 =	vadd.f32 v5, v7  }
0x15f: {  	s2 =	sadd.s32 $0x10, s2  }
0x160: {  	p1 =	slt.u32 s2, $0x4E10;
	v4 =	vand.u32 $0x3FFF, v4;
	v6 =	vadd.f32 v6, v8;
	v5 =	vadd.f32 v5, v3  }
.Ltmp2:
0x161: {  	_ = 	snop;
	(pc) =	sbr.rel @p1 .LBB2_6-.Ltmp2, $3  }
0x162: {  	v5 =	vsub.f32 v5, v6;
	_ =	sdelay $0x1  }
0x163: {  	[tilespmem:s26+$0x0] =	vst v5  }
0x164: {  	s0 =	sadd.s32 $0x10, s0;
	s26 =	sadd.s32 $0x10, s26;
	[tilespmem:v4+s18+$0x0] =	vst.idx.add.f32.msk $0xffff, v5  }
0x165: {  	[spmem:s8] =	stream.strided.scatter [tilespmem:s18], [sflag:$0x1], $0x2800, s20, s19, $0x38;
	[tilespmem:$0x14B80] =	vst v63  }
0x166: {  	_ =	swait.ge [sflag:s14], $0x2800  }
0x167: {  	[sflag:s14] =	ssyncset.done $0x0  }
0x168: {  	[sflag:s14] =	ssyncadd.s32 $0xFFFFD800  }
0x169: {  	s16 =	simm.s32 $0x0;
	s2 =	simm.s32 $0x0;
	[bflag:$0x0] =	sbarrier.arrive $0xFFFF  }
0x16a: {  	[tilespmem:s23], [sflag:$0x1] =	stream.strided.gather [spmem:s9], $0x2800, s22, s21, $0x38;
	[tilespmem:$0x14B80] =	vst v63  }
0x16b: {  	s0 =	sand.u32 $0x60, s2;
	s16 =	sand.u32 $0x1C00, s16;
	_ =	swait.ge [sflag:s14], $0x2800  }
0x16c: {  	s17 =	sadd.s32 $0xF180, s16;
	s28 =	sor.u32 $0x10, s0;
	[sflag:s14] =	ssyncset.done $0x0  }
0x16d: {  	s26 =	sor.u32 s28, s17;
	[sflag:s14] =	ssyncadd.s32 $0xFFFFD800  }
0x16e: {  	v4 =	vld [tilespmem:s26+$0x0]  }
0x16f: {  	s17 =	sor.u32 s0, s17;
	v5 =	vld [tilespmem:s26+$0x80]  }
0x170: {  	v6 =	vld [tilespmem:s17+$0x0]  }
0x171: {  	v7 =	vld [tilespmem:s26+$0x100]  }
0x172: {  	v8 =	vld [tilespmem:s17+$0x80]  }
0x173: {  	v9 =	vld [tilespmem:s26+$0x180]  }
0x174: {  	v10 =	vld [tilespmem:s17+$0x100]  }
0x175: {  	v11 =	vld [tilespmem:s26+$0x200]  }
0x176: {  	v12 =	vld [tilespmem:s17+$0x180]  }
0x177: {  	v13 =	vld [tilespmem:s26+$0x280]  }
0x178: {  	v14 =	vld [tilespmem:s17+$0x200]  }
0x179: {  	v15 =	vld [tilespmem:s26+$0x300]  }
0x17a: {  	v16 =	vld [tilespmem:s17+$0x280]  }
0x17b: {  	s29 =	sadd.s32 $0x10580, s16;
	v17 =	vld [tilespmem:s26+$0x380]  }
0x17c: {  	s6 =	sor.u32 s28, s29;
	v18 =	vld [tilespmem:s17+$0x300]  }
0x17d: {  	v19 =	vld [tilespmem:s6+$0x0]  }
0x17e: {  	s1 =	sor.u32 s0, s29;
	s29 =	sadd.s32 $0x10680, s16;
	v20 =	vld [tilespmem:s17+$0x380]  }
0x17f: {  	s30 =	sadd.s32 $0x10600, s16;
	s5 =	sor.u32 s28, s29;
	v22 =	vld [tilespmem:s1+$0x0]  }
0x180: {  	s26 =	sor.u32 s28, s30;
	v23 =	vld [tilespmem:s5+$0x0]  }
0x181: {  	s6 =	sor.u32 s0, s30;
	v21 =	vld [tilespmem:s26+$0x0]  }
0x182: {  	s30 =	sadd.s32 $0x10700, s16;
	s1 =	sor.u32 s0, s29;
	v24 =	vld [tilespmem:s6+$0x0]  }
0x183: {  	s29 =	sadd.s32 $0x10780, s16;
	s26 =	sor.u32 s28, s30;
	v26 =	vld [tilespmem:s1+$0x0]  }
0x184: {  	s5 =	sor.u32 s28, s29;
	v25 =	vld [tilespmem:s26+$0x0]  }
0x185: {  	s6 =	sor.u32 s0, s30;
	v27 =	vld [tilespmem:s5+$0x0]  }
0x186: {  	s30 =	sadd.s32 $0x10800, s16;
	s1 =	sor.u32 s0, s29;
	v28 =	vld [tilespmem:s6+$0x0]  }
0x187: {  	s29 =	sadd.s32 $0x10880, s16;
	s26 =	sor.u32 s28, s30;
	v30 =	vld [tilespmem:s1+$0x0]  }
0x188: {  	s5 =	sor.u32 s28, s29;
	v29 =	vld [tilespmem:s26+$0x0]  }
0x189: {  	s16 =	sadd.s32 $0x10900, s16;
	s6 =	sor.u32 s0, s30;
	v31 =	vld [tilespmem:s5+$0x0]  }
0x18a: {  	v32 =	vld [tilespmem:s6+$0x0];
	s26 =	sor.u32 s28, s16  }
0x18b: {  	s2 =	sand.u32 $0x380, s2;
	s29 =	sor.u32 s0, s29;
	v33 =	vld [tilespmem:s26+$0x0];
	v4 =	vadd.f32 v5, v4  }
0x18c: {  	s2 =	sor.u32 s2, s28;
	s26 =	simm.s32 $0x20;
	v5 =	vadd.f32 v8, v6;
	v6 =	vld [tilespmem:s29+$0x0];
	s29 =	simm.s32 $0x100  }
0x18d: {  	s16 =	sor.u32 s0, s16;
	s0 =	sand.u32 $0x60, s26;
	v8 =	vld [tilespmem:s2+$0xED00];
	s31 =	sand.u32 $0x1C00, s29;
	v4 =	vadd.f32 v7, v4  }
0x18e: {  	s28 =	simm.s32 $0xED00;
	s30 =	sor.u32 $0x10, s0;
	v5 =	vadd.f32 v10, v5;
	s1 =	sadd.s32 $0xF180, s31;
	v7 =	vld [tilespmem:s16+$0x0]  }
0x18f: {  	v10 =	vld [tilespmem:s28+$0x0];
	s5 =	sor.u32 s30, s1;
	v4 =	vadd.f32 v9, v4  }
0x190: {  	v5 =	vadd.f32 v12, v5;
	v9 =	vld [tilespmem:s5+$0x0]  }
0x191: {  	v42 =	vld [tilespmem:s5+$0x80];
	v4 =	vadd.f32 v11, v4  }
0x192: {  	s17 =	sor.u32 s0, s1;
	v43 =	vld [tilespmem:s5+$0x100];
	v5 =	vadd.f32 v14, v5  }
0x193: {  	v44 =	vld [tilespmem:s17+$0x80];
	v4 =	vadd.f32 v13, v4  }
0x194: {  	v11 =	vld [tilespmem:s17+$0x0];
	v5 =	vadd.f32 v16, v5  }
0x195: {  	v45 =	vld [tilespmem:s5+$0x180];
	v4 =	vadd.f32 v15, v4  }
0x196: {  	v46 =	vld [tilespmem:s17+$0x100];
	v9 =	vadd.f32 v42, v9;
	v5 =	vadd.f32 v18, v5  }
0x197: {  	v47 =	vld [tilespmem:s5+$0x200];
	v4 =	vadd.f32 v17, v4  }
0x198: {  	v48 =	vld [tilespmem:s17+$0x180];
	v9 =	vadd.f32 v43, v9;
	v5 =	vadd.f32 v20, v5  }
0x199: {  	v49 =	vld [tilespmem:s5+$0x280];
	v11 =	vadd.f32 v44, v11;
	v4 =	vadd.f32 v19, v4  }
0x19a: {  	v50 =	vld [tilespmem:s17+$0x200];
	v9 =	vadd.f32 v45, v9;
	v5 =	vadd.f32 v22, v5  }
0x19b: {  	v51 =	vld [tilespmem:s5+$0x300];
	v11 =	vadd.f32 v46, v11;
	v4 =	vadd.f32 v21, v4  }
0x19c: {  	v52 =	vld [tilespmem:s17+$0x280];
	v9 =	vadd.f32 v47, v9;
	v5 =	vadd.f32 v24, v5  }
0x19d: {  	s1 =	sadd.s32 $0x10580, s31;
	v53 =	vld [tilespmem:s5+$0x380];
	v11 =	vadd.f32 v48, v11;
	v4 =	vadd.f32 v23, v4  }
0x19e: {  	v54 =	vld [tilespmem:s17+$0x300];
	s6 =	sor.u32 s30, s1;
	v9 =	vadd.f32 v49, v9;
	v5 =	vadd.f32 v26, v5  }
0x19f: {  	s5 =	sadd.s32 $0x10600, s31;
	v55 =	vld [tilespmem:s6+$0x0];
	v11 =	vadd.f32 v50, v11;
	v4 =	vadd.f32 v25, v4  }
0x1a0: {  	v56 =	vld [tilespmem:s17+$0x380];
	s6 =	sor.u32 s30, s5;
	v9 =	vadd.f32 v51, v9;
	v5 =	vadd.f32 v28, v5  }
0x1a1: {  	s1 =	sor.u32 s0, s1;
	s17 =	sadd.s32 $0x10680, s31;
	v57 =	vld [tilespmem:s6+$0x0];
	v11 =	vadd.f32 v52, v11;
	v4 =	vadd.f32 v27, v4  }
0x1a2: {  	v58 =	vld [tilespmem:s1+$0x0];
	s6 =	sor.u32 s30, s17;
	v9 =	vadd.f32 v53, v9;
	v5 =	vadd.f32 v30, v5  }
0x1a3: {  	s16 =	sadd.s32 $0x10700, s31;
	s5 =	sor.u32 s0, s5;
	v59 =	vld [tilespmem:s6+$0x0];
	v11 =	vadd.f32 v54, v11;
	v4 =	vadd.f32 v29, v4  }
0x1a4: {  	v60 =	vld [tilespmem:s5+$0x0];
	s5 =	sor.u32 s30, s16;
	v9 =	vadd.f32 v55, v9;
	v5 =	vadd.f32 v32, v5  }
0x1a5: {  	v61 =	vld [tilespmem:s5+$0x0];
	s6 =	sor.u32 s0, s17;
	s17 =	sadd.s32 $0x10780, s31;
	v11 =	vadd.f32 v56, v11;
	v4 =	vadd.f32 v31, v4  }
0x1a6: {  	v62 =	vld [tilespmem:s6+$0x0];
	s5 =	sor.u32 s30, s17;
	v5 =	vadd.f32 v6, v5;
	v6 =	vadd.f32 v57, v9  }
0x1a7: {  	s6 =	sor.u32 s0, s16;
	s16 =	sadd.s32 $0x10800, s31;
	v9 =	vadd.f32 v58, v11;
	v11 =	vld [tilespmem:s5+$0x0];
	v4 =	vadd.f32 v33, v4  }
0x1a8: {  	v63 =	vld [tilespmem:s6+$0x0];
	s5 =	sor.u32 s30, s16;
	v5 =	vadd.f32 v7, v5;
	v7 =	vadd.f32 v59, v6  }
0x1a9: {  	s6 =	sor.u32 s0, s17;
	s17 =	sadd.s32 $0x10880, s31;
	v9 =	vadd.f32 v60, v9;
	v6 =	vld [tilespmem:s5+$0x0];
	v8 =	vadd.f32 v4, v8  }
0x1aa: {  	s5 =	sor.u32 s30, s17;
	v10 =	vadd.f32 v5, v10;
	v4 =	vld [tilespmem:s6+$0x0];
	v12 =	vadd.f32 v61, v7  }
0x1ab: {  	s6 =	sor.u32 s0, s16;
	v9 =	vadd.f32 v62, v9;
	s16 =	sadd.s32 $0x10900, s31;
	v5 =	vld [tilespmem:s5+$0x0];
	s31 =	simm.s32 $0x11980  }
0x1ac: {  	v7 =	vld [tilespmem:s6+$0x0];
	s6 =	sor.u32 s30, s16;
	[tilespmem:s31+$0x0] =	vst v10;
	v10 =	vadd.f32 v11, v12  }
0x1ad: {  	s17 =	sor.u32 s0, s17;
	s16 =	sor.u32 s0, s16;
	s0 =	sand.u32 $0x380, s26;
	[tilespmem:s2+$0x11980] =	vst v8;
	v9 =	vadd.f32 v63, v9;
	v8 =	vld [tilespmem:s6+$0x0]  }
.LBB2_8:
0x1ae: {  	s26 =	sadd.s32 $0x20, s26;
	v11 =	vld [tilespmem:s17+$0x0];
	v6 =	vadd.f32 v6, v10;
	s1 =	sor.u32 s0, s30;
	s29 =	sadd.s32 $0x100, s29  }
0x1af: {  	s0 =	sand.u32 $0x60, s26;
	s2 =	sand.u32 $0x1C00, s29;
	p1 =	slt.u32 s26, $0x260;
	v4 =	vadd.f32 v4, v9;
	v9 =	vld [tilespmem:s1+$0xED00]  }
0x1b0: {  	s28 =	sadd.s32 $0x20, s28;
	s5 =	sadd.s32 $0xF180, s2;
	s30 =	sor.u32 $0x10, s0;
	v10 =	vld [tilespmem:s16+$0x0];
	v5 =	vadd.f32 v5, v6  }
0x1b1: {  	s16 =	sor.u32 s0, s5;
	s5 =	sor.u32 s30, s5;
	v4 =	vadd.f32 v7, v4;
	v6 =	vld [tilespmem:s28+$0x0]  }
0x1b2: {  	v7 =	vld [tilespmem:s5+$0x0];
	v5 =	vadd.f32 v8, v5  }
0x1b3: {  	v8 =	vld [tilespmem:s5+$0x80];
	v4 =	vadd.f32 v11, v4  }
0x1b4: {  	v11 =	vld [tilespmem:s16+$0x0];
	v5 =	vadd.f32 v5, v9  }
0x1b5: {  	v9 =	vld [tilespmem:s5+$0x100];
	v4 =	vadd.f32 v10, v4  }
0x1b6: {  	v10 =	vld [tilespmem:s16+$0x80];
	[tilespmem:s1+$0x11980] =	vst v5  }
0x1b7: {  	v5 =	vld [tilespmem:s5+$0x180];
	v4 =	vadd.f32 v4, v6  }
0x1b8: {  	s31 =	sadd.s32 $0x20, s31;
	v6 =	vld [tilespmem:s16+$0x100];
	v7 =	vadd.f32 v8, v7  }
0x1b9: {  	v8 =	vld [tilespmem:s5+$0x200];
	[tilespmem:s31+$0x0] =	vst v4  }
0x1ba: {  	v4 =	vld [tilespmem:s16+$0x180];
	v7 =	vadd.f32 v9, v7  }
0x1bb: {  	v9 =	vadd.f32 v10, v11;
	v10 =	vld [tilespmem:s5+$0x280]  }
0x1bc: {  	v11 =	vld [tilespmem:s16+$0x200];
	v5 =	vadd.f32 v5, v7  }
0x1bd: {  	v6 =	vadd.f32 v6, v9;
	v7 =	vld [tilespmem:s5+$0x300]  }
0x1be: {  	v9 =	vld [tilespmem:s16+$0x280];
	v5 =	vadd.f32 v8, v5  }
0x1bf: {  	s1 =	sadd.s32 $0x10580, s2;
	v4 =	vadd.f32 v4, v6;
	v6 =	vld [tilespmem:s5+$0x380]  }
0x1c0: {  	s5 =	sor.u32 s0, s1;
	s1 =	sor.u32 s30, s1;
	v8 =	vld [tilespmem:s16+$0x300];
	v5 =	vadd.f32 v10, v5  }
0x1c1: {  	s17 =	sadd.s32 $0x10600, s2;
	v4 =	vadd.f32 v11, v4;
	v10 =	vld [tilespmem:s1+$0x0]  }
0x1c2: {  	s1 =	sor.u32 s0, s17;
	v11 =	vld [tilespmem:s16+$0x380];
	v5 =	vadd.f32 v7, v5;
	s16 =	sor.u32 s30, s17  }
0x1c3: {  	s17 =	sadd.s32 $0x10680, s2;
	v4 =	vadd.f32 v9, v4;
	v7 =	vld [tilespmem:s16+$0x0]  }
0x1c4: {  	s16 =	sor.u32 s30, s17;
	v9 =	vld [tilespmem:s5+$0x0];
	s5 =	sor.u32 s0, s17;
	v5 =	vadd.f32 v6, v5  }
0x1c5: {  	s17 =	sadd.s32 $0x10700, s2;
	v4 =	vadd.f32 v8, v4;
	v6 =	vld [tilespmem:s16+$0x0]  }
0x1c6: {  	s16 =	sor.u32 s30, s17;
	v8 =	vld [tilespmem:s1+$0x0];
	s1 =	sor.u32 s0, s17;
	v5 =	vadd.f32 v10, v5  }
0x1c7: {  	s17 =	sadd.s32 $0x10780, s2;
	v4 =	vadd.f32 v11, v4;
	v10 =	vld [tilespmem:s16+$0x0]  }
0x1c8: {  	s16 =	sor.u32 s30, s17;
	v11 =	vld [tilespmem:s5+$0x0];
	s5 =	sor.u32 s0, s17;
	v5 =	vadd.f32 v7, v5  }
0x1c9: {  	s17 =	sadd.s32 $0x10800, s2;
	v4 =	vadd.f32 v9, v4;
	v9 =	vld [tilespmem:s16+$0x0]  }
0x1ca: {  	s16 =	sor.u32 s30, s17;
	v12 =	vld [tilespmem:s1+$0x0];
	s1 =	sor.u32 s0, s17;
	v5 =	vadd.f32 v6, v5  }
.Ltmp3:
0x1cb: {  	s6 =	sadd.s32 $0x10880, s2;
	v7 =	vadd.f32 v8, v4;
	v6 =	vld [tilespmem:s16+$0x0];
	(pc) =	sbr.rel @p1 .LBB2_8-.Ltmp3, $4  }
0x1cc: {  	s17 =	sor.u32 s0, s6;
	v4 =	vld [tilespmem:s5+$0x0];
	v8 =	vadd.f32 v10, v5;
	s5 =	sor.u32 s30, s6  }
0x1cd: {  	s2 =	sadd.s32 $0x10900, s2;
	v11 =	vadd.f32 v11, v7;
	v5 =	vld [tilespmem:s5+$0x0]  }
0x1ce: {  	s16 =	sor.u32 s0, s2;
	s0 =	sor.u32 s30, s2;
	v7 =	vld [tilespmem:s1+$0x0];
	v10 =	vadd.f32 v9, v8  }
0x1cf: {  	v9 =	vadd.f32 v12, v11;
	v8 =	vld [tilespmem:s0+$0x0];
	s0 =	sand.u32 $0x380, s26  }
0x1d0: {  	v11 =	vld [tilespmem:s17+$0x0]  }
0x1d1: {  	v4 =	vadd.f32 v4, v9  }
0x1d2: {  	v6 =	vadd.f32 v6, v10;
	s0 =	sor.u32 s0, s30;
	v61 =	vld [tilespmem:s16+$0x0]  }
0x1d3: {  	s1 =	sadd.s32 $0x20, s28;
	v62 =	vld [tilespmem:s0+$0xED00];
	v4 =	vadd.f32 v7, v4  }
0x1d4: {  	v63 =	vld [tilespmem:s1+$0x0];
	v5 =	vadd.f32 v5, v6  }
0x1d5: {  	v4 =	vadd.f32 v11, v4  }
0x1d6: {  	v5 =	vadd.f32 v8, v5  }
0x1d7: {  	v4 =	vadd.f32 v61, v4  }
0x1d8: {  	v5 =	vadd.f32 v5, v62  }
0x1d9: {  	v4 =	vadd.f32 v4, v63  }
0x1da: {  	s31 =	sadd.s32 $0x20, s31;
	[tilespmem:s0+$0x11980] =	vst v5  }
0x1db: {  	[tilespmem:s31+$0x0] =	vst v4  }
0x1dc: {  	[spmem:s10] =	stream.linear.scatter [tilespmem:s24], [sflag:$0x1], $0x280, $0x38;
	[tilespmem:$0x14B80] =	vst v63  }
0x1dd: {  	_ =	swait.ge [sflag:s14], $0x280  }
0x1de: {  	[sflag:s14] =	ssyncset.done $0x0  }
0x1df: {  	[sflag:s14] =	ssyncadd.s32 $0xFFFFFD80  }
0x1e0: {  	[bflag:$0x0] =	sbarrier.arrive $0xFFFF  }
0x1e1: {  	[tilespmem:s15], [sflag:$0x1] =	stream.linear.gather [spmem:s3], $0x2800, $0x38;
	[tilespmem:$0x14B80] =	vst v63  }
0x1e2: {  	_ =	swait.ge [sflag:s14], $0x2800  }
0x1e3: {  	[sflag:s14] =	ssyncset.done $0x0  }
0x1e4: {  	s0 =	simm.s32 $0xC540;
	[sflag:s14] =	ssyncadd.s32 $0xFFFFD800  }
0x1e5: {  	[tilespmem:s0+$0xFFFFFFC0] =	vst v0  }
0x1e6: {  	[tilespmem:s0+$0x30] =	vst v0  }
0x1e7: {  	[tilespmem:s0+$0x20] =	vst v0  }
0x1e8: {  	[tilespmem:s0+$0x10] =	vst v0  }
0x1e9: {  	[tilespmem:s0+$0x0] =	vst v0  }
0x1ea: {  	[tilespmem:s0+$0xFFFFFFF0] =	vst v0  }
0x1eb: {  	s2 =	simm.s32 $0x0;
	[tilespmem:s0+$0xFFFFFFE0] =	vst v0  }
.LBB2_10:
0x1ec: {  	s2 =	sadd.s32 $0x80, s2;
	[tilespmem:s0+$0xFFFFFFD0] =	vst v0;
	s0 =	sadd.s32 $0x80, s0  }
0x1ed: {  	[tilespmem:s0+$0xFFFFFFC0] =	vst v0;
	p1 =	slt.u32 s2, $0x2780  }
0x1ee: {  	[tilespmem:s0+$0x30] =	vst v0  }
.Ltmp4:
0x1ef: {  	[tilespmem:s0+$0x20] =	vst v0;
	(pc) =	sbr.rel @p1 .LBB2_10-.Ltmp4, $4  }
0x1f0: {  	[tilespmem:s0+$0x10] =	vst v0  }
0x1f1: {  	[tilespmem:s0+$0x0] =	vst v0  }
0x1f2: {  	[tilespmem:s0+$0xFFFFFFF0] =	vst v0  }
0x1f3: {  	s26 =	simm.s32 $0x4EA0;
	s16 =	simm.s32 $0x20;
	[tilespmem:s0+$0xFFFFFFE0] =	vst v0  }
0x1f4: {  	[tilespmem:s0+$0xFFFFFFD0] =	vst v0  }
0x1f5: {  	v19 =	vld [tilespmem:s16+$0x10];
	_ =	sdelay $0x4  }
0x1f6: {  	v4 =	vshrl.u32 v19, $0xE  }
0x1f7: {  	v12 =	vld [tilespmem:s16+$0xFFFFFFE0]  }
0x1f8: {  	v10 =	vld [tilespmem:s16+$0xFFFFFFF0]  }
0x1f9: {  	v11 =	vld [tilespmem:s16+$0x0]  }
0x1fa: {  	v8 =	vld [tilespmem:s26+$0x10]  }
0x1fb: {  	v4 =	vld.idx.msk [tilespmem:v4+s15+$0x0], $0xffff  }
0x1fc: {  	v7 =	vshrl.u32 v12, $0xE;
	_ =	sdelay $0x1  }
0x1fd: {  	v5 =	vshrl.u32 v10, $0xE  }
0x1fe: {  	v9 =	vld [tilespmem:s26+$0xFFFFFFF0];
	v6 =	vshrl.u32 v11, $0xE  }
0x1ff: {  	v14 =	vld [tilespmem:s26+$0x0];
	v4 =	vsub.f32 v4, v8  }
0x200: {  	v7 =	vld.idx.msk [tilespmem:v7+s15+$0x0], $0xffff  }
0x201: {  	v8 =	vld [tilespmem:s26+$0xFFFFFFE0];
	v13 =	vadd.f32 v4, v1  }
0x202: {  	v5 =	vld.idx.msk [tilespmem:v5+s15+$0x0], $0xffff;
	v4 =	vadd.f32 v4, v2  }
0x203: {  	v6 =	vld.idx.msk [tilespmem:v6+s15+$0x0], $0xffff;
	v21 =	vmax.f32 v13, $0.0e+00;
	v13 =	vmin.f32 v13, $0.0e+00  }
0x204: {  	v20 =	vmax.f32 v4, $0.0e+00;
	v4 =	vmin.f32 v4, $0.0e+00;
	v13 =	vsub.f32 v13, v21  }
0x205: {  	v4 =	vsub.f32 v4, v20  }
0x206: {  	v7 =	vsub.f32 v7, v8;
	v8 =	vmul.f32 $1.442695020e+00, v13  }
0x207: {  	v9 =	vsub.f32 v5, v9;
	v4 =	vmul.f32 $1.442695020e+00, v4  }
0x208: {  	v13 =	vsub.f32 v6, v14;
	v6 =	vadd.f32 v7, v1;
	(erf) = vpow2.f32 v8  }
0x209: {  	v7 =	vadd.f32 v7, v2;
	(erf) = vpow2.f32 v4  }
0x20a: {  	v8 =	vadd.f32 v9, v1;
	v14 =	vadd.f32 v13, v1;
	v5 =	vmax.f32 v6, $0.0e+00  }
0x20b: {  	v15 =	vmin.f32 v6, $0.0e+00;
	v9 =	vadd.f32 v9, v2;
	v13 =	vadd.f32 v13, v2  }
0x20c: {  	v17 =	vmin.f32 v7, $0.0e+00;
	v15 =	vsub.f32 v15, v5;
	v6 =	vmax.f32 v8, $0.0e+00  }
0x20d: {  	v16 =	vmin.f32 v8, $0.0e+00;
	v4 =	vmax.f32 v14, $0.0e+00;
	v14 =	vmin.f32 v14, $0.0e+00  }
0x20e: {  	v8 =	vmax.f32 v7, $0.0e+00;
	v7 =	vmax.f32 v9, $0.0e+00;
	v16 =	vsub.f32 v16, v6  }
0x20f: {  	v18 =	vmin.f32 v9, $0.0e+00;
	v14 =	vsub.f32 v14, v4;
	v15 =	vmul.f32 $1.442695020e+00, v15  }
0x210: {  	v9 =	vmax.f32 v13, $0.0e+00;
	v13 =	vmin.f32 v13, $0.0e+00;
	v16 =	vmul.f32 $1.442695020e+00, v16  }
0x211: {  	v17 =	vsub.f32 v17, v8;
	v14 =	vmul.f32 $1.442695020e+00, v14;
	(erf) = vpow2.f32 v15;
	v22 =	vpop (erf)  }
0x212: {  	v15 =	vsub.f32 v18, v7;
	(erf) = vpow2.f32 v16;
	v18 =	vmul.f32 $1.986696620e-03, v22;
	v23 =	vpop (erf)  }
0x213: {  	v13 =	vsub.f32 v13, v9;
	v16 =	vmul.f32 $1.442695020e+00, v17;
	v17 =	vmul.f32 $1.986696620e-03, v23  }
0x214: {  	(erf) = vpow2.f32 v14;
	v14 =	vmul.f32 $1.442695020e+00, v15;
	v15 =	vadd.f32 $-1.318782660e-02, v18  }
0x215: {  	(erf) = vpow2.f32 v16;
	v16 =	vadd.f32 $-1.318782660e-02, v17  }
0x216: {  	v13 =	vmul.f32 $1.442695020e+00, v13;
	v15 =	vmul.f32 v15, v22  }
0x217: {  	(erf) = vpow2.f32 v14;
	v14 =	vmul.f32 v16, v23  }
0x218: {  	(erf) = vpow2.f32 v13;
	v13 =	vadd.f32 $4.100657250e-02, v15;
	_ =	sdelay $0x1  }
0x219: {  	v16 =	vadd.f32 $4.100657250e-02, v14;
	v15 =	vmul.f32 v13, v22  }
0x21a: {  	v14 =	vpop (erf)  }
0x21b: {  	v16 =	vmul.f32 v16, v23;
	v17 =	vmul.f32 $1.986696620e-03, v14;
	v13 =	vpop (erf)  }
0x21c: {  	v24 =	vadd.f32 $-8.188040550e-02, v15;
	v18 =	vmul.f32 $1.986696620e-03, v13  }
0x21d: {  	v16 =	vadd.f32 $-8.188040550e-02, v16;
	v15 =	vpop (erf);
	v17 =	vadd.f32 $-1.318782660e-02, v17  }
0x21e: {  	v10 =	vand.u32 $0x3FFF, v10;
	v24 =	vmul.f32 v24, v22;
	v25 =	vmul.f32 $1.986696620e-03, v15  }
0x21f: {  	v12 =	vand.u32 $0x3FFF, v12;
	v26 =	vadd.f32 $-1.318782660e-02, v18;
	v30 =	vmul.f32 v16, v23  }
0x220: {  	v27 =	vmul.f32 v17, v14;
	v24 =	vadd.f32 $1.237799600e-01, v24;
	v18 =	vpop (erf);
	v25 =	vadd.f32 $-1.318782660e-02, v25  }
0x221: {  	v26 =	vmul.f32 v26, v13;
	v30 =	vadd.f32 $1.237799600e-01, v30;
	v28 =	vmul.f32 $1.986696620e-03, v18;
	v17 =	vpop (erf)  }
0x222: {  	v11 =	vand.u32 $0x3FFF, v11;
	v24 =	vmul.f32 v24, v22;
	v29 =	vmul.f32 $1.986696620e-03, v17  }
0x223: {  	v27 =	vadd.f32 $4.100657250e-02, v27;
	v16 =	vpop (erf);
	v25 =	vmul.f32 v25, v15;
	v30 =	vmul.f32 v30, v23  }
0x224: {  	v26 =	vadd.f32 $4.100657250e-02, v26;
	v28 =	vadd.f32 $-1.318782660e-02, v28;
	v31 =	vmul.f32 $1.986696620e-03, v16  }
0x225: {  	v24 =	vadd.f32 $-1.608762290e-01, v24;
	v27 =	vmul.f32 v27, v14;
	v29 =	vadd.f32 $-1.318782660e-02, v29  }
0x226: {  	v25 =	vadd.f32 $4.100657250e-02, v25;
	v30 =	vadd.f32 $-1.608762290e-01, v30;
	v26 =	vmul.f32 v26, v13  }
0x227: {  	v28 =	vmul.f32 v28, v18;
	v31 =	vadd.f32 $-1.318782660e-02, v31;
	v24 =	vmul.f32 v24, v22  }
0x228: {  	v27 =	vadd.f32 $-8.188040550e-02, v27;
	v29 =	vmul.f32 v29, v17;
	v25 =	vmul.f32 v25, v15  }
0x229: {  	v30 =	vmul.f32 v30, v23;
	v26 =	vadd.f32 $-8.188040550e-02, v26;
	v24 =	vadd.f32 $1.988582020e-01, v24  }
0x22a: {  	v31 =	vmul.f32 v31, v16;
	v28 =	vadd.f32 $4.100657250e-02, v28;
	v27 =	vmul.f32 v27, v14  }
0x22b: {  	v29 =	vadd.f32 $4.100657250e-02, v29;
	v30 =	vadd.f32 $1.988582020e-01, v30;
	v24 =	vmul.f32 v24, v22  }
0x22c: {  	v25 =	vadd.f32 $-8.188040550e-02, v25;
	v26 =	vmul.f32 v26, v13;
	v28 =	vmul.f32 v28, v18  }
0x22d: {  	v31 =	vadd.f32 $4.100657250e-02, v31;
	v30 =	vmul.f32 v30, v23;
	v24 =	vadd.f32 $-2.498649660e-01, v24  }
0x22e: {  	v27 =	vadd.f32 $1.237799600e-01, v27;
	v29 =	vmul.f32 v29, v17;
	v25 =	vmul.f32 v25, v15  }
0x22f: {  	v26 =	vadd.f32 $1.237799600e-01, v26;
	v30 =	vadd.f32 $-2.498649660e-01, v30;
	v24 =	vmul.f32 v24, v22  }
0x230: {  	v31 =	vmul.f32 v31, v16;
	v28 =	vadd.f32 $-8.188040550e-02, v28;
	v27 =	vmul.f32 v27, v14  }
0x231: {  	v29 =	vadd.f32 $-8.188040550e-02, v29;
	v30 =	vmul.f32 v30, v23;
	v24 =	vadd.f32 $3.333249690e-01, v24  }
0x232: {  	v25 =	vadd.f32 $1.237799600e-01, v25;
	v26 =	vmul.f32 v26, v13;
	v28 =	vmul.f32 v28, v18  }
0x233: {  	v31 =	vadd.f32 $-8.188040550e-02, v31;
	v30 =	vadd.f32 $3.333249690e-01, v30;
	v24 =	vmul.f32 v24, v22  }
0x234: {  	v27 =	vadd.f32 $-1.608762290e-01, v27;
	v29 =	vmul.f32 v29, v17;
	v25 =	vmul.f32 v25, v15  }
0x235: {  	v26 =	vadd.f32 $-1.608762290e-01, v26;
	v30 =	vmul.f32 v30, v23;
	v24 =	vadd.f32 $-4.999997910e-01, v24  }
0x236: {  	v31 =	vmul.f32 v31, v16;
	v28 =	vadd.f32 $1.237799600e-01, v28;
	v27 =	vmul.f32 v27, v14  }
0x237: {  	v29 =	vadd.f32 $1.237799600e-01, v29;
	v30 =	vadd.f32 $-4.999997910e-01, v30;
	v24 =	vmul.f32 v24, v22  }
0x238: {  	v25 =	vadd.f32 $-1.608762290e-01, v25;
	v26 =	vmul.f32 v26, v13;
	v28 =	vmul.f32 v28, v18  }
0x239: {  	v31 =	vadd.f32 $1.237799600e-01, v31;
	v30 =	vmul.f32 v30, v23;
	v24 =	vadd.f32 $1.000000000e+00, v24  }
0x23a: {  	v27 =	vadd.f32 $1.988582020e-01, v27;
	v29 =	vmul.f32 v29, v17;
	v25 =	vmul.f32 v25, v15  }
0x23b: {  	v28 =	vadd.f32 $-1.608762290e-01, v28;
	v22 =	vmul.f32 v24, v22;
	v24 =	vadd.f32 $1.000000000e+00, v30  }
0x23c: {  	v63 =	vadd.f32 $1.988582020e-01, v26;
	v31 =	vmul.f32 v31, v16;
	v29 =	vadd.f32 $-1.608762290e-01, v29  }
0x23d: {  	v28 =	vmul.f32 v28, v18;
	v21 =	vadd.f32 v22, v21;
	v23 =	vmul.f32 v24, v23  }
0x23e: {  	v62 =	vadd.f32 $-1.608762290e-01, v31;
	v22 =	vmul.f32 v29, v17;
	v29 =	vadd.f32 $1.988582020e-01, v25  }
0x23f: {  	v21 =	vadd.f32 v21, v3;
	v32 =	vadd.f32 v23, v20;
	v20 =	vand.u32 $0x3FFF, v19  }
0x240: {  	v26 =	vmul.f32 v62, v16;
	v24 =	vmul.f32 v27, v14;
	v27 =	vadd.f32 $1.988582020e-01, v28  }
0x241: {  	s29 =	simm.s32 $0x0;
	s30 =	simm.s32 $0x60;
	s28 =	simm.s32 $0x4EA0;
	v25 =	vmul.f32 v63, v13;
	v23 =	vmul.f32 v29, v15;
	v21 =	vsub.f32 v21, v32  }
.LBB2_12:
0x242: {  	v19 =	vld [tilespmem:s30+$0x10];
	v27 =	vmul.f32 v27, v18;
	v22 =	vadd.f32 $1.988582020e-01, v22;
	v26 =	vadd.f32 $1.988582020e-01, v26  }
0x243: {  	s29 =	sadd.s32 $0x40, s29;
	v24 =	vadd.f32 $-2.498649660e-01, v24;
	v28 =	vld [tilespmem:s30+$0xFFFFFFF0];
	v25 =	vadd.f32 $-2.498649660e-01, v25;
	[tilespmem:s26+$0x10] =	vst v21  }
0x244: {  	p1 =	slt.u32 s29, $0x4DC0;
	v23 =	vadd.f32 $-2.498649660e-01, v23;
	v22 =	vmul.f32 v22, v17;
	v26 =	vmul.f32 v26, v16;
	[tilespmem:v20+s18+$0x0] =	vst.idx.add.f32.msk $0xffff, v21  }
0x245: {  	v20 =	vmul.f32 v24, v14;
	v21 =	vadd.f32 $-2.498649660e-01, v27;
	v29 =	vld [tilespmem:s30+$0x0];
	v24 =	vmul.f32 v25, v13  }
0x246: {  	v25 =	vld [tilespmem:s30+$0xFFFFFFE0];
	v27 =	vadd.f32 $-2.498649660e-01, v22;
	v22 =	vmul.f32 v23, v15;
	v23 =	vadd.f32 $-2.498649660e-01, v26  }
0x247: {  	v20 =	vadd.f32 $3.333249690e-01, v20;
	v26 =	vshrl.u32 v19, $0xE;
	v24 =	vadd.f32 $3.333249690e-01, v24  }
0x248: {  	v21 =	vmul.f32 v21, v18;
	v30 =	vshrl.u32 v28, $0xE;
	v31 =	vadd.f32 $3.333249690e-01, v22  }
0x249: {  	v22 =	vand.u32 $0x3FFF, v28;
	v27 =	vmul.f32 v27, v17;
	v28 =	vmul.f32 v23, v16  }
0x24a: {  	v20 =	vmul.f32 v20, v14;
	v24 =	vmul.f32 v24, v13;
	v32 =	vshrl.u32 v29, $0xE  }
0x24b: {  	v21 =	vadd.f32 $3.333249690e-01, v21;
	v31 =	vmul.f32 v31, v15;
	v33 =	vshrl.u32 v25, $0xE  }
0x24c: {  	s26 =	sadd.s32 $0x40, s26;
	v23 =	vand.u32 $0x3FFF, v25;
	v25 =	vld.idx.msk [tilespmem:v26+s15+$0x0], $0xffff;
	v26 =	vadd.f32 $3.333249690e-01, v27;
	v27 =	vadd.f32 $3.333249690e-01, v28  }
0x24d: {  	v20 =	vadd.f32 $-4.999997910e-01, v20;
	v21 =	vmul.f32 v21, v18;
	v24 =	vadd.f32 $-4.999997910e-01, v24;
	v28 =	vld [tilespmem:s26+$0x10]  }
0x24e: {  	v31 =	vadd.f32 $-4.999997910e-01, v31;
	v30 =	vld.idx.msk [tilespmem:v30+s15+$0x0], $0xffff;
	v26 =	vmul.f32 v26, v17;
	v27 =	vmul.f32 v27, v16  }
0x24f: {  	v20 =	vmul.f32 v20, v14;
	v21 =	vadd.f32 $-4.999997910e-01, v21;
	v24 =	vmul.f32 v24, v13;
	v32 =	vld.idx.msk [tilespmem:v32+s15+$0x0], $0xffff  }
0x250: {  	v31 =	vmul.f32 v31, v15;
	v33 =	vld.idx.msk [tilespmem:v33+s15+$0x0], $0xffff;
	v26 =	vadd.f32 $-4.999997910e-01, v26;
	v27 =	vadd.f32 $-4.999997910e-01, v27  }
0x251: {  	v20 =	vadd.f32 $1.000000000e+00, v20;
	v21 =	vmul.f32 v21, v18;
	v24 =	vadd.f32 $1.000000000e+00, v24;
	v34 =	vld [tilespmem:s26+$0xFFFFFFE0]  }
0x252: {  	v35 =	vld [tilespmem:s26+$0xFFFFFFF0];
	v25 =	vsub.f32 v25, v28;
	v26 =	vmul.f32 v26, v17;
	v28 =	vadd.f32 $1.000000000e+00, v31  }
0x253: {  	v14 =	vmul.f32 v20, v14;
	v20 =	vadd.f32 $1.000000000e+00, v21;
	v21 =	vmul.f32 v27, v16;
	v31 =	vld [tilespmem:s26+$0x0]  }
0x254: {  	v13 =	vmul.f32 v24, v13;
	v27 =	vadd.f32 v25, v1;
	v15 =	vmul.f32 v28, v15  }
0x255: {  	v18 =	vmul.f32 v20, v18;
	v24 =	vadd.f32 $1.000000000e+00, v26;
	v26 =	vadd.f32 $1.000000000e+00, v21  }
0x256: {  	v25 =	vadd.f32 v25, v2;
	v20 =	vmax.f32 v27, $0.0e+00;
	v21 =	vmin.f32 v27, $0.0e+00  }
0x257: {  	v27 =	vsub.f32 v33, v34;
	v17 =	vmul.f32 v24, v17;
	v28 =	vsub.f32 v21, v20  }
0x258: {  	v24 =	vsub.f32 v30, v35;
	v21 =	vmax.f32 v25, $0.0e+00;
	v25 =	vmin.f32 v25, $0.0e+00  }
0x259: {  	v30 =	vsub.f32 v32, v31;
	v25 =	vsub.f32 v25, v21;
	v28 =	vmul.f32 $1.442695020e+00, v28  }
0x25a: {  	v16 =	vmul.f32 v26, v16;
	v31 =	vadd.f32 v27, v1;
	v32 =	vadd.f32 v24, v1  }
0x25b: {  	v26 =	vadd.f32 v30, v1;
	v25 =	vmul.f32 $1.442695020e+00, v25;
	(erf) = vpow2.f32 v28  }
0x25c: {  	v28 =	vmax.f32 v31, $0.0e+00;
	v31 =	vmin.f32 v31, $0.0e+00;
	v33 =	vmax.f32 v32, $0.0e+00  }
0x25d: {  	v32 =	vmin.f32 v32, $0.0e+00;
	v34 =	vmax.f32 v26, $0.0e+00;
	(erf) = vpow2.f32 v25  }
0x25e: {  	v24 =	vadd.f32 v24, v2;
	v26 =	vmin.f32 v26, $0.0e+00;
	v25 =	vadd.f32 v27, v2  }
0x25f: {  	v29 =	vand.u32 $0x3FFF, v29;
	v30 =	vadd.f32 v30, v2;
	v27 =	vsub.f32 v31, v28  }
0x260: {  	v32 =	vsub.f32 v32, v33;
	v26 =	vsub.f32 v26, v34;
	v31 =	vmax.f32 v25, $0.0e+00  }
0x261: {  	v35 =	vmax.f32 v24, $0.0e+00;
	v24 =	vmin.f32 v24, $0.0e+00;
	v25 =	vmin.f32 v25, $0.0e+00  }
0x262: {  	v36 =	vmax.f32 v30, $0.0e+00;
	v30 =	vmin.f32 v30, $0.0e+00;
	v27 =	vmul.f32 $1.442695020e+00, v27  }
0x263: {  	v32 =	vmul.f32 $1.442695020e+00, v32;
	v26 =	vmul.f32 $1.442695020e+00, v26;
	v38 =	vsub.f32 v25, v31  }
0x264: {  	v37 =	vsub.f32 v24, v35;
	v30 =	vsub.f32 v30, v36;
	(erf) = vpow2.f32 v27;
	v24 =	vpop (erf)  }
0x265: {  	v14 =	vadd.f32 v14, v5;
	v5 =	vmovc v28;
	v27 =	vmul.f32 $1.986696620e-03, v24;
	(erf) = vpow2.f32 v32  }
0x266: {  	v13 =	vadd.f32 v13, v6;
	v28 =	vmul.f32 $1.442695020e+00, v38;
	(erf) = vpow2.f32 v26;
	v25 =	vpop (erf)  }
0x267: {  	v6 =	vmovc v33;
	v26 =	vmul.f32 $1.442695020e+00, v37;
	v27 =	vadd.f32 $-1.318782660e-02, v27;
	v32 =	vmul.f32 $1.986696620e-03, v25  }
0x268: {  	v15 =	vadd.f32 v15, v4;
	v4 =	vmovc v34;
	v30 =	vmul.f32 $1.442695020e+00, v30;
	(erf) = vpow2.f32 v28  }
0x269: {  	v27 =	vmul.f32 v27, v24;
	v28 =	vadd.f32 $-1.318782660e-02, v32;
	(erf) = vpow2.f32 v26  }
0x26a: {  	v26 =	vadd.f32 v14, v3;
	(erf) = vpow2.f32 v30;
	v30 =	vadd.f32 v13, v3  }
0x26b: {  	v33 =	vadd.f32 $4.100657250e-02, v27;
	v32 =	vmul.f32 v28, v25;
	v27 =	vadd.f32 v15, v3  }
0x26c: {  	v17 =	vadd.f32 v17, v7;
	v7 =	vmovc v35;
	v34 =	vadd.f32 v18, v8;
	v8 =	vmov v31  }
0x26d: {  	v18 =	vmul.f32 v33, v24;
	v28 =	vadd.f32 $4.100657250e-02, v32;
	v14 =	vpop (erf);
	v32 =	vadd.f32 v16, v9  }
0x26e: {  	v26 =	vsub.f32 v26, v34;
	v30 =	vsub.f32 v30, v17;
	v16 =	vmul.f32 $1.986696620e-03, v14;
	v13 =	vpop (erf)  }
0x26f: {  	v35 =	vmul.f32 $1.986696620e-03, v13;
	v34 =	vadd.f32 $-8.188040550e-02, v18;
	v28 =	vmul.f32 v28, v25;
	v15 =	vpop (erf)  }
0x270: {  	v9 =	vmovc v36;
	v27 =	vsub.f32 v27, v32;
	v37 =	vadd.f32 $-1.318782660e-02, v16;
	v31 =	vmul.f32 $1.986696620e-03, v15;
	[tilespmem:s28+$0xFFFFFFE0] =	vst v26  }
0x271: {  	v32 =	vadd.f32 $-1.318782660e-02, v35;
	v33 =	vmul.f32 v34, v24;
	v28 =	vadd.f32 $-8.188040550e-02, v28;
	v18 =	vpop (erf);
	[tilespmem:v12+s18+$0x0] =	vst.idx.add.f32.msk $0xffff, v26  }
0x272: {  	v26 =	vmul.f32 v37, v14;
	v36 =	vmul.f32 $1.986696620e-03, v18;
	v31 =	vadd.f32 $-1.318782660e-02, v31;
	v17 =	vpop (erf);
	[tilespmem:s28+$0xFFFFFFF0] =	vst v30  }
0x273: {  	v34 =	vmul.f32 $1.986696620e-03, v17;
	v33 =	vadd.f32 $1.237799600e-01, v33;
	v28 =	vmul.f32 v28, v25;
	v16 =	vpop (erf);
	[tilespmem:v10+s18+$0x0] =	vst.idx.add.f32.msk $0xffff, v30  }
0x274: {  	v12 =	vmovc v23;
	v32 =	vmul.f32 v32, v13;
	v10 =	vmovc v22;
	v30 =	vadd.f32 $-1.318782660e-02, v36;
	v35 =	vmul.f32 $1.986696620e-03, v16;
	[tilespmem:s28+$0x0] =	vst v27;
	s28 =	smov.u32 s26  }
0x275: {  	v22 =	vmul.f32 v31, v15;
	v23 =	vmul.f32 v33, v24;
	v28 =	vadd.f32 $1.237799600e-01, v28;
	[tilespmem:v11+s18+$0x0] =	vst.idx.add.f32.msk $0xffff, v27  }
0x276: {  	v11 =	vmovc v29;
	v27 =	vmul.f32 v30, v18;
	v30 =	vadd.f32 $-1.318782660e-02, v34;
	v31 =	vadd.f32 $-1.318782660e-02, v35  }
0x277: {  	v26 =	vadd.f32 $4.100657250e-02, v26;
	v23 =	vadd.f32 $-1.608762290e-01, v23;
	v28 =	vmul.f32 v28, v25  }
0x278: {  	v29 =	vadd.f32 $4.100657250e-02, v32;
	v22 =	vadd.f32 $4.100657250e-02, v22;
	v30 =	vmul.f32 v30, v17  }
0x279: {  	v31 =	vmul.f32 v31, v16;
	v23 =	vmul.f32 v23, v24;
	v28 =	vadd.f32 $-1.608762290e-01, v28  }
0x27a: {  	v26 =	vmul.f32 v26, v14;
	v29 =	vmul.f32 v29, v13;
	v27 =	vadd.f32 $4.100657250e-02, v27  }
0x27b: {  	v22 =	vmul.f32 v22, v15;
	v23 =	vadd.f32 $1.988582020e-01, v23;
	v28 =	vmul.f32 v28, v25  }
0x27c: {  	v27 =	vmul.f32 v27, v18;
	v30 =	vadd.f32 $4.100657250e-02, v30;
	v31 =	vadd.f32 $4.100657250e-02, v31  }
0x27d: {  	v26 =	vadd.f32 $-8.188040550e-02, v26;
	v23 =	vmul.f32 v23, v24;
	v28 =	vadd.f32 $1.988582020e-01, v28  }
0x27e: {  	v29 =	vadd.f32 $-8.188040550e-02, v29;
	v22 =	vadd.f32 $-8.188040550e-02, v22;
	v30 =	vmul.f32 v30, v17  }
0x27f: {  	v31 =	vmul.f32 v31, v16;
	v23 =	vadd.f32 $-2.498649660e-01, v23;
	v28 =	vmul.f32 v28, v25  }
0x280: {  	v26 =	vmul.f32 v26, v14;
	v29 =	vmul.f32 v29, v13;
	v27 =	vadd.f32 $-8.188040550e-02, v27  }
0x281: {  	v22 =	vmul.f32 v22, v15;
	v23 =	vmul.f32 v23, v24;
	v28 =	vadd.f32 $-2.498649660e-01, v28  }
0x282: {  	v27 =	vmul.f32 v27, v18;
	v30 =	vadd.f32 $-8.188040550e-02, v30;
	v31 =	vadd.f32 $-8.188040550e-02, v31  }
0x283: {  	v26 =	vadd.f32 $1.237799600e-01, v26;
	v23 =	vadd.f32 $3.333249690e-01, v23;
	v28 =	vmul.f32 v28, v25  }
0x284: {  	v29 =	vadd.f32 $1.237799600e-01, v29;
	v22 =	vadd.f32 $1.237799600e-01, v22;
	v30 =	vmul.f32 v30, v17  }
0x285: {  	v31 =	vmul.f32 v31, v16;
	v23 =	vmul.f32 v23, v24;
	v28 =	vadd.f32 $3.333249690e-01, v28  }
0x286: {  	v26 =	vmul.f32 v26, v14;
	v29 =	vmul.f32 v29, v13;
	v27 =	vadd.f32 $1.237799600e-01, v27  }
0x287: {  	v22 =	vmul.f32 v22, v15;
	v23 =	vadd.f32 $-4.999997910e-01, v23;
	v28 =	vmul.f32 v28, v25  }
0x288: {  	v27 =	vmul.f32 v27, v18;
	v30 =	vadd.f32 $1.237799600e-01, v30;
	v31 =	vadd.f32 $1.237799600e-01, v31  }
0x289: {  	v26 =	vadd.f32 $-1.608762290e-01, v26;
	v23 =	vmul.f32 v23, v24;
	v28 =	vadd.f32 $-4.999997910e-01, v28  }
0x28a: {  	v29 =	vadd.f32 $-1.608762290e-01, v29;
	v22 =	vadd.f32 $-1.608762290e-01, v22;
	v30 =	vmul.f32 v30, v17  }
0x28b: {  	v31 =	vmul.f32 v31, v16;
	v23 =	vadd.f32 $1.000000000e+00, v23;
	v28 =	vmul.f32 v28, v25  }
0x28c: {  	v26 =	vmul.f32 v26, v14;
	v29 =	vmul.f32 v29, v13;
	v27 =	vadd.f32 $-1.608762290e-01, v27  }
0x28d: {  	v32 =	vmul.f32 v22, v15;
	v22 =	vmul.f32 v23, v24;
	v23 =	vadd.f32 $1.000000000e+00, v28  }
0x28e: {  	v27 =	vmul.f32 v27, v18;
	v24 =	vadd.f32 $-1.608762290e-01, v30;
	v28 =	vadd.f32 $-1.608762290e-01, v31  }
.Ltmp5:
0x28f: {  	v26 =	vadd.f32 $1.988582020e-01, v26;
	v20 =	vadd.f32 v22, v20;
	v23 =	vmul.f32 v23, v25;
	(pc) =	sbr.rel @p1 .LBB2_12-.Ltmp5, $4  }
0x290: {  	v25 =	vadd.f32 $1.988582020e-01, v29;
	v22 =	vmul.f32 v24, v17;
	v29 =	vadd.f32 $1.988582020e-01, v32  }
0x291: {  	v30 =	vadd.f32 v20, v3;
	v21 =	vadd.f32 v23, v21;
	v20 =	vand.u32 $0x3FFF, v19  }
0x292: {  	v27 =	vadd.f32 $1.988582020e-01, v27;
	v24 =	vmul.f32 v26, v14;
	v26 =	vmul.f32 v28, v16  }
0x293: {  	s30 =	sadd.s32 $0x40, s30;
	v25 =	vmul.f32 v25, v13;
	v23 =	vmul.f32 v29, v15;
	v21 =	vsub.f32 v30, v21  }
0x294: {  	v19 =	vmul.f32 v27, v18;
	v22 =	vadd.f32 $1.988582020e-01, v22;
	v24 =	vadd.f32 $-2.498649660e-01, v24  }
0x295: {  	v26 =	vadd.f32 $1.988582020e-01, v26;
	v25 =	vadd.f32 $-2.498649660e-01, v25  }
0x296: {  	v22 =	vmul.f32 v22, v17;
	v24 =	vmul.f32 v24, v14;
	v19 =	vadd.f32 $-2.498649660e-01, v19  }
0x297: {  	v23 =	vadd.f32 $-2.498649660e-01, v23;
	v26 =	vmul.f32 v26, v16;
	v25 =	vmul.f32 v25, v13  }
0x298: {  	v22 =	vadd.f32 $-2.498649660e-01, v22;
	v24 =	vadd.f32 $3.333249690e-01, v24;
	v19 =	vmul.f32 v19, v18  }
0x299: {  	v23 =	vmul.f32 v23, v15;
	v26 =	vadd.f32 $-2.498649660e-01, v26;
	v25 =	vadd.f32 $3.333249690e-01, v25  }
0x29a: {  	v22 =	vmul.f32 v22, v17;
	v24 =	vmul.f32 v24, v14;
	v19 =	vadd.f32 $3.333249690e-01, v19  }
0x29b: {  	v23 =	vadd.f32 $3.333249690e-01, v23;
	v26 =	vmul.f32 v26, v16;
	v25 =	vmul.f32 v25, v13  }
0x29c: {  	v22 =	vadd.f32 $3.333249690e-01, v22;
	v24 =	vadd.f32 $-4.999997910e-01, v24;
	v19 =	vmul.f32 v19, v18  }
0x29d: {  	v23 =	vmul.f32 v23, v15;
	v26 =	vadd.f32 $3.333249690e-01, v26;
	v25 =	vadd.f32 $-4.999997910e-01, v25  }
0x29e: {  	v22 =	vmul.f32 v22, v17;
	v24 =	vmul.f32 v24, v14;
	v19 =	vadd.f32 $-4.999997910e-01, v19  }
0x29f: {  	v23 =	vadd.f32 $-4.999997910e-01, v23;
	v26 =	vmul.f32 v26, v16;
	v25 =	vmul.f32 v25, v13  }
0x2a0: {  	v22 =	vadd.f32 $-4.999997910e-01, v22;
	v24 =	vadd.f32 $1.000000000e+00, v24;
	v19 =	vmul.f32 v19, v18  }
0x2a1: {  	v23 =	vmul.f32 v23, v15;
	v26 =	vadd.f32 $-4.999997910e-01, v26;
	v25 =	vadd.f32 $1.000000000e+00, v25  }
0x2a2: {  	v22 =	vmul.f32 v22, v17;
	v54 =	vmul.f32 v24, v14;
	v19 =	vadd.f32 $1.000000000e+00, v19  }
0x2a3: {  	v23 =	vadd.f32 $1.000000000e+00, v23;
	v55 =	vmul.f32 v26, v16;
	v56 =	vmul.f32 v25, v13  }
0x2a4: {  	v57 =	vmul.f32 v19, v18;
	v58 =	vadd.f32 $1.000000000e+00, v22;
	v5 =	vadd.f32 v54, v5  }
0x2a5: {  	v59 =	vmul.f32 v23, v15;
	v60 =	vadd.f32 $1.000000000e+00, v55;
	v6 =	vadd.f32 v56, v6  }
0x2a6: {  	v61 =	vmul.f32 v58, v17;
	v5 =	vadd.f32 v5, v3;
	v8 =	vadd.f32 v57, v8  }
0x2a7: {  	v4 =	vadd.f32 v59, v4;
	v62 =	vmul.f32 v60, v16;
	v6 =	vadd.f32 v6, v3  }
0x2a8: {  	[tilespmem:s26+$0x10] =	vst v21;
	v7 =	vadd.f32 v61, v7;
	v5 =	vsub.f32 v5, v8  }
0x2a9: {  	[tilespmem:v20+s18+$0x0] =	vst.idx.add.f32.msk $0xffff, v21;
	v4 =	vadd.f32 v4, v3;
	v63 =	vadd.f32 v62, v9  }
0x2aa: {  	v6 =	vsub.f32 v6, v7;
	[tilespmem:s28+$0xFFFFFFE0] =	vst v5  }
0x2ab: {  	v4 =	vsub.f32 v4, v63;
	[tilespmem:v12+s18+$0x0] =	vst.idx.add.f32.msk $0xffff, v5  }
0x2ac: {  	[tilespmem:s28+$0xFFFFFFF0] =	vst v6  }
0x2ad: {  	[tilespmem:s28+$0x0] =	vst v4  }
0x2ae: {  	[tilespmem:v10+s18+$0x0] =	vst.idx.add.f32.msk $0xffff, v6  }
0x2af: {  	s0 =	simm.s32 $0x4E00;
	s2 =	simm.s32 $0x4DF0;
	s26 =	simm.s32 $0x9C80;
	[tilespmem:v11+s18+$0x0] =	vst.idx.add.f32.msk $0xffff, v4  }
.LBB2_14:
0x2b0: {  	v4 =	vld [tilespmem:s0+$0x0];
	_ =	sdelay $0x4  }
0x2b1: {  	v5 =	vshrl.u32 v4, $0xE;
	_ =	sdelay $0x3  }
0x2b2: {  	v6 =	vld [tilespmem:s26+$0x0]  }
0x2b3: {  	v5 =	vld.idx.msk [tilespmem:v5+s15+$0x0], $0xffff;
	_ =	sdelay $0x4  }
0x2b4: {  	v5 =	vsub.f32 v5, v6;
	_ =	sdelay $0x1  }
0x2b5: {  	v6 =	vadd.f32 v5, v1;
	_ =	sdelay $0x1  }
0x2b6: {  	v5 =	vadd.f32 v5, v2;
	v7 =	vmax.f32 v6, $0.0e+00;
	v6 =	vmin.f32 v6, $0.0e+00  }
0x2b7: {  	v6 =	vsub.f32 v6, v7  }
0x2b8: {  	v8 =	vmax.f32 v5, $0.0e+00;
	v5 =	vmin.f32 v5, $0.0e+00  }
0x2b9: {  	v5 =	vsub.f32 v5, v8;
	v6 =	vmul.f32 $1.442695020e+00, v6;
	_ =	sdelay $0x1  }
0x2ba: {  	v5 =	vmul.f32 $1.442695020e+00, v5;
	(erf) = vpow2.f32 v6;
	_ =	sdelay $0x1  }
0x2bb: {  	(erf) = vpow2.f32 v5;
	_ =	sdelay $0x6  }
0x2bc: {  	v5 =	vpop (erf)  }
0x2bd: {  	v62 =	vmul.f32 $1.986696620e-03, v5  }
0x2be: {  	v9 =	vpop (erf)  }
0x2bf: {  	v10 =	vmul.f32 $1.986696620e-03, v9;
	v6 =	vadd.f32 $-1.318782660e-02, v62;
	_ =	sdelay $0x1  }
0x2c0: {  	v10 =	vadd.f32 $-1.318782660e-02, v10;
	v6 =	vmul.f32 v6, v5;
	_ =	sdelay $0x1  }
0x2c1: {  	v10 =	vmul.f32 v10, v9;
	v6 =	vadd.f32 $4.100657250e-02, v6;
	_ =	sdelay $0x1  }
0x2c2: {  	v10 =	vadd.f32 $4.100657250e-02, v10;
	v6 =	vmul.f32 v6, v5;
	_ =	sdelay $0x1  }
0x2c3: {  	v10 =	vmul.f32 v10, v9;
	v6 =	vadd.f32 $-8.188040550e-02, v6;
	_ =	sdelay $0x1  }
0x2c4: {  	v10 =	vadd.f32 $-8.188040550e-02, v10;
	v6 =	vmul.f32 v6, v5;
	_ =	sdelay $0x1  }
0x2c5: {  	v10 =	vmul.f32 v10, v9;
	v6 =	vadd.f32 $1.237799600e-01, v6;
	_ =	sdelay $0x1  }
0x2c6: {  	v10 =	vadd.f32 $1.237799600e-01, v10;
	v6 =	vmul.f32 v6, v5;
	_ =	sdelay $0x1  }
0x2c7: {  	v10 =	vmul.f32 v10, v9;
	v6 =	vadd.f32 $-1.608762290e-01, v6;
	_ =	sdelay $0x1  }
0x2c8: {  	v10 =	vadd.f32 $-1.608762290e-01, v10;
	v6 =	vmul.f32 v6, v5;
	_ =	sdelay $0x1  }
0x2c9: {  	v10 =	vmul.f32 v10, v9;
	v6 =	vadd.f32 $1.988582020e-01, v6;
	_ =	sdelay $0x1  }
0x2ca: {  	v10 =	vadd.f32 $1.988582020e-01, v10;
	v6 =	vmul.f32 v6, v5;
	_ =	sdelay $0x1  }
0x2cb: {  	v10 =	vmul.f32 v10, v9;
	v6 =	vadd.f32 $-2.498649660e-01, v6;
	_ =	sdelay $0x1  }
0x2cc: {  	v10 =	vadd.f32 $-2.498649660e-01, v10;
	v6 =	vmul.f32 v6, v5;
	_ =	sdelay $0x1  }
0x2cd: {  	v10 =	vmul.f32 v10, v9;
	v6 =	vadd.f32 $3.333249690e-01, v6;
	_ =	sdelay $0x1  }
0x2ce: {  	v10 =	vadd.f32 $3.333249690e-01, v10;
	v6 =	vmul.f32 v6, v5;
	_ =	sdelay $0x1  }
0x2cf: {  	v10 =	vmul.f32 v10, v9;
	v6 =	vadd.f32 $-4.999997910e-01, v6;
	_ =	sdelay $0x1  }
0x2d0: {  	v10 =	vadd.f32 $-4.999997910e-01, v10;
	v6 =	vmul.f32 v6, v5;
	_ =	sdelay $0x1  }
0x2d1: {  	v10 =	vmul.f32 v10, v9;
	v6 =	vadd.f32 $1.000000000e+00, v6;
	_ =	sdelay $0x1  }
0x2d2: {  	v63 =	vadd.f32 $1.000000000e+00, v10;
	v5 =	vmul.f32 v6, v5;
	_ =	sdelay $0x1  }
0x2d3: {  	v6 =	vmul.f32 v63, v9;
	v5 =	vadd.f32 v5, v7  }
0x2d4: {  	s2 =	sadd.s32 $0x10, s2  }
0x2d5: {  	p1 =	slt.u32 s2, $0x4E10;
	v4 =	vand.u32 $0x3FFF, v4;
	v6 =	vadd.f32 v6, v8;
	v5 =	vadd.f32 v5, v3  }
.Ltmp6:
0x2d6: {  	_ = 	snop;
	(pc) =	sbr.rel @p1 .LBB2_14-.Ltmp6, $3  }
0x2d7: {  	v5 =	vsub.f32 v5, v6;
	_ =	sdelay $0x1  }
0x2d8: {  	[tilespmem:s26+$0x0] =	vst v5  }
0x2d9: {  	s0 =	sadd.s32 $0x10, s0;
	s26 =	sadd.s32 $0x10, s26;
	[tilespmem:v4+s18+$0x0] =	vst.idx.add.f32.msk $0xffff, v5  }
0x2da: {  	[spmem:s8] =	stream.strided.scatter [tilespmem:s18], [sflag:$0x1], $0x2800, s20, s19, $0x38;
	[tilespmem:$0x14B80] =	vst v63  }
0x2db: {  	_ =	swait.ge [sflag:s14], $0x2800  }
0x2dc: {  	[sflag:s14] =	ssyncset.done $0x0  }
0x2dd: {  	[sflag:s14] =	ssyncadd.s32 $0xFFFFD800  }
0x2de: {  	s1 =	simm.s32 $0x0;
	s2 =	simm.s32 $0x0;
	[bflag:$0x0] =	sbarrier.arrive $0xFFFF  }
0x2df: {  	[tilespmem:s23], [sflag:$0x1] =	stream.strided.gather [spmem:s9], $0x2800, s22, s21, $0x38;
	[tilespmem:$0x14B80] =	vst v63  }
0x2e0: {  	s0 =	sand.u32 $0x60, s2;
	s1 =	sand.u32 $0x1C00, s1;
	_ =	swait.ge [sflag:s14], $0x2800  }
0x2e1: {  	s5 =	sadd.s32 $0xF180, s1;
	s6 =	sor.u32 $0x10, s0;
	[sflag:s14] =	ssyncset.done $0x0  }
0x2e2: {  	s16 =	sor.u32 s6, s5;
	[sflag:s14] =	ssyncadd.s32 $0xFFFFD800  }
0x2e3: {  	v4 =	vld [tilespmem:s16+$0x0]  }
0x2e4: {  	s5 =	sor.u32 s0, s5;
	v5 =	vld [tilespmem:s16+$0x80]  }
0x2e5: {  	v6 =	vld [tilespmem:s5+$0x0]  }
0x2e6: {  	v7 =	vld [tilespmem:s16+$0x100]  }
0x2e7: {  	v8 =	vld [tilespmem:s5+$0x80]  }
0x2e8: {  	v9 =	vld [tilespmem:s16+$0x180]  }
0x2e9: {  	v10 =	vld [tilespmem:s5+$0x100]  }
0x2ea: {  	v11 =	vld [tilespmem:s16+$0x200]  }
0x2eb: {  	v12 =	vld [tilespmem:s5+$0x180]  }
0x2ec: {  	v13 =	vld [tilespmem:s16+$0x280]  }
0x2ed: {  	v14 =	vld [tilespmem:s5+$0x200]  }
0x2ee: {  	v15 =	vld [tilespmem:s16+$0x300]  }
0x2ef: {  	v16 =	vld [tilespmem:s5+$0x280]  }
0x2f0: {  	v17 =	vld [tilespmem:s16+$0x380]  }
0x2f1: {  	s17 =	sadd.s32 $0x10580, s1;
	v18 =	vld [tilespmem:s5+$0x300]  }
0x2f2: {  	s26 =	sadd.s32 $0x10600, s1;
	s16 =	sor.u32 s6, s17;
	v20 =	vld [tilespmem:s5+$0x380]  }
0x2f3: {  	s5 =	sor.u32 s6, s26;
	v19 =	vld [tilespmem:s16+$0x0]  }
0x2f4: {  	s16 =	sor.u32 s0, s17;
	s17 =	sadd.s32 $0x10680, s1;
	v21 =	vld [tilespmem:s5+$0x0]  }
0x2f5: {  	v22 =	vld [tilespmem:s16+$0x0];
	s5 =	sor.u32 s6, s17  }
0x2f6: {  	s16 =	sor.u32 s0, s26;
	s26 =	sadd.s32 $0x10700, s1;
	v23 =	vld [tilespmem:s5+$0x0]  }
0x2f7: {  	v24 =	vld [tilespmem:s16+$0x0];
	s5 =	sor.u32 s6, s26  }
0x2f8: {  	s16 =	sor.u32 s0, s17;
	s17 =	sadd.s32 $0x10780, s1;
	v25 =	vld [tilespmem:s5+$0x0]  }
0x2f9: {  	v26 =	vld [tilespmem:s16+$0x0];
	s5 =	sor.u32 s6, s17  }
0x2fa: {  	s2 =	sand.u32 $0x380, s2;
	s16 =	sor.u32 s0, s26;
	v27 =	vld [tilespmem:s5+$0x0]  }
0x2fb: {  	s2 =	sor.u32 s2, s6;
	s26 =	sadd.s32 $0x10800, s1;
	v28 =	vld [tilespmem:s16+$0x0]  }
0x2fc: {  	s5 =	sor.u32 s6, s26;
	v4 =	vadd.f32 v5, v4;
	v5 =	vadd.f32 v8, v6;
	v8 =	vld [tilespmem:s2+$0xED00]  }
0x2fd: {  	s16 =	sor.u32 s0, s17;
	v29 =	vld [tilespmem:s5+$0x0]  }
0x2fe: {  	s17 =	sadd.s32 $0x10880, s1;
	s26 =	sor.u32 s0, s26;
	v30 =	vld [tilespmem:s16+$0x0]  }
0x2ff: {  	s16 =	sor.u32 s6, s17;
	v32 =	vld [tilespmem:s26+$0x0]  }
0x300: {  	s29 =	simm.s32 $0x100;
	s28 =	simm.s32 $0xED00;
	s17 =	sor.u32 s0, s17;
	v31 =	vld [tilespmem:s16+$0x0]  }
0x301: {  	s31 =	sand.u32 $0x1C00, s29;
	s1 =	sadd.s32 $0x10900, s1;
	s26 =	simm.s32 $0x20;
	v6 =	vld [tilespmem:s17+$0x0]  }
0x302: {  	s16 =	sor.u32 s6, s1;
	s1 =	sor.u32 s0, s1;
	s0 =	sand.u32 $0x60, s26;
	v4 =	vadd.f32 v7, v4;
	v5 =	vadd.f32 v10, v5;
	v10 =	vld [tilespmem:s28+$0x0]  }
0x303: {  	s6 =	sadd.s32 $0xF180, s31;
	v33 =	vld [tilespmem:s16+$0x0];
	s30 =	sor.u32 $0x10, s0  }
0x304: {  	v7 =	vld [tilespmem:s1+$0x0];
	s16 =	sor.u32 s30, s6;
	v4 =	vadd.f32 v9, v4  }
0x305: {  	v5 =	vadd.f32 v12, v5;
	v9 =	vld [tilespmem:s16+$0x0]  }
0x306: {  	s5 =	sor.u32 s0, s6;
	v42 =	vld [tilespmem:s16+$0x80];
	v4 =	vadd.f32 v11, v4  }
0x307: {  	v44 =	vld [tilespmem:s5+$0x80];
	v5 =	vadd.f32 v14, v5  }
0x308: {  	v43 =	vld [tilespmem:s16+$0x100];
	v4 =	vadd.f32 v13, v4  }
0x309: {  	v11 =	vld [tilespmem:s5+$0x0];
	v5 =	vadd.f32 v16, v5  }
0x30a: {  	v45 =	vld [tilespmem:s16+$0x180];
	v4 =	vadd.f32 v15, v4  }
0x30b: {  	v46 =	vld [tilespmem:s5+$0x100];
	v5 =	vadd.f32 v18, v5;
	v9 =	vadd.f32 v42, v9  }
0x30c: {  	v47 =	vld [tilespmem:s16+$0x200];
	v4 =	vadd.f32 v17, v4  }
0x30d: {  	v48 =	vld [tilespmem:s5+$0x180];
	v5 =	vadd.f32 v20, v5;
	v9 =	vadd.f32 v43, v9  }
0x30e: {  	v49 =	vld [tilespmem:s16+$0x280];
	v11 =	vadd.f32 v44, v11;
	v4 =	vadd.f32 v19, v4  }
0x30f: {  	v50 =	vld [tilespmem:s5+$0x200];
	v5 =	vadd.f32 v22, v5;
	v9 =	vadd.f32 v45, v9  }
0x310: {  	v51 =	vld [tilespmem:s16+$0x300];
	v11 =	vadd.f32 v46, v11;
	v4 =	vadd.f32 v21, v4  }
0x311: {  	v52 =	vld [tilespmem:s5+$0x280];
	v5 =	vadd.f32 v24, v5;
	v9 =	vadd.f32 v47, v9  }
0x312: {  	s6 =	sadd.s32 $0x10580, s31;
	v53 =	vld [tilespmem:s16+$0x380];
	v11 =	vadd.f32 v48, v11;
	v4 =	vadd.f32 v23, v4  }
0x313: {  	v54 =	vld [tilespmem:s5+$0x300];
	s17 =	sor.u32 s30, s6;
	v5 =	vadd.f32 v26, v5;
	v9 =	vadd.f32 v49, v9  }
0x314: {  	s16 =	sadd.s32 $0x10600, s31;
	v55 =	vld [tilespmem:s17+$0x0];
	v11 =	vadd.f32 v50, v11;
	v4 =	vadd.f32 v25, v4  }
0x315: {  	v56 =	vld [tilespmem:s5+$0x380];
	s5 =	sor.u32 s30, s16;
	v5 =	vadd.f32 v28, v5;
	v9 =	vadd.f32 v51, v9  }
0x316: {  	s17 =	sor.u32 s0, s6;
	s6 =	sadd.s32 $0x10680, s31;
	v57 =	vld [tilespmem:s5+$0x0];
	v11 =	vadd.f32 v52, v11;
	v4 =	vadd.f32 v27, v4  }
0x317: {  	v58 =	vld [tilespmem:s17+$0x0];
	s5 =	sor.u32 s30, s6;
	v5 =	vadd.f32 v30, v5;
	v9 =	vadd.f32 v53, v9  }
0x318: {  	s17 =	sor.u32 s0, s16;
	s16 =	sadd.s32 $0x10700, s31;
	v59 =	vld [tilespmem:s5+$0x0];
	v11 =	vadd.f32 v54, v11;
	v4 =	vadd.f32 v29, v4  }
0x319: {  	v60 =	vld [tilespmem:s17+$0x0];
	s5 =	sor.u32 s30, s16;
	v5 =	vadd.f32 v32, v5;
	v9 =	vadd.f32 v55, v9  }
0x31a: {  	s17 =	sor.u32 s0, s6;
	s6 =	sadd.s32 $0x10780, s31;
	v61 =	vld [tilespmem:s5+$0x0];
	v11 =	vadd.f32 v56, v11;
	v4 =	vadd.f32 v31, v4  }
0x31b: {  	v62 =	vld [tilespmem:s17+$0x0];
	s5 =	sor.u32 s30, s6;
	v5 =	vadd.f32 v6, v5;
	v6 =	vadd.f32 v57, v9  }
0x31c: {  	s17 =	sor.u32 s0, s16;
	s16 =	sadd.s32 $0x10800, s31;
	v9 =	vadd.f32 v58, v11;
	v11 =	vld [tilespmem:s5+$0x0];
	v4 =	vadd.f32 v33, v4  }
0x31d: {  	v63 =	vld [tilespmem:s17+$0x0];
	s5 =	sor.u32 s30, s16;
	v5 =	vadd.f32 v7, v5;
	v7 =	vadd.f32 v59, v6  }
0x31e: {  	s17 =	sor.u32 s0, s6;
	s6 =	sadd.s32 $0x10880, s31;
	v9 =	vadd.f32 v60, v9;
	v6 =	vld [tilespmem:s5+$0x0];
	v8 =	vadd.f32 v4, v8  }
0x31f: {  	s5 =	sor.u32 s30, s6;
	v10 =	vadd.f32 v5, v10;
	v4 =	vld [tilespmem:s17+$0x0];
	v12 =	vadd.f32 v61, v7  }
0x320: {  	s17 =	sor.u32 s0, s16;
	v9 =	vadd.f32 v62, v9;
	s16 =	sadd.s32 $0x10900, s31;
	v5 =	vld [tilespmem:s5+$0x0];
	s31 =	simm.s32 $0x11980  }
0x321: {  	v7 =	vld [tilespmem:s17+$0x0];
	s5 =	sor.u32 s30, s16;
	[tilespmem:s31+$0x0] =	vst v10;
	v10 =	vadd.f32 v11, v12  }
0x322: {  	s17 =	sor.u32 s0, s6;
	s16 =	sor.u32 s0, s16;
	s0 =	sand.u32 $0x380, s26;
	[tilespmem:s2+$0x11980] =	vst v8;
	v9 =	vadd.f32 v63, v9;
	v8 =	vld [tilespmem:s5+$0x0]  }
.LBB2_16:
0x323: {  	s26 =	sadd.s32 $0x20, s26;
	v11 =	vld [tilespmem:s17+$0x0];
	v6 =	vadd.f32 v6, v10;
	s1 =	sor.u32 s0, s30;
	s29 =	sadd.s32 $0x100, s29  }
0x324: {  	s0 =	sand.u32 $0x60, s26;
	s2 =	sand.u32 $0x1C00, s29;
	p1 =	slt.u32 s26, $0x260;
	v4 =	vadd.f32 v4, v9;
	v9 =	vld [tilespmem:s1+$0xED00]  }
0x325: {  	s28 =	sadd.s32 $0x20, s28;
	s5 =	sadd.s32 $0xF180, s2;
	s30 =	sor.u32 $0x10, s0;
	v10 =	vld [tilespmem:s16+$0x0];
	v5 =	vadd.f32 v5, v6  }
0x326: {  	s6 =	sor.u32 s0, s5;
	s5 =	sor.u32 s30, s5;
	v4 =	vadd.f32 v7, v4;
	v6 =	vld [tilespmem:s28+$0x0]  }
0x327: {  	v7 =	vld [tilespmem:s5+$0x0];
	v5 =	vadd.f32 v8, v5  }
0x328: {  	v8 =	vld [tilespmem:s5+$0x80];
	v4 =	vadd.f32 v11, v4  }
0x329: {  	v11 =	vld [tilespmem:s6+$0x0];
	v5 =	vadd.f32 v5, v9  }
0x32a: {  	v9 =	vld [tilespmem:s5+$0x100];
	v4 =	vadd.f32 v10, v4  }
0x32b: {  	v10 =	vld [tilespmem:s6+$0x80];
	[tilespmem:s1+$0x11980] =	vst v5  }
0x32c: {  	v5 =	vld [tilespmem:s5+$0x180];
	v4 =	vadd.f32 v4, v6  }
0x32d: {  	s31 =	sadd.s32 $0x20, s31;
	v6 =	vld [tilespmem:s6+$0x100];
	v7 =	vadd.f32 v8, v7  }
0x32e: {  	v8 =	vld [tilespmem:s5+$0x200];
	[tilespmem:s31+$0x0] =	vst v4  }
0x32f: {  	v4 =	vld [tilespmem:s6+$0x180];
	v7 =	vadd.f32 v9, v7  }
0x330: {  	v9 =	vadd.f32 v10, v11;
	v10 =	vld [tilespmem:s5+$0x280]  }
0x331: {  	v11 =	vld [tilespmem:s6+$0x200];
	v5 =	vadd.f32 v5, v7  }
0x332: {  	v6 =	vadd.f32 v6, v9;
	v7 =	vld [tilespmem:s5+$0x300]  }
0x333: {  	v9 =	vld [tilespmem:s6+$0x280];
	v5 =	vadd.f32 v8, v5  }
0x334: {  	s1 =	sadd.s32 $0x10580, s2;
	v4 =	vadd.f32 v4, v6;
	v6 =	vld [tilespmem:s5+$0x380]  }
0x335: {  	s5 =	sor.u32 s0, s1;
	s1 =	sor.u32 s30, s1;
	v8 =	vld [tilespmem:s6+$0x300];
	v5 =	vadd.f32 v10, v5  }
0x336: {  	s16 =	sadd.s32 $0x10600, s2;
	v4 =	vadd.f32 v11, v4;
	v10 =	vld [tilespmem:s1+$0x0]  }
0x337: {  	s1 =	sor.u32 s0, s16;
	v11 =	vld [tilespmem:s6+$0x380];
	v5 =	vadd.f32 v7, v5;
	s6 =	sor.u32 s30, s16  }
0x338: {  	s16 =	sadd.s32 $0x10680, s2;
	v4 =	vadd.f32 v9, v4;
	v7 =	vld [tilespmem:s6+$0x0]  }
0x339: {  	s6 =	sor.u32 s30, s16;
	v9 =	vld [tilespmem:s5+$0x0];
	s5 =	sor.u32 s0, s16;
	v5 =	vadd.f32 v6, v5  }
0x33a: {  	s16 =	sadd.s32 $0x10700, s2;
	v4 =	vadd.f32 v8, v4;
	v6 =	vld [tilespmem:s6+$0x0]  }
0x33b: {  	s6 =	sor.u32 s30, s16;
	v8 =	vld [tilespmem:s1+$0x0];
	s1 =	sor.u32 s0, s16;
	v5 =	vadd.f32 v10, v5  }
0x33c: {  	s16 =	sadd.s32 $0x10780, s2;
	v4 =	vadd.f32 v11, v4;
	v10 =	vld [tilespmem:s6+$0x0]  }
0x33d: {  	s6 =	sor.u32 s30, s16;
	v11 =	vld [tilespmem:s5+$0x0];
	s5 =	sor.u32 s0, s16;
	v5 =	vadd.f32 v7, v5  }
0x33e: {  	s16 =	sadd.s32 $0x10800, s2;
	v4 =	vadd.f32 v9, v4;
	v9 =	vld [tilespmem:s6+$0x0]  }
0x33f: {  	s6 =	sor.u32 s30, s16;
	v12 =	vld [tilespmem:s1+$0x0];
	s1 =	sor.u32 s0, s16;
	v5 =	vadd.f32 v6, v5  }
.Ltmp7:
0x340: {  	s16 =	sadd.s32 $0x10880, s2;
	v7 =	vadd.f32 v8, v4;
	v6 =	vld [tilespmem:s6+$0x0];
	(pc) =	sbr.rel @p1 .LBB2_16-.Ltmp7, $4  }
0x341: {  	s17 =	sor.u32 s0, s16;
	v4 =	vld [tilespmem:s5+$0x0];
	v8 =	vadd.f32 v10, v5;
	s5 =	sor.u32 s30, s16  }
0x342: {  	s2 =	sadd.s32 $0x10900, s2;
	v11 =	vadd.f32 v11, v7;
	v5 =	vld [tilespmem:s5+$0x0]  }
0x343: {  	s16 =	sor.u32 s0, s2;
	s0 =	sor.u32 s30, s2;
	v7 =	vld [tilespmem:s1+$0x0];
	v10 =	vadd.f32 v9, v8  }
0x344: {  	v9 =	vadd.f32 v12, v11;
	v8 =	vld [tilespmem:s0+$0x0];
	s0 =	sand.u32 $0x380, s26  }
0x345: {  	v11 =	vld [tilespmem:s17+$0x0]  }
0x346: {  	v4 =	vadd.f32 v4, v9  }
0x347: {  	v6 =	vadd.f32 v6, v10;
	s0 =	sor.u32 s0, s30;
	v61 =	vld [tilespmem:s16+$0x0]  }
0x348: {  	s1 =	sadd.s32 $0x20, s28;
	v62 =	vld [tilespmem:s0+$0xED00];
	v4 =	vadd.f32 v7, v4  }
0x349: {  	v63 =	vld [tilespmem:s1+$0x0];
	v5 =	vadd.f32 v5, v6  }
0x34a: {  	v4 =	vadd.f32 v11, v4  }
0x34b: {  	v5 =	vadd.f32 v8, v5  }
0x34c: {  	v4 =	vadd.f32 v61, v4  }
0x34d: {  	v5 =	vadd.f32 v5, v62  }
0x34e: {  	v4 =	vadd.f32 v4, v63  }
0x34f: {  	s31 =	sadd.s32 $0x20, s31;
	[tilespmem:s0+$0x11980] =	vst v5  }
0x350: {  	[tilespmem:s31+$0x0] =	vst v4  }
0x351: {  	[spmem:s10] =	stream.linear.scatter [tilespmem:s24], [sflag:$0x1], $0x280, $0x38;
	[tilespmem:$0x14B80] =	vst v63  }
0x352: {  	_ =	swait.ge [sflag:s14], $0x280  }
0x353: {  	[sflag:s14] =	ssyncset.done $0x0  }
0x354: {  	[sflag:s14] =	ssyncadd.s32 $0xFFFFFD80  }
0x355: {  	[bflag:$0x0] =	sbarrier.arrive $0xFFFF  }
0x356: {  	[tilespmem:s15], [sflag:$0x1] =	stream.linear.gather [spmem:s3], $0x2800, $0x38;
	[tilespmem:$0x14B80] =	vst v63  }
0x357: {  	_ =	swait.ge [sflag:s14], $0x2800  }
0x358: {  	[sflag:s14] =	ssyncset.done $0x0  }
0x359: {  	s0 =	simm.s32 $0xC540;
	[sflag:s14] =	ssyncadd.s32 $0xFFFFD800  }
0x35a: {  	[tilespmem:s0+$0xFFFFFFC0] =	vst v0  }
0x35b: {  	[tilespmem:s0+$0x30] =	vst v0  }
0x35c: {  	[tilespmem:s0+$0x20] =	vst v0  }
0x35d: {  	[tilespmem:s0+$0x10] =	vst v0  }
0x35e: {  	[tilespmem:s0+$0x0] =	vst v0  }
0x35f: {  	[tilespmem:s0+$0xFFFFFFF0] =	vst v0  }
0x360: {  	s2 =	simm.s32 $0x0;
	[tilespmem:s0+$0xFFFFFFE0] =	vst v0  }
.LBB2_18:
0x361: {  	s2 =	sadd.s32 $0x80, s2;
	[tilespmem:s0+$0xFFFFFFD0] =	vst v0;
	s0 =	sadd.s32 $0x80, s0  }
0x362: {  	[tilespmem:s0+$0xFFFFFFC0] =	vst v0;
	p1 =	slt.u32 s2, $0x2780  }
0x363: {  	[tilespmem:s0+$0x30] =	vst v0  }
.Ltmp8:
0x364: {  	[tilespmem:s0+$0x20] =	vst v0;
	(pc) =	sbr.rel @p1 .LBB2_18-.Ltmp8, $4  }
0x365: {  	[tilespmem:s0+$0x10] =	vst v0  }
0x366: {  	[tilespmem:s0+$0x0] =	vst v0  }
0x367: {  	[tilespmem:s0+$0xFFFFFFF0] =	vst v0  }
0x368: {  	s26 =	simm.s32 $0x4EA0;
	s16 =	simm.s32 $0x20;
	[tilespmem:s0+$0xFFFFFFE0] =	vst v0  }
0x369: {  	[tilespmem:s0+$0xFFFFFFD0] =	vst v0  }
0x36a: {  	v19 =	vld [tilespmem:s16+$0x10];
	_ =	sdelay $0x4  }
0x36b: {  	v4 =	vshrl.u32 v19, $0xE  }
0x36c: {  	v12 =	vld [tilespmem:s16+$0xFFFFFFE0]  }
0x36d: {  	v10 =	vld [tilespmem:s16+$0xFFFFFFF0]  }
0x36e: {  	v11 =	vld [tilespmem:s16+$0x0]  }
0x36f: {  	v8 =	vld [tilespmem:s26+$0x10]  }
0x370: {  	v4 =	vld.idx.msk [tilespmem:v4+s15+$0x0], $0xffff  }
0x371: {  	v7 =	vshrl.u32 v12, $0xE;
	_ =	sdelay $0x1  }
0x372: {  	v5 =	vshrl.u32 v10, $0xE  }
0x373: {  	v9 =	vld [tilespmem:s26+$0xFFFFFFF0];
	v6 =	vshrl.u32 v11, $0xE  }
0x374: {  	v14 =	vld [tilespmem:s26+$0x0];
	v4 =	vsub.f32 v4, v8  }
0x375: {  	v7 =	vld.idx.msk [tilespmem:v7+s15+$0x0], $0xffff  }
0x376: {  	v8 =	vld [tilespmem:s26+$0xFFFFFFE0];
	v13 =	vadd.f32 v4, v1  }
0x377: {  	v5 =	vld.idx.msk [tilespmem:v5+s15+$0x0], $0xffff;
	v4 =	vadd.f32 v4, v2  }
0x378: {  	v6 =	vld.idx.msk [tilespmem:v6+s15+$0x0], $0xffff;
	v21 =	vmax.f32 v13, $0.0e+00;
	v13 =	vmin.f32 v13, $0.0e+00  }
0x379: {  	v20 =	vmax.f32 v4, $0.0e+00;
	v4 =	vmin.f32 v4, $0.0e+00;
	v13 =	vsub.f32 v13, v21  }
0x37a: {  	v4 =	vsub.f32 v4, v20  }
0x37b: {  	v7 =	vsub.f32 v7, v8;
	v8 =	vmul.f32 $1.442695020e+00, v13  }
0x37c: {  	v9 =	vsub.f32 v5, v9;
	v4 =	vmul.f32 $1.442695020e+00, v4  }
0x37d: {  	v13 =	vsub.f32 v6, v14;
	v6 =	vadd.f32 v7, v1;
	(erf) = vpow2.f32 v8  }
0x37e: {  	v7 =	vadd.f32 v7, v2;
	(erf) = vpow2.f32 v4  }
0x37f: {  	v8 =	vadd.f32 v9, v1;
	v14 =	vadd.f32 v13, v1;
	v5 =	vmax.f32 v6, $0.0e+00  }
0x380: {  	v15 =	vmin.f32 v6, $0.0e+00;
	v9 =	vadd.f32 v9, v2;
	v13 =	vadd.f32 v13, v2  }
0x381: {  	v17 =	vmin.f32 v7, $0.0e+00;
	v15 =	vsub.f32 v15, v5;
	v6 =	vmax.f32 v8, $0.0e+00  }
0x382: {  	v16 =	vmin.f32 v8, $0.0e+00;
	v4 =	vmax.f32 v14, $0.0e+00;
	v14 =	vmin.f32 v14, $0.0e+00  }
0x383: {  	v8 =	vmax.f32 v7, $0.0e+00;
	v7 =	vmax.f32 v9, $0.0e+00;
	v16 =	vsub.f32 v16, v6  }
0x384: {  	v18 =	vmin.f32 v9, $0.0e+00;
	v14 =	vsub.f32 v14, v4;
	v15 =	vmul.f32 $1.442695020e+00, v15  }
0x385: {  	v9 =	vmax.f32 v13, $0.0e+00;
	v13 =	vmin.f32 v13, $0.0e+00;
	v16 =	vmul.f32 $1.442695020e+00, v16  }
0x386: {  	v17 =	vsub.f32 v17, v8;
	v14 =	vmul.f32 $1.442695020e+00, v14;
	(erf) = vpow2.f32 v15;
	v22 =	vpop (erf)  }
0x387: {  	v15 =	vsub.f32 v18, v7;
	(erf) = vpow2.f32 v16;
	v18 =	vmul.f32 $1.986696620e-03, v22;
	v23 =	vpop (erf)  }
0x388: {  	v13 =	vsub.f32 v13, v9;
	v16 =	vmul.f32 $1.442695020e+00, v17;
	v17 =	vmul.f32 $1.986696620e-03, v23  }
0x389: {  	(erf) = vpow2.f32 v14;
	v14 =	vmul.f32 $1.442695020e+00, v15;
	v15 =	vadd.f32 $-1.318782660e-02, v18  }
0x38a: {  	(erf) = vpow2.f32 v16;
	v16 =	vadd.f32 $-1.318782660e-02, v17  }
0x38b: {  	v13 =	vmul.f32 $1.442695020e+00, v13;
	v15 =	vmul.f32 v15, v22  }
0x38c: {  	(erf) = vpow2.f32 v14;
	v14 =	vmul.f32 v16, v23  }
0x38d: {  	(erf) = vpow2.f32 v13;
	v13 =	vadd.f32 $4.100657250e-02, v15;
	_ =	sdelay $0x1  }
0x38e: {  	v16 =	vadd.f32 $4.100657250e-02, v14;
	v15 =	vmul.f32 v13, v22  }
0x38f: {  	v14 =	vpop (erf)  }
0x390: {  	v16 =	vmul.f32 v16, v23;
	v17 =	vmul.f32 $1.986696620e-03, v14;
	v13 =	vpop (erf)  }
0x391: {  	v24 =	vadd.f32 $-8.188040550e-02, v15;
	v18 =	vmul.f32 $1.986696620e-03, v13  }
0x392: {  	v16 =	vadd.f32 $-8.188040550e-02, v16;
	v15 =	vpop (erf);
	v17 =	vadd.f32 $-1.318782660e-02, v17  }
0x393: {  	v10 =	vand.u32 $0x3FFF, v10;
	v24 =	vmul.f32 v24, v22;
	v25 =	vmul.f32 $1.986696620e-03, v15  }
0x394: {  	v12 =	vand.u32 $0x3FFF, v12;
	v26 =	vadd.f32 $-1.318782660e-02, v18;
	v30 =	vmul.f32 v16, v23  }
0x395: {  	v27 =	vmul.f32 v17, v14;
	v24 =	vadd.f32 $1.237799600e-01, v24;
	v18 =	vpop (erf);
	v25 =	vadd.f32 $-1.318782660e-02, v25  }
0x396: {  	v26 =	vmul.f32 v26, v13;
	v30 =	vadd.f32 $1.237799600e-01, v30;
	v28 =	vmul.f32 $1.986696620e-03, v18;
	v17 =	vpop (erf)  }
0x397: {  	v11 =	vand.u32 $0x3FFF, v11;
	v24 =	vmul.f32 v24, v22;
	v29 =	vmul.f32 $1.986696620e-03, v17  }
0x398: {  	v27 =	vadd.f32 $4.100657250e-02, v27;
	v16 =	vpop (erf);
	v25 =	vmul.f32 v25, v15;
	v30 =	vmul.f32 v30, v23  }
0x399: {  	v26 =	vadd.f32 $4.100657250e-02, v26;
	v28 =	vadd.f32 $-1.318782660e-02, v28;
	v31 =	vmul.f32 $1.986696620e-03, v16  }
0x39a: {  	v24 =	vadd.f32 $-1.608762290e-01, v24;
	v27 =	vmul.f32 v27, v14;
	v29 =	vadd.f32 $-1.318782660e-02, v29  }
0x39b: {  	v25 =	vadd.f32 $4.100657250e-02, v25;
	v30 =	vadd.f32 $-1.608762290e-01, v30;
	v26 =	vmul.f32 v26, v13  }
0x39c: {  	v28 =	vmul.f32 v28, v18;
	v31 =	vadd.f32 $-1.318782660e-02, v31;
	v24 =	vmul.f32 v24, v22  }
0x39d: {  	v27 =	vadd.f32 $-8.188040550e-02, v27;
	v29 =	vmul.f32 v29, v17;
	v25 =	vmul.f32 v25, v15  }
0x39e: {  	v30 =	vmul.f32 v30, v23;
	v26 =	vadd.f32 $-8.188040550e-02, v26;
	v24 =	vadd.f32 $1.988582020e-01, v24  }
0x39f: {  	v31 =	vmul.f32 v31, v16;
	v28 =	vadd.f32 $4.100657250e-02, v28;
	v27 =	vmul.f32 v27, v14  }
0x3a0: {  	v29 =	vadd.f32 $4.100657250e-02, v29;
	v30 =	vadd.f32 $1.988582020e-01, v30;
	v24 =	vmul.f32 v24, v22  }
0x3a1: {  	v25 =	vadd.f32 $-8.188040550e-02, v25;
	v26 =	vmul.f32 v26, v13;
	v28 =	vmul.f32 v28, v18  }
0x3a2: {  	v31 =	vadd.f32 $4.100657250e-02, v31;
	v30 =	vmul.f32 v30, v23;
	v24 =	vadd.f32 $-2.498649660e-01, v24  }
0x3a3: {  	v27 =	vadd.f32 $1.237799600e-01, v27;
	v29 =	vmul.f32 v29, v17;
	v25 =	vmul.f32 v25, v15  }
0x3a4: {  	v26 =	vadd.f32 $1.237799600e-01, v26;
	v30 =	vadd.f32 $-2.498649660e-01, v30;
	v24 =	vmul.f32 v24, v22  }
0x3a5: {  	v31 =	vmul.f32 v31, v16;
	v28 =	vadd.f32 $-8.188040550e-02, v28;
	v27 =	vmul.f32 v27, v14  }
0x3a6: {  	v29 =	vadd.f32 $-8.188040550e-02, v29;
	v30 =	vmul.f32 v30, v23;
	v24 =	vadd.f32 $3.333249690e-01, v24  }
0x3a7: {  	v25 =	vadd.f32 $1.237799600e-01, v25;
	v26 =	vmul.f32 v26, v13;
	v28 =	vmul.f32 v28, v18  }
0x3a8: {  	v31 =	vadd.f32 $-8.188040550e-02, v31;
	v30 =	vadd.f32 $3.333249690e-01, v30;
	v24 =	vmul.f32 v24, v22  }
0x3a9: {  	v27 =	vadd.f32 $-1.608762290e-01, v27;
	v29 =	vmul.f32 v29, v17;
	v25 =	vmul.f32 v25, v15  }
0x3aa: {  	v26 =	vadd.f32 $-1.608762290e-01, v26;
	v30 =	vmul.f32 v30, v23;
	v24 =	vadd.f32 $-4.999997910e-01, v24  }
0x3ab: {  	v31 =	vmul.f32 v31, v16;
	v28 =	vadd.f32 $1.237799600e-01, v28;
	v27 =	vmul.f32 v27, v14  }
0x3ac: {  	v29 =	vadd.f32 $1.237799600e-01, v29;
	v30 =	vadd.f32 $-4.999997910e-01, v30;
	v24 =	vmul.f32 v24, v22  }
0x3ad: {  	v25 =	vadd.f32 $-1.608762290e-01, v25;
	v26 =	vmul.f32 v26, v13;
	v28 =	vmul.f32 v28, v18  }
0x3ae: {  	v31 =	vadd.f32 $1.237799600e-01, v31;
	v30 =	vmul.f32 v30, v23;
	v24 =	vadd.f32 $1.000000000e+00, v24  }
0x3af: {  	v27 =	vadd.f32 $1.988582020e-01, v27;
	v29 =	vmul.f32 v29, v17;
	v25 =	vmul.f32 v25, v15  }
0x3b0: {  	v28 =	vadd.f32 $-1.608762290e-01, v28;
	v22 =	vmul.f32 v24, v22;
	v24 =	vadd.f32 $1.000000000e+00, v30  }
0x3b1: {  	v63 =	vadd.f32 $1.988582020e-01, v26;
	v31 =	vmul.f32 v31, v16;
	v29 =	vadd.f32 $-1.608762290e-01, v29  }
0x3b2: {  	v28 =	vmul.f32 v28, v18;
	v21 =	vadd.f32 v22, v21;
	v23 =	vmul.f32 v24, v23  }
0x3b3: {  	v62 =	vadd.f32 $-1.608762290e-01, v31;
	v22 =	vmul.f32 v29, v17;
	v29 =	vadd.f32 $1.988582020e-01, v25  }
0x3b4: {  	v21 =	vadd.f32 v21, v3;
	v32 =	vadd.f32 v23, v20;
	v20 =	vand.u32 $0x3FFF, v19  }
0x3b5: {  	v26 =	vmul.f32 v62, v16;
	v24 =	vmul.f32 v27, v14;
	v27 =	vadd.f32 $1.988582020e-01, v28  }
0x3b6: {  	s29 =	simm.s32 $0x0;
	s30 =	simm.s32 $0x60;
	s28 =	simm.s32 $0x4EA0;
	v25 =	vmul.f32 v63, v13;
	v23 =	vmul.f32 v29, v15;
	v21 =	vsub.f32 v21, v32  }
.LBB2_20:
0x3b7: {  	v19 =	vld [tilespmem:s30+$0x10];
	v27 =	vmul.f32 v27, v18;
	v22 =	vadd.f32 $1.988582020e-01, v22;
	v26 =	vadd.f32 $1.988582020e-01, v26  }
0x3b8: {  	s29 =	sadd.s32 $0x40, s29;
	v24 =	vadd.f32 $-2.498649660e-01, v24;
	v28 =	vld [tilespmem:s30+$0xFFFFFFF0];
	v25 =	vadd.f32 $-2.498649660e-01, v25;
	[tilespmem:s26+$0x10] =	vst v21  }
0x3b9: {  	p1 =	slt.u32 s29, $0x4DC0;
	v23 =	vadd.f32 $-2.498649660e-01, v23;
	v22 =	vmul.f32 v22, v17;
	v26 =	vmul.f32 v26, v16;
	[tilespmem:v20+s18+$0x0] =	vst.idx.add.f32.msk $0xffff, v21  }
0x3ba: {  	v20 =	vmul.f32 v24, v14;
	v21 =	vadd.f32 $-2.498649660e-01, v27;
	v29 =	vld [tilespmem:s30+$0x0];
	v24 =	vmul.f32 v25, v13  }
0x3bb: {  	v25 =	vld [tilespmem:s30+$0xFFFFFFE0];
	v27 =	vadd.f32 $-2.498649660e-01, v22;
	v22 =	vmul.f32 v23, v15;
	v23 =	vadd.f32 $-2.498649660e-01, v26  }
0x3bc: {  	v20 =	vadd.f32 $3.333249690e-01, v20;
	v26 =	vshrl.u32 v19, $0xE;
	v24 =	vadd.f32 $3.333249690e-01, v24  }
0x3bd: {  	v21 =	vmul.f32 v21, v18;
	v30 =	vshrl.u32 v28, $0xE;
	v31 =	vadd.f32 $3.333249690e-01, v22  }
0x3be: {  	v22 =	vand.u32 $0x3FFF, v28;
	v27 =	vmul.f32 v27, v17;
	v28 =	vmul.f32 v23, v16  }
0x3bf: {  	v20 =	vmul.f32 v20, v14;
	v24 =	vmul.f32 v24, v13;
	v32 =	vshrl.u32 v29, $0xE  }
0x3c0: {  	v21 =	vadd.f32 $3.333249690e-01, v21;
	v31 =	vmul.f32 v31, v15;
	v33 =	vshrl.u32 v25, $0xE  }
0x3c1: {  	s26 =	sadd.s32 $0x40, s26;
	v23 =	vand.u32 $0x3FFF, v25;
	v25 =	vld.idx.msk [tilespmem:v26+s15+$0x0], $0xffff;
	v26 =	vadd.f32 $3.333249690e-01, v27;
	v27 =	vadd.f32 $3.333249690e-01, v28  }
0x3c2: {  	v20 =	vadd.f32 $-4.999997910e-01, v20;
	v21 =	vmul.f32 v21, v18;
	v24 =	vadd.f32 $-4.999997910e-01, v24;
	v28 =	vld [tilespmem:s26+$0x10]  }
0x3c3: {  	v31 =	vadd.f32 $-4.999997910e-01, v31;
	v30 =	vld.idx.msk [tilespmem:v30+s15+$0x0], $0xffff;
	v26 =	vmul.f32 v26, v17;
	v27 =	vmul.f32 v27, v16  }
0x3c4: {  	v20 =	vmul.f32 v20, v14;
	v21 =	vadd.f32 $-4.999997910e-01, v21;
	v24 =	vmul.f32 v24, v13;
	v32 =	vld.idx.msk [tilespmem:v32+s15+$0x0], $0xffff  }
0x3c5: {  	v31 =	vmul.f32 v31, v15;
	v33 =	vld.idx.msk [tilespmem:v33+s15+$0x0], $0xffff;
	v26 =	vadd.f32 $-4.999997910e-01, v26;
	v27 =	vadd.f32 $-4.999997910e-01, v27  }
0x3c6: {  	v20 =	vadd.f32 $1.000000000e+00, v20;
	v21 =	vmul.f32 v21, v18;
	v24 =	vadd.f32 $1.000000000e+00, v24;
	v34 =	vld [tilespmem:s26+$0xFFFFFFE0]  }
0x3c7: {  	v35 =	vld [tilespmem:s26+$0xFFFFFFF0];
	v25 =	vsub.f32 v25, v28;
	v26 =	vmul.f32 v26, v17;
	v28 =	vadd.f32 $1.000000000e+00, v31  }
0x3c8: {  	v14 =	vmul.f32 v20, v14;
	v20 =	vadd.f32 $1.000000000e+00, v21;
	v21 =	vmul.f32 v27, v16;
	v31 =	vld [tilespmem:s26+$0x0]  }
0x3c9: {  	v13 =	vmul.f32 v24, v13;
	v27 =	vadd.f32 v25, v1;
	v15 =	vmul.f32 v28, v15  }
0x3ca: {  	v18 =	vmul.f32 v20, v18;
	v24 =	vadd.f32 $1.000000000e+00, v26;
	v26 =	vadd.f32 $1.000000000e+00, v21  }
0x3cb: {  	v25 =	vadd.f32 v25, v2;
	v20 =	vmax.f32 v27, $0.0e+00;
	v21 =	vmin.f32 v27, $0.0e+00  }
0x3cc: {  	v27 =	vsub.f32 v33, v34;
	v17 =	vmul.f32 v24, v17;
	v28 =	vsub.f32 v21, v20  }
0x3cd: {  	v24 =	vsub.f32 v30, v35;
	v21 =	vmax.f32 v25, $0.0e+00;
	v25 =	vmin.f32 v25, $0.0e+00  }
0x3ce: {  	v30 =	vsub.f32 v32, v31;
	v25 =	vsub.f32 v25, v21;
	v28 =	vmul.f32 $1.442695020e+00, v28  }
0x3cf: {  	v16 =	vmul.f32 v26, v16;
	v31 =	vadd.f32 v27, v1;
	v32 =	vadd.f32 v24, v1  }
0x3d0: {  	v26 =	vadd.f32 v30, v1;
	v25 =	vmul.f32 $1.442695020e+00, v25;
	(erf) = vpow2.f32 v28  }
0x3d1: {  	v28 =	vmax.f32 v31, $0.0e+00;
	v31 =	vmin.f32 v31, $0.0e+00;
	v33 =	vmax.f32 v32, $0.0e+00  }
0x3d2: {  	v32 =	vmin.f32 v32, $0.0e+00;
	v34 =	vmax.f32 v26, $0.0e+00;
	(erf) = vpow2.f32 v25  }
0x3d3: {  	v24 =	vadd.f32 v24, v2;
	v26 =	vmin.f32 v26, $0.0e+00;
	v25 =	vadd.f32 v27, v2  }
0x3d4: {  	v29 =	vand.u32 $0x3FFF, v29;
	v30 =	vadd.f32 v30, v2;
	v27 =	vsub.f32 v31, v28  }
0x3d5: {  	v32 =	vsub.f32 v32, v33;
	v26 =	vsub.f32 v26, v34;
	v31 =	vmax.f32 v25, $0.0e+00  }
0x3d6: {  	v35 =	vmax.f32 v24, $0.0e+00;
	v24 =	vmin.f32 v24, $0.0e+00;
	v25 =	vmin.f32 v25, $0.0e+00  }
0x3d7: {  	v36 =	vmax.f32 v30, $0.0e+00;
	v30 =	vmin.f32 v30, $0.0e+00;
	v27 =	vmul.f32 $1.442695020e+00, v27  }
0x3d8: {  	v32 =	vmul.f32 $1.442695020e+00, v32;
	v26 =	vmul.f32 $1.442695020e+00, v26;
	v38 =	vsub.f32 v25, v31  }
0x3d9: {  	v37 =	vsub.f32 v24, v35;
	v30 =	vsub.f32 v30, v36;
	(erf) = vpow2.f32 v27;
	v24 =	vpop (erf)  }
0x3da: {  	v14 =	vadd.f32 v14, v5;
	v5 =	vmovc v28;
	v27 =	vmul.f32 $1.986696620e-03, v24;
	(erf) = vpow2.f32 v32  }
0x3db: {  	v13 =	vadd.f32 v13, v6;
	v28 =	vmul.f32 $1.442695020e+00, v38;
	(erf) = vpow2.f32 v26;
	v25 =	vpop (erf)  }
0x3dc: {  	v6 =	vmovc v33;
	v26 =	vmul.f32 $1.442695020e+00, v37;
	v27 =	vadd.f32 $-1.318782660e-02, v27;
	v32 =	vmul.f32 $1.986696620e-03, v25  }
0x3dd: {  	v15 =	vadd.f32 v15, v4;
	v4 =	vmovc v34;
	v30 =	vmul.f32 $1.442695020e+00, v30;
	(erf) = vpow2.f32 v28  }
0x3de: {  	v27 =	vmul.f32 v27, v24;
	v28 =	vadd.f32 $-1.318782660e-02, v32;
	(erf) = vpow2.f32 v26  }
0x3df: {  	v26 =	vadd.f32 v14, v3;
	(erf) = vpow2.f32 v30;
	v30 =	vadd.f32 v13, v3  }
0x3e0: {  	v33 =	vadd.f32 $4.100657250e-02, v27;
	v32 =	vmul.f32 v28, v25;
	v27 =	vadd.f32 v15, v3  }
0x3e1: {  	v17 =	vadd.f32 v17, v7;
	v7 =	vmovc v35;
	v34 =	vadd.f32 v18, v8;
	v8 =	vmov v31  }
0x3e2: {  	v18 =	vmul.f32 v33, v24;
	v28 =	vadd.f32 $4.100657250e-02, v32;
	v14 =	vpop (erf);
	v32 =	vadd.f32 v16, v9  }
0x3e3: {  	v26 =	vsub.f32 v26, v34;
	v30 =	vsub.f32 v30, v17;
	v16 =	vmul.f32 $1.986696620e-03, v14;
	v13 =	vpop (erf)  }
0x3e4: {  	v35 =	vmul.f32 $1.986696620e-03, v13;
	v34 =	vadd.f32 $-8.188040550e-02, v18;
	v28 =	vmul.f32 v28, v25;
	v15 =	vpop (erf)  }
0x3e5: {  	v9 =	vmovc v36;
	v27 =	vsub.f32 v27, v32;
	v37 =	vadd.f32 $-1.318782660e-02, v16;
	v31 =	vmul.f32 $1.986696620e-03, v15;
	[tilespmem:s28+$0xFFFFFFE0] =	vst v26  }
0x3e6: {  	v32 =	vadd.f32 $-1.318782660e-02, v35;
	v33 =	vmul.f32 v34, v24;
	v28 =	vadd.f32 $-8.188040550e-02, v28;
	v18 =	vpop (erf);
	[tilespmem:v12+s18+$0x0] =	vst.idx.add.f32.msk $0xffff, v26  }
0x3e7: {  	v26 =	vmul.f32 v37, v14;
	v36 =	vmul.f32 $1.986696620e-03, v18;
	v31 =	vadd.f32 $-1.318782660e-02, v31;
	v17 =	vpop (erf);
	[tilespmem:s28+$0xFFFFFFF0] =	vst v30  }
0x3e8: {  	v34 =	vmul.f32 $1.986696620e-03, v17;
	v33 =	vadd.f32 $1.237799600e-01, v33;
	v28 =	vmul.f32 v28, v25;
	v16 =	vpop (erf);
	[tilespmem:v10+s18+$0x0] =	vst.idx.add.f32.msk $0xffff, v30  }
0x3e9: {  	v12 =	vmovc v23;
	v32 =	vmul.f32 v32, v13;
	v10 =	vmovc v22;
	v30 =	vadd.f32 $-1.318782660e-02, v36;
	v35 =	vmul.f32 $1.986696620e-03, v16;
	[tilespmem:s28+$0x0] =	vst v27;
	s28 =	smov.u32 s26  }
0x3ea: {  	v22 =	vmul.f32 v31, v15;
	v23 =	vmul.f32 v33, v24;
	v28 =	vadd.f32 $1.237799600e-01, v28;
	[tilespmem:v11+s18+$0x0] =	vst.idx.add.f32.msk $0xffff, v27  }
0x3eb: {  	v11 =	vmovc v29;
	v27 =	vmul.f32 v30, v18;
	v30 =	vadd.f32 $-1.318782660e-02, v34;
	v31 =	vadd.f32 $-1.318782660e-02, v35  }
0x3ec: {  	v26 =	vadd.f32 $4.100657250e-02, v26;
	v23 =	vadd.f32 $-1.608762290e-01, v23;
	v28 =	vmul.f32 v28, v25  }
0x3ed: {  	v29 =	vadd.f32 $4.100657250e-02, v32;
	v22 =	vadd.f32 $4.100657250e-02, v22;
	v30 =	vmul.f32 v30, v17  }
0x3ee: {  	v31 =	vmul.f32 v31, v16;
	v23 =	vmul.f32 v23, v24;
	v28 =	vadd.f32 $-1.608762290e-01, v28  }
0x3ef: {  	v26 =	vmul.f32 v26, v14;
	v29 =	vmul.f32 v29, v13;
	v27 =	vadd.f32 $4.100657250e-02, v27  }
0x3f0: {  	v22 =	vmul.f32 v22, v15;
	v23 =	vadd.f32 $1.988582020e-01, v23;
	v28 =	vmul.f32 v28, v25  }
0x3f1: {  	v27 =	vmul.f32 v27, v18;
	v30 =	vadd.f32 $4.100657250e-02, v30;
	v31 =	vadd.f32 $4.100657250e-02, v31  }
0x3f2: {  	v26 =	vadd.f32 $-8.188040550e-02, v26;
	v23 =	vmul.f32 v23, v24;
	v28 =	vadd.f32 $1.988582020e-01, v28  }
0x3f3: {  	v29 =	vadd.f32 $-8.188040550e-02, v29;
	v22 =	vadd.f32 $-8.188040550e-02, v22;
	v30 =	vmul.f32 v30, v17  }
0x3f4: {  	v31 =	vmul.f32 v31, v16;
	v23 =	vadd.f32 $-2.498649660e-01, v23;
	v28 =	vmul.f32 v28, v25  }
0x3f5: {  	v26 =	vmul.f32 v26, v14;
	v29 =	vmul.f32 v29, v13;
	v27 =	vadd.f32 $-8.188040550e-02, v27  }
0x3f6: {  	v22 =	vmul.f32 v22, v15;
	v23 =	vmul.f32 v23, v24;
	v28 =	vadd.f32 $-2.498649660e-01, v28  }
0x3f7: {  	v27 =	vmul.f32 v27, v18;
	v30 =	vadd.f32 $-8.188040550e-02, v30;
	v31 =	vadd.f32 $-8.188040550e-02, v31  }
0x3f8: {  	v26 =	vadd.f32 $1.237799600e-01, v26;
	v23 =	vadd.f32 $3.333249690e-01, v23;
	v28 =	vmul.f32 v28, v25  }
0x3f9: {  	v29 =	vadd.f32 $1.237799600e-01, v29;
	v22 =	vadd.f32 $1.237799600e-01, v22;
	v30 =	vmul.f32 v30, v17  }
0x3fa: {  	v31 =	vmul.f32 v31, v16;
	v23 =	vmul.f32 v23, v24;
	v28 =	vadd.f32 $3.333249690e-01, v28  }
0x3fb: {  	v26 =	vmul.f32 v26, v14;
	v29 =	vmul.f32 v29, v13;
	v27 =	vadd.f32 $1.237799600e-01, v27  }
0x3fc: {  	v22 =	vmul.f32 v22, v15;
	v23 =	vadd.f32 $-4.999997910e-01, v23;
	v28 =	vmul.f32 v28, v25  }
0x3fd: {  	v27 =	vmul.f32 v27, v18;
	v30 =	vadd.f32 $1.237799600e-01, v30;
	v31 =	vadd.f32 $1.237799600e-01, v31  }
0x3fe: {  	v26 =	vadd.f32 $-1.608762290e-01, v26;
	v23 =	vmul.f32 v23, v24;
	v28 =	vadd.f32 $-4.999997910e-01, v28  }
0x3ff: {  	v29 =	vadd.f32 $-1.608762290e-01, v29;
	v22 =	vadd.f32 $-1.608762290e-01, v22;
	v30 =	vmul.f32 v30, v17  }
0x400: {  	v31 =	vmul.f32 v31, v16;
	v23 =	vadd.f32 $1.000000000e+00, v23;
	v28 =	vmul.f32 v28, v25  }
0x401: {  	v26 =	vmul.f32 v26, v14;
	v29 =	vmul.f32 v29, v13;
	v27 =	vadd.f32 $-1.608762290e-01, v27  }
0x402: {  	v32 =	vmul.f32 v22, v15;
	v22 =	vmul.f32 v23, v24;
	v23 =	vadd.f32 $1.000000000e+00, v28  }
0x403: {  	v27 =	vmul.f32 v27, v18;
	v24 =	vadd.f32 $-1.608762290e-01, v30;
	v28 =	vadd.f32 $-1.608762290e-01, v31  }
.Ltmp9:
0x404: {  	v26 =	vadd.f32 $1.988582020e-01, v26;
	v20 =	vadd.f32 v22, v20;
	v23 =	vmul.f32 v23, v25;
	(pc) =	sbr.rel @p1 .LBB2_20-.Ltmp9, $4  }
0x405: {  	v25 =	vadd.f32 $1.988582020e-01, v29;
	v22 =	vmul.f32 v24, v17;
	v29 =	vadd.f32 $1.988582020e-01, v32  }
0x406: {  	v30 =	vadd.f32 v20, v3;
	v21 =	vadd.f32 v23, v21;
	v20 =	vand.u32 $0x3FFF, v19  }
0x407: {  	v27 =	vadd.f32 $1.988582020e-01, v27;
	v24 =	vmul.f32 v26, v14;
	v26 =	vmul.f32 v28, v16  }
0x408: {  	s30 =	sadd.s32 $0x40, s30;
	v25 =	vmul.f32 v25, v13;
	v23 =	vmul.f32 v29, v15;
	v21 =	vsub.f32 v30, v21  }
0x409: {  	v19 =	vmul.f32 v27, v18;
	v22 =	vadd.f32 $1.988582020e-01, v22;
	v24 =	vadd.f32 $-2.498649660e-01, v24  }
0x40a: {  	v26 =	vadd.f32 $1.988582020e-01, v26;
	v25 =	vadd.f32 $-2.498649660e-01, v25  }
0x40b: {  	v22 =	vmul.f32 v22, v17;
	v24 =	vmul.f32 v24, v14;
	v19 =	vadd.f32 $-2.498649660e-01, v19  }
0x40c: {  	v23 =	vadd.f32 $-2.498649660e-01, v23;
	v26 =	vmul.f32 v26, v16;
	v25 =	vmul.f32 v25, v13  }
0x40d: {  	v22 =	vadd.f32 $-2.498649660e-01, v22;
	v24 =	vadd.f32 $3.333249690e-01, v24;
	v19 =	vmul.f32 v19, v18  }
0x40e: {  	v23 =	vmul.f32 v23, v15;
	v26 =	vadd.f32 $-2.498649660e-01, v26;
	v25 =	vadd.f32 $3.333249690e-01, v25  }
0x40f: {  	v22 =	vmul.f32 v22, v17;
	v24 =	vmul.f32 v24, v14;
	v19 =	vadd.f32 $3.333249690e-01, v19  }
0x410: {  	v23 =	vadd.f32 $3.333249690e-01, v23;
	v26 =	vmul.f32 v26, v16;
	v25 =	vmul.f32 v25, v13  }
0x411: {  	v22 =	vadd.f32 $3.333249690e-01, v22;
	v24 =	vadd.f32 $-4.999997910e-01, v24;
	v19 =	vmul.f32 v19, v18  }
0x412: {  	v23 =	vmul.f32 v23, v15;
	v26 =	vadd.f32 $3.333249690e-01, v26;
	v25 =	vadd.f32 $-4.999997910e-01, v25  }
0x413: {  	v22 =	vmul.f32 v22, v17;
	v24 =	vmul.f32 v24, v14;
	v19 =	vadd.f32 $-4.999997910e-01, v19  }
0x414: {  	v23 =	vadd.f32 $-4.999997910e-01, v23;
	v26 =	vmul.f32 v26, v16;
	v25 =	vmul.f32 v25, v13  }
0x415: {  	v22 =	vadd.f32 $-4.999997910e-01, v22;
	v24 =	vadd.f32 $1.000000000e+00, v24;
	v19 =	vmul.f32 v19, v18  }
0x416: {  	v23 =	vmul.f32 v23, v15;
	v26 =	vadd.f32 $-4.999997910e-01, v26;
	v25 =	vadd.f32 $1.000000000e+00, v25  }
0x417: {  	v22 =	vmul.f32 v22, v17;
	v54 =	vmul.f32 v24, v14;
	v19 =	vadd.f32 $1.000000000e+00, v19  }
0x418: {  	v23 =	vadd.f32 $1.000000000e+00, v23;
	v55 =	vmul.f32 v26, v16;
	v56 =	vmul.f32 v25, v13  }
0x419: {  	v57 =	vmul.f32 v19, v18;
	v58 =	vadd.f32 $1.000000000e+00, v22;
	v5 =	vadd.f32 v54, v5  }
0x41a: {  	v59 =	vmul.f32 v23, v15;
	v60 =	vadd.f32 $1.000000000e+00, v55;
	v6 =	vadd.f32 v56, v6  }
0x41b: {  	v61 =	vmul.f32 v58, v17;
	v5 =	vadd.f32 v5, v3;
	v8 =	vadd.f32 v57, v8  }
0x41c: {  	v4 =	vadd.f32 v59, v4;
	v62 =	vmul.f32 v60, v16;
	v6 =	vadd.f32 v6, v3  }
0x41d: {  	[tilespmem:s26+$0x10] =	vst v21;
	v7 =	vadd.f32 v61, v7;
	v5 =	vsub.f32 v5, v8  }
0x41e: {  	[tilespmem:v20+s18+$0x0] =	vst.idx.add.f32.msk $0xffff, v21;
	v4 =	vadd.f32 v4, v3;
	v63 =	vadd.f32 v62, v9  }
0x41f: {  	v6 =	vsub.f32 v6, v7;
	[tilespmem:s28+$0xFFFFFFE0] =	vst v5  }
0x420: {  	v4 =	vsub.f32 v4, v63;
	[tilespmem:v12+s18+$0x0] =	vst.idx.add.f32.msk $0xffff, v5  }
0x421: {  	[tilespmem:s28+$0xFFFFFFF0] =	vst v6  }
0x422: {  	[tilespmem:s28+$0x0] =	vst v4  }
0x423: {  	[tilespmem:v10+s18+$0x0] =	vst.idx.add.f32.msk $0xffff, v6  }
0x424: {  	s0 =	simm.s32 $0x4E00;
	s2 =	simm.s32 $0x4DF0;
	s26 =	simm.s32 $0x9C80;
	[tilespmem:v11+s18+$0x0] =	vst.idx.add.f32.msk $0xffff, v4  }
.LBB2_22:
0x425: {  	v4 =	vld [tilespmem:s0+$0x0];
	_ =	sdelay $0x4  }
0x426: {  	v5 =	vshrl.u32 v4, $0xE;
	_ =	sdelay $0x3  }
0x427: {  	v6 =	vld [tilespmem:s26+$0x0]  }
0x428: {  	v5 =	vld.idx.msk [tilespmem:v5+s15+$0x0], $0xffff;
	_ =	sdelay $0x4  }
0x429: {  	v5 =	vsub.f32 v5, v6;
	_ =	sdelay $0x1  }
0x42a: {  	v6 =	vadd.f32 v5, v1;
	_ =	sdelay $0x1  }
0x42b: {  	v5 =	vadd.f32 v5, v2;
	v7 =	vmax.f32 v6, $0.0e+00;
	v6 =	vmin.f32 v6, $0.0e+00  }
0x42c: {  	v6 =	vsub.f32 v6, v7  }
0x42d: {  	v8 =	vmax.f32 v5, $0.0e+00;
	v5 =	vmin.f32 v5, $0.0e+00  }
0x42e: {  	v5 =	vsub.f32 v5, v8;
	v6 =	vmul.f32 $1.442695020e+00, v6;
	_ =	sdelay $0x1  }
0x42f: {  	v5 =	vmul.f32 $1.442695020e+00, v5;
	(erf) = vpow2.f32 v6;
	_ =	sdelay $0x1  }
0x430: {  	(erf) = vpow2.f32 v5;
	_ =	sdelay $0x6  }
0x431: {  	v5 =	vpop (erf)  }
0x432: {  	v62 =	vmul.f32 $1.986696620e-03, v5  }
0x433: {  	v9 =	vpop (erf)  }
0x434: {  	v10 =	vmul.f32 $1.986696620e-03, v9;
	v6 =	vadd.f32 $-1.318782660e-02, v62;
	_ =	sdelay $0x1  }
0x435: {  	v10 =	vadd.f32 $-1.318782660e-02, v10;
	v6 =	vmul.f32 v6, v5;
	_ =	sdelay $0x1  }
0x436: {  	v10 =	vmul.f32 v10, v9;
	v6 =	vadd.f32 $4.100657250e-02, v6;
	_ =	sdelay $0x1  }
0x437: {  	v10 =	vadd.f32 $4.100657250e-02, v10;
	v6 =	vmul.f32 v6, v5;
	_ =	sdelay $0x1  }
0x438: {  	v10 =	vmul.f32 v10, v9;
	v6 =	vadd.f32 $-8.188040550e-02, v6;
	_ =	sdelay $0x1  }
0x439: {  	v10 =	vadd.f32 $-8.188040550e-02, v10;
	v6 =	vmul.f32 v6, v5;
	_ =	sdelay $0x1  }
0x43a: {  	v10 =	vmul.f32 v10, v9;
	v6 =	vadd.f32 $1.237799600e-01, v6;
	_ =	sdelay $0x1  }
0x43b: {  	v10 =	vadd.f32 $1.237799600e-01, v10;
	v6 =	vmul.f32 v6, v5;
	_ =	sdelay $0x1  }
0x43c: {  	v10 =	vmul.f32 v10, v9;
	v6 =	vadd.f32 $-1.608762290e-01, v6;
	_ =	sdelay $0x1  }
0x43d: {  	v10 =	vadd.f32 $-1.608762290e-01, v10;
	v6 =	vmul.f32 v6, v5;
	_ =	sdelay $0x1  }
0x43e: {  	v10 =	vmul.f32 v10, v9;
	v6 =	vadd.f32 $1.988582020e-01, v6;
	_ =	sdelay $0x1  }
0x43f: {  	v10 =	vadd.f32 $1.988582020e-01, v10;
	v6 =	vmul.f32 v6, v5;
	_ =	sdelay $0x1  }
0x440: {  	v10 =	vmul.f32 v10, v9;
	v6 =	vadd.f32 $-2.498649660e-01, v6;
	_ =	sdelay $0x1  }
0x441: {  	v10 =	vadd.f32 $-2.498649660e-01, v10;
	v6 =	vmul.f32 v6, v5;
	_ =	sdelay $0x1  }
0x442: {  	v10 =	vmul.f32 v10, v9;
	v6 =	vadd.f32 $3.333249690e-01, v6;
	_ =	sdelay $0x1  }
0x443: {  	v10 =	vadd.f32 $3.333249690e-01, v10;
	v6 =	vmul.f32 v6, v5;
	_ =	sdelay $0x1  }
0x444: {  	v10 =	vmul.f32 v10, v9;
	v6 =	vadd.f32 $-4.999997910e-01, v6;
	_ =	sdelay $0x1  }
0x445: {  	v10 =	vadd.f32 $-4.999997910e-01, v10;
	v6 =	vmul.f32 v6, v5;
	_ =	sdelay $0x1  }
0x446: {  	v10 =	vmul.f32 v10, v9;
	v6 =	vadd.f32 $1.000000000e+00, v6;
	_ =	sdelay $0x1  }
0x447: {  	v63 =	vadd.f32 $1.000000000e+00, v10;
	v5 =	vmul.f32 v6, v5;
	_ =	sdelay $0x1  }
0x448: {  	v6 =	vmul.f32 v63, v9;
	v5 =	vadd.f32 v5, v7  }
0x449: {  	s2 =	sadd.s32 $0x10, s2  }
0x44a: {  	p1 =	slt.u32 s2, $0x4E10;
	v4 =	vand.u32 $0x3FFF, v4;
	v6 =	vadd.f32 v6, v8;
	v5 =	vadd.f32 v5, v3  }
.Ltmp10:
0x44b: {  	_ = 	snop;
	(pc) =	sbr.rel @p1 .LBB2_22-.Ltmp10, $3  }
0x44c: {  	v5 =	vsub.f32 v5, v6;
	_ =	sdelay $0x1  }
0x44d: {  	[tilespmem:s26+$0x0] =	vst v5  }
0x44e: {  	s0 =	sadd.s32 $0x10, s0;
	s26 =	sadd.s32 $0x10, s26;
	[tilespmem:v4+s18+$0x0] =	vst.idx.add.f32.msk $0xffff, v5  }
0x44f: {  	[spmem:s8] =	stream.strided.scatter [tilespmem:s18], [sflag:$0x1], $0x2800, s20, s19, $0x38;
	[tilespmem:$0x14B80] =	vst v63  }
0x450: {  	_ =	swait.ge [sflag:s14], $0x2800  }
0x451: {  	[sflag:s14] =	ssyncset.done $0x0  }
0x452: {  	[sflag:s14] =	ssyncadd.s32 $0xFFFFD800  }
0x453: {  	s1 =	simm.s32 $0x0;
	s2 =	simm.s32 $0x0;
	[bflag:$0x0] =	sbarrier.arrive $0xFFFF  }
0x454: {  	[tilespmem:s23], [sflag:$0x1] =	stream.strided.gather [spmem:s9], $0x2800, s22, s21, $0x38;
	[tilespmem:$0x14B80] =	vst v63  }
0x455: {  	s0 =	sand.u32 $0x60, s2;
	s1 =	sand.u32 $0x1C00, s1;
	_ =	swait.ge [sflag:s14], $0x2800  }
0x456: {  	s5 =	sadd.s32 $0xF180, s1;
	s6 =	sor.u32 $0x10, s0;
	[sflag:s14] =	ssyncset.done $0x0  }
0x457: {  	s16 =	sor.u32 s6, s5;
	[sflag:s14] =	ssyncadd.s32 $0xFFFFD800  }
0x458: {  	v4 =	vld [tilespmem:s16+$0x0]  }
0x459: {  	s5 =	sor.u32 s0, s5;
	v5 =	vld [tilespmem:s16+$0x80]  }
0x45a: {  	v6 =	vld [tilespmem:s5+$0x0]  }
0x45b: {  	v7 =	vld [tilespmem:s16+$0x100]  }
0x45c: {  	v8 =	vld [tilespmem:s5+$0x80]  }
0x45d: {  	v9 =	vld [tilespmem:s16+$0x180]  }
0x45e: {  	v10 =	vld [tilespmem:s5+$0x100]  }
0x45f: {  	v11 =	vld [tilespmem:s16+$0x200]  }
0x460: {  	v12 =	vld [tilespmem:s5+$0x180]  }
0x461: {  	v13 =	vld [tilespmem:s16+$0x280]  }
0x462: {  	v14 =	vld [tilespmem:s5+$0x200]  }
0x463: {  	v15 =	vld [tilespmem:s16+$0x300]  }
0x464: {  	v16 =	vld [tilespmem:s5+$0x280]  }
0x465: {  	v17 =	vld [tilespmem:s16+$0x380]  }
0x466: {  	s17 =	sadd.s32 $0x10580, s1;
	v18 =	vld [tilespmem:s5+$0x300]  }
0x467: {  	s26 =	sadd.s32 $0x10600, s1;
	s16 =	sor.u32 s6, s17;
	v20 =	vld [tilespmem:s5+$0x380]  }
0x468: {  	s5 =	sor.u32 s6, s26;
	v19 =	vld [tilespmem:s16+$0x0]  }
0x469: {  	s16 =	sor.u32 s0, s17;
	s17 =	sadd.s32 $0x10680, s1;
	v21 =	vld [tilespmem:s5+$0x0]  }
0x46a: {  	v22 =	vld [tilespmem:s16+$0x0];
	s5 =	sor.u32 s6, s17  }
0x46b: {  	s16 =	sor.u32 s0, s26;
	s26 =	sadd.s32 $0x10700, s1;
	v23 =	vld [tilespmem:s5+$0x0]  }
0x46c: {  	v24 =	vld [tilespmem:s16+$0x0];
	s5 =	sor.u32 s6, s26  }
0x46d: {  	s16 =	sor.u32 s0, s17;
	s17 =	sadd.s32 $0x10780, s1;
	v25 =	vld [tilespmem:s5+$0x0]  }
0x46e: {  	v26 =	vld [tilespmem:s16+$0x0];
	s5 =	sor.u32 s6, s17  }
0x46f: {  	s2 =	sand.u32 $0x380, s2;
	s16 =	sor.u32 s0, s26;
	v27 =	vld [tilespmem:s5+$0x0]  }
0x470: {  	s2 =	sor.u32 s2, s6;
	s26 =	sadd.s32 $0x10800, s1;
	v28 =	vld [tilespmem:s16+$0x0]  }
0x471: {  	s5 =	sor.u32 s6, s26;
	v4 =	vadd.f32 v5, v4;
	v5 =	vadd.f32 v8, v6;
	v8 =	vld [tilespmem:s2+$0xED00]  }
0x472: {  	s16 =	sor.u32 s0, s17;
	v29 =	vld [tilespmem:s5+$0x0]  }
0x473: {  	s17 =	sadd.s32 $0x10880, s1;
	s26 =	sor.u32 s0, s26;
	v30 =	vld [tilespmem:s16+$0x0]  }
0x474: {  	s16 =	sor.u32 s6, s17;
	v32 =	vld [tilespmem:s26+$0x0]  }
0x475: {  	s29 =	simm.s32 $0x100;
	s28 =	simm.s32 $0xED00;
	s17 =	sor.u32 s0, s17;
	v31 =	vld [tilespmem:s16+$0x0]  }
0x476: {  	s31 =	sand.u32 $0x1C00, s29;
	s1 =	sadd.s32 $0x10900, s1;
	s26 =	simm.s32 $0x20;
	v6 =	vld [tilespmem:s17+$0x0]  }
0x477: {  	s16 =	sor.u32 s6, s1;
	s1 =	sor.u32 s0, s1;
	s0 =	sand.u32 $0x60, s26;
	v4 =	vadd.f32 v7, v4;
	v5 =	vadd.f32 v10, v5;
	v10 =	vld [tilespmem:s28+$0x0]  }
0x478: {  	s6 =	sadd.s32 $0xF180, s31;
	v33 =	vld [tilespmem:s16+$0x0];
	s30 =	sor.u32 $0x10, s0  }
0x479: {  	v7 =	vld [tilespmem:s1+$0x0];
	s16 =	sor.u32 s30, s6;
	v4 =	vadd.f32 v9, v4  }
0x47a: {  	v5 =	vadd.f32 v12, v5;
	v9 =	vld [tilespmem:s16+$0x0]  }
0x47b: {  	s5 =	sor.u32 s0, s6;
	v42 =	vld [tilespmem:s16+$0x80];
	v4 =	vadd.f32 v11, v4  }
0x47c: {  	v44 =	vld [tilespmem:s5+$0x80];
	v5 =	vadd.f32 v14, v5  }
0x47d: {  	v43 =	vld [tilespmem:s16+$0x100];
	v4 =	vadd.f32 v13, v4  }
0x47e: {  	v11 =	vld [tilespmem:s5+$0x0];
	v5 =	vadd.f32 v16, v5  }
0x47f: {  	v45 =	vld [tilespmem:s16+$0x180];
	v4 =	vadd.f32 v15, v4  }
0x480: {  	v46 =	vld [tilespmem:s5+$0x100];
	v5 =	vadd.f32 v18, v5;
	v9 =	vadd.f32 v42, v9  }
0x481: {  	v47 =	vld [tilespmem:s16+$0x200];
	v4 =	vadd.f32 v17, v4  }
0x482: {  	v48 =	vld [tilespmem:s5+$0x180];
	v5 =	vadd.f32 v20, v5;
	v9 =	vadd.f32 v43, v9  }
0x483: {  	v49 =	vld [tilespmem:s16+$0x280];
	v11 =	vadd.f32 v44, v11;
	v4 =	vadd.f32 v19, v4  }
0x484: {  	v50 =	vld [tilespmem:s5+$0x200];
	v5 =	vadd.f32 v22, v5;
	v9 =	vadd.f32 v45, v9  }
0x485: {  	v51 =	vld [tilespmem:s16+$0x300];
	v11 =	vadd.f32 v46, v11;
	v4 =	vadd.f32 v21, v4  }
0x486: {  	v52 =	vld [tilespmem:s5+$0x280];
	v5 =	vadd.f32 v24, v5;
	v9 =	vadd.f32 v47, v9  }
0x487: {  	s6 =	sadd.s32 $0x10580, s31;
	v53 =	vld [tilespmem:s16+$0x380];
	v11 =	vadd.f32 v48, v11;
	v4 =	vadd.f32 v23, v4  }
0x488: {  	v54 =	vld [tilespmem:s5+$0x300];
	s17 =	sor.u32 s30, s6;
	v5 =	vadd.f32 v26, v5;
	v9 =	vadd.f32 v49, v9  }
0x489: {  	s16 =	sadd.s32 $0x10600, s31;
	v55 =	vld [tilespmem:s17+$0x0];
	v11 =	vadd.f32 v50, v11;
	v4 =	vadd.f32 v25, v4  }
0x48a: {  	v56 =	vld [tilespmem:s5+$0x380];
	s5 =	sor.u32 s30, s16;
	v5 =	vadd.f32 v28, v5;
	v9 =	vadd.f32 v51, v9  }
0x48b: {  	s17 =	sor.u32 s0, s6;
	s6 =	sadd.s32 $0x10680, s31;
	v57 =	vld [tilespmem:s5+$0x0];
	v11 =	vadd.f32 v52, v11;
	v4 =	vadd.f32 v27, v4  }
0x48c: {  	v58 =	vld [tilespmem:s17+$0x0];
	s5 =	sor.u32 s30, s6;
	v5 =	vadd.f32 v30, v5;
	v9 =	vadd.f32 v53, v9  }
0x48d: {  	s17 =	sor.u32 s0, s16;
	s16 =	sadd.s32 $0x10700, s31;
	v59 =	vld [tilespmem:s5+$0x0];
	v11 =	vadd.f32 v54, v11;
	v4 =	vadd.f32 v29, v4  }
0x48e: {  	v60 =	vld [tilespmem:s17+$0x0];
	s5 =	sor.u32 s30, s16;
	v5 =	vadd.f32 v32, v5;
	v9 =	vadd.f32 v55, v9  }
0x48f: {  	s17 =	sor.u32 s0, s6;
	s6 =	sadd.s32 $0x10780, s31;
	v61 =	vld [tilespmem:s5+$0x0];
	v11 =	vadd.f32 v56, v11;
	v4 =	vadd.f32 v31, v4  }
0x490: {  	v62 =	vld [tilespmem:s17+$0x0];
	s5 =	sor.u32 s30, s6;
	v5 =	vadd.f32 v6, v5;
	v6 =	vadd.f32 v57, v9  }
0x491: {  	s17 =	sor.u32 s0, s16;
	s16 =	sadd.s32 $0x10800, s31;
	v9 =	vadd.f32 v58, v11;
	v11 =	vld [tilespmem:s5+$0x0];
	v4 =	vadd.f32 v33, v4  }
0x492: {  	v63 =	vld [tilespmem:s17+$0x0];
	s5 =	sor.u32 s30, s16;
	v5 =	vadd.f32 v7, v5;
	v7 =	vadd.f32 v59, v6  }
0x493: {  	s17 =	sor.u32 s0, s6;
	s6 =	sadd.s32 $0x10880, s31;
	v9 =	vadd.f32 v60, v9;
	v6 =	vld [tilespmem:s5+$0x0];
	v8 =	vadd.f32 v4, v8  }
0x494: {  	s5 =	sor.u32 s30, s6;
	v10 =	vadd.f32 v5, v10;
	v4 =	vld [tilespmem:s17+$0x0];
	v12 =	vadd.f32 v61, v7  }
0x495: {  	s17 =	sor.u32 s0, s16;
	v9 =	vadd.f32 v62, v9;
	s16 =	sadd.s32 $0x10900, s31;
	v5 =	vld [tilespmem:s5+$0x0];
	s31 =	simm.s32 $0x11980  }
0x496: {  	v7 =	vld [tilespmem:s17+$0x0];
	s5 =	sor.u32 s30, s16;
	[tilespmem:s31+$0x0] =	vst v10;
	v10 =	vadd.f32 v11, v12  }
0x497: {  	s17 =	sor.u32 s0, s6;
	s16 =	sor.u32 s0, s16;
	s0 =	sand.u32 $0x380, s26;
	[tilespmem:s2+$0x11980] =	vst v8;
	v9 =	vadd.f32 v63, v9;
	v8 =	vld [tilespmem:s5+$0x0]  }
.LBB2_24:
0x498: {  	s26 =	sadd.s32 $0x20, s26;
	v11 =	vld [tilespmem:s17+$0x0];
	v6 =	vadd.f32 v6, v10;
	s1 =	sor.u32 s0, s30;
	s29 =	sadd.s32 $0x100, s29  }
0x499: {  	s0 =	sand.u32 $0x60, s26;
	s2 =	sand.u32 $0x1C00, s29;
	p1 =	slt.u32 s26, $0x260;
	v4 =	vadd.f32 v4, v9;
	v9 =	vld [tilespmem:s1+$0xED00]  }
0x49a: {  	s28 =	sadd.s32 $0x20, s28;
	s5 =	sadd.s32 $0xF180, s2;
	s30 =	sor.u32 $0x10, s0;
	v10 =	vld [tilespmem:s16+$0x0];
	v5 =	vadd.f32 v5, v6  }
0x49b: {  	s6 =	sor.u32 s0, s5;
	s5 =	sor.u32 s30, s5;
	v4 =	vadd.f32 v7, v4;
	v6 =	vld [tilespmem:s28+$0x0]  }
0x49c: {  	v7 =	vld [tilespmem:s5+$0x0];
	v5 =	vadd.f32 v8, v5  }
0x49d: {  	v8 =	vld [tilespmem:s5+$0x80];
	v4 =	vadd.f32 v11, v4  }
0x49e: {  	v11 =	vld [tilespmem:s6+$0x0];
	v5 =	vadd.f32 v5, v9  }
0x49f: {  	v9 =	vld [tilespmem:s5+$0x100];
	v4 =	vadd.f32 v10, v4  }
0x4a0: {  	v10 =	vld [tilespmem:s6+$0x80];
	[tilespmem:s1+$0x11980] =	vst v5  }
0x4a1: {  	v5 =	vld [tilespmem:s5+$0x180];
	v4 =	vadd.f32 v4, v6  }
0x4a2: {  	s31 =	sadd.s32 $0x20, s31;
	v6 =	vld [tilespmem:s6+$0x100];
	v7 =	vadd.f32 v8, v7  }
0x4a3: {  	v8 =	vld [tilespmem:s5+$0x200];
	[tilespmem:s31+$0x0] =	vst v4  }
0x4a4: {  	v4 =	vld [tilespmem:s6+$0x180];
	v7 =	vadd.f32 v9, v7  }
0x4a5: {  	v9 =	vadd.f32 v10, v11;
	v10 =	vld [tilespmem:s5+$0x280]  }
0x4a6: {  	v11 =	vld [tilespmem:s6+$0x200];
	v5 =	vadd.f32 v5, v7  }
0x4a7: {  	v6 =	vadd.f32 v6, v9;
	v7 =	vld [tilespmem:s5+$0x300]  }
0x4a8: {  	v9 =	vld [tilespmem:s6+$0x280];
	v5 =	vadd.f32 v8, v5  }
0x4a9: {  	s1 =	sadd.s32 $0x10580, s2;
	v4 =	vadd.f32 v4, v6;
	v6 =	vld [tilespmem:s5+$0x380]  }
0x4aa: {  	s5 =	sor.u32 s0, s1;
	s1 =	sor.u32 s30, s1;
	v8 =	vld [tilespmem:s6+$0x300];
	v5 =	vadd.f32 v10, v5  }
0x4ab: {  	s16 =	sadd.s32 $0x10600, s2;
	v4 =	vadd.f32 v11, v4;
	v10 =	vld [tilespmem:s1+$0x0]  }
0x4ac: {  	s1 =	sor.u32 s0, s16;
	v11 =	vld [tilespmem:s6+$0x380];
	v5 =	vadd.f32 v7, v5;
	s6 =	sor.u32 s30, s16  }
0x4ad: {  	s16 =	sadd.s32 $0x10680, s2;
	v4 =	vadd.f32 v9, v4;
	v7 =	vld [tilespmem:s6+$0x0]  }
0x4ae: {  	s6 =	sor.u32 s30, s16;
	v9 =	vld [tilespmem:s5+$0x0];
	s5 =	sor.u32 s0, s16;
	v5 =	vadd.f32 v6, v5  }
0x4af: {  	s16 =	sadd.s32 $0x10700, s2;
	v4 =	vadd.f32 v8, v4;
	v6 =	vld [tilespmem:s6+$0x0]  }
0x4b0: {  	s6 =	sor.u32 s30, s16;
	v8 =	vld [tilespmem:s1+$0x0];
	s1 =	sor.u32 s0, s16;
	v5 =	vadd.f32 v10, v5  }
0x4b1: {  	s16 =	sadd.s32 $0x10780, s2;
	v4 =	vadd.f32 v11, v4;
	v10 =	vld [tilespmem:s6+$0x0]  }
0x4b2: {  	s6 =	sor.u32 s30, s16;
	v11 =	vld [tilespmem:s5+$0x0];
	s5 =	sor.u32 s0, s16;
	v5 =	vadd.f32 v7, v5  }
0x4b3: {  	s16 =	sadd.s32 $0x10800, s2;
	v4 =	vadd.f32 v9, v4;
	v9 =	vld [tilespmem:s6+$0x0]  }
0x4b4: {  	s6 =	sor.u32 s30, s16;
	v12 =	vld [tilespmem:s1+$0x0];
	s1 =	sor.u32 s0, s16;
	v5 =	vadd.f32 v6, v5  }
.Ltmp11:
0x4b5: {  	s16 =	sadd.s32 $0x10880, s2;
	v7 =	vadd.f32 v8, v4;
	v6 =	vld [tilespmem:s6+$0x0];
	(pc) =	sbr.rel @p1 .LBB2_24-.Ltmp11, $4  }
0x4b6: {  	s17 =	sor.u32 s0, s16;
	v4 =	vld [tilespmem:s5+$0x0];
	v8 =	vadd.f32 v10, v5;
	s5 =	sor.u32 s30, s16  }
0x4b7: {  	s2 =	sadd.s32 $0x10900, s2;
	v11 =	vadd.f32 v11, v7;
	v5 =	vld [tilespmem:s5+$0x0]  }
0x4b8: {  	s16 =	sor.u32 s0, s2;
	s0 =	sor.u32 s30, s2;
	v7 =	vld [tilespmem:s1+$0x0];
	v10 =	vadd.f32 v9, v8  }
0x4b9: {  	v9 =	vadd.f32 v12, v11;
	v8 =	vld [tilespmem:s0+$0x0];
	s0 =	sand.u32 $0x380, s26  }
0x4ba: {  	v11 =	vld [tilespmem:s17+$0x0]  }
0x4bb: {  	v4 =	vadd.f32 v4, v9  }
0x4bc: {  	v6 =	vadd.f32 v6, v10;
	s0 =	sor.u32 s0, s30;
	v61 =	vld [tilespmem:s16+$0x0]  }
0x4bd: {  	s1 =	sadd.s32 $0x20, s28;
	v62 =	vld [tilespmem:s0+$0xED00];
	v4 =	vadd.f32 v7, v4  }
0x4be: {  	v63 =	vld [tilespmem:s1+$0x0];
	v5 =	vadd.f32 v5, v6  }
0x4bf: {  	v4 =	vadd.f32 v11, v4  }
0x4c0: {  	v5 =	vadd.f32 v8, v5  }
0x4c1: {  	v4 =	vadd.f32 v61, v4  }
0x4c2: {  	v5 =	vadd.f32 v5, v62  }
0x4c3: {  	v4 =	vadd.f32 v4, v63  }
0x4c4: {  	s31 =	sadd.s32 $0x20, s31;
	[tilespmem:s0+$0x11980] =	vst v5  }
0x4c5: {  	[tilespmem:s31+$0x0] =	vst v4  }
0x4c6: {  	[spmem:s10] =	stream.linear.scatter [tilespmem:s24], [sflag:$0x1], $0x280, $0x38;
	[tilespmem:$0x14B80] =	vst v63  }
0x4c7: {  	_ =	swait.ge [sflag:s14], $0x280  }
0x4c8: {  	[sflag:s14] =	ssyncset.done $0x0  }
0x4c9: {  	[sflag:s14] =	ssyncadd.s32 $0xFFFFFD80  }
0x4ca: {  	[bflag:$0x0] =	sbarrier.arrive $0xFFFF  }
0x4cb: {  	[tilespmem:s15], [sflag:$0x1] =	stream.linear.gather [spmem:s3], $0x2800, $0x38;
	[tilespmem:$0x14B80] =	vst v63  }
0x4cc: {  	_ =	swait.ge [sflag:s14], $0x2800  }
0x4cd: {  	[sflag:s14] =	ssyncset.done $0x0  }
0x4ce: {  	s0 =	simm.s32 $0xC540;
	[sflag:s14] =	ssyncadd.s32 $0xFFFFD800  }
0x4cf: {  	[tilespmem:s0+$0xFFFFFFC0] =	vst v0  }
0x4d0: {  	[tilespmem:s0+$0x30] =	vst v0  }
0x4d1: {  	[tilespmem:s0+$0x20] =	vst v0  }
0x4d2: {  	[tilespmem:s0+$0x10] =	vst v0  }
0x4d3: {  	[tilespmem:s0+$0x0] =	vst v0  }
0x4d4: {  	[tilespmem:s0+$0xFFFFFFF0] =	vst v0  }
0x4d5: {  	s2 =	simm.s32 $0x0;
	[tilespmem:s0+$0xFFFFFFE0] =	vst v0  }
.LBB2_26:
0x4d6: {  	s2 =	sadd.s32 $0x80, s2;
	[tilespmem:s0+$0xFFFFFFD0] =	vst v0;
	s0 =	sadd.s32 $0x80, s0  }
0x4d7: {  	[tilespmem:s0+$0xFFFFFFC0] =	vst v0;
	p1 =	slt.u32 s2, $0x2780  }
0x4d8: {  	[tilespmem:s0+$0x30] =	vst v0  }
.Ltmp12:
0x4d9: {  	[tilespmem:s0+$0x20] =	vst v0;
	(pc) =	sbr.rel @p1 .LBB2_26-.Ltmp12, $4  }
0x4da: {  	[tilespmem:s0+$0x10] =	vst v0  }
0x4db: {  	[tilespmem:s0+$0x0] =	vst v0  }
0x4dc: {  	[tilespmem:s0+$0xFFFFFFF0] =	vst v0  }
0x4dd: {  	s26 =	simm.s32 $0x4EA0;
	s16 =	simm.s32 $0x20;
	[tilespmem:s0+$0xFFFFFFE0] =	vst v0  }
0x4de: {  	[tilespmem:s0+$0xFFFFFFD0] =	vst v0  }
0x4df: {  	v19 =	vld [tilespmem:s16+$0x10];
	_ =	sdelay $0x4  }
0x4e0: {  	v4 =	vshrl.u32 v19, $0xE  }
0x4e1: {  	v12 =	vld [tilespmem:s16+$0xFFFFFFE0]  }
0x4e2: {  	v10 =	vld [tilespmem:s16+$0xFFFFFFF0]  }
0x4e3: {  	v11 =	vld [tilespmem:s16+$0x0]  }
0x4e4: {  	v8 =	vld [tilespmem:s26+$0x10]  }
0x4e5: {  	v4 =	vld.idx.msk [tilespmem:v4+s15+$0x0], $0xffff  }
0x4e6: {  	v7 =	vshrl.u32 v12, $0xE;
	_ =	sdelay $0x1  }
0x4e7: {  	v5 =	vshrl.u32 v10, $0xE  }
0x4e8: {  	v9 =	vld [tilespmem:s26+$0xFFFFFFF0];
	v6 =	vshrl.u32 v11, $0xE  }
0x4e9: {  	v14 =	vld [tilespmem:s26+$0x0];
	v4 =	vsub.f32 v4, v8  }
0x4ea: {  	v7 =	vld.idx.msk [tilespmem:v7+s15+$0x0], $0xffff  }
0x4eb: {  	v8 =	vld [tilespmem:s26+$0xFFFFFFE0];
	v13 =	vadd.f32 v4, v1  }
0x4ec: {  	v5 =	vld.idx.msk [tilespmem:v5+s15+$0x0], $0xffff;
	v4 =	vadd.f32 v4, v2  }
0x4ed: {  	v6 =	vld.idx.msk [tilespmem:v6+s15+$0x0], $0xffff;
	v21 =	vmax.f32 v13, $0.0e+00;
	v13 =	vmin.f32 v13, $0.0e+00  }
0x4ee: {  	v20 =	vmax.f32 v4, $0.0e+00;
	v4 =	vmin.f32 v4, $0.0e+00;
	v13 =	vsub.f32 v13, v21  }
0x4ef: {  	v4 =	vsub.f32 v4, v20  }
0x4f0: {  	v7 =	vsub.f32 v7, v8;
	v8 =	vmul.f32 $1.442695020e+00, v13  }
0x4f1: {  	v9 =	vsub.f32 v5, v9;
	v4 =	vmul.f32 $1.442695020e+00, v4  }
0x4f2: {  	v13 =	vsub.f32 v6, v14;
	v6 =	vadd.f32 v7, v1;
	(erf) = vpow2.f32 v8  }
0x4f3: {  	v7 =	vadd.f32 v7, v2;
	(erf) = vpow2.f32 v4  }
0x4f4: {  	v8 =	vadd.f32 v9, v1;
	v14 =	vadd.f32 v13, v1;
	v5 =	vmax.f32 v6, $0.0e+00  }
0x4f5: {  	v15 =	vmin.f32 v6, $0.0e+00;
	v9 =	vadd.f32 v9, v2;
	v13 =	vadd.f32 v13, v2  }
0x4f6: {  	v17 =	vmin.f32 v7, $0.0e+00;
	v15 =	vsub.f32 v15, v5;
	v6 =	vmax.f32 v8, $0.0e+00  }
0x4f7: {  	v16 =	vmin.f32 v8, $0.0e+00;
	v4 =	vmax.f32 v14, $0.0e+00;
	v14 =	vmin.f32 v14, $0.0e+00  }
0x4f8: {  	v8 =	vmax.f32 v7, $0.0e+00;
	v7 =	vmax.f32 v9, $0.0e+00;
	v16 =	vsub.f32 v16, v6  }
0x4f9: {  	v18 =	vmin.f32 v9, $0.0e+00;
	v14 =	vsub.f32 v14, v4;
	v15 =	vmul.f32 $1.442695020e+00, v15  }
0x4fa: {  	v9 =	vmax.f32 v13, $0.0e+00;
	v13 =	vmin.f32 v13, $0.0e+00;
	v16 =	vmul.f32 $1.442695020e+00, v16  }
0x4fb: {  	v17 =	vsub.f32 v17, v8;
	v14 =	vmul.f32 $1.442695020e+00, v14;
	(erf) = vpow2.f32 v15;
	v22 =	vpop (erf)  }
0x4fc: {  	v15 =	vsub.f32 v18, v7;
	(erf) = vpow2.f32 v16;
	v18 =	vmul.f32 $1.986696620e-03, v22;
	v23 =	vpop (erf)  }
0x4fd: {  	v13 =	vsub.f32 v13, v9;
	v16 =	vmul.f32 $1.442695020e+00, v17;
	v17 =	vmul.f32 $1.986696620e-03, v23  }
0x4fe: {  	(erf) = vpow2.f32 v14;
	v14 =	vmul.f32 $1.442695020e+00, v15;
	v15 =	vadd.f32 $-1.318782660e-02, v18  }
0x4ff: {  	(erf) = vpow2.f32 v16;
	v16 =	vadd.f32 $-1.318782660e-02, v17  }
0x500: {  	v13 =	vmul.f32 $1.442695020e+00, v13;
	v15 =	vmul.f32 v15, v22  }
0x501: {  	(erf) = vpow2.f32 v14;
	v14 =	vmul.f32 v16, v23  }
0x502: {  	(erf) = vpow2.f32 v13;
	v13 =	vadd.f32 $4.100657250e-02, v15;
	_ =	sdelay $0x1  }
0x503: {  	v16 =	vadd.f32 $4.100657250e-02, v14;
	v15 =	vmul.f32 v13, v22  }
0x504: {  	v14 =	vpop (erf)  }
0x505: {  	v16 =	vmul.f32 v16, v23;
	v17 =	vmul.f32 $1.986696620e-03, v14;
	v13 =	vpop (erf)  }
0x506: {  	v24 =	vadd.f32 $-8.188040550e-02, v15;
	v18 =	vmul.f32 $1.986696620e-03, v13  }
0x507: {  	v16 =	vadd.f32 $-8.188040550e-02, v16;
	v15 =	vpop (erf);
	v17 =	vadd.f32 $-1.318782660e-02, v17  }
0x508: {  	v10 =	vand.u32 $0x3FFF, v10;
	v24 =	vmul.f32 v24, v22;
	v25 =	vmul.f32 $1.986696620e-03, v15  }
0x509: {  	v12 =	vand.u32 $0x3FFF, v12;
	v26 =	vadd.f32 $-1.318782660e-02, v18;
	v30 =	vmul.f32 v16, v23  }
0x50a: {  	v27 =	vmul.f32 v17, v14;
	v24 =	vadd.f32 $1.237799600e-01, v24;
	v18 =	vpop (erf);
	v25 =	vadd.f32 $-1.318782660e-02, v25  }
0x50b: {  	v26 =	vmul.f32 v26, v13;
	v30 =	vadd.f32 $1.237799600e-01, v30;
	v28 =	vmul.f32 $1.986696620e-03, v18;
	v17 =	vpop (erf)  }
0x50c: {  	v11 =	vand.u32 $0x3FFF, v11;
	v24 =	vmul.f32 v24, v22;
	v29 =	vmul.f32 $1.986696620e-03, v17  }
0x50d: {  	v27 =	vadd.f32 $4.100657250e-02, v27;
	v16 =	vpop (erf);
	v25 =	vmul.f32 v25, v15;
	v30 =	vmul.f32 v30, v23  }
0x50e: {  	v26 =	vadd.f32 $4.100657250e-02, v26;
	v28 =	vadd.f32 $-1.318782660e-02, v28;
	v31 =	vmul.f32 $1.986696620e-03, v16  }
0x50f: {  	v24 =	vadd.f32 $-1.608762290e-01, v24;
	v27 =	vmul.f32 v27, v14;
	v29 =	vadd.f32 $-1.318782660e-02, v29  }
0x510: {  	v25 =	vadd.f32 $4.100657250e-02, v25;
	v30 =	vadd.f32 $-1.608762290e-01, v30;
	v26 =	vmul.f32 v26, v13  }
0x511: {  	v28 =	vmul.f32 v28, v18;
	v31 =	vadd.f32 $-1.318782660e-02, v31;
	v24 =	vmul.f32 v24, v22  }
0x512: {  	v27 =	vadd.f32 $-8.188040550e-02, v27;
	v29 =	vmul.f32 v29, v17;
	v25 =	vmul.f32 v25, v15  }
0x513: {  	v30 =	vmul.f32 v30, v23;
	v26 =	vadd.f32 $-8.188040550e-02, v26;
	v24 =	vadd.f32 $1.988582020e-01, v24  }
0x514: {  	v31 =	vmul.f32 v31, v16;
	v28 =	vadd.f32 $4.100657250e-02, v28;
	v27 =	vmul.f32 v27, v14  }
0x515: {  	v29 =	vadd.f32 $4.100657250e-02, v29;
	v30 =	vadd.f32 $1.988582020e-01, v30;
	v24 =	vmul.f32 v24, v22  }
0x516: {  	v25 =	vadd.f32 $-8.188040550e-02, v25;
	v26 =	vmul.f32 v26, v13;
	v28 =	vmul.f32 v28, v18  }
0x517: {  	v31 =	vadd.f32 $4.100657250e-02, v31;
	v30 =	vmul.f32 v30, v23;
	v24 =	vadd.f32 $-2.498649660e-01, v24  }
0x518: {  	v27 =	vadd.f32 $1.237799600e-01, v27;
	v29 =	vmul.f32 v29, v17;
	v25 =	vmul.f32 v25, v15  }
0x519: {  	v26 =	vadd.f32 $1.237799600e-01, v26;
	v30 =	vadd.f32 $-2.498649660e-01, v30;
	v24 =	vmul.f32 v24, v22  }
0x51a: {  	v31 =	vmul.f32 v31, v16;
	v28 =	vadd.f32 $-8.188040550e-02, v28;
	v27 =	vmul.f32 v27, v14  }
0x51b: {  	v29 =	vadd.f32 $-8.188040550e-02, v29;
	v30 =	vmul.f32 v30, v23;
	v24 =	vadd.f32 $3.333249690e-01, v24  }
0x51c: {  	v25 =	vadd.f32 $1.237799600e-01, v25;
	v26 =	vmul.f32 v26, v13;
	v28 =	vmul.f32 v28, v18  }
0x51d: {  	v31 =	vadd.f32 $-8.188040550e-02, v31;
	v30 =	vadd.f32 $3.333249690e-01, v30;
	v24 =	vmul.f32 v24, v22  }
0x51e: {  	v27 =	vadd.f32 $-1.608762290e-01, v27;
	v29 =	vmul.f32 v29, v17;
	v25 =	vmul.f32 v25, v15  }
0x51f: {  	v26 =	vadd.f32 $-1.608762290e-01, v26;
	v30 =	vmul.f32 v30, v23;
	v24 =	vadd.f32 $-4.999997910e-01, v24  }
0x520: {  	v31 =	vmul.f32 v31, v16;
	v28 =	vadd.f32 $1.237799600e-01, v28;
	v27 =	vmul.f32 v27, v14  }
0x521: {  	v29 =	vadd.f32 $1.237799600e-01, v29;
	v30 =	vadd.f32 $-4.999997910e-01, v30;
	v24 =	vmul.f32 v24, v22  }
0x522: {  	v25 =	vadd.f32 $-1.608762290e-01, v25;
	v26 =	vmul.f32 v26, v13;
	v28 =	vmul.f32 v28, v18  }
0x523: {  	v31 =	vadd.f32 $1.237799600e-01, v31;
	v30 =	vmul.f32 v30, v23;
	v24 =	vadd.f32 $1.000000000e+00, v24  }
0x524: {  	v27 =	vadd.f32 $1.988582020e-01, v27;
	v29 =	vmul.f32 v29, v17;
	v25 =	vmul.f32 v25, v15  }
0x525: {  	v28 =	vadd.f32 $-1.608762290e-01, v28;
	v22 =	vmul.f32 v24, v22;
	v24 =	vadd.f32 $1.000000000e+00, v30  }
0x526: {  	v63 =	vadd.f32 $1.988582020e-01, v26;
	v31 =	vmul.f32 v31, v16;
	v29 =	vadd.f32 $-1.608762290e-01, v29  }
0x527: {  	v28 =	vmul.f32 v28, v18;
	v21 =	vadd.f32 v22, v21;
	v23 =	vmul.f32 v24, v23  }
0x528: {  	v62 =	vadd.f32 $-1.608762290e-01, v31;
	v22 =	vmul.f32 v29, v17;
	v29 =	vadd.f32 $1.988582020e-01, v25  }
0x529: {  	v21 =	vadd.f32 v21, v3;
	v32 =	vadd.f32 v23, v20;
	v20 =	vand.u32 $0x3FFF, v19  }
0x52a: {  	v26 =	vmul.f32 v62, v16;
	v24 =	vmul.f32 v27, v14;
	v27 =	vadd.f32 $1.988582020e-01, v28  }
0x52b: {  	s29 =	simm.s32 $0x0;
	s30 =	simm.s32 $0x60;
	s28 =	simm.s32 $0x4EA0;
	v25 =	vmul.f32 v63, v13;
	v23 =	vmul.f32 v29, v15;
	v21 =	vsub.f32 v21, v32  }
.LBB2_28:
0x52c: {  	v19 =	vld [tilespmem:s30+$0x10];
	v27 =	vmul.f32 v27, v18;
	v22 =	vadd.f32 $1.988582020e-01, v22;
	v26 =	vadd.f32 $1.988582020e-01, v26  }
0x52d: {  	s29 =	sadd.s32 $0x40, s29;
	v24 =	vadd.f32 $-2.498649660e-01, v24;
	v28 =	vld [tilespmem:s30+$0xFFFFFFF0];
	v25 =	vadd.f32 $-2.498649660e-01, v25;
	[tilespmem:s26+$0x10] =	vst v21  }
0x52e: {  	p1 =	slt.u32 s29, $0x4DC0;
	v23 =	vadd.f32 $-2.498649660e-01, v23;
	v22 =	vmul.f32 v22, v17;
	v26 =	vmul.f32 v26, v16;
	[tilespmem:v20+s18+$0x0] =	vst.idx.add.f32.msk $0xffff, v21  }
0x52f: {  	v20 =	vmul.f32 v24, v14;
	v21 =	vadd.f32 $-2.498649660e-01, v27;
	v29 =	vld [tilespmem:s30+$0x0];
	v24 =	vmul.f32 v25, v13  }
0x530: {  	v25 =	vld [tilespmem:s30+$0xFFFFFFE0];
	v27 =	vadd.f32 $-2.498649660e-01, v22;
	v22 =	vmul.f32 v23, v15;
	v23 =	vadd.f32 $-2.498649660e-01, v26  }
0x531: {  	v20 =	vadd.f32 $3.333249690e-01, v20;
	v26 =	vshrl.u32 v19, $0xE;
	v24 =	vadd.f32 $3.333249690e-01, v24  }
0x532: {  	v21 =	vmul.f32 v21, v18;
	v30 =	vshrl.u32 v28, $0xE;
	v31 =	vadd.f32 $3.333249690e-01, v22  }
0x533: {  	v22 =	vand.u32 $0x3FFF, v28;
	v27 =	vmul.f32 v27, v17;
	v28 =	vmul.f32 v23, v16  }
0x534: {  	v20 =	vmul.f32 v20, v14;
	v24 =	vmul.f32 v24, v13;
	v32 =	vshrl.u32 v29, $0xE  }
0x535: {  	v21 =	vadd.f32 $3.333249690e-01, v21;
	v31 =	vmul.f32 v31, v15;
	v33 =	vshrl.u32 v25, $0xE  }
0x536: {  	s26 =	sadd.s32 $0x40, s26;
	v23 =	vand.u32 $0x3FFF, v25;
	v25 =	vld.idx.msk [tilespmem:v26+s15+$0x0], $0xffff;
	v26 =	vadd.f32 $3.333249690e-01, v27;
	v27 =	vadd.f32 $3.333249690e-01, v28  }
0x537: {  	v20 =	vadd.f32 $-4.999997910e-01, v20;
	v21 =	vmul.f32 v21, v18;
	v24 =	vadd.f32 $-4.999997910e-01, v24;
	v28 =	vld [tilespmem:s26+$0x10]  }
0x538: {  	v31 =	vadd.f32 $-4.999997910e-01, v31;
	v30 =	vld.idx.msk [tilespmem:v30+s15+$0x0], $0xffff;
	v26 =	vmul.f32 v26, v17;
	v27 =	vmul.f32 v27, v16  }
0x539: {  	v20 =	vmul.f32 v20, v14;
	v21 =	vadd.f32 $-4.999997910e-01, v21;
	v24 =	vmul.f32 v24, v13;
	v32 =	vld.idx.msk [tilespmem:v32+s15+$0x0], $0xffff  }
0x53a: {  	v31 =	vmul.f32 v31, v15;
	v33 =	vld.idx.msk [tilespmem:v33+s15+$0x0], $0xffff;
	v26 =	vadd.f32 $-4.999997910e-01, v26;
	v27 =	vadd.f32 $-4.999997910e-01, v27  }
0x53b: {  	v20 =	vadd.f32 $1.000000000e+00, v20;
	v21 =	vmul.f32 v21, v18;
	v24 =	vadd.f32 $1.000000000e+00, v24;
	v34 =	vld [tilespmem:s26+$0xFFFFFFE0]  }
0x53c: {  	v35 =	vld [tilespmem:s26+$0xFFFFFFF0];
	v25 =	vsub.f32 v25, v28;
	v26 =	vmul.f32 v26, v17;
	v28 =	vadd.f32 $1.000000000e+00, v31  }
0x53d: {  	v14 =	vmul.f32 v20, v14;
	v20 =	vadd.f32 $1.000000000e+00, v21;
	v21 =	vmul.f32 v27, v16;
	v31 =	vld [tilespmem:s26+$0x0]  }
0x53e: {  	v13 =	vmul.f32 v24, v13;
	v27 =	vadd.f32 v25, v1;
	v15 =	vmul.f32 v28, v15  }
0x53f: {  	v18 =	vmul.f32 v20, v18;
	v24 =	vadd.f32 $1.000000000e+00, v26;
	v26 =	vadd.f32 $1.000000000e+00, v21  }
0x540: {  	v25 =	vadd.f32 v25, v2;
	v20 =	vmax.f32 v27, $0.0e+00;
	v21 =	vmin.f32 v27, $0.0e+00  }
0x541: {  	v27 =	vsub.f32 v33, v34;
	v17 =	vmul.f32 v24, v17;
	v28 =	vsub.f32 v21, v20  }
0x542: {  	v24 =	vsub.f32 v30, v35;
	v21 =	vmax.f32 v25, $0.0e+00;
	v25 =	vmin.f32 v25, $0.0e+00  }
0x543: {  	v30 =	vsub.f32 v32, v31;
	v25 =	vsub.f32 v25, v21;
	v28 =	vmul.f32 $1.442695020e+00, v28  }
0x544: {  	v16 =	vmul.f32 v26, v16;
	v31 =	vadd.f32 v27, v1;
	v32 =	vadd.f32 v24, v1  }
0x545: {  	v26 =	vadd.f32 v30, v1;
	v25 =	vmul.f32 $1.442695020e+00, v25;
	(erf) = vpow2.f32 v28  }
0x546: {  	v28 =	vmax.f32 v31, $0.0e+00;
	v31 =	vmin.f32 v31, $0.0e+00;
	v33 =	vmax.f32 v32, $0.0e+00  }
0x547: {  	v32 =	vmin.f32 v32, $0.0e+00;
	v34 =	vmax.f32 v26, $0.0e+00;
	(erf) = vpow2.f32 v25  }
0x548: {  	v24 =	vadd.f32 v24, v2;
	v26 =	vmin.f32 v26, $0.0e+00;
	v25 =	vadd.f32 v27, v2  }
0x549: {  	v29 =	vand.u32 $0x3FFF, v29;
	v30 =	vadd.f32 v30, v2;
	v27 =	vsub.f32 v31, v28  }
0x54a: {  	v32 =	vsub.f32 v32, v33;
	v26 =	vsub.f32 v26, v34;
	v31 =	vmax.f32 v25, $0.0e+00  }
0x54b: {  	v35 =	vmax.f32 v24, $0.0e+00;
	v24 =	vmin.f32 v24, $0.0e+00;
	v25 =	vmin.f32 v25, $0.0e+00  }
0x54c: {  	v36 =	vmax.f32 v30, $0.0e+00;
	v30 =	vmin.f32 v30, $0.0e+00;
	v27 =	vmul.f32 $1.442695020e+00, v27  }
0x54d: {  	v32 =	vmul.f32 $1.442695020e+00, v32;
	v26 =	vmul.f32 $1.442695020e+00, v26;
	v38 =	vsub.f32 v25, v31  }
0x54e: {  	v37 =	vsub.f32 v24, v35;
	v30 =	vsub.f32 v30, v36;
	(erf) = vpow2.f32 v27;
	v24 =	vpop (erf)  }
0x54f: {  	v14 =	vadd.f32 v14, v5;
	v5 =	vmovc v28;
	v27 =	vmul.f32 $1.986696620e-03, v24;
	(erf) = vpow2.f32 v32  }
0x550: {  	v13 =	vadd.f32 v13, v6;
	v28 =	vmul.f32 $1.442695020e+00, v38;
	(erf) = vpow2.f32 v26;
	v25 =	vpop (erf)  }
0x551: {  	v6 =	vmovc v33;
	v26 =	vmul.f32 $1.442695020e+00, v37;
	v27 =	vadd.f32 $-1.318782660e-02, v27;
	v32 =	vmul.f32 $1.986696620e-03, v25  }
0x552: {  	v15 =	vadd.f32 v15, v4;
	v4 =	vmovc v34;
	v30 =	vmul.f32 $1.442695020e+00, v30;
	(erf) = vpow2.f32 v28  }
0x553: {  	v27 =	vmul.f32 v27, v24;
	v28 =	vadd.f32 $-1.318782660e-02, v32;
	(erf) = vpow2.f32 v26  }
0x554: {  	v26 =	vadd.f32 v14, v3;
	(erf) = vpow2.f32 v30;
	v30 =	vadd.f32 v13, v3  }
0x555: {  	v33 =	vadd.f32 $4.100657250e-02, v27;
	v32 =	vmul.f32 v28, v25;
	v27 =	vadd.f32 v15, v3  }
0x556: {  	v17 =	vadd.f32 v17, v7;
	v7 =	vmovc v35;
	v34 =	vadd.f32 v18, v8;
	v8 =	vmov v31  }
0x557: {  	v18 =	vmul.f32 v33, v24;
	v28 =	vadd.f32 $4.100657250e-02, v32;
	v14 =	vpop (erf);
	v32 =	vadd.f32 v16, v9  }
0x558: {  	v26 =	vsub.f32 v26, v34;
	v30 =	vsub.f32 v30, v17;
	v16 =	vmul.f32 $1.986696620e-03, v14;
	v13 =	vpop (erf)  }
0x559: {  	v35 =	vmul.f32 $1.986696620e-03, v13;
	v34 =	vadd.f32 $-8.188040550e-02, v18;
	v28 =	vmul.f32 v28, v25;
	v15 =	vpop (erf)  }
0x55a: {  	v9 =	vmovc v36;
	v27 =	vsub.f32 v27, v32;
	v37 =	vadd.f32 $-1.318782660e-02, v16;
	v31 =	vmul.f32 $1.986696620e-03, v15;
	[tilespmem:s28+$0xFFFFFFE0] =	vst v26  }
0x55b: {  	v32 =	vadd.f32 $-1.318782660e-02, v35;
	v33 =	vmul.f32 v34, v24;
	v28 =	vadd.f32 $-8.188040550e-02, v28;
	v18 =	vpop (erf);
	[tilespmem:v12+s18+$0x0] =	vst.idx.add.f32.msk $0xffff, v26  }
0x55c: {  	v26 =	vmul.f32 v37, v14;
	v36 =	vmul.f32 $1.986696620e-03, v18;
	v31 =	vadd.f32 $-1.318782660e-02, v31;
	v17 =	vpop (erf);
	[tilespmem:s28+$0xFFFFFFF0] =	vst v30  }
0x55d: {  	v34 =	vmul.f32 $1.986696620e-03, v17;
	v33 =	vadd.f32 $1.237799600e-01, v33;
	v28 =	vmul.f32 v28, v25;
	v16 =	vpop (erf);
	[tilespmem:v10+s18+$0x0] =	vst.idx.add.f32.msk $0xffff, v30  }
0x55e: {  	v12 =	vmovc v23;
	v32 =	vmul.f32 v32, v13;
	v10 =	vmovc v22;
	v30 =	vadd.f32 $-1.318782660e-02, v36;
	v35 =	vmul.f32 $1.986696620e-03, v16;
	[tilespmem:s28+$0x0] =	vst v27;
	s28 =	smov.u32 s26  }
0x55f: {  	v22 =	vmul.f32 v31, v15;
	v23 =	vmul.f32 v33, v24;
	v28 =	vadd.f32 $1.237799600e-01, v28;
	[tilespmem:v11+s18+$0x0] =	vst.idx.add.f32.msk $0xffff, v27  }
0x560: {  	v11 =	vmovc v29;
	v27 =	vmul.f32 v30, v18;
	v30 =	vadd.f32 $-1.318782660e-02, v34;
	v31 =	vadd.f32 $-1.318782660e-02, v35  }
0x561: {  	v26 =	vadd.f32 $4.100657250e-02, v26;
	v23 =	vadd.f32 $-1.608762290e-01, v23;
	v28 =	vmul.f32 v28, v25  }
0x562: {  	v29 =	vadd.f32 $4.100657250e-02, v32;
	v22 =	vadd.f32 $4.100657250e-02, v22;
	v30 =	vmul.f32 v30, v17  }
0x563: {  	v31 =	vmul.f32 v31, v16;
	v23 =	vmul.f32 v23, v24;
	v28 =	vadd.f32 $-1.608762290e-01, v28  }
0x564: {  	v26 =	vmul.f32 v26, v14;
	v29 =	vmul.f32 v29, v13;
	v27 =	vadd.f32 $4.100657250e-02, v27  }
0x565: {  	v22 =	vmul.f32 v22, v15;
	v23 =	vadd.f32 $1.988582020e-01, v23;
	v28 =	vmul.f32 v28, v25  }
0x566: {  	v27 =	vmul.f32 v27, v18;
	v30 =	vadd.f32 $4.100657250e-02, v30;
	v31 =	vadd.f32 $4.100657250e-02, v31  }
0x567: {  	v26 =	vadd.f32 $-8.188040550e-02, v26;
	v23 =	vmul.f32 v23, v24;
	v28 =	vadd.f32 $1.988582020e-01, v28  }
0x568: {  	v29 =	vadd.f32 $-8.188040550e-02, v29;
	v22 =	vadd.f32 $-8.188040550e-02, v22;
	v30 =	vmul.f32 v30, v17  }
0x569: {  	v31 =	vmul.f32 v31, v16;
	v23 =	vadd.f32 $-2.498649660e-01, v23;
	v28 =	vmul.f32 v28, v25  }
0x56a: {  	v26 =	vmul.f32 v26, v14;
	v29 =	vmul.f32 v29, v13;
	v27 =	vadd.f32 $-8.188040550e-02, v27  }
0x56b: {  	v22 =	vmul.f32 v22, v15;
	v23 =	vmul.f32 v23, v24;
	v28 =	vadd.f32 $-2.498649660e-01, v28  }
0x56c: {  	v27 =	vmul.f32 v27, v18;
	v30 =	vadd.f32 $-8.188040550e-02, v30;
	v31 =	vadd.f32 $-8.188040550e-02, v31  }
0x56d: {  	v26 =	vadd.f32 $1.237799600e-01, v26;
	v23 =	vadd.f32 $3.333249690e-01, v23;
	v28 =	vmul.f32 v28, v25  }
0x56e: {  	v29 =	vadd.f32 $1.237799600e-01, v29;
	v22 =	vadd.f32 $1.237799600e-01, v22;
	v30 =	vmul.f32 v30, v17  }
0x56f: {  	v31 =	vmul.f32 v31, v16;
	v23 =	vmul.f32 v23, v24;
	v28 =	vadd.f32 $3.333249690e-01, v28  }
0x570: {  	v26 =	vmul.f32 v26, v14;
	v29 =	vmul.f32 v29, v13;
	v27 =	vadd.f32 $1.237799600e-01, v27  }
0x571: {  	v22 =	vmul.f32 v22, v15;
	v23 =	vadd.f32 $-4.999997910e-01, v23;
	v28 =	vmul.f32 v28, v25  }
0x572: {  	v27 =	vmul.f32 v27, v18;
	v30 =	vadd.f32 $1.237799600e-01, v30;
	v31 =	vadd.f32 $1.237799600e-01, v31  }
0x573: {  	v26 =	vadd.f32 $-1.608762290e-01, v26;
	v23 =	vmul.f32 v23, v24;
	v28 =	vadd.f32 $-4.999997910e-01, v28  }
0x574: {  	v29 =	vadd.f32 $-1.608762290e-01, v29;
	v22 =	vadd.f32 $-1.608762290e-01, v22;
	v30 =	vmul.f32 v30, v17  }
0x575: {  	v31 =	vmul.f32 v31, v16;
	v23 =	vadd.f32 $1.000000000e+00, v23;
	v28 =	vmul.f32 v28, v25  }
0x576: {  	v26 =	vmul.f32 v26, v14;
	v29 =	vmul.f32 v29, v13;
	v27 =	vadd.f32 $-1.608762290e-01, v27  }
0x577: {  	v32 =	vmul.f32 v22, v15;
	v22 =	vmul.f32 v23, v24;
	v23 =	vadd.f32 $1.000000000e+00, v28  }
0x578: {  	v27 =	vmul.f32 v27, v18;
	v24 =	vadd.f32 $-1.608762290e-01, v30;
	v28 =	vadd.f32 $-1.608762290e-01, v31  }
.Ltmp13:
0x579: {  	v26 =	vadd.f32 $1.988582020e-01, v26;
	v20 =	vadd.f32 v22, v20;
	v23 =	vmul.f32 v23, v25;
	(pc) =	sbr.rel @p1 .LBB2_28-.Ltmp13, $4  }
0x57a: {  	v25 =	vadd.f32 $1.988582020e-01, v29;
	v22 =	vmul.f32 v24, v17;
	v29 =	vadd.f32 $1.988582020e-01, v32  }
0x57b: {  	v30 =	vadd.f32 v20, v3;
	v21 =	vadd.f32 v23, v21;
	v20 =	vand.u32 $0x3FFF, v19  }
0x57c: {  	v27 =	vadd.f32 $1.988582020e-01, v27;
	v24 =	vmul.f32 v26, v14;
	v26 =	vmul.f32 v28, v16  }
0x57d: {  	s30 =	sadd.s32 $0x40, s30;
	v25 =	vmul.f32 v25, v13;
	v23 =	vmul.f32 v29, v15;
	v21 =	vsub.f32 v30, v21  }
0x57e: {  	v19 =	vmul.f32 v27, v18;
	v22 =	vadd.f32 $1.988582020e-01, v22;
	v24 =	vadd.f32 $-2.498649660e-01, v24  }
0x57f: {  	v26 =	vadd.f32 $1.988582020e-01, v26;
	v25 =	vadd.f32 $-2.498649660e-01, v25  }
0x580: {  	v22 =	vmul.f32 v22, v17;
	v24 =	vmul.f32 v24, v14;
	v19 =	vadd.f32 $-2.498649660e-01, v19  }
0x581: {  	v23 =	vadd.f32 $-2.498649660e-01, v23;
	v26 =	vmul.f32 v26, v16;
	v25 =	vmul.f32 v25, v13  }
0x582: {  	v22 =	vadd.f32 $-2.498649660e-01, v22;
	v24 =	vadd.f32 $3.333249690e-01, v24;
	v19 =	vmul.f32 v19, v18  }
0x583: {  	v23 =	vmul.f32 v23, v15;
	v26 =	vadd.f32 $-2.498649660e-01, v26;
	v25 =	vadd.f32 $3.333249690e-01, v25  }
0x584: {  	v22 =	vmul.f32 v22, v17;
	v24 =	vmul.f32 v24, v14;
	v19 =	vadd.f32 $3.333249690e-01, v19  }
0x585: {  	v23 =	vadd.f32 $3.333249690e-01, v23;
	v26 =	vmul.f32 v26, v16;
	v25 =	vmul.f32 v25, v13  }
0x586: {  	v22 =	vadd.f32 $3.333249690e-01, v22;
	v24 =	vadd.f32 $-4.999997910e-01, v24;
	v19 =	vmul.f32 v19, v18  }
0x587: {  	v23 =	vmul.f32 v23, v15;
	v26 =	vadd.f32 $3.333249690e-01, v26;
	v25 =	vadd.f32 $-4.999997910e-01, v25  }
0x588: {  	v22 =	vmul.f32 v22, v17;
	v24 =	vmul.f32 v24, v14;
	v19 =	vadd.f32 $-4.999997910e-01, v19  }
0x589: {  	v23 =	vadd.f32 $-4.999997910e-01, v23;
	v26 =	vmul.f32 v26, v16;
	v25 =	vmul.f32 v25, v13  }
0x58a: {  	v22 =	vadd.f32 $-4.999997910e-01, v22;
	v24 =	vadd.f32 $1.000000000e+00, v24;
	v19 =	vmul.f32 v19, v18  }
0x58b: {  	v23 =	vmul.f32 v23, v15;
	v26 =	vadd.f32 $-4.999997910e-01, v26;
	v25 =	vadd.f32 $1.000000000e+00, v25  }
0x58c: {  	v22 =	vmul.f32 v22, v17;
	v54 =	vmul.f32 v24, v14;
	v19 =	vadd.f32 $1.000000000e+00, v19  }
0x58d: {  	v23 =	vadd.f32 $1.000000000e+00, v23;
	v55 =	vmul.f32 v26, v16;
	v56 =	vmul.f32 v25, v13  }
0x58e: {  	v57 =	vmul.f32 v19, v18;
	v58 =	vadd.f32 $1.000000000e+00, v22;
	v5 =	vadd.f32 v54, v5  }
0x58f: {  	v59 =	vmul.f32 v23, v15;
	v60 =	vadd.f32 $1.000000000e+00, v55;
	v6 =	vadd.f32 v56, v6  }
0x590: {  	v61 =	vmul.f32 v58, v17;
	v5 =	vadd.f32 v5, v3;
	v8 =	vadd.f32 v57, v8  }
0x591: {  	v4 =	vadd.f32 v59, v4;
	v62 =	vmul.f32 v60, v16;
	v6 =	vadd.f32 v6, v3  }
0x592: {  	[tilespmem:s26+$0x10] =	vst v21;
	v7 =	vadd.f32 v61, v7;
	v5 =	vsub.f32 v5, v8  }
0x593: {  	[tilespmem:v20+s18+$0x0] =	vst.idx.add.f32.msk $0xffff, v21;
	v4 =	vadd.f32 v4, v3;
	v63 =	vadd.f32 v62, v9  }
0x594: {  	v6 =	vsub.f32 v6, v7;
	[tilespmem:s28+$0xFFFFFFE0] =	vst v5  }
0x595: {  	v4 =	vsub.f32 v4, v63;
	[tilespmem:v12+s18+$0x0] =	vst.idx.add.f32.msk $0xffff, v5  }
0x596: {  	[tilespmem:s28+$0xFFFFFFF0] =	vst v6  }
0x597: {  	[tilespmem:s28+$0x0] =	vst v4  }
0x598: {  	[tilespmem:v10+s18+$0x0] =	vst.idx.add.f32.msk $0xffff, v6  }
0x599: {  	s0 =	simm.s32 $0x4E00;
	s2 =	simm.s32 $0x4DF0;
	s26 =	simm.s32 $0x9C80;
	[tilespmem:v11+s18+$0x0] =	vst.idx.add.f32.msk $0xffff, v4  }
.LBB2_30:
0x59a: {  	v4 =	vld [tilespmem:s0+$0x0];
	_ =	sdelay $0x4  }
0x59b: {  	v5 =	vshrl.u32 v4, $0xE;
	_ =	sdelay $0x3  }
0x59c: {  	v6 =	vld [tilespmem:s26+$0x0]  }
0x59d: {  	v5 =	vld.idx.msk [tilespmem:v5+s15+$0x0], $0xffff;
	_ =	sdelay $0x4  }
0x59e: {  	v5 =	vsub.f32 v5, v6;
	_ =	sdelay $0x1  }
0x59f: {  	v6 =	vadd.f32 v5, v1;
	_ =	sdelay $0x1  }
0x5a0: {  	v5 =	vadd.f32 v5, v2;
	v7 =	vmax.f32 v6, $0.0e+00;
	v6 =	vmin.f32 v6, $0.0e+00  }
0x5a1: {  	v6 =	vsub.f32 v6, v7  }
0x5a2: {  	v8 =	vmax.f32 v5, $0.0e+00;
	v5 =	vmin.f32 v5, $0.0e+00  }
0x5a3: {  	v5 =	vsub.f32 v5, v8;
	v6 =	vmul.f32 $1.442695020e+00, v6;
	_ =	sdelay $0x1  }
0x5a4: {  	v5 =	vmul.f32 $1.442695020e+00, v5;
	(erf) = vpow2.f32 v6;
	_ =	sdelay $0x1  }
0x5a5: {  	(erf) = vpow2.f32 v5;
	_ =	sdelay $0x6  }
0x5a6: {  	v5 =	vpop (erf)  }
0x5a7: {  	v62 =	vmul.f32 $1.986696620e-03, v5  }
0x5a8: {  	v9 =	vpop (erf)  }
0x5a9: {  	v10 =	vmul.f32 $1.986696620e-03, v9;
	v6 =	vadd.f32 $-1.318782660e-02, v62;
	_ =	sdelay $0x1  }
0x5aa: {  	v10 =	vadd.f32 $-1.318782660e-02, v10;
	v6 =	vmul.f32 v6, v5;
	_ =	sdelay $0x1  }
0x5ab: {  	v10 =	vmul.f32 v10, v9;
	v6 =	vadd.f32 $4.100657250e-02, v6;
	_ =	sdelay $0x1  }
0x5ac: {  	v10 =	vadd.f32 $4.100657250e-02, v10;
	v6 =	vmul.f32 v6, v5;
	_ =	sdelay $0x1  }
0x5ad: {  	v10 =	vmul.f32 v10, v9;
	v6 =	vadd.f32 $-8.188040550e-02, v6;
	_ =	sdelay $0x1  }
0x5ae: {  	v10 =	vadd.f32 $-8.188040550e-02, v10;
	v6 =	vmul.f32 v6, v5;
	_ =	sdelay $0x1  }
0x5af: {  	v10 =	vmul.f32 v10, v9;
	v6 =	vadd.f32 $1.237799600e-01, v6;
	_ =	sdelay $0x1  }
0x5b0: {  	v10 =	vadd.f32 $1.237799600e-01, v10;
	v6 =	vmul.f32 v6, v5;
	_ =	sdelay $0x1  }
0x5b1: {  	v10 =	vmul.f32 v10, v9;
	v6 =	vadd.f32 $-1.608762290e-01, v6;
	_ =	sdelay $0x1  }
0x5b2: {  	v10 =	vadd.f32 $-1.608762290e-01, v10;
	v6 =	vmul.f32 v6, v5;
	_ =	sdelay $0x1  }
0x5b3: {  	v10 =	vmul.f32 v10, v9;
	v6 =	vadd.f32 $1.988582020e-01, v6;
	_ =	sdelay $0x1  }
0x5b4: {  	v10 =	vadd.f32 $1.988582020e-01, v10;
	v6 =	vmul.f32 v6, v5;
	_ =	sdelay $0x1  }
0x5b5: {  	v10 =	vmul.f32 v10, v9;
	v6 =	vadd.f32 $-2.498649660e-01, v6;
	_ =	sdelay $0x1  }
0x5b6: {  	v10 =	vadd.f32 $-2.498649660e-01, v10;
	v6 =	vmul.f32 v6, v5;
	_ =	sdelay $0x1  }
0x5b7: {  	v10 =	vmul.f32 v10, v9;
	v6 =	vadd.f32 $3.333249690e-01, v6;
	_ =	sdelay $0x1  }
0x5b8: {  	v10 =	vadd.f32 $3.333249690e-01, v10;
	v6 =	vmul.f32 v6, v5;
	_ =	sdelay $0x1  }
0x5b9: {  	v10 =	vmul.f32 v10, v9;
	v6 =	vadd.f32 $-4.999997910e-01, v6;
	_ =	sdelay $0x1  }
0x5ba: {  	v10 =	vadd.f32 $-4.999997910e-01, v10;
	v6 =	vmul.f32 v6, v5;
	_ =	sdelay $0x1  }
0x5bb: {  	v10 =	vmul.f32 v10, v9;
	v6 =	vadd.f32 $1.000000000e+00, v6;
	_ =	sdelay $0x1  }
0x5bc: {  	v63 =	vadd.f32 $1.000000000e+00, v10;
	v5 =	vmul.f32 v6, v5;
	_ =	sdelay $0x1  }
0x5bd: {  	v6 =	vmul.f32 v63, v9;
	v5 =	vadd.f32 v5, v7  }
0x5be: {  	s2 =	sadd.s32 $0x10, s2  }
0x5bf: {  	p1 =	slt.u32 s2, $0x4E10;
	v4 =	vand.u32 $0x3FFF, v4;
	v6 =	vadd.f32 v6, v8;
	v5 =	vadd.f32 v5, v3  }
.Ltmp14:
0x5c0: {  	_ = 	snop;
	(pc) =	sbr.rel @p1 .LBB2_30-.Ltmp14, $3  }
0x5c1: {  	v5 =	vsub.f32 v5, v6;
	_ =	sdelay $0x1  }
0x5c2: {  	[tilespmem:s26+$0x0] =	vst v5  }
0x5c3: {  	s0 =	sadd.s32 $0x10, s0;
	s26 =	sadd.s32 $0x10, s26;
	[tilespmem:v4+s18+$0x0] =	vst.idx.add.f32.msk $0xffff, v5  }
0x5c4: {  	[spmem:s8] =	stream.strided.scatter [tilespmem:s18], [sflag:$0x1], $0x2800, s20, s19, $0x38;
	[tilespmem:$0x14B80] =	vst v63  }
0x5c5: {  	_ =	swait.ge [sflag:s14], $0x2800  }
0x5c6: {  	[sflag:s14] =	ssyncset.done $0x0  }
0x5c7: {  	[sflag:s14] =	ssyncadd.s32 $0xFFFFD800  }
0x5c8: {  	s1 =	simm.s32 $0x0;
	s2 =	simm.s32 $0x0;
	[bflag:$0x0] =	sbarrier.arrive $0xFFFF  }
0x5c9: {  	[tilespmem:s23], [sflag:$0x1] =	stream.strided.gather [spmem:s9], $0x2800, s22, s21, $0x38;
	[tilespmem:$0x14B80] =	vst v63  }
0x5ca: {  	s0 =	sand.u32 $0x60, s2;
	s1 =	sand.u32 $0x1C00, s1;
	_ =	swait.ge [sflag:s14], $0x2800  }
0x5cb: {  	s5 =	sadd.s32 $0xF180, s1;
	s6 =	sor.u32 $0x10, s0;
	[sflag:s14] =	ssyncset.done $0x0  }
0x5cc: {  	s16 =	sor.u32 s6, s5;
	[sflag:s14] =	ssyncadd.s32 $0xFFFFD800  }
0x5cd: {  	v4 =	vld [tilespmem:s16+$0x0]  }
0x5ce: {  	s5 =	sor.u32 s0, s5;
	v5 =	vld [tilespmem:s16+$0x80]  }
0x5cf: {  	v6 =	vld [tilespmem:s5+$0x0]  }
0x5d0: {  	v7 =	vld [tilespmem:s16+$0x100]  }
0x5d1: {  	v8 =	vld [tilespmem:s5+$0x80]  }
0x5d2: {  	v9 =	vld [tilespmem:s16+$0x180]  }
0x5d3: {  	v10 =	vld [tilespmem:s5+$0x100]  }
0x5d4: {  	v11 =	vld [tilespmem:s16+$0x200]  }
0x5d5: {  	v12 =	vld [tilespmem:s5+$0x180]  }
0x5d6: {  	v13 =	vld [tilespmem:s16+$0x280]  }
0x5d7: {  	v14 =	vld [tilespmem:s5+$0x200]  }
0x5d8: {  	v15 =	vld [tilespmem:s16+$0x300]  }
0x5d9: {  	v16 =	vld [tilespmem:s5+$0x280]  }
0x5da: {  	v17 =	vld [tilespmem:s16+$0x380]  }
0x5db: {  	s17 =	sadd.s32 $0x10580, s1;
	v18 =	vld [tilespmem:s5+$0x300]  }
0x5dc: {  	s26 =	sadd.s32 $0x10600, s1;
	s16 =	sor.u32 s6, s17;
	v20 =	vld [tilespmem:s5+$0x380]  }
0x5dd: {  	s5 =	sor.u32 s6, s26;
	v19 =	vld [tilespmem:s16+$0x0]  }
0x5de: {  	s16 =	sor.u32 s0, s17;
	s17 =	sadd.s32 $0x10680, s1;
	v21 =	vld [tilespmem:s5+$0x0]  }
0x5df: {  	v22 =	vld [tilespmem:s16+$0x0];
	s5 =	sor.u32 s6, s17  }
0x5e0: {  	s16 =	sor.u32 s0, s26;
	s26 =	sadd.s32 $0x10700, s1;
	v23 =	vld [tilespmem:s5+$0x0]  }
0x5e1: {  	v24 =	vld [tilespmem:s16+$0x0];
	s5 =	sor.u32 s6, s26  }
0x5e2: {  	s16 =	sor.u32 s0, s17;
	s17 =	sadd.s32 $0x10780, s1;
	v25 =	vld [tilespmem:s5+$0x0]  }
0x5e3: {  	v26 =	vld [tilespmem:s16+$0x0];
	s5 =	sor.u32 s6, s17  }
0x5e4: {  	s2 =	sand.u32 $0x380, s2;
	s16 =	sor.u32 s0, s26;
	v27 =	vld [tilespmem:s5+$0x0]  }
0x5e5: {  	s2 =	sor.u32 s2, s6;
	s26 =	sadd.s32 $0x10800, s1;
	v28 =	vld [tilespmem:s16+$0x0]  }
0x5e6: {  	s5 =	sor.u32 s6, s26;
	v4 =	vadd.f32 v5, v4;
	v5 =	vadd.f32 v8, v6;
	v8 =	vld [tilespmem:s2+$0xED00]  }
0x5e7: {  	s16 =	sor.u32 s0, s17;
	v29 =	vld [tilespmem:s5+$0x0]  }
0x5e8: {  	s17 =	sadd.s32 $0x10880, s1;
	s26 =	sor.u32 s0, s26;
	v30 =	vld [tilespmem:s16+$0x0]  }
0x5e9: {  	s16 =	sor.u32 s6, s17;
	v32 =	vld [tilespmem:s26+$0x0]  }
0x5ea: {  	s29 =	simm.s32 $0x100;
	s28 =	simm.s32 $0xED00;
	s17 =	sor.u32 s0, s17;
	v31 =	vld [tilespmem:s16+$0x0]  }
0x5eb: {  	s31 =	sand.u32 $0x1C00, s29;
	s1 =	sadd.s32 $0x10900, s1;
	s26 =	simm.s32 $0x20;
	v6 =	vld [tilespmem:s17+$0x0]  }
0x5ec: {  	s16 =	sor.u32 s6, s1;
	s1 =	sor.u32 s0, s1;
	s0 =	sand.u32 $0x60, s26;
	v4 =	vadd.f32 v7, v4;
	v5 =	vadd.f32 v10, v5;
	v10 =	vld [tilespmem:s28+$0x0]  }
0x5ed: {  	s6 =	sadd.s32 $0xF180, s31;
	v33 =	vld [tilespmem:s16+$0x0];
	s30 =	sor.u32 $0x10, s0  }
0x5ee: {  	v7 =	vld [tilespmem:s1+$0x0];
	s16 =	sor.u32 s30, s6;
	v4 =	vadd.f32 v9, v4  }
0x5ef: {  	v5 =	vadd.f32 v12, v5;
	v9 =	vld [tilespmem:s16+$0x0]  }
0x5f0: {  	s5 =	sor.u32 s0, s6;
	v42 =	vld [tilespmem:s16+$0x80];
	v4 =	vadd.f32 v11, v4  }
0x5f1: {  	v44 =	vld [tilespmem:s5+$0x80];
	v5 =	vadd.f32 v14, v5  }
0x5f2: {  	v43 =	vld [tilespmem:s16+$0x100];
	v4 =	vadd.f32 v13, v4  }
0x5f3: {  	v11 =	vld [tilespmem:s5+$0x0];
	v5 =	vadd.f32 v16, v5  }
0x5f4: {  	v45 =	vld [tilespmem:s16+$0x180];
	v4 =	vadd.f32 v15, v4  }
0x5f5: {  	v46 =	vld [tilespmem:s5+$0x100];
	v5 =	vadd.f32 v18, v5;
	v9 =	vadd.f32 v42, v9  }
0x5f6: {  	v47 =	vld [tilespmem:s16+$0x200];
	v4 =	vadd.f32 v17, v4  }
0x5f7: {  	v48 =	vld [tilespmem:s5+$0x180];
	v5 =	vadd.f32 v20, v5;
	v9 =	vadd.f32 v43, v9  }
0x5f8: {  	v49 =	vld [tilespmem:s16+$0x280];
	v11 =	vadd.f32 v44, v11;
	v4 =	vadd.f32 v19, v4  }
0x5f9: {  	v50 =	vld [tilespmem:s5+$0x200];
	v5 =	vadd.f32 v22, v5;
	v9 =	vadd.f32 v45, v9  }
0x5fa: {  	v51 =	vld [tilespmem:s16+$0x300];
	v11 =	vadd.f32 v46, v11;
	v4 =	vadd.f32 v21, v4  }
0x5fb: {  	v52 =	vld [tilespmem:s5+$0x280];
	v5 =	vadd.f32 v24, v5;
	v9 =	vadd.f32 v47, v9  }
0x5fc: {  	s6 =	sadd.s32 $0x10580, s31;
	v53 =	vld [tilespmem:s16+$0x380];
	v11 =	vadd.f32 v48, v11;
	v4 =	vadd.f32 v23, v4  }
0x5fd: {  	v54 =	vld [tilespmem:s5+$0x300];
	s17 =	sor.u32 s30, s6;
	v5 =	vadd.f32 v26, v5;
	v9 =	vadd.f32 v49, v9  }
0x5fe: {  	s16 =	sadd.s32 $0x10600, s31;
	v55 =	vld [tilespmem:s17+$0x0];
	v11 =	vadd.f32 v50, v11;
	v4 =	vadd.f32 v25, v4  }
0x5ff: {  	v56 =	vld [tilespmem:s5+$0x380];
	s5 =	sor.u32 s30, s16;
	v5 =	vadd.f32 v28, v5;
	v9 =	vadd.f32 v51, v9  }
0x600: {  	s17 =	sor.u32 s0, s6;
	s6 =	sadd.s32 $0x10680, s31;
	v57 =	vld [tilespmem:s5+$0x0];
	v11 =	vadd.f32 v52, v11;
	v4 =	vadd.f32 v27, v4  }
0x601: {  	v58 =	vld [tilespmem:s17+$0x0];
	s5 =	sor.u32 s30, s6;
	v5 =	vadd.f32 v30, v5;
	v9 =	vadd.f32 v53, v9  }
0x602: {  	s17 =	sor.u32 s0, s16;
	s16 =	sadd.s32 $0x10700, s31;
	v59 =	vld [tilespmem:s5+$0x0];
	v11 =	vadd.f32 v54, v11;
	v4 =	vadd.f32 v29, v4  }
0x603: {  	v60 =	vld [tilespmem:s17+$0x0];
	s5 =	sor.u32 s30, s16;
	v5 =	vadd.f32 v32, v5;
	v9 =	vadd.f32 v55, v9  }
0x604: {  	s17 =	sor.u32 s0, s6;
	s6 =	sadd.s32 $0x10780, s31;
	v61 =	vld [tilespmem:s5+$0x0];
	v11 =	vadd.f32 v56, v11;
	v4 =	vadd.f32 v31, v4  }
0x605: {  	v62 =	vld [tilespmem:s17+$0x0];
	s5 =	sor.u32 s30, s6;
	v5 =	vadd.f32 v6, v5;
	v6 =	vadd.f32 v57, v9  }
0x606: {  	s17 =	sor.u32 s0, s16;
	s16 =	sadd.s32 $0x10800, s31;
	v9 =	vadd.f32 v58, v11;
	v11 =	vld [tilespmem:s5+$0x0];
	v4 =	vadd.f32 v33, v4  }
0x607: {  	v63 =	vld [tilespmem:s17+$0x0];
	s5 =	sor.u32 s30, s16;
	v5 =	vadd.f32 v7, v5;
	v7 =	vadd.f32 v59, v6  }
0x608: {  	s17 =	sor.u32 s0, s6;
	s6 =	sadd.s32 $0x10880, s31;
	v9 =	vadd.f32 v60, v9;
	v6 =	vld [tilespmem:s5+$0x0];
	v8 =	vadd.f32 v4, v8  }
0x609: {  	s5 =	sor.u32 s30, s6;
	v10 =	vadd.f32 v5, v10;
	v4 =	vld [tilespmem:s17+$0x0];
	v12 =	vadd.f32 v61, v7  }
0x60a: {  	s17 =	sor.u32 s0, s16;
	v9 =	vadd.f32 v62, v9;
	s16 =	sadd.s32 $0x10900, s31;
	v5 =	vld [tilespmem:s5+$0x0];
	s31 =	simm.s32 $0x11980  }
0x60b: {  	v7 =	vld [tilespmem:s17+$0x0];
	s5 =	sor.u32 s30, s16;
	[tilespmem:s31+$0x0] =	vst v10;
	v10 =	vadd.f32 v11, v12  }
0x60c: {  	s17 =	sor.u32 s0, s6;
	s16 =	sor.u32 s0, s16;
	s0 =	sand.u32 $0x380, s26;
	[tilespmem:s2+$0x11980] =	vst v8;
	v9 =	vadd.f32 v63, v9;
	v8 =	vld [tilespmem:s5+$0x0]  }
.LBB2_32:
0x60d: {  	s26 =	sadd.s32 $0x20, s26;
	v11 =	vld [tilespmem:s17+$0x0];
	v6 =	vadd.f32 v6, v10;
	s1 =	sor.u32 s0, s30;
	s29 =	sadd.s32 $0x100, s29  }
0x60e: {  	s0 =	sand.u32 $0x60, s26;
	s2 =	sand.u32 $0x1C00, s29;
	p1 =	slt.u32 s26, $0x260;
	v4 =	vadd.f32 v4, v9;
	v9 =	vld [tilespmem:s1+$0xED00]  }
0x60f: {  	s28 =	sadd.s32 $0x20, s28;
	s5 =	sadd.s32 $0xF180, s2;
	s30 =	sor.u32 $0x10, s0;
	v10 =	vld [tilespmem:s16+$0x0];
	v5 =	vadd.f32 v5, v6  }
0x610: {  	s6 =	sor.u32 s0, s5;
	s5 =	sor.u32 s30, s5;
	v4 =	vadd.f32 v7, v4;
	v6 =	vld [tilespmem:s28+$0x0]  }
0x611: {  	v7 =	vld [tilespmem:s5+$0x0];
	v5 =	vadd.f32 v8, v5  }
0x612: {  	v8 =	vld [tilespmem:s5+$0x80];
	v4 =	vadd.f32 v11, v4  }
0x613: {  	v11 =	vld [tilespmem:s6+$0x0];
	v5 =	vadd.f32 v5, v9  }
0x614: {  	v9 =	vld [tilespmem:s5+$0x100];
	v4 =	vadd.f32 v10, v4  }
0x615: {  	v10 =	vld [tilespmem:s6+$0x80];
	[tilespmem:s1+$0x11980] =	vst v5  }
0x616: {  	v5 =	vld [tilespmem:s5+$0x180];
	v4 =	vadd.f32 v4, v6  }
0x617: {  	s31 =	sadd.s32 $0x20, s31;
	v6 =	vld [tilespmem:s6+$0x100];
	v7 =	vadd.f32 v8, v7  }
0x618: {  	v8 =	vld [tilespmem:s5+$0x200];
	[tilespmem:s31+$0x0] =	vst v4  }
0x619: {  	v4 =	vld [tilespmem:s6+$0x180];
	v7 =	vadd.f32 v9, v7  }
0x61a: {  	v9 =	vadd.f32 v10, v11;
	v10 =	vld [tilespmem:s5+$0x280]  }
0x61b: {  	v11 =	vld [tilespmem:s6+$0x200];
	v5 =	vadd.f32 v5, v7  }
0x61c: {  	v6 =	vadd.f32 v6, v9;
	v7 =	vld [tilespmem:s5+$0x300]  }
0x61d: {  	v9 =	vld [tilespmem:s6+$0x280];
	v5 =	vadd.f32 v8, v5  }
0x61e: {  	s1 =	sadd.s32 $0x10580, s2;
	v4 =	vadd.f32 v4, v6;
	v6 =	vld [tilespmem:s5+$0x380]  }
0x61f: {  	s5 =	sor.u32 s0, s1;
	s1 =	sor.u32 s30, s1;
	v8 =	vld [tilespmem:s6+$0x300];
	v5 =	vadd.f32 v10, v5  }
0x620: {  	s16 =	sadd.s32 $0x10600, s2;
	v4 =	vadd.f32 v11, v4;
	v10 =	vld [tilespmem:s1+$0x0]  }
0x621: {  	s1 =	sor.u32 s0, s16;
	v11 =	vld [tilespmem:s6+$0x380];
	v5 =	vadd.f32 v7, v5;
	s6 =	sor.u32 s30, s16  }
0x622: {  	s16 =	sadd.s32 $0x10680, s2;
	v4 =	vadd.f32 v9, v4;
	v7 =	vld [tilespmem:s6+$0x0]  }
0x623: {  	s6 =	sor.u32 s30, s16;
	v9 =	vld [tilespmem:s5+$0x0];
	s5 =	sor.u32 s0, s16;
	v5 =	vadd.f32 v6, v5  }
0x624: {  	s16 =	sadd.s32 $0x10700, s2;
	v4 =	vadd.f32 v8, v4;
	v6 =	vld [tilespmem:s6+$0x0]  }
0x625: {  	s6 =	sor.u32 s30, s16;
	v8 =	vld [tilespmem:s1+$0x0];
	s1 =	sor.u32 s0, s16;
	v5 =	vadd.f32 v10, v5  }
0x626: {  	s16 =	sadd.s32 $0x10780, s2;
	v4 =	vadd.f32 v11, v4;
	v10 =	vld [tilespmem:s6+$0x0]  }
0x627: {  	s6 =	sor.u32 s30, s16;
	v11 =	vld [tilespmem:s5+$0x0];
	s5 =	sor.u32 s0, s16;
	v5 =	vadd.f32 v7, v5  }
0x628: {  	s16 =	sadd.s32 $0x10800, s2;
	v4 =	vadd.f32 v9, v4;
	v9 =	vld [tilespmem:s6+$0x0]  }
0x629: {  	s6 =	sor.u32 s30, s16;
	v12 =	vld [tilespmem:s1+$0x0];
	s1 =	sor.u32 s0, s16;
	v5 =	vadd.f32 v6, v5  }
.Ltmp15:
0x62a: {  	s16 =	sadd.s32 $0x10880, s2;
	v7 =	vadd.f32 v8, v4;
	v6 =	vld [tilespmem:s6+$0x0];
	(pc) =	sbr.rel @p1 .LBB2_32-.Ltmp15, $4  }
0x62b: {  	s17 =	sor.u32 s0, s16;
	v4 =	vld [tilespmem:s5+$0x0];
	v8 =	vadd.f32 v10, v5;
	s5 =	sor.u32 s30, s16  }
0x62c: {  	s2 =	sadd.s32 $0x10900, s2;
	v11 =	vadd.f32 v11, v7;
	v5 =	vld [tilespmem:s5+$0x0]  }
0x62d: {  	s16 =	sor.u32 s0, s2;
	s0 =	sor.u32 s30, s2;
	v7 =	vld [tilespmem:s1+$0x0];
	v10 =	vadd.f32 v9, v8  }
0x62e: {  	v9 =	vadd.f32 v12, v11;
	v8 =	vld [tilespmem:s0+$0x0];
	s0 =	sand.u32 $0x380, s26  }
0x62f: {  	v11 =	vld [tilespmem:s17+$0x0]  }
0x630: {  	v4 =	vadd.f32 v4, v9  }
0x631: {  	v6 =	vadd.f32 v6, v10;
	s0 =	sor.u32 s0, s30;
	v61 =	vld [tilespmem:s16+$0x0]  }
0x632: {  	s1 =	sadd.s32 $0x20, s28;
	v62 =	vld [tilespmem:s0+$0xED00];
	v4 =	vadd.f32 v7, v4  }
0x633: {  	v63 =	vld [tilespmem:s1+$0x0];
	v5 =	vadd.f32 v5, v6  }
0x634: {  	v4 =	vadd.f32 v11, v4  }
0x635: {  	v5 =	vadd.f32 v8, v5  }
0x636: {  	v4 =	vadd.f32 v61, v4  }
0x637: {  	v5 =	vadd.f32 v5, v62  }
0x638: {  	v4 =	vadd.f32 v4, v63  }
0x639: {  	s31 =	sadd.s32 $0x20, s31;
	[tilespmem:s0+$0x11980] =	vst v5  }
0x63a: {  	[tilespmem:s31+$0x0] =	vst v4  }
0x63b: {  	[spmem:s10] =	stream.linear.scatter [tilespmem:s24], [sflag:$0x1], $0x280, $0x38;
	[tilespmem:$0x14B80] =	vst v63  }
0x63c: {  	_ =	swait.ge [sflag:s14], $0x280  }
0x63d: {  	[sflag:s14] =	ssyncset.done $0x0  }
0x63e: {  	[sflag:s14] =	ssyncadd.s32 $0xFFFFFD80  }
0x63f: {  	[bflag:$0x0] =	sbarrier.arrive $0xFFFF  }
0x640: {  	[tilespmem:s15], [sflag:$0x1] =	stream.linear.gather [spmem:s3], $0x2800, $0x38;
	[tilespmem:$0x14B80] =	vst v63  }
0x641: {  	_ =	swait.ge [sflag:s14], $0x2800  }
0x642: {  	[sflag:s14] =	ssyncset.done $0x0  }
0x643: {  	s0 =	simm.s32 $0xC540;
	[sflag:s14] =	ssyncadd.s32 $0xFFFFD800  }
0x644: {  	[tilespmem:s0+$0xFFFFFFC0] =	vst v0  }
0x645: {  	[tilespmem:s0+$0x30] =	vst v0  }
0x646: {  	[tilespmem:s0+$0x20] =	vst v0  }
0x647: {  	[tilespmem:s0+$0x10] =	vst v0  }
0x648: {  	[tilespmem:s0+$0x0] =	vst v0  }
0x649: {  	[tilespmem:s0+$0xFFFFFFF0] =	vst v0  }
0x64a: {  	s2 =	simm.s32 $0x0;
	[tilespmem:s0+$0xFFFFFFE0] =	vst v0  }
.LBB2_34:
0x64b: {  	s2 =	sadd.s32 $0x80, s2;
	[tilespmem:s0+$0xFFFFFFD0] =	vst v0;
	s0 =	sadd.s32 $0x80, s0  }
0x64c: {  	[tilespmem:s0+$0xFFFFFFC0] =	vst v0;
	p1 =	slt.u32 s2, $0x2780  }
0x64d: {  	[tilespmem:s0+$0x30] =	vst v0  }
.Ltmp16:
0x64e: {  	[tilespmem:s0+$0x20] =	vst v0;
	(pc) =	sbr.rel @p1 .LBB2_34-.Ltmp16, $4  }
0x64f: {  	[tilespmem:s0+$0x10] =	vst v0  }
0x650: {  	[tilespmem:s0+$0x0] =	vst v0  }
0x651: {  	[tilespmem:s0+$0xFFFFFFF0] =	vst v0  }
0x652: {  	s26 =	simm.s32 $0x4EA0;
	s16 =	simm.s32 $0x20;
	[tilespmem:s0+$0xFFFFFFE0] =	vst v0  }
0x653: {  	[tilespmem:s0+$0xFFFFFFD0] =	vst v0  }
0x654: {  	v19 =	vld [tilespmem:s16+$0x10];
	_ =	sdelay $0x4  }
0x655: {  	v4 =	vshrl.u32 v19, $0xE  }
0x656: {  	v12 =	vld [tilespmem:s16+$0xFFFFFFE0]  }
0x657: {  	v10 =	vld [tilespmem:s16+$0xFFFFFFF0]  }
0x658: {  	v11 =	vld [tilespmem:s16+$0x0]  }
0x659: {  	v8 =	vld [tilespmem:s26+$0x10]  }
0x65a: {  	v4 =	vld.idx.msk [tilespmem:v4+s15+$0x0], $0xffff  }
0x65b: {  	v7 =	vshrl.u32 v12, $0xE;
	_ =	sdelay $0x1  }
0x65c: {  	v5 =	vshrl.u32 v10, $0xE  }
0x65d: {  	v9 =	vld [tilespmem:s26+$0xFFFFFFF0];
	v6 =	vshrl.u32 v11, $0xE  }
0x65e: {  	v14 =	vld [tilespmem:s26+$0x0];
	v4 =	vsub.f32 v4, v8  }
0x65f: {  	v7 =	vld.idx.msk [tilespmem:v7+s15+$0x0], $0xffff  }
0x660: {  	v8 =	vld [tilespmem:s26+$0xFFFFFFE0];
	v13 =	vadd.f32 v4, v1  }
0x661: {  	v5 =	vld.idx.msk [tilespmem:v5+s15+$0x0], $0xffff;
	v4 =	vadd.f32 v4, v2  }
0x662: {  	v6 =	vld.idx.msk [tilespmem:v6+s15+$0x0], $0xffff;
	v21 =	vmax.f32 v13, $0.0e+00;
	v13 =	vmin.f32 v13, $0.0e+00  }
0x663: {  	v20 =	vmax.f32 v4, $0.0e+00;
	v4 =	vmin.f32 v4, $0.0e+00;
	v13 =	vsub.f32 v13, v21  }
0x664: {  	v4 =	vsub.f32 v4, v20  }
0x665: {  	v7 =	vsub.f32 v7, v8;
	v8 =	vmul.f32 $1.442695020e+00, v13  }
0x666: {  	v9 =	vsub.f32 v5, v9;
	v4 =	vmul.f32 $1.442695020e+00, v4  }
0x667: {  	v13 =	vsub.f32 v6, v14;
	v6 =	vadd.f32 v7, v1;
	(erf) = vpow2.f32 v8  }
0x668: {  	v7 =	vadd.f32 v7, v2;
	(erf) = vpow2.f32 v4  }
0x669: {  	v8 =	vadd.f32 v9, v1;
	v14 =	vadd.f32 v13, v1;
	v5 =	vmax.f32 v6, $0.0e+00  }
0x66a: {  	v15 =	vmin.f32 v6, $0.0e+00;
	v9 =	vadd.f32 v9, v2;
	v13 =	vadd.f32 v13, v2  }
0x66b: {  	v17 =	vmin.f32 v7, $0.0e+00;
	v15 =	vsub.f32 v15, v5;
	v6 =	vmax.f32 v8, $0.0e+00  }
0x66c: {  	v16 =	vmin.f32 v8, $0.0e+00;
	v4 =	vmax.f32 v14, $0.0e+00;
	v14 =	vmin.f32 v14, $0.0e+00  }
0x66d: {  	v8 =	vmax.f32 v7, $0.0e+00;
	v7 =	vmax.f32 v9, $0.0e+00;
	v16 =	vsub.f32 v16, v6  }
0x66e: {  	v18 =	vmin.f32 v9, $0.0e+00;
	v14 =	vsub.f32 v14, v4;
	v15 =	vmul.f32 $1.442695020e+00, v15  }
0x66f: {  	v9 =	vmax.f32 v13, $0.0e+00;
	v13 =	vmin.f32 v13, $0.0e+00;
	v16 =	vmul.f32 $1.442695020e+00, v16  }
0x670: {  	v17 =	vsub.f32 v17, v8;
	v14 =	vmul.f32 $1.442695020e+00, v14;
	(erf) = vpow2.f32 v15;
	v22 =	vpop (erf)  }
0x671: {  	v15 =	vsub.f32 v18, v7;
	(erf) = vpow2.f32 v16;
	v18 =	vmul.f32 $1.986696620e-03, v22;
	v23 =	vpop (erf)  }
0x672: {  	v13 =	vsub.f32 v13, v9;
	v16 =	vmul.f32 $1.442695020e+00, v17;
	v17 =	vmul.f32 $1.986696620e-03, v23  }
0x673: {  	(erf) = vpow2.f32 v14;
	v14 =	vmul.f32 $1.442695020e+00, v15;
	v15 =	vadd.f32 $-1.318782660e-02, v18  }
0x674: {  	(erf) = vpow2.f32 v16;
	v16 =	vadd.f32 $-1.318782660e-02, v17  }
0x675: {  	v13 =	vmul.f32 $1.442695020e+00, v13;
	v15 =	vmul.f32 v15, v22  }
0x676: {  	(erf) = vpow2.f32 v14;
	v14 =	vmul.f32 v16, v23  }
0x677: {  	(erf) = vpow2.f32 v13;
	v13 =	vadd.f32 $4.100657250e-02, v15;
	_ =	sdelay $0x1  }
0x678: {  	v16 =	vadd.f32 $4.100657250e-02, v14;
	v15 =	vmul.f32 v13, v22  }
0x679: {  	v14 =	vpop (erf)  }
0x67a: {  	v16 =	vmul.f32 v16, v23;
	v17 =	vmul.f32 $1.986696620e-03, v14;
	v13 =	vpop (erf)  }
0x67b: {  	v24 =	vadd.f32 $-8.188040550e-02, v15;
	v18 =	vmul.f32 $1.986696620e-03, v13  }
0x67c: {  	v16 =	vadd.f32 $-8.188040550e-02, v16;
	v15 =	vpop (erf);
	v17 =	vadd.f32 $-1.318782660e-02, v17  }
0x67d: {  	v10 =	vand.u32 $0x3FFF, v10;
	v24 =	vmul.f32 v24, v22;
	v25 =	vmul.f32 $1.986696620e-03, v15  }
0x67e: {  	v12 =	vand.u32 $0x3FFF, v12;
	v26 =	vadd.f32 $-1.318782660e-02, v18;
	v30 =	vmul.f32 v16, v23  }
0x67f: {  	v27 =	vmul.f32 v17, v14;
	v24 =	vadd.f32 $1.237799600e-01, v24;
	v18 =	vpop (erf);
	v25 =	vadd.f32 $-1.318782660e-02, v25  }
0x680: {  	v26 =	vmul.f32 v26, v13;
	v30 =	vadd.f32 $1.237799600e-01, v30;
	v28 =	vmul.f32 $1.986696620e-03, v18;
	v17 =	vpop (erf)  }
0x681: {  	v11 =	vand.u32 $0x3FFF, v11;
	v24 =	vmul.f32 v24, v22;
	v29 =	vmul.f32 $1.986696620e-03, v17  }
0x682: {  	v27 =	vadd.f32 $4.100657250e-02, v27;
	v16 =	vpop (erf);
	v25 =	vmul.f32 v25, v15;
	v30 =	vmul.f32 v30, v23  }
0x683: {  	v26 =	vadd.f32 $4.100657250e-02, v26;
	v28 =	vadd.f32 $-1.318782660e-02, v28;
	v31 =	vmul.f32 $1.986696620e-03, v16  }
0x684: {  	v24 =	vadd.f32 $-1.608762290e-01, v24;
	v27 =	vmul.f32 v27, v14;
	v29 =	vadd.f32 $-1.318782660e-02, v29  }
0x685: {  	v25 =	vadd.f32 $4.100657250e-02, v25;
	v30 =	vadd.f32 $-1.608762290e-01, v30;
	v26 =	vmul.f32 v26, v13  }
0x686: {  	v28 =	vmul.f32 v28, v18;
	v31 =	vadd.f32 $-1.318782660e-02, v31;
	v24 =	vmul.f32 v24, v22  }
0x687: {  	v27 =	vadd.f32 $-8.188040550e-02, v27;
	v29 =	vmul.f32 v29, v17;
	v25 =	vmul.f32 v25, v15  }
0x688: {  	v30 =	vmul.f32 v30, v23;
	v26 =	vadd.f32 $-8.188040550e-02, v26;
	v24 =	vadd.f32 $1.988582020e-01, v24  }
0x689: {  	v31 =	vmul.f32 v31, v16;
	v28 =	vadd.f32 $4.100657250e-02, v28;
	v27 =	vmul.f32 v27, v14  }
0x68a: {  	v29 =	vadd.f32 $4.100657250e-02, v29;
	v30 =	vadd.f32 $1.988582020e-01, v30;
	v24 =	vmul.f32 v24, v22  }
0x68b: {  	v25 =	vadd.f32 $-8.188040550e-02, v25;
	v26 =	vmul.f32 v26, v13;
	v28 =	vmul.f32 v28, v18  }
0x68c: {  	v31 =	vadd.f32 $4.100657250e-02, v31;
	v30 =	vmul.f32 v30, v23;
	v24 =	vadd.f32 $-2.498649660e-01, v24  }
0x68d: {  	v27 =	vadd.f32 $1.237799600e-01, v27;
	v29 =	vmul.f32 v29, v17;
	v25 =	vmul.f32 v25, v15  }
0x68e: {  	v26 =	vadd.f32 $1.237799600e-01, v26;
	v30 =	vadd.f32 $-2.498649660e-01, v30;
	v24 =	vmul.f32 v24, v22  }
0x68f: {  	v31 =	vmul.f32 v31, v16;
	v28 =	vadd.f32 $-8.188040550e-02, v28;
	v27 =	vmul.f32 v27, v14  }
0x690: {  	v29 =	vadd.f32 $-8.188040550e-02, v29;
	v30 =	vmul.f32 v30, v23;
	v24 =	vadd.f32 $3.333249690e-01, v24  }
0x691: {  	v25 =	vadd.f32 $1.237799600e-01, v25;
	v26 =	vmul.f32 v26, v13;
	v28 =	vmul.f32 v28, v18  }
0x692: {  	v31 =	vadd.f32 $-8.188040550e-02, v31;
	v30 =	vadd.f32 $3.333249690e-01, v30;
	v24 =	vmul.f32 v24, v22  }
0x693: {  	v27 =	vadd.f32 $-1.608762290e-01, v27;
	v29 =	vmul.f32 v29, v17;
	v25 =	vmul.f32 v25, v15  }
0x694: {  	v26 =	vadd.f32 $-1.608762290e-01, v26;
	v30 =	vmul.f32 v30, v23;
	v24 =	vadd.f32 $-4.999997910e-01, v24  }
0x695: {  	v31 =	vmul.f32 v31, v16;
	v28 =	vadd.f32 $1.237799600e-01, v28;
	v27 =	vmul.f32 v27, v14  }
0x696: {  	v29 =	vadd.f32 $1.237799600e-01, v29;
	v30 =	vadd.f32 $-4.999997910e-01, v30;
	v24 =	vmul.f32 v24, v22  }
0x697: {  	v25 =	vadd.f32 $-1.608762290e-01, v25;
	v26 =	vmul.f32 v26, v13;
	v28 =	vmul.f32 v28, v18  }
0x698: {  	v31 =	vadd.f32 $1.237799600e-01, v31;
	v30 =	vmul.f32 v30, v23;
	v24 =	vadd.f32 $1.000000000e+00, v24  }
0x699: {  	v27 =	vadd.f32 $1.988582020e-01, v27;
	v29 =	vmul.f32 v29, v17;
	v25 =	vmul.f32 v25, v15  }
0x69a: {  	v28 =	vadd.f32 $-1.608762290e-01, v28;
	v22 =	vmul.f32 v24, v22;
	v24 =	vadd.f32 $1.000000000e+00, v30  }
0x69b: {  	v63 =	vadd.f32 $1.988582020e-01, v26;
	v31 =	vmul.f32 v31, v16;
	v29 =	vadd.f32 $-1.608762290e-01, v29  }
0x69c: {  	v28 =	vmul.f32 v28, v18;
	v21 =	vadd.f32 v22, v21;
	v23 =	vmul.f32 v24, v23  }
0x69d: {  	v62 =	vadd.f32 $-1.608762290e-01, v31;
	v22 =	vmul.f32 v29, v17;
	v29 =	vadd.f32 $1.988582020e-01, v25  }
0x69e: {  	v21 =	vadd.f32 v21, v3;
	v32 =	vadd.f32 v23, v20;
	v20 =	vand.u32 $0x3FFF, v19  }
0x69f: {  	v26 =	vmul.f32 v62, v16;
	v24 =	vmul.f32 v27, v14;
	v27 =	vadd.f32 $1.988582020e-01, v28  }
0x6a0: {  	s29 =	simm.s32 $0x0;
	s30 =	simm.s32 $0x60;
	s28 =	simm.s32 $0x4EA0;
	v25 =	vmul.f32 v63, v13;
	v23 =	vmul.f32 v29, v15;
	v21 =	vsub.f32 v21, v32  }
.LBB2_36:
0x6a1: {  	v19 =	vld [tilespmem:s30+$0x10];
	v27 =	vmul.f32 v27, v18;
	v22 =	vadd.f32 $1.988582020e-01, v22;
	v26 =	vadd.f32 $1.988582020e-01, v26  }
0x6a2: {  	s29 =	sadd.s32 $0x40, s29;
	v24 =	vadd.f32 $-2.498649660e-01, v24;
	v28 =	vld [tilespmem:s30+$0xFFFFFFF0];
	v25 =	vadd.f32 $-2.498649660e-01, v25;
	[tilespmem:s26+$0x10] =	vst v21  }
0x6a3: {  	p1 =	slt.u32 s29, $0x4DC0;
	v23 =	vadd.f32 $-2.498649660e-01, v23;
	v22 =	vmul.f32 v22, v17;
	v26 =	vmul.f32 v26, v16;
	[tilespmem:v20+s18+$0x0] =	vst.idx.add.f32.msk $0xffff, v21  }
0x6a4: {  	v20 =	vmul.f32 v24, v14;
	v21 =	vadd.f32 $-2.498649660e-01, v27;
	v29 =	vld [tilespmem:s30+$0x0];
	v24 =	vmul.f32 v25, v13  }
0x6a5: {  	v25 =	vld [tilespmem:s30+$0xFFFFFFE0];
	v27 =	vadd.f32 $-2.498649660e-01, v22;
	v22 =	vmul.f32 v23, v15;
	v23 =	vadd.f32 $-2.498649660e-01, v26  }
0x6a6: {  	v20 =	vadd.f32 $3.333249690e-01, v20;
	v26 =	vshrl.u32 v19, $0xE;
	v24 =	vadd.f32 $3.333249690e-01, v24  }
0x6a7: {  	v21 =	vmul.f32 v21, v18;
	v30 =	vshrl.u32 v28, $0xE;
	v31 =	vadd.f32 $3.333249690e-01, v22  }
0x6a8: {  	v22 =	vand.u32 $0x3FFF, v28;
	v27 =	vmul.f32 v27, v17;
	v28 =	vmul.f32 v23, v16  }
0x6a9: {  	v20 =	vmul.f32 v20, v14;
	v24 =	vmul.f32 v24, v13;
	v32 =	vshrl.u32 v29, $0xE  }
0x6aa: {  	v21 =	vadd.f32 $3.333249690e-01, v21;
	v31 =	vmul.f32 v31, v15;
	v33 =	vshrl.u32 v25, $0xE  }
0x6ab: {  	s26 =	sadd.s32 $0x40, s26;
	v23 =	vand.u32 $0x3FFF, v25;
	v25 =	vld.idx.msk [tilespmem:v26+s15+$0x0], $0xffff;
	v26 =	vadd.f32 $3.333249690e-01, v27;
	v27 =	vadd.f32 $3.333249690e-01, v28  }
0x6ac: {  	v20 =	vadd.f32 $-4.999997910e-01, v20;
	v21 =	vmul.f32 v21, v18;
	v24 =	vadd.f32 $-4.999997910e-01, v24;
	v28 =	vld [tilespmem:s26+$0x10]  }
0x6ad: {  	v31 =	vadd.f32 $-4.999997910e-01, v31;
	v30 =	vld.idx.msk [tilespmem:v30+s15+$0x0], $0xffff;
	v26 =	vmul.f32 v26, v17;
	v27 =	vmul.f32 v27, v16  }
0x6ae: {  	v20 =	vmul.f32 v20, v14;
	v21 =	vadd.f32 $-4.999997910e-01, v21;
	v24 =	vmul.f32 v24, v13;
	v32 =	vld.idx.msk [tilespmem:v32+s15+$0x0], $0xffff  }
0x6af: {  	v31 =	vmul.f32 v31, v15;
	v33 =	vld.idx.msk [tilespmem:v33+s15+$0x0], $0xffff;
	v26 =	vadd.f32 $-4.999997910e-01, v26;
	v27 =	vadd.f32 $-4.999997910e-01, v27  }
0x6b0: {  	v20 =	vadd.f32 $1.000000000e+00, v20;
	v21 =	vmul.f32 v21, v18;
	v24 =	vadd.f32 $1.000000000e+00, v24;
	v34 =	vld [tilespmem:s26+$0xFFFFFFE0]  }
0x6b1: {  	v35 =	vld [tilespmem:s26+$0xFFFFFFF0];
	v25 =	vsub.f32 v25, v28;
	v26 =	vmul.f32 v26, v17;
	v28 =	vadd.f32 $1.000000000e+00, v31  }
0x6b2: {  	v14 =	vmul.f32 v20, v14;
	v20 =	vadd.f32 $1.000000000e+00, v21;
	v21 =	vmul.f32 v27, v16;
	v31 =	vld [tilespmem:s26+$0x0]  }
0x6b3: {  	v13 =	vmul.f32 v24, v13;
	v27 =	vadd.f32 v25, v1;
	v15 =	vmul.f32 v28, v15  }
0x6b4: {  	v18 =	vmul.f32 v20, v18;
	v24 =	vadd.f32 $1.000000000e+00, v26;
	v26 =	vadd.f32 $1.000000000e+00, v21  }
0x6b5: {  	v25 =	vadd.f32 v25, v2;
	v20 =	vmax.f32 v27, $0.0e+00;
	v21 =	vmin.f32 v27, $0.0e+00  }
0x6b6: {  	v27 =	vsub.f32 v33, v34;
	v17 =	vmul.f32 v24, v17;
	v28 =	vsub.f32 v21, v20  }
0x6b7: {  	v24 =	vsub.f32 v30, v35;
	v21 =	vmax.f32 v25, $0.0e+00;
	v25 =	vmin.f32 v25, $0.0e+00  }
0x6b8: {  	v30 =	vsub.f32 v32, v31;
	v25 =	vsub.f32 v25, v21;
	v28 =	vmul.f32 $1.442695020e+00, v28  }
0x6b9: {  	v16 =	vmul.f32 v26, v16;
	v31 =	vadd.f32 v27, v1;
	v32 =	vadd.f32 v24, v1  }
0x6ba: {  	v26 =	vadd.f32 v30, v1;
	v25 =	vmul.f32 $1.442695020e+00, v25;
	(erf) = vpow2.f32 v28  }
0x6bb: {  	v28 =	vmax.f32 v31, $0.0e+00;
	v31 =	vmin.f32 v31, $0.0e+00;
	v33 =	vmax.f32 v32, $0.0e+00  }
0x6bc: {  	v32 =	vmin.f32 v32, $0.0e+00;
	v34 =	vmax.f32 v26, $0.0e+00;
	(erf) = vpow2.f32 v25  }
0x6bd: {  	v24 =	vadd.f32 v24, v2;
	v26 =	vmin.f32 v26, $0.0e+00;
	v25 =	vadd.f32 v27, v2  }
0x6be: {  	v29 =	vand.u32 $0x3FFF, v29;
	v30 =	vadd.f32 v30, v2;
	v27 =	vsub.f32 v31, v28  }
0x6bf: {  	v32 =	vsub.f32 v32, v33;
	v26 =	vsub.f32 v26, v34;
	v31 =	vmax.f32 v25, $0.0e+00  }
0x6c0: {  	v35 =	vmax.f32 v24, $0.0e+00;
	v24 =	vmin.f32 v24, $0.0e+00;
	v25 =	vmin.f32 v25, $0.0e+00  }
0x6c1: {  	v36 =	vmax.f32 v30, $0.0e+00;
	v30 =	vmin.f32 v30, $0.0e+00;
	v27 =	vmul.f32 $1.442695020e+00, v27  }
0x6c2: {  	v32 =	vmul.f32 $1.442695020e+00, v32;
	v26 =	vmul.f32 $1.442695020e+00, v26;
	v38 =	vsub.f32 v25, v31  }
0x6c3: {  	v37 =	vsub.f32 v24, v35;
	v30 =	vsub.f32 v30, v36;
	(erf) = vpow2.f32 v27;
	v24 =	vpop (erf)  }
0x6c4: {  	v14 =	vadd.f32 v14, v5;
	v5 =	vmovc v28;
	v27 =	vmul.f32 $1.986696620e-03, v24;
	(erf) = vpow2.f32 v32  }
0x6c5: {  	v13 =	vadd.f32 v13, v6;
	v28 =	vmul.f32 $1.442695020e+00, v38;
	(erf) = vpow2.f32 v26;
	v25 =	vpop (erf)  }
0x6c6: {  	v6 =	vmovc v33;
	v26 =	vmul.f32 $1.442695020e+00, v37;
	v27 =	vadd.f32 $-1.318782660e-02, v27;
	v32 =	vmul.f32 $1.986696620e-03, v25  }
0x6c7: {  	v15 =	vadd.f32 v15, v4;
	v4 =	vmovc v34;
	v30 =	vmul.f32 $1.442695020e+00, v30;
	(erf) = vpow2.f32 v28  }
0x6c8: {  	v27 =	vmul.f32 v27, v24;
	v28 =	vadd.f32 $-1.318782660e-02, v32;
	(erf) = vpow2.f32 v26  }
0x6c9: {  	v26 =	vadd.f32 v14, v3;
	(erf) = vpow2.f32 v30;
	v30 =	vadd.f32 v13, v3  }
0x6ca: {  	v33 =	vadd.f32 $4.100657250e-02, v27;
	v32 =	vmul.f32 v28, v25;
	v27 =	vadd.f32 v15, v3  }
0x6cb: {  	v17 =	vadd.f32 v17, v7;
	v7 =	vmovc v35;
	v34 =	vadd.f32 v18, v8;
	v8 =	vmov v31  }
0x6cc: {  	v18 =	vmul.f32 v33, v24;
	v28 =	vadd.f32 $4.100657250e-02, v32;
	v14 =	vpop (erf);
	v32 =	vadd.f32 v16, v9  }
0x6cd: {  	v26 =	vsub.f32 v26, v34;
	v30 =	vsub.f32 v30, v17;
	v16 =	vmul.f32 $1.986696620e-03, v14;
	v13 =	vpop (erf)  }
0x6ce: {  	v35 =	vmul.f32 $1.986696620e-03, v13;
	v34 =	vadd.f32 $-8.188040550e-02, v18;
	v28 =	vmul.f32 v28, v25;
	v15 =	vpop (erf)  }
0x6cf: {  	v9 =	vmovc v36;
	v27 =	vsub.f32 v27, v32;
	v37 =	vadd.f32 $-1.318782660e-02, v16;
	v31 =	vmul.f32 $1.986696620e-03, v15;
	[tilespmem:s28+$0xFFFFFFE0] =	vst v26  }
0x6d0: {  	v32 =	vadd.f32 $-1.318782660e-02, v35;
	v33 =	vmul.f32 v34, v24;
	v28 =	vadd.f32 $-8.188040550e-02, v28;
	v18 =	vpop (erf);
	[tilespmem:v12+s18+$0x0] =	vst.idx.add.f32.msk $0xffff, v26  }
0x6d1: {  	v26 =	vmul.f32 v37, v14;
	v36 =	vmul.f32 $1.986696620e-03, v18;
	v31 =	vadd.f32 $-1.318782660e-02, v31;
	v17 =	vpop (erf);
	[tilespmem:s28+$0xFFFFFFF0] =	vst v30  }
0x6d2: {  	v34 =	vmul.f32 $1.986696620e-03, v17;
	v33 =	vadd.f32 $1.237799600e-01, v33;
	v28 =	vmul.f32 v28, v25;
	v16 =	vpop (erf);
	[tilespmem:v10+s18+$0x0] =	vst.idx.add.f32.msk $0xffff, v30  }
0x6d3: {  	v12 =	vmovc v23;
	v32 =	vmul.f32 v32, v13;
	v10 =	vmovc v22;
	v30 =	vadd.f32 $-1.318782660e-02, v36;
	v35 =	vmul.f32 $1.986696620e-03, v16;
	[tilespmem:s28+$0x0] =	vst v27;
	s28 =	smov.u32 s26  }
0x6d4: {  	v22 =	vmul.f32 v31, v15;
	v23 =	vmul.f32 v33, v24;
	v28 =	vadd.f32 $1.237799600e-01, v28;
	[tilespmem:v11+s18+$0x0] =	vst.idx.add.f32.msk $0xffff, v27  }
0x6d5: {  	v11 =	vmovc v29;
	v27 =	vmul.f32 v30, v18;
	v30 =	vadd.f32 $-1.318782660e-02, v34;
	v31 =	vadd.f32 $-1.318782660e-02, v35  }
0x6d6: {  	v26 =	vadd.f32 $4.100657250e-02, v26;
	v23 =	vadd.f32 $-1.608762290e-01, v23;
	v28 =	vmul.f32 v28, v25  }
0x6d7: {  	v29 =	vadd.f32 $4.100657250e-02, v32;
	v22 =	vadd.f32 $4.100657250e-02, v22;
	v30 =	vmul.f32 v30, v17  }
0x6d8: {  	v31 =	vmul.f32 v31, v16;
	v23 =	vmul.f32 v23, v24;
	v28 =	vadd.f32 $-1.608762290e-01, v28  }
0x6d9: {  	v26 =	vmul.f32 v26, v14;
	v29 =	vmul.f32 v29, v13;
	v27 =	vadd.f32 $4.100657250e-02, v27  }
0x6da: {  	v22 =	vmul.f32 v22, v15;
	v23 =	vadd.f32 $1.988582020e-01, v23;
	v28 =	vmul.f32 v28, v25  }
0x6db: {  	v27 =	vmul.f32 v27, v18;
	v30 =	vadd.f32 $4.100657250e-02, v30;
	v31 =	vadd.f32 $4.100657250e-02, v31  }
0x6dc: {  	v26 =	vadd.f32 $-8.188040550e-02, v26;
	v23 =	vmul.f32 v23, v24;
	v28 =	vadd.f32 $1.988582020e-01, v28  }
0x6dd: {  	v29 =	vadd.f32 $-8.188040550e-02, v29;
	v22 =	vadd.f32 $-8.188040550e-02, v22;
	v30 =	vmul.f32 v30, v17  }
0x6de: {  	v31 =	vmul.f32 v31, v16;
	v23 =	vadd.f32 $-2.498649660e-01, v23;
	v28 =	vmul.f32 v28, v25  }
0x6df: {  	v26 =	vmul.f32 v26, v14;
	v29 =	vmul.f32 v29, v13;
	v27 =	vadd.f32 $-8.188040550e-02, v27  }
0x6e0: {  	v22 =	vmul.f32 v22, v15;
	v23 =	vmul.f32 v23, v24;
	v28 =	vadd.f32 $-2.498649660e-01, v28  }
0x6e1: {  	v27 =	vmul.f32 v27, v18;
	v30 =	vadd.f32 $-8.188040550e-02, v30;
	v31 =	vadd.f32 $-8.188040550e-02, v31  }
0x6e2: {  	v26 =	vadd.f32 $1.237799600e-01, v26;
	v23 =	vadd.f32 $3.333249690e-01, v23;
	v28 =	vmul.f32 v28, v25  }
0x6e3: {  	v29 =	vadd.f32 $1.237799600e-01, v29;
	v22 =	vadd.f32 $1.237799600e-01, v22;
	v30 =	vmul.f32 v30, v17  }
0x6e4: {  	v31 =	vmul.f32 v31, v16;
	v23 =	vmul.f32 v23, v24;
	v28 =	vadd.f32 $3.333249690e-01, v28  }
0x6e5: {  	v26 =	vmul.f32 v26, v14;
	v29 =	vmul.f32 v29, v13;
	v27 =	vadd.f32 $1.237799600e-01, v27  }
0x6e6: {  	v22 =	vmul.f32 v22, v15;
	v23 =	vadd.f32 $-4.999997910e-01, v23;
	v28 =	vmul.f32 v28, v25  }
0x6e7: {  	v27 =	vmul.f32 v27, v18;
	v30 =	vadd.f32 $1.237799600e-01, v30;
	v31 =	vadd.f32 $1.237799600e-01, v31  }
0x6e8: {  	v26 =	vadd.f32 $-1.608762290e-01, v26;
	v23 =	vmul.f32 v23, v24;
	v28 =	vadd.f32 $-4.999997910e-01, v28  }
0x6e9: {  	v29 =	vadd.f32 $-1.608762290e-01, v29;
	v22 =	vadd.f32 $-1.608762290e-01, v22;
	v30 =	vmul.f32 v30, v17  }
0x6ea: {  	v31 =	vmul.f32 v31, v16;
	v23 =	vadd.f32 $1.000000000e+00, v23;
	v28 =	vmul.f32 v28, v25  }
0x6eb: {  	v26 =	vmul.f32 v26, v14;
	v29 =	vmul.f32 v29, v13;
	v27 =	vadd.f32 $-1.608762290e-01, v27  }
0x6ec: {  	v32 =	vmul.f32 v22, v15;
	v22 =	vmul.f32 v23, v24;
	v23 =	vadd.f32 $1.000000000e+00, v28  }
0x6ed: {  	v27 =	vmul.f32 v27, v18;
	v24 =	vadd.f32 $-1.608762290e-01, v30;
	v28 =	vadd.f32 $-1.608762290e-01, v31  }
.Ltmp17:
0x6ee: {  	v26 =	vadd.f32 $1.988582020e-01, v26;
	v20 =	vadd.f32 v22, v20;
	v23 =	vmul.f32 v23, v25;
	(pc) =	sbr.rel @p1 .LBB2_36-.Ltmp17, $4  }
0x6ef: {  	v25 =	vadd.f32 $1.988582020e-01, v29;
	v22 =	vmul.f32 v24, v17;
	v29 =	vadd.f32 $1.988582020e-01, v32  }
0x6f0: {  	v30 =	vadd.f32 v20, v3;
	v21 =	vadd.f32 v23, v21;
	v20 =	vand.u32 $0x3FFF, v19  }
0x6f1: {  	v27 =	vadd.f32 $1.988582020e-01, v27;
	v24 =	vmul.f32 v26, v14;
	v26 =	vmul.f32 v28, v16  }
0x6f2: {  	s30 =	sadd.s32 $0x40, s30;
	v25 =	vmul.f32 v25, v13;
	v23 =	vmul.f32 v29, v15;
	v21 =	vsub.f32 v30, v21  }
0x6f3: {  	v19 =	vmul.f32 v27, v18;
	v22 =	vadd.f32 $1.988582020e-01, v22;
	v24 =	vadd.f32 $-2.498649660e-01, v24  }
0x6f4: {  	v26 =	vadd.f32 $1.988582020e-01, v26;
	v25 =	vadd.f32 $-2.498649660e-01, v25  }
0x6f5: {  	v22 =	vmul.f32 v22, v17;
	v24 =	vmul.f32 v24, v14;
	v19 =	vadd.f32 $-2.498649660e-01, v19  }
0x6f6: {  	v23 =	vadd.f32 $-2.498649660e-01, v23;
	v26 =	vmul.f32 v26, v16;
	v25 =	vmul.f32 v25, v13  }
0x6f7: {  	v22 =	vadd.f32 $-2.498649660e-01, v22;
	v24 =	vadd.f32 $3.333249690e-01, v24;
	v19 =	vmul.f32 v19, v18  }
0x6f8: {  	v23 =	vmul.f32 v23, v15;
	v26 =	vadd.f32 $-2.498649660e-01, v26;
	v25 =	vadd.f32 $3.333249690e-01, v25  }
0x6f9: {  	v22 =	vmul.f32 v22, v17;
	v24 =	vmul.f32 v24, v14;
	v19 =	vadd.f32 $3.333249690e-01, v19  }
0x6fa: {  	v23 =	vadd.f32 $3.333249690e-01, v23;
	v26 =	vmul.f32 v26, v16;
	v25 =	vmul.f32 v25, v13  }
0x6fb: {  	v22 =	vadd.f32 $3.333249690e-01, v22;
	v24 =	vadd.f32 $-4.999997910e-01, v24;
	v19 =	vmul.f32 v19, v18  }
0x6fc: {  	v23 =	vmul.f32 v23, v15;
	v26 =	vadd.f32 $3.333249690e-01, v26;
	v25 =	vadd.f32 $-4.999997910e-01, v25  }
0x6fd: {  	v22 =	vmul.f32 v22, v17;
	v24 =	vmul.f32 v24, v14;
	v19 =	vadd.f32 $-4.999997910e-01, v19  }
0x6fe: {  	v23 =	vadd.f32 $-4.999997910e-01, v23;
	v26 =	vmul.f32 v26, v16;
	v25 =	vmul.f32 v25, v13  }
0x6ff: {  	v22 =	vadd.f32 $-4.999997910e-01, v22;
	v24 =	vadd.f32 $1.000000000e+00, v24;
	v19 =	vmul.f32 v19, v18  }
0x700: {  	v23 =	vmul.f32 v23, v15;
	v26 =	vadd.f32 $-4.999997910e-01, v26;
	v25 =	vadd.f32 $1.000000000e+00, v25  }
0x701: {  	v22 =	vmul.f32 v22, v17;
	v54 =	vmul.f32 v24, v14;
	v19 =	vadd.f32 $1.000000000e+00, v19  }
0x702: {  	v23 =	vadd.f32 $1.000000000e+00, v23;
	v55 =	vmul.f32 v26, v16;
	v56 =	vmul.f32 v25, v13  }
0x703: {  	v57 =	vmul.f32 v19, v18;
	v58 =	vadd.f32 $1.000000000e+00, v22;
	v5 =	vadd.f32 v54, v5  }
0x704: {  	v59 =	vmul.f32 v23, v15;
	v60 =	vadd.f32 $1.000000000e+00, v55;
	v6 =	vadd.f32 v56, v6  }
0x705: {  	v61 =	vmul.f32 v58, v17;
	v5 =	vadd.f32 v5, v3;
	v8 =	vadd.f32 v57, v8  }
0x706: {  	v4 =	vadd.f32 v59, v4;
	v62 =	vmul.f32 v60, v16;
	v6 =	vadd.f32 v6, v3  }
0x707: {  	[tilespmem:s26+$0x10] =	vst v21;
	v7 =	vadd.f32 v61, v7;
	v5 =	vsub.f32 v5, v8  }
0x708: {  	[tilespmem:v20+s18+$0x0] =	vst.idx.add.f32.msk $0xffff, v21;
	v4 =	vadd.f32 v4, v3;
	v63 =	vadd.f32 v62, v9  }
0x709: {  	v6 =	vsub.f32 v6, v7;
	[tilespmem:s28+$0xFFFFFFE0] =	vst v5  }
0x70a: {  	v4 =	vsub.f32 v4, v63;
	[tilespmem:v12+s18+$0x0] =	vst.idx.add.f32.msk $0xffff, v5  }
0x70b: {  	[tilespmem:s28+$0xFFFFFFF0] =	vst v6  }
0x70c: {  	[tilespmem:s28+$0x0] =	vst v4  }
0x70d: {  	[tilespmem:v10+s18+$0x0] =	vst.idx.add.f32.msk $0xffff, v6  }
0x70e: {  	s0 =	simm.s32 $0x4E00;
	s2 =	simm.s32 $0x4DF0;
	s26 =	simm.s32 $0x9C80;
	[tilespmem:v11+s18+$0x0] =	vst.idx.add.f32.msk $0xffff, v4  }
.LBB2_38:
0x70f: {  	v4 =	vld [tilespmem:s0+$0x0];
	_ =	sdelay $0x4  }
0x710: {  	v5 =	vshrl.u32 v4, $0xE;
	_ =	sdelay $0x3  }
0x711: {  	v6 =	vld [tilespmem:s26+$0x0]  }
0x712: {  	v5 =	vld.idx.msk [tilespmem:v5+s15+$0x0], $0xffff;
	_ =	sdelay $0x4  }
0x713: {  	v5 =	vsub.f32 v5, v6;
	_ =	sdelay $0x1  }
0x714: {  	v6 =	vadd.f32 v5, v1;
	_ =	sdelay $0x1  }
0x715: {  	v5 =	vadd.f32 v5, v2;
	v7 =	vmax.f32 v6, $0.0e+00;
	v6 =	vmin.f32 v6, $0.0e+00  }
0x716: {  	v6 =	vsub.f32 v6, v7  }
0x717: {  	v8 =	vmax.f32 v5, $0.0e+00;
	v5 =	vmin.f32 v5, $0.0e+00  }
0x718: {  	v5 =	vsub.f32 v5, v8;
	v6 =	vmul.f32 $1.442695020e+00, v6;
	_ =	sdelay $0x1  }
0x719: {  	v5 =	vmul.f32 $1.442695020e+00, v5;
	(erf) = vpow2.f32 v6;
	_ =	sdelay $0x1  }
0x71a: {  	(erf) = vpow2.f32 v5;
	_ =	sdelay $0x6  }
0x71b: {  	v5 =	vpop (erf)  }
0x71c: {  	v62 =	vmul.f32 $1.986696620e-03, v5  }
0x71d: {  	v9 =	vpop (erf)  }
0x71e: {  	v10 =	vmul.f32 $1.986696620e-03, v9;
	v6 =	vadd.f32 $-1.318782660e-02, v62;
	_ =	sdelay $0x1  }
0x71f: {  	v10 =	vadd.f32 $-1.318782660e-02, v10;
	v6 =	vmul.f32 v6, v5;
	_ =	sdelay $0x1  }
0x720: {  	v10 =	vmul.f32 v10, v9;
	v6 =	vadd.f32 $4.100657250e-02, v6;
	_ =	sdelay $0x1  }
0x721: {  	v10 =	vadd.f32 $4.100657250e-02, v10;
	v6 =	vmul.f32 v6, v5;
	_ =	sdelay $0x1  }
0x722: {  	v10 =	vmul.f32 v10, v9;
	v6 =	vadd.f32 $-8.188040550e-02, v6;
	_ =	sdelay $0x1  }
0x723: {  	v10 =	vadd.f32 $-8.188040550e-02, v10;
	v6 =	vmul.f32 v6, v5;
	_ =	sdelay $0x1  }
0x724: {  	v10 =	vmul.f32 v10, v9;
	v6 =	vadd.f32 $1.237799600e-01, v6;
	_ =	sdelay $0x1  }
0x725: {  	v10 =	vadd.f32 $1.237799600e-01, v10;
	v6 =	vmul.f32 v6, v5;
	_ =	sdelay $0x1  }
0x726: {  	v10 =	vmul.f32 v10, v9;
	v6 =	vadd.f32 $-1.608762290e-01, v6;
	_ =	sdelay $0x1  }
0x727: {  	v10 =	vadd.f32 $-1.608762290e-01, v10;
	v6 =	vmul.f32 v6, v5;
	_ =	sdelay $0x1  }
0x728: {  	v10 =	vmul.f32 v10, v9;
	v6 =	vadd.f32 $1.988582020e-01, v6;
	_ =	sdelay $0x1  }
0x729: {  	v10 =	vadd.f32 $1.988582020e-01, v10;
	v6 =	vmul.f32 v6, v5;
	_ =	sdelay $0x1  }
0x72a: {  	v10 =	vmul.f32 v10, v9;
	v6 =	vadd.f32 $-2.498649660e-01, v6;
	_ =	sdelay $0x1  }
0x72b: {  	v10 =	vadd.f32 $-2.498649660e-01, v10;
	v6 =	vmul.f32 v6, v5;
	_ =	sdelay $0x1  }
0x72c: {  	v10 =	vmul.f32 v10, v9;
	v6 =	vadd.f32 $3.333249690e-01, v6;
	_ =	sdelay $0x1  }
0x72d: {  	v10 =	vadd.f32 $3.333249690e-01, v10;
	v6 =	vmul.f32 v6, v5;
	_ =	sdelay $0x1  }
0x72e: {  	v10 =	vmul.f32 v10, v9;
	v6 =	vadd.f32 $-4.999997910e-01, v6;
	_ =	sdelay $0x1  }
0x72f: {  	v10 =	vadd.f32 $-4.999997910e-01, v10;
	v6 =	vmul.f32 v6, v5;
	_ =	sdelay $0x1  }
0x730: {  	v10 =	vmul.f32 v10, v9;
	v6 =	vadd.f32 $1.000000000e+00, v6;
	_ =	sdelay $0x1  }
0x731: {  	v63 =	vadd.f32 $1.000000000e+00, v10;
	v5 =	vmul.f32 v6, v5;
	_ =	sdelay $0x1  }
0x732: {  	v6 =	vmul.f32 v63, v9;
	v5 =	vadd.f32 v5, v7  }
0x733: {  	s2 =	sadd.s32 $0x10, s2  }
0x734: {  	p1 =	slt.u32 s2, $0x4E10;
	v4 =	vand.u32 $0x3FFF, v4;
	v6 =	vadd.f32 v6, v8;
	v5 =	vadd.f32 v5, v3  }
.Ltmp18:
0x735: {  	_ = 	snop;
	(pc) =	sbr.rel @p1 .LBB2_38-.Ltmp18, $3  }
0x736: {  	v5 =	vsub.f32 v5, v6;
	_ =	sdelay $0x1  }
0x737: {  	[tilespmem:s26+$0x0] =	vst v5  }
0x738: {  	s0 =	sadd.s32 $0x10, s0;
	s26 =	sadd.s32 $0x10, s26;
	[tilespmem:v4+s18+$0x0] =	vst.idx.add.f32.msk $0xffff, v5  }
0x739: {  	[spmem:s8] =	stream.strided.scatter [tilespmem:s18], [sflag:$0x1], $0x2800, s20, s19, $0x38;
	[tilespmem:$0x14B80] =	vst v63  }
0x73a: {  	_ =	swait.ge [sflag:s14], $0x2800  }
0x73b: {  	[sflag:s14] =	ssyncset.done $0x0  }
0x73c: {  	[sflag:s14] =	ssyncadd.s32 $0xFFFFD800  }
0x73d: {  	s1 =	simm.s32 $0x0;
	s2 =	simm.s32 $0x0;
	[bflag:$0x0] =	sbarrier.arrive $0xFFFF  }
0x73e: {  	[tilespmem:s23], [sflag:$0x1] =	stream.strided.gather [spmem:s9], $0x2800, s22, s21, $0x38;
	[tilespmem:$0x14B80] =	vst v63  }
0x73f: {  	s0 =	sand.u32 $0x60, s2;
	s1 =	sand.u32 $0x1C00, s1;
	_ =	swait.ge [sflag:s14], $0x2800  }
0x740: {  	s5 =	sadd.s32 $0xF180, s1;
	s6 =	sor.u32 $0x10, s0;
	[sflag:s14] =	ssyncset.done $0x0  }
0x741: {  	s16 =	sor.u32 s6, s5;
	[sflag:s14] =	ssyncadd.s32 $0xFFFFD800  }
0x742: {  	v1 =	vld [tilespmem:s16+$0x0]  }
0x743: {  	s5 =	sor.u32 s0, s5;
	v2 =	vld [tilespmem:s16+$0x80]  }
0x744: {  	v3 =	vld [tilespmem:s5+$0x0]  }
0x745: {  	v4 =	vld [tilespmem:s16+$0x100]  }
0x746: {  	v5 =	vld [tilespmem:s5+$0x80]  }
0x747: {  	v6 =	vld [tilespmem:s16+$0x180]  }
0x748: {  	v7 =	vld [tilespmem:s5+$0x100]  }
0x749: {  	v8 =	vld [tilespmem:s16+$0x200]  }
0x74a: {  	v9 =	vld [tilespmem:s5+$0x180]  }
0x74b: {  	v10 =	vld [tilespmem:s16+$0x280]  }
0x74c: {  	v11 =	vld [tilespmem:s5+$0x200]  }
0x74d: {  	v12 =	vld [tilespmem:s16+$0x300]  }
0x74e: {  	v13 =	vld [tilespmem:s5+$0x280]  }
0x74f: {  	v14 =	vld [tilespmem:s16+$0x380]  }
0x750: {  	s17 =	sadd.s32 $0x10580, s1;
	v15 =	vld [tilespmem:s5+$0x300]  }
0x751: {  	s26 =	sadd.s32 $0x10600, s1;
	s16 =	sor.u32 s6, s17;
	v17 =	vld [tilespmem:s5+$0x380]  }
0x752: {  	s5 =	sor.u32 s6, s26;
	v16 =	vld [tilespmem:s16+$0x0]  }
0x753: {  	s16 =	sor.u32 s0, s17;
	s17 =	sadd.s32 $0x10680, s1;
	v18 =	vld [tilespmem:s5+$0x0]  }
0x754: {  	v19 =	vld [tilespmem:s16+$0x0];
	s5 =	sor.u32 s6, s17  }
0x755: {  	s16 =	sor.u32 s0, s26;
	s26 =	sadd.s32 $0x10700, s1;
	v20 =	vld [tilespmem:s5+$0x0]  }
0x756: {  	v21 =	vld [tilespmem:s16+$0x0];
	s5 =	sor.u32 s6, s26  }
0x757: {  	s16 =	sor.u32 s0, s17;
	s17 =	sadd.s32 $0x10780, s1;
	v22 =	vld [tilespmem:s5+$0x0]  }
0x758: {  	v23 =	vld [tilespmem:s16+$0x0];
	s5 =	sor.u32 s6, s17  }
0x759: {  	s2 =	sand.u32 $0x380, s2;
	s16 =	sor.u32 s0, s26;
	v24 =	vld [tilespmem:s5+$0x0]  }
0x75a: {  	s2 =	sor.u32 s2, s6;
	s26 =	sadd.s32 $0x10800, s1;
	v25 =	vld [tilespmem:s16+$0x0]  }
0x75b: {  	s5 =	sor.u32 s6, s26;
	v1 =	vadd.f32 v2, v1;
	v2 =	vadd.f32 v5, v3;
	v5 =	vld [tilespmem:s2+$0xED00]  }
0x75c: {  	s16 =	sor.u32 s0, s17;
	v26 =	vld [tilespmem:s5+$0x0]  }
0x75d: {  	s17 =	sadd.s32 $0x10880, s1;
	s26 =	sor.u32 s0, s26;
	v27 =	vld [tilespmem:s16+$0x0]  }
0x75e: {  	s16 =	sor.u32 s6, s17;
	v29 =	vld [tilespmem:s26+$0x0]  }
0x75f: {  	s29 =	simm.s32 $0x100;
	s28 =	simm.s32 $0xED00;
	s17 =	sor.u32 s0, s17;
	v28 =	vld [tilespmem:s16+$0x0]  }
0x760: {  	s31 =	sand.u32 $0x1C00, s29;
	s1 =	sadd.s32 $0x10900, s1;
	s26 =	simm.s32 $0x20;
	v3 =	vld [tilespmem:s17+$0x0]  }
0x761: {  	s16 =	sor.u32 s6, s1;
	s1 =	sor.u32 s0, s1;
	s0 =	sand.u32 $0x60, s26;
	v1 =	vadd.f32 v4, v1;
	v2 =	vadd.f32 v7, v2;
	v7 =	vld [tilespmem:s28+$0x0]  }
0x762: {  	s6 =	sadd.s32 $0xF180, s31;
	v30 =	vld [tilespmem:s16+$0x0];
	s30 =	sor.u32 $0x10, s0  }
0x763: {  	v4 =	vld [tilespmem:s1+$0x0];
	s16 =	sor.u32 s30, s6;
	v1 =	vadd.f32 v6, v1  }
0x764: {  	v2 =	vadd.f32 v9, v2;
	v6 =	vld [tilespmem:s16+$0x0]  }
0x765: {  	s5 =	sor.u32 s0, s6;
	v42 =	vld [tilespmem:s16+$0x80];
	v1 =	vadd.f32 v8, v1  }
0x766: {  	v44 =	vld [tilespmem:s5+$0x80];
	v2 =	vadd.f32 v11, v2  }
0x767: {  	v43 =	vld [tilespmem:s16+$0x100];
	v1 =	vadd.f32 v10, v1  }
0x768: {  	v8 =	vld [tilespmem:s5+$0x0];
	v2 =	vadd.f32 v13, v2  }
0x769: {  	v45 =	vld [tilespmem:s16+$0x180];
	v1 =	vadd.f32 v12, v1  }
0x76a: {  	v46 =	vld [tilespmem:s5+$0x100];
	v2 =	vadd.f32 v15, v2;
	v6 =	vadd.f32 v42, v6  }
0x76b: {  	v47 =	vld [tilespmem:s16+$0x200];
	v1 =	vadd.f32 v14, v1  }
0x76c: {  	v48 =	vld [tilespmem:s5+$0x180];
	v2 =	vadd.f32 v17, v2;
	v6 =	vadd.f32 v43, v6  }
0x76d: {  	v49 =	vld [tilespmem:s16+$0x280];
	v8 =	vadd.f32 v44, v8;
	v1 =	vadd.f32 v16, v1  }
0x76e: {  	v50 =	vld [tilespmem:s5+$0x200];
	v2 =	vadd.f32 v19, v2;
	v6 =	vadd.f32 v45, v6  }
0x76f: {  	v51 =	vld [tilespmem:s16+$0x300];
	v8 =	vadd.f32 v46, v8;
	v1 =	vadd.f32 v18, v1  }
0x770: {  	v52 =	vld [tilespmem:s5+$0x280];
	v2 =	vadd.f32 v21, v2;
	v6 =	vadd.f32 v47, v6  }
0x771: {  	s6 =	sadd.s32 $0x10580, s31;
	v53 =	vld [tilespmem:s16+$0x380];
	v8 =	vadd.f32 v48, v8;
	v1 =	vadd.f32 v20, v1  }
0x772: {  	v54 =	vld [tilespmem:s5+$0x300];
	s17 =	sor.u32 s30, s6;
	v2 =	vadd.f32 v23, v2;
	v6 =	vadd.f32 v49, v6  }
0x773: {  	s16 =	sadd.s32 $0x10600, s31;
	v55 =	vld [tilespmem:s17+$0x0];
	v8 =	vadd.f32 v50, v8;
	v1 =	vadd.f32 v22, v1  }
0x774: {  	v56 =	vld [tilespmem:s5+$0x380];
	s5 =	sor.u32 s30, s16;
	v2 =	vadd.f32 v25, v2;
	v6 =	vadd.f32 v51, v6  }
0x775: {  	s17 =	sor.u32 s0, s6;
	s6 =	sadd.s32 $0x10680, s31;
	v57 =	vld [tilespmem:s5+$0x0];
	v8 =	vadd.f32 v52, v8;
	v1 =	vadd.f32 v24, v1  }
0x776: {  	v58 =	vld [tilespmem:s17+$0x0];
	s5 =	sor.u32 s30, s6;
	v2 =	vadd.f32 v27, v2;
	v6 =	vadd.f32 v53, v6  }
0x777: {  	s17 =	sor.u32 s0, s16;
	s16 =	sadd.s32 $0x10700, s31;
	v59 =	vld [tilespmem:s5+$0x0];
	v8 =	vadd.f32 v54, v8;
	v1 =	vadd.f32 v26, v1  }
0x778: {  	v60 =	vld [tilespmem:s17+$0x0];
	s5 =	sor.u32 s30, s16;
	v2 =	vadd.f32 v29, v2;
	v6 =	vadd.f32 v55, v6  }
0x779: {  	s17 =	sor.u32 s0, s6;
	s6 =	sadd.s32 $0x10780, s31;
	v61 =	vld [tilespmem:s5+$0x0];
	v8 =	vadd.f32 v56, v8;
	v1 =	vadd.f32 v28, v1  }
0x77a: {  	v62 =	vld [tilespmem:s17+$0x0];
	s5 =	sor.u32 s30, s6;
	v2 =	vadd.f32 v3, v2;
	v3 =	vadd.f32 v57, v6  }
0x77b: {  	s17 =	sor.u32 s0, s16;
	s16 =	sadd.s32 $0x10800, s31;
	v6 =	vadd.f32 v58, v8;
	v8 =	vld [tilespmem:s5+$0x0];
	v1 =	vadd.f32 v30, v1  }
0x77c: {  	v63 =	vld [tilespmem:s17+$0x0];
	s5 =	sor.u32 s30, s16;
	v2 =	vadd.f32 v4, v2;
	v4 =	vadd.f32 v59, v3  }
0x77d: {  	s17 =	sor.u32 s0, s6;
	s6 =	sadd.s32 $0x10880, s31;
	v6 =	vadd.f32 v60, v6;
	v3 =	vld [tilespmem:s5+$0x0];
	v5 =	vadd.f32 v1, v5  }
0x77e: {  	s5 =	sor.u32 s30, s6;
	v7 =	vadd.f32 v2, v7;
	v1 =	vld [tilespmem:s17+$0x0];
	v9 =	vadd.f32 v61, v4  }
0x77f: {  	s17 =	sor.u32 s0, s16;
	v6 =	vadd.f32 v62, v6;
	s16 =	sadd.s32 $0x10900, s31;
	v2 =	vld [tilespmem:s5+$0x0];
	s31 =	simm.s32 $0x11980  }
0x780: {  	v4 =	vld [tilespmem:s17+$0x0];
	s5 =	sor.u32 s30, s16;
	[tilespmem:s31+$0x0] =	vst v7;
	v7 =	vadd.f32 v8, v9  }
0x781: {  	s17 =	sor.u32 s0, s6;
	s16 =	sor.u32 s0, s16;
	s0 =	sand.u32 $0x380, s26;
	[tilespmem:s2+$0x11980] =	vst v5;
	v6 =	vadd.f32 v63, v6;
	v5 =	vld [tilespmem:s5+$0x0]  }
.LBB2_40:
0x782: {  	s26 =	sadd.s32 $0x20, s26;
	v8 =	vld [tilespmem:s17+$0x0];
	v3 =	vadd.f32 v3, v7;
	s1 =	sor.u32 s0, s30;
	s29 =	sadd.s32 $0x100, s29  }
0x783: {  	s0 =	sand.u32 $0x60, s26;
	s2 =	sand.u32 $0x1C00, s29;
	p1 =	slt.u32 s26, $0x260;
	v1 =	vadd.f32 v1, v6;
	v6 =	vld [tilespmem:s1+$0xED00]  }
0x784: {  	s28 =	sadd.s32 $0x20, s28;
	s5 =	sadd.s32 $0xF180, s2;
	s30 =	sor.u32 $0x10, s0;
	v7 =	vld [tilespmem:s16+$0x0];
	v2 =	vadd.f32 v2, v3  }
0x785: {  	s6 =	sor.u32 s0, s5;
	s5 =	sor.u32 s30, s5;
	v1 =	vadd.f32 v4, v1;
	v3 =	vld [tilespmem:s28+$0x0]  }
0x786: {  	v4 =	vld [tilespmem:s5+$0x0];
	v2 =	vadd.f32 v5, v2  }
0x787: {  	v5 =	vld [tilespmem:s5+$0x80];
	v1 =	vadd.f32 v8, v1  }
0x788: {  	v8 =	vld [tilespmem:s6+$0x0];
	v2 =	vadd.f32 v2, v6  }
0x789: {  	v6 =	vld [tilespmem:s5+$0x100];
	v1 =	vadd.f32 v7, v1  }
0x78a: {  	v7 =	vld [tilespmem:s6+$0x80];
	[tilespmem:s1+$0x11980] =	vst v2  }
0x78b: {  	v2 =	vld [tilespmem:s5+$0x180];
	v1 =	vadd.f32 v1, v3  }
0x78c: {  	s31 =	sadd.s32 $0x20, s31;
	v3 =	vld [tilespmem:s6+$0x100];
	v4 =	vadd.f32 v5, v4  }
0x78d: {  	v5 =	vld [tilespmem:s5+$0x200];
	[tilespmem:s31+$0x0] =	vst v1  }
0x78e: {  	v1 =	vld [tilespmem:s6+$0x180];
	v4 =	vadd.f32 v6, v4  }
0x78f: {  	v6 =	vadd.f32 v7, v8;
	v7 =	vld [tilespmem:s5+$0x280]  }
0x790: {  	v8 =	vld [tilespmem:s6+$0x200];
	v2 =	vadd.f32 v2, v4  }
0x791: {  	v3 =	vadd.f32 v3, v6;
	v4 =	vld [tilespmem:s5+$0x300]  }
0x792: {  	v6 =	vld [tilespmem:s6+$0x280];
	v2 =	vadd.f32 v5, v2  }
0x793: {  	s1 =	sadd.s32 $0x10580, s2;
	v1 =	vadd.f32 v1, v3;
	v3 =	vld [tilespmem:s5+$0x380]  }
0x794: {  	s5 =	sor.u32 s0, s1;
	s1 =	sor.u32 s30, s1;
	v5 =	vld [tilespmem:s6+$0x300];
	v2 =	vadd.f32 v7, v2  }
0x795: {  	s16 =	sadd.s32 $0x10600, s2;
	v1 =	vadd.f32 v8, v1;
	v7 =	vld [tilespmem:s1+$0x0]  }
0x796: {  	s1 =	sor.u32 s0, s16;
	v8 =	vld [tilespmem:s6+$0x380];
	v2 =	vadd.f32 v4, v2;
	s6 =	sor.u32 s30, s16  }
0x797: {  	s16 =	sadd.s32 $0x10680, s2;
	v1 =	vadd.f32 v6, v1;
	v4 =	vld [tilespmem:s6+$0x0]  }
0x798: {  	s6 =	sor.u32 s30, s16;
	v6 =	vld [tilespmem:s5+$0x0];
	s5 =	sor.u32 s0, s16;
	v2 =	vadd.f32 v3, v2  }
0x799: {  	s16 =	sadd.s32 $0x10700, s2;
	v1 =	vadd.f32 v5, v1;
	v3 =	vld [tilespmem:s6+$0x0]  }
0x79a: {  	s6 =	sor.u32 s30, s16;
	v5 =	vld [tilespmem:s1+$0x0];
	s1 =	sor.u32 s0, s16;
	v2 =	vadd.f32 v7, v2  }
0x79b: {  	s16 =	sadd.s32 $0x10780, s2;
	v1 =	vadd.f32 v8, v1;
	v7 =	vld [tilespmem:s6+$0x0]  }
0x79c: {  	s6 =	sor.u32 s30, s16;
	v8 =	vld [tilespmem:s5+$0x0];
	s5 =	sor.u32 s0, s16;
	v2 =	vadd.f32 v4, v2  }
0x79d: {  	s16 =	sadd.s32 $0x10800, s2;
	v1 =	vadd.f32 v6, v1;
	v6 =	vld [tilespmem:s6+$0x0]  }
0x79e: {  	s6 =	sor.u32 s30, s16;
	v9 =	vld [tilespmem:s1+$0x0];
	s1 =	sor.u32 s0, s16;
	v2 =	vadd.f32 v3, v2  }
.Ltmp19:
0x79f: {  	s16 =	sadd.s32 $0x10880, s2;
	v4 =	vadd.f32 v5, v1;
	v3 =	vld [tilespmem:s6+$0x0];
	(pc) =	sbr.rel @p1 .LBB2_40-.Ltmp19, $4  }
0x7a0: {  	s17 =	sor.u32 s0, s16;
	v1 =	vld [tilespmem:s5+$0x0];
	v5 =	vadd.f32 v7, v2;
	s5 =	sor.u32 s30, s16  }
0x7a1: {  	s2 =	sadd.s32 $0x10900, s2;
	v8 =	vadd.f32 v8, v4;
	v2 =	vld [tilespmem:s5+$0x0]  }
0x7a2: {  	s16 =	sor.u32 s0, s2;
	s0 =	sor.u32 s30, s2;
	v4 =	vld [tilespmem:s1+$0x0];
	v7 =	vadd.f32 v6, v5  }
0x7a3: {  	v6 =	vadd.f32 v9, v8;
	v5 =	vld [tilespmem:s0+$0x0];
	s0 =	sand.u32 $0x380, s26  }
0x7a4: {  	v8 =	vld [tilespmem:s17+$0x0]  }
0x7a5: {  	v1 =	vadd.f32 v1, v6  }
0x7a6: {  	v3 =	vadd.f32 v3, v7;
	s0 =	sor.u32 s0, s30;
	v6 =	vld [tilespmem:s16+$0x0]  }
0x7a7: {  	s1 =	sadd.s32 $0x20, s28;
	v7 =	vld [tilespmem:s0+$0xED00];
	v1 =	vadd.f32 v4, v1  }
0x7a8: {  	v2 =	vadd.f32 v2, v3;
	v3 =	vld [tilespmem:s1+$0x0]  }
0x7a9: {  	v1 =	vadd.f32 v8, v1  }
0x7aa: {  	v2 =	vadd.f32 v5, v2  }
0x7ab: {  	v1 =	vadd.f32 v6, v1  }
0x7ac: {  	v2 =	vadd.f32 v2, v7  }
0x7ad: {  	v1 =	vadd.f32 v1, v3  }
0x7ae: {  	s17 =	sadd.s32 $0x20, s31;
	[tilespmem:s0+$0x11980] =	vst v2  }
0x7af: {  	s26 =	simm.s32 $0x11990;
	[tilespmem:s17+$0x0] =	vst v1  }
0x7b0: {  	v1 =	vld [tilespmem:s26+$0x0];
	_ =	sdelay $0x4  }
0x7b1: {  	v2 =	vsub.f32 $0.0e+00, v1;
	_ =	sdelay $0x1  }
0x7b2: {  	v3 =	vld [tilespmem:s26+$0xFFFFFFF0];
	v12 =	vmax.f32 v2, $0.0e+00;
	v2 =	vmin.f32 v2, $0.0e+00  }
0x7b3: {  	v13 =	vmax.f32 v1, $0.0e+00;
	v1 =	vmin.f32 v1, $0.0e+00;
	v2 =	vsub.f32 v2, v12  }
0x7b4: {  	v1 =	vsub.f32 v1, v13  }
0x7b5: {  	v2 =	vmul.f32 $1.442695020e+00, v2  }
0x7b6: {  	v5 =	vmul.f32 $1.442695020e+00, v1  }
0x7b7: {  	v4 =	vsub.f32 $0.0e+00, v3;
	(erf) = vpow2.f32 v2  }
0x7b8: {  	(erf) = vpow2.f32 v5  }
0x7b9: {  	v1 =	vmax.f32 v4, $0.0e+00;
	v4 =	vmin.f32 v4, $0.0e+00  }
0x7ba: {  	v4 =	vsub.f32 v4, v1;
	v2 =	vmax.f32 v3, $0.0e+00;
	v3 =	vmin.f32 v3, $0.0e+00  }
0x7bb: {  	v3 =	vsub.f32 v3, v2  }
0x7bc: {  	v4 =	vmul.f32 $1.442695020e+00, v4  }
0x7bd: {  	v3 =	vmul.f32 $1.442695020e+00, v3  }
0x7be: {  	(erf) = vpow2.f32 v4  }
0x7bf: {  	(erf) = vpow2.f32 v3  }
0x7c0: {  	v11 =	vpop (erf)  }
0x7c1: {  	v3 =	vmul.f32 $1.986696620e-03, v11;
	v14 =	vpop (erf)  }
0x7c2: {  	v4 =	vmul.f32 $1.986696620e-03, v14  }
0x7c3: {  	v3 =	vadd.f32 $-1.318782660e-02, v3  }
0x7c4: {  	v4 =	vadd.f32 $-1.318782660e-02, v4;
	_ =	sdelay $0x1  }
0x7c5: {  	v5 =	vmul.f32 v3, v11;
	v6 =	vmul.f32 v4, v14  }
0x7c6: {  	v3 =	vpop (erf)  }
0x7c7: {  	v5 =	vadd.f32 $4.100657250e-02, v5;
	v7 =	vmul.f32 $1.986696620e-03, v3;
	v4 =	vpop (erf);
	v6 =	vadd.f32 $4.100657250e-02, v6  }
0x7c8: {  	v8 =	vmul.f32 $1.986696620e-03, v4  }
0x7c9: {  	v5 =	vmul.f32 v5, v11;
	v7 =	vadd.f32 $-1.318782660e-02, v7;
	v6 =	vmul.f32 v6, v14  }
0x7ca: {  	v8 =	vadd.f32 $-1.318782660e-02, v8  }
0x7cb: {  	v5 =	vadd.f32 $-8.188040550e-02, v5;
	v7 =	vmul.f32 v7, v3;
	v6 =	vadd.f32 $-8.188040550e-02, v6  }
0x7cc: {  	v8 =	vmul.f32 v8, v4  }
0x7cd: {  	v5 =	vmul.f32 v5, v11;
	v7 =	vadd.f32 $4.100657250e-02, v7;
	v6 =	vmul.f32 v6, v14  }
0x7ce: {  	s31 =	simm.s32 $0x119B0;
	v8 =	vadd.f32 $4.100657250e-02, v8  }
0x7cf: {  	v10 =	vld [tilespmem:s31+$0xFFFFFFF0];
	v5 =	vadd.f32 $1.237799600e-01, v5;
	v7 =	vmul.f32 v7, v3;
	v6 =	vadd.f32 $1.237799600e-01, v6  }
0x7d0: {  	v8 =	vmul.f32 v8, v4  }
0x7d1: {  	v9 =	vld [tilespmem:s31+$0x0];
	v5 =	vmul.f32 v5, v11;
	v7 =	vadd.f32 $-8.188040550e-02, v7;
	v6 =	vmul.f32 v6, v14  }
0x7d2: {  	v8 =	vadd.f32 $-8.188040550e-02, v8  }
0x7d3: {  	v5 =	vadd.f32 $-1.608762290e-01, v5;
	v7 =	vmul.f32 v7, v3;
	v6 =	vadd.f32 $-1.608762290e-01, v6  }
0x7d4: {  	v17 =	vsub.f32 $0.0e+00, v10;
	v8 =	vmul.f32 v8, v4  }
0x7d5: {  	v15 =	vadd.f32 $1.237799600e-01, v7;
	v7 =	vmul.f32 v5, v11;
	v6 =	vmul.f32 v6, v14  }
0x7d6: {  	v5 =	vmax.f32 v9, $0.0e+00;
	v16 =	vadd.f32 $1.237799600e-01, v8;
	v8 =	vsub.f32 $0.0e+00, v9  }
0x7d7: {  	v9 =	vmin.f32 v9, $0.0e+00;
	v18 =	vadd.f32 $1.988582020e-01, v7;
	v6 =	vadd.f32 $1.988582020e-01, v6  }
0x7d8: {  	v9 =	vsub.f32 v9, v5;
	v7 =	vmax.f32 v8, $0.0e+00;
	v8 =	vmin.f32 v8, $0.0e+00  }
0x7d9: {  	v16 =	vmul.f32 v16, v4;
	v19 =	vsub.f32 v8, v7;
	v18 =	vmul.f32 v18, v11  }
0x7da: {  	v8 =	vmax.f32 v17, $0.0e+00;
	v20 =	vmul.f32 v6, v14;
	v17 =	vmin.f32 v17, $0.0e+00  }
0x7db: {  	v6 =	vmax.f32 v10, $0.0e+00;
	v19 =	vmul.f32 $1.442695020e+00, v19;
	v18 =	vadd.f32 $-2.498649660e-01, v18  }
0x7dc: {  	v9 =	vmul.f32 $1.442695020e+00, v9;
	v10 =	vmin.f32 v10, $0.0e+00;
	v20 =	vadd.f32 $-2.498649660e-01, v20  }
0x7dd: {  	v17 =	vsub.f32 v17, v8;
	(erf) = vpow2.f32 v19;
	v18 =	vmul.f32 v18, v11  }
0x7de: {  	v16 =	vadd.f32 $-1.608762290e-01, v16;
	(erf) = vpow2.f32 v9;
	v9 =	vmul.f32 v20, v14  }
0x7df: {  	v15 =	vmul.f32 v15, v3;
	v10 =	vsub.f32 v10, v6;
	v17 =	vmul.f32 $1.442695020e+00, v17  }
0x7e0: {  	v16 =	vmul.f32 v16, v4;
	v18 =	vadd.f32 $3.333249690e-01, v18;
	v9 =	vadd.f32 $3.333249690e-01, v9  }
0x7e1: {  	v15 =	vadd.f32 $-1.608762290e-01, v15;
	v10 =	vmul.f32 $1.442695020e+00, v10;
	(erf) = vpow2.f32 v17  }
0x7e2: {  	v16 =	vadd.f32 $1.988582020e-01, v16;
	v18 =	vmul.f32 v18, v11;
	v9 =	vmul.f32 v9, v14  }
0x7e3: {  	(erf) = vpow2.f32 v10;
	v10 =	vmul.f32 v15, v3  }
0x7e4: {  	v16 =	vmul.f32 v16, v4;
	v15 =	vadd.f32 $-4.999997910e-01, v18  }
0x7e5: {  	v17 =	vadd.f32 $-4.999997910e-01, v9  }
0x7e6: {  	v16 =	vadd.f32 $-2.498649660e-01, v16;
	v15 =	vmul.f32 v15, v11;
	v9 =	vpop (erf)  }
0x7e7: {  	v18 =	vadd.f32 $1.988582020e-01, v10;
	v17 =	vmul.f32 v17, v14;
	v19 =	vmul.f32 $1.986696620e-03, v9;
	v10 =	vpop (erf)  }
0x7e8: {  	v16 =	vmul.f32 v16, v4;
	v15 =	vadd.f32 $1.000000000e+00, v15;
	v20 =	vmul.f32 $1.986696620e-03, v10  }
0x7e9: {  	v18 =	vmul.f32 v18, v3;
	v17 =	vadd.f32 $1.000000000e+00, v17;
	v19 =	vadd.f32 $-1.318782660e-02, v19  }
0x7ea: {  	v16 =	vadd.f32 $3.333249690e-01, v16;
	v15 =	vmul.f32 v15, v11;
	v20 =	vadd.f32 $-1.318782660e-02, v20  }
0x7eb: {  	v18 =	vadd.f32 $-2.498649660e-01, v18;
	v11 =	vpop (erf);
	v14 =	vmul.f32 v17, v14;
	v17 =	vmul.f32 v19, v9  }
0x7ec: {  	v15 =	vadd.f32 v15, v12;
	v19 =	vmul.f32 $1.986696620e-03, v11;
	v12 =	vpop (erf);
	v20 =	vmul.f32 v20, v10  }
0x7ed: {  	v13 =	vadd.f32 v14, v13;
	v14 =	vmul.f32 $1.986696620e-03, v12;
	v17 =	vadd.f32 $4.100657250e-02, v17  }
0x7ee: {  	v16 =	vmul.f32 v16, v4;
	v18 =	vmul.f32 v18, v3;
	v20 =	vadd.f32 $4.100657250e-02, v20  }
0x7ef: {  	v19 =	vadd.f32 $-1.318782660e-02, v19;
	v14 =	vadd.f32 $-1.318782660e-02, v14;
	v17 =	vmul.f32 v17, v9  }
0x7f0: {  	v23 =	vadd.f32 $-4.999997910e-01, v16;
	v18 =	vadd.f32 $3.333249690e-01, v18;
	v20 =	vmul.f32 v20, v10  }
0x7f1: {  	v19 =	vmul.f32 v19, v11;
	v14 =	vmul.f32 v14, v12;
	v17 =	vadd.f32 $-8.188040550e-02, v17  }
0x7f2: {  	v15 =	vsub.f32 $0.0e+00, v15;
	v18 =	vmul.f32 v18, v3;
	v20 =	vadd.f32 $-8.188040550e-02, v20  }
0x7f3: {  	v19 =	vadd.f32 $4.100657250e-02, v19;
	v14 =	vadd.f32 $4.100657250e-02, v14;
	v21 =	vmul.f32 v17, v9  }
0x7f4: {  	s26 =	simm.s32 $0x11C10;
	v13 =	vsub.f32 $0.0e+00, v13;
	v22 =	vadd.f32 $-4.999997910e-01, v18;
	v20 =	vmul.f32 v20, v10  }
0x7f5: {  	s28 =	simm.s32 $0x11E90;
	[tilespmem:s26+$0x0] =	vst v15;
	v17 =	vmul.f32 v19, v11;
	v18 =	vmul.f32 v14, v12;
	v16 =	vadd.f32 $1.237799600e-01, v21  }
0x7f6: {  	s29 =	simm.s32 $0x20;
	s30 =	simm.s32 $0x119D0;
	[tilespmem:s28+$0x0] =	vst v13;
	v13 =	vmul.f32 v23, v4;
	v14 =	vmul.f32 v22, v3;
	v15 =	vadd.f32 $1.237799600e-01, v20  }
.LBB2_42:
0x7f7: {  	v19 =	vld [tilespmem:s30+$0x0];
	v17 =	vadd.f32 $-8.188040550e-02, v17;
	v18 =	vadd.f32 $-8.188040550e-02, v18;
	v16 =	vmul.f32 v16, v9  }
0x7f8: {  	s29 =	sadd.s32 $0x20, s29;
	v20 =	vld [tilespmem:s30+$0xFFFFFFF0];
	v15 =	vmul.f32 v15, v10;
	v14 =	vadd.f32 $1.000000000e+00, v14;
	v13 =	vadd.f32 $1.000000000e+00, v13  }
0x7f9: {  	p1 =	slt.u32 s29, $0x260;
	v17 =	vmul.f32 v17, v11;
	v18 =	vmul.f32 v18, v12;
	v16 =	vadd.f32 $-1.608762290e-01, v16  }
0x7fa: {  	v15 =	vadd.f32 $-1.608762290e-01, v15;
	v14 =	vmul.f32 v14, v3;
	v13 =	vmul.f32 v13, v4;
	v3 =	vmovc v11;
	v4 =	vmovc v12  }
0x7fb: {  	v11 =	vadd.f32 $1.237799600e-01, v17;
	v12 =	vadd.f32 $1.237799600e-01, v18;
	v16 =	vmul.f32 v16, v9  }
0x7fc: {  	v17 =	vsub.f32 $0.0e+00, v19;
	v15 =	vmul.f32 v15, v10;
	v14 =	vadd.f32 v14, v1;
	v1 =	vmovc v8  }
0x7fd: {  	v21 =	vmax.f32 v19, $0.0e+00;
	v18 =	vsub.f32 $0.0e+00, v20;
	v8 =	vadd.f32 $1.988582020e-01, v16  }
0x7fe: {  	v16 =	vmax.f32 v17, $0.0e+00;
	v17 =	vmin.f32 v17, $0.0e+00;
	v15 =	vadd.f32 $1.988582020e-01, v15  }
0x7ff: {  	v19 =	vmin.f32 v19, $0.0e+00;
	v17 =	vsub.f32 v17, v16;
	v22 =	vmul.f32 v8, v9  }
0x800: {  	v19 =	vsub.f32 v19, v21;
	v8 =	vmax.f32 v18, $0.0e+00;
	v15 =	vmul.f32 v15, v10  }
0x801: {  	v18 =	vmin.f32 v18, $0.0e+00;
	v17 =	vmul.f32 $1.442695020e+00, v17;
	v22 =	vadd.f32 $-2.498649660e-01, v22  }
0x802: {  	v23 =	vmax.f32 v20, $0.0e+00;
	v19 =	vmul.f32 $1.442695020e+00, v19;
	v15 =	vadd.f32 $-2.498649660e-01, v15  }
0x803: {  	v20 =	vmin.f32 v20, $0.0e+00;
	(erf) = vpow2.f32 v17;
	v17 =	vmul.f32 v22, v9  }
0x804: {  	v18 =	vsub.f32 v18, v8;
	(erf) = vpow2.f32 v19;
	v15 =	vmul.f32 v15, v10  }
0x805: {  	v11 =	vmul.f32 v11, v3;
	v19 =	vsub.f32 v20, v23;
	v17 =	vadd.f32 $3.333249690e-01, v17  }
0x806: {  	v12 =	vmul.f32 v12, v4;
	v18 =	vmul.f32 $1.442695020e+00, v18;
	v15 =	vadd.f32 $3.333249690e-01, v15  }
0x807: {  	v11 =	vadd.f32 $-1.608762290e-01, v11;
	v19 =	vmul.f32 $1.442695020e+00, v19;
	v17 =	vmul.f32 v17, v9  }
0x808: {  	v12 =	vadd.f32 $-1.608762290e-01, v12;
	(erf) = vpow2.f32 v18;
	v15 =	vmul.f32 v15, v10  }
0x809: {  	v11 =	vmul.f32 v11, v3;
	(erf) = vpow2.f32 v19;
	v17 =	vadd.f32 $-4.999997910e-01, v17  }
0x80a: {  	v13 =	vadd.f32 v13, v2;
	v2 =	vmovc v6;
	v6 =	vmovc v23;
	v12 =	vmul.f32 v12, v4;
	v15 =	vadd.f32 $-4.999997910e-01, v15  }
0x80b: {  	v14 =	vsub.f32 $0.0e+00, v14;
	v11 =	vadd.f32 $1.988582020e-01, v11;
	v17 =	vmul.f32 v17, v9  }
0x80c: {  	v13 =	vsub.f32 $0.0e+00, v13;
	v12 =	vadd.f32 $1.988582020e-01, v12;
	v18 =	vpop (erf);
	v15 =	vmul.f32 v15, v10  }
0x80d: {  	v11 =	vmul.f32 v11, v3;
	v19 =	vmul.f32 $1.986696620e-03, v18;
	v20 =	vpop (erf);
	v17 =	vadd.f32 $1.000000000e+00, v17;
	[tilespmem:s26+$0xFFFFFFF0] =	vst v14  }
0x80e: {  	v12 =	vmul.f32 v12, v4;
	v14 =	vmul.f32 $1.986696620e-03, v20;
	v15 =	vadd.f32 $1.000000000e+00, v15;
	[tilespmem:s28+$0xFFFFFFF0] =	vst v13  }
0x80f: {  	v13 =	vadd.f32 $-1.318782660e-02, v19;
	v19 =	vadd.f32 $-2.498649660e-01, v11;
	v17 =	vmul.f32 v17, v9;
	v9 =	vmovc v18  }
0x810: {  	v18 =	vadd.f32 $-2.498649660e-01, v12;
	v14 =	vadd.f32 $-1.318782660e-02, v14;
	v15 =	vmul.f32 v15, v10;
	v10 =	vmovc v20  }
0x811: {  	v13 =	vmul.f32 v13, v9;
	v11 =	vpop (erf);
	v19 =	vmul.f32 v19, v3;
	v23 =	vadd.f32 v17, v7  }
0x812: {  	v17 =	vmul.f32 $1.986696620e-03, v11;
	v14 =	vmul.f32 v14, v10;
	v12 =	vpop (erf);
	v15 =	vadd.f32 v15, v5  }
0x813: {  	v7 =	vmovc v16;
	v5 =	vmovc v21;
	v20 =	vmul.f32 $1.986696620e-03, v12;
	v13 =	vadd.f32 $4.100657250e-02, v13;
	v22 =	vsub.f32 $0.0e+00, v23  }
0x814: {  	s26 =	sadd.s32 $0x20, s26;
	v16 =	vmul.f32 v18, v4;
	v14 =	vadd.f32 $4.100657250e-02, v14;
	v15 =	vsub.f32 $0.0e+00, v15  }
0x815: {  	s28 =	sadd.s32 $0x20, s28;
	v17 =	vadd.f32 $-1.318782660e-02, v17;
	v18 =	vadd.f32 $-1.318782660e-02, v20;
	v13 =	vmul.f32 v13, v9;
	[tilespmem:s26+$0x0] =	vst v22  }
0x816: {  	v19 =	vadd.f32 $3.333249690e-01, v19;
	v16 =	vadd.f32 $3.333249690e-01, v16;
	v14 =	vmul.f32 v14, v10;
	[tilespmem:s28+$0x0] =	vst v15  }
0x817: {  	v15 =	vmul.f32 v17, v11;
	v17 =	vmul.f32 v18, v12;
	v13 =	vadd.f32 $-8.188040550e-02, v13  }
.Ltmp20:
0x818: {  	v16 =	vmul.f32 v16, v4;
	v18 =	vmul.f32 v19, v3;
	v14 =	vadd.f32 $-8.188040550e-02, v14;
	(pc) =	sbr.rel @p1 .LBB2_42-.Ltmp20, $4  }
0x819: {  	v15 =	vadd.f32 $4.100657250e-02, v15;
	v19 =	vadd.f32 $4.100657250e-02, v17;
	v13 =	vmul.f32 v13, v9  }
0x81a: {  	v21 =	vadd.f32 $-4.999997910e-01, v16;
	v20 =	vadd.f32 $-4.999997910e-01, v18;
	v14 =	vmul.f32 v14, v10  }
0x81b: {  	v17 =	vmul.f32 v15, v11;
	v18 =	vmul.f32 v19, v12;
	v16 =	vadd.f32 $1.237799600e-01, v13  }
0x81c: {  	s30 =	sadd.s32 $0x20, s30;
	v13 =	vmul.f32 v21, v4;
	v15 =	vadd.f32 $1.237799600e-01, v14;
	v14 =	vmul.f32 v20, v3  }
0x81d: {  	v17 =	vadd.f32 $-8.188040550e-02, v17  }
0x81e: {  	v18 =	vadd.f32 $-8.188040550e-02, v18  }
0x81f: {  	v17 =	vmul.f32 v17, v11  }
0x820: {  	v18 =	vmul.f32 v18, v12  }
0x821: {  	v16 =	vmul.f32 v16, v9;
	v17 =	vadd.f32 $1.237799600e-01, v17  }
0x822: {  	v15 =	vmul.f32 v15, v10;
	v18 =	vadd.f32 $1.237799600e-01, v18  }
0x823: {  	v16 =	vadd.f32 $-1.608762290e-01, v16;
	v17 =	vmul.f32 v17, v11  }
0x824: {  	v15 =	vadd.f32 $-1.608762290e-01, v15;
	v18 =	vmul.f32 v18, v12  }
0x825: {  	v16 =	vmul.f32 v16, v9;
	v17 =	vadd.f32 $-1.608762290e-01, v17  }
0x826: {  	v15 =	vmul.f32 v15, v10;
	v18 =	vadd.f32 $-1.608762290e-01, v18  }
0x827: {  	v16 =	vadd.f32 $1.988582020e-01, v16;
	v17 =	vmul.f32 v17, v11  }
0x828: {  	v15 =	vadd.f32 $1.988582020e-01, v15;
	v18 =	vmul.f32 v18, v12  }
0x829: {  	v16 =	vmul.f32 v16, v9;
	v17 =	vadd.f32 $1.988582020e-01, v17  }
0x82a: {  	v15 =	vmul.f32 v15, v10;
	v18 =	vadd.f32 $1.988582020e-01, v18  }
0x82b: {  	v16 =	vadd.f32 $-2.498649660e-01, v16;
	v17 =	vmul.f32 v17, v11  }
0x82c: {  	v15 =	vadd.f32 $-2.498649660e-01, v15;
	v18 =	vmul.f32 v18, v12  }
0x82d: {  	v16 =	vmul.f32 v16, v9;
	v17 =	vadd.f32 $-2.498649660e-01, v17  }
0x82e: {  	v15 =	vmul.f32 v15, v10;
	v18 =	vadd.f32 $-2.498649660e-01, v18  }
0x82f: {  	v16 =	vadd.f32 $3.333249690e-01, v16;
	v17 =	vmul.f32 v17, v11  }
0x830: {  	v15 =	vadd.f32 $3.333249690e-01, v15;
	v18 =	vmul.f32 v18, v12  }
0x831: {  	v16 =	vmul.f32 v16, v9;
	v17 =	vadd.f32 $3.333249690e-01, v17  }
0x832: {  	v15 =	vmul.f32 v15, v10;
	v18 =	vadd.f32 $3.333249690e-01, v18  }
0x833: {  	v16 =	vadd.f32 $-4.999997910e-01, v16;
	v17 =	vmul.f32 v17, v11  }
0x834: {  	v15 =	vadd.f32 $-4.999997910e-01, v15;
	v18 =	vmul.f32 v18, v12  }
0x835: {  	v14 =	vadd.f32 $1.000000000e+00, v14;
	v16 =	vmul.f32 v16, v9;
	v17 =	vadd.f32 $-4.999997910e-01, v17  }
0x836: {  	v13 =	vadd.f32 $1.000000000e+00, v13;
	v15 =	vmul.f32 v15, v10;
	v18 =	vadd.f32 $-4.999997910e-01, v18  }
0x837: {  	v3 =	vmul.f32 v14, v3;
	v54 =	vadd.f32 $1.000000000e+00, v16;
	v55 =	vmul.f32 v17, v11  }
0x838: {  	v4 =	vmul.f32 v13, v4;
	v56 =	vadd.f32 $1.000000000e+00, v15;
	v57 =	vmul.f32 v18, v12  }
0x839: {  	v1 =	vadd.f32 v3, v1;
	v3 =	vmul.f32 v54, v9;
	v58 =	vadd.f32 $1.000000000e+00, v55  }
0x83a: {  	v2 =	vadd.f32 v4, v2;
	v59 =	vmul.f32 v56, v10;
	v60 =	vadd.f32 $1.000000000e+00, v57  }
0x83b: {  	v1 =	vsub.f32 $0.0e+00, v1;
	v3 =	vadd.f32 v3, v7;
	v61 =	vmul.f32 v58, v11  }
0x83c: {  	v2 =	vsub.f32 $0.0e+00, v2;
	v4 =	vadd.f32 v59, v5;
	v62 =	vmul.f32 v60, v12  }
0x83d: {  	[tilespmem:s26+$0xFFFFFFF0] =	vst v1;
	v1 =	vsub.f32 $0.0e+00, v3;
	v3 =	vadd.f32 v61, v8  }
0x83e: {  	s0 =	sadd.s32 $0x20, s26;
	[tilespmem:s28+$0xFFFFFFF0] =	vst v2;
	v2 =	vsub.f32 $0.0e+00, v4;
	v63 =	vadd.f32 v62, v6  }
0x83f: {  	s1 =	sadd.s32 $0x20, s28;
	[tilespmem:s0+$0x0] =	vst v1;
	v1 =	vsub.f32 $0.0e+00, v3  }
0x840: {  	[tilespmem:s1+$0x0] =	vst v2;
	v2 =	vsub.f32 $0.0e+00, v63  }
0x841: {  	[tilespmem:s0+$0xFFFFFFF0] =	vst v1  }
0x842: {  	s0 =	simm.s32 @!p0 $0x0;
	[tilespmem:s1+$0xFFFFFFF0] =	vst v2;
	s1 =	simm.s32 @!p0 $0x11C00  }
0x843: {  	[hbm4b:s11+s0] =	stream.linear.scatter @!p0 [tilespmem:s1], [sflag:$0x1], $0x280, $0x38;
	[tilespmem:$0x14B80] =	vst v63  }
0x844: {  	s1 =	simm.s32 @!p0 $0x1  }
0x845: {  	s25 =	sadd.s32 $0x1, s25;
	_ =	swait.ge @!p0 [sflag:s1], $0x280  }
0x846: {  	p1 =	sne.s32 s25, s13;
	[sflag:s1] =	ssyncset.done @!p0 $0x0  }
.Ltmp21:
0x847: {  	s2 =	simm.s32 @!p0 $0x11E80;
	[sflag:s1] =	ssyncadd.s32 @!p0 $0xFFFFFD80;
	(pc) =	sbr.rel @p1 .LBB2_1-.Ltmp21, $4  }
0x848: {  	[hbm4b:s12+s0] =	stream.linear.scatter @!p0 [tilespmem:s2], [sflag:$0x1], $0x280, $0x38;
	[tilespmem:$0x14B80] =	vst v63  }
0x849: {  	_ =	swait.ge @!p0 [sflag:s1], $0x280  }
0x84a: {  	[sflag:s1] =	ssyncset.done @!p0 $0x0  }
0x84b: {  	[sflag:s1] =	ssyncadd.s32 @!p0 $0xFFFFFD80  }
0x84c: {  	_ =	sfence.sel $0x180000  }
0x84d: {  	[bflag:$0x0] =	sbarrier.arrive $0xFFFF  }
0x84e: {  	_ =	strace $0x90000047  }
0x84f: {  	s0 =	stileid.u32;
	[bflag:$0x2] =	sbarrier.arrive $0xFFFF  }
0x850: {  	p0 =	sne.s32 s0, $0x0;
	s0 =	rddreg [dreg:$0x4]  }
0x851: {  	s0 =	sadd.s32 @!p0 $0x100000, s0  }
0x852: {  	[sflag:s0] =	ssyncadd.tile.s32 @!p0 $0x1;
	_ =	shalt  }
.Lfunc_end2:
_tile_overlayer_lowered:
.L_overlay_start_2:
0x853: {  	(tag) =	ssettag $0x2  }
0x854: {  	s0 =	rddreg [dreg:$0x0];
	s2 =	stileid.u32  }
0x855: {  	s1 =	rddreg [dreg:$0x1];
	p0 =	sne.s32 s2, $0x0  }
0x856: {  	s3 =	rddreg [dreg:$0x2];
	[bflag:$0x3] =	sbarrier.arrive $0xFFFF;
	s2 =	simm.s32 @!p0 $0x1C01  }
0x857: {  	[timem:s3], [sflag:s2] =	dma.local @!p0 [hbm:s0], s1  }
0x858: {  	s0 =	simm.s32 @!p0 $0x1  }
0x859: {  	_ =	swait.ge @!p0 [sflag:s0], s1  }
0x85a: {  	s1 =	ssub.s32 @!p0 $0x0, s1;
	[sflag:s0] =	ssyncset.done @!p0 $0x0  }
0x85b: {  	[sflag:s0] =	ssyncadd.s32 @!p0 s1  }
0x85c: {  	[bflag:$0x3] =	sbarrier.arrive $0xFFFF  }
0x85d: {  	_ =	shalt  }

</sc_bundles>
